<compile_context>
chip_gen: v7x
topology: tpu7x:2x2x1
jax: 0.10.2.dev20260603
libtpu: 0.0.44.dev20260713+nightly
codegen_flags: <defaults>
</compile_context>

<pallas_src>
import functools

import jax
import jax.numpy as jnp
from jax import lax
from jax.experimental import pallas as pl
from jax.experimental.pallas import tpu as pltpu
from jax.experimental.pallas import tpu_sc as plsc

D = 128
_LB = 60000
_LP = 40000
_T = _LB + _LP

_CH = 400
_NW = 32
_BT = 800

_BOT_SLABS = (22, 32, 32, 32, 32)
_BUF_SLABS = (28, 28, 28, 16)


def _sc_gather_slab(nch, sec_off, tab_h, tab_c, idx_l, idx_r):
  rows = nch * _CH
  mesh = plsc.VectorSubcoreMesh(core_axis_name="c", subcore_axis_name="s")

  @functools.partial(
      pl.kernel, mesh=mesh,
      out_type=[jax.ShapeDtypeStruct((rows, D), jnp.float32)] * 4,
      scratch_types=[
          pltpu.VMEM((_CH,), jnp.int32),
          pltpu.VMEM((_CH, D), jnp.float32),
          pltpu.VMEM((_CH, D), jnp.float32),
          pltpu.SemaphoreType.DMA,
          pltpu.SemaphoreType.DMA,
      ],
  )
  def k(th, tc_, il, ir, hl_o, cl_o, hr_o, cr_o,
        idx_v, h_v, c_v, sem_h, sem_c):
    wid = lax.axis_index("s") * 2 + lax.axis_index("c")

    @pl.when(wid < nch)
    def _():
      base = wid * _CH
      for idx_hbm, h_o, c_o in ((il, hl_o, cl_o), (ir, hr_o, cr_o)):
        pltpu.sync_copy(idx_hbm.at[pl.ds(sec_off + base, _CH)], idx_v)
        a = pltpu.async_copy(th.at[idx_v], h_v, sem_h)
        b = pltpu.async_copy(tc_.at[idx_v], c_v, sem_c)
        a.wait()
        b.wait()
        pltpu.sync_copy(h_v, h_o.at[pl.ds(base, _CH)])
        pltpu.sync_copy(c_v, c_o.at[pl.ds(base, _CH)])

  return k(tab_h, tab_c, idx_l, idx_r)


def _cell_math(hl_r, hr_r, cl_r, cr_r, wl_r, wr_r, b_r, h_o, c_o):
  g = jnp.dot(hl_r[...], wl_r[...], preferred_element_type=jnp.float32)
  g = g + jnp.dot(hr_r[...], wr_r[...], preferred_element_type=jnp.float32)
  g = g + b_r[0:1, :]
  i = jax.nn.sigmoid(g[:, 0:D])
  o = jax.nn.sigmoid(g[:, D:2 * D])
  u = jnp.tanh(g[:, 2 * D:3 * D])
  fl = jax.nn.sigmoid(g[:, 3 * D:4 * D])
  fr = jax.nn.sigmoid(g[:, 4 * D:5 * D])
  c = i * u + fl * cl_r[...] + fr * cr_r[...]
  h_o[...] = o * jnp.tanh(c)
  c_o[...] = c


def _tc_body_alias(hp, cp, hl_r, hr_r, cl_r, cr_r, wl_r, wr_r, b_r, h_o, c_o):
  _cell_math(hl_r, hr_r, cl_r, cr_r, wl_r, wr_r, b_r, h_o, c_o)


def _tc_slab(first, blk_base, nblk, h_prev, c_prev, hl, hr, cl, cr,
             Wl, Wr, b2d):
  row_in = pl.BlockSpec((_BT, D), lambda i: (i, 0))
  row_out = pl.BlockSpec((_BT, D), lambda i, _b=blk_base: (_b + i, 0))
  wspec = pl.BlockSpec((D, 5 * D), lambda i: (0, 0))
  bspec = pl.BlockSpec((8, 5 * D), lambda i: (0, 0))
  out_shape = [jax.ShapeDtypeStruct((_T, D), jnp.float32)] * 2
  if first:
    return pl.pallas_call(
        _cell_math,
        grid=(nblk,),
        in_specs=[row_in] * 4 + [wspec, wspec, bspec],
        out_specs=[row_out, row_out],
        out_shape=out_shape,
    )(hl, hr, cl, cr, Wl, Wr, b2d)
  anyspec = pl.BlockSpec(memory_space=pl.ANY)
  return pl.pallas_call(
      _tc_body_alias,
      grid=(nblk,),
      in_specs=[anyspec, anyspec] + [row_in] * 4 + [wspec, wspec, bspec],
      out_specs=[row_out, row_out],
      out_shape=out_shape,
      input_output_aliases={0: 0, 1: 1},
  )(h_prev, c_prev, hl, hr, cl, cr, Wl, Wr, b2d)


def kernel(h_bot, c_bot, h_buf, c_buf, Wl, Wr, b, bot_froms, prev_froms):
  bf = jnp.asarray(bot_froms, jnp.int32)
  pf = jnp.asarray(prev_froms, jnp.int32)
  b2d = jnp.broadcast_to(b.astype(jnp.float32), (8, 5 * D))

  bf0, bf1 = bf[0], bf[1]
  pf0, pf1 = pf[0], pf[1]

  plan = []
  off = 0
  for nch in _BOT_SLABS:
    rows = nch * _CH
    plan.append((off, rows,
                 _sc_gather_slab(nch, off, h_bot, c_bot, bf0, bf1)))
    off += rows
  offp = 0
  for nch in _BUF_SLABS:
    rows = nch * _CH
    plan.append((_LB + offp, rows,
                 _sc_gather_slab(nch, offp, h_buf, c_buf, pf0, pf1)))
    offp += rows

  h_acc = c_acc = None
  for n, (row_base, rows, (hl, cl, hr, cr)) in enumerate(plan):
    h_acc, c_acc = _tc_slab(n == 0, row_base // _BT, rows // _BT,
                            h_acc, c_acc, hl, hr, cl, cr, Wl, Wr, b2d)
  return (h_acc, c_acc)

# --- scband reference (transcript-rebuilt; emitter-appended) ---
"""Pipeline reference for scband-recur-tree-gen-67070209294950 (READ-ONLY COPY).

The authoritative reference and input builder live on the scoring server;
editing this copy changes nothing except your own understanding.
"""

import jax, jax.numpy as jnp
import numpy as np

D = 128
N_BOT = 100000
M_BUF = 50000
LB = 60000
LP = 40000
T = LB + LP


def setup_inputs(seed: int = 0) -> dict:
    key = jax.random.key(seed)
    ks = jax.random.split(key, 8)
    h_bot = jax.random.normal(ks[0], (N_BOT, D), dtype=jnp.float32)
    c_bot = jax.random.normal(ks[1], (N_BOT, D), dtype=jnp.float32)
    h_buf = jax.random.normal(ks[2], (M_BUF, D), dtype=jnp.float32)
    c_buf = jax.random.normal(ks[3], (M_BUF, D), dtype=jnp.float32)
    # row 0: left-child selection ids, row 1: right-child selection ids
    bot_froms = jax.random.randint(ks[4], (2, LB), 0, N_BOT)
    prev_froms = jax.random.randint(ks[5], (2, LP), 0, M_BUF)
    # BinaryTreeLSTMCell parameters: gates [i, o, u, f_l, f_r]
    Wl = jax.random.normal(ks[6], (D, 5 * D), dtype=jnp.float32) * 0.05
    Wr = jax.random.normal(ks[7], (D, 5 * D), dtype=jnp.float32) * 0.05
    b = jnp.zeros((5 * D,), dtype=jnp.float32)
    return {
        "h_bot": h_bot, "c_bot": c_bot,
        "h_buf": h_buf, "c_buf": c_buf,
        "Wl": Wl, "Wr": Wr, "b": b,
        "bot_froms": bot_froms, "prev_froms": prev_froms,
    }


def _tree_state_select(h_bot, c_bot, h_buf, c_buf, bf, pf):
    # multi_index_select: gather rows from two sources and scatter-overwrite
    # them into disjoint destination slots of the merged state buffer.
    bot_tos = jnp.arange(LB)
    prev_tos = jnp.arange(LP) + LB
    h = jnp.zeros((T, D), dtype=jnp.float32)
    h = h.at[bot_tos].set(jnp.take(h_bot, bf, axis=0))
    h = h.at[prev_tos].set(jnp.take(h_buf, pf, axis=0))
    c = jnp.zeros((T, D), dtype=jnp.float32)
    c = c.at[bot_tos].set(jnp.take(c_bot, bf, axis=0))
    c = c.at[prev_tos].set(jnp.take(c_buf, pf, axis=0))
    return h, c


def _binary_tree_lstm_cell(h_l, c_l, h_r, c_r, Wl, Wr, b):
    gates = h_l @ Wl + h_r @ Wr + b
    i, o, u, fl, fr = jnp.split(gates, 5, axis=-1)
    i = jax.nn.sigmoid(i)
    o = jax.nn.sigmoid(o)
    fl = jax.nn.sigmoid(fl)
    fr = jax.nn.sigmoid(fr)
    u = jnp.tanh(u)
    c = i * u + fl * c_l + fr * c_r
    h = o * jnp.tanh(c)
    return h, c


def reference(h_bot, c_bot, h_buf, c_buf, Wl, Wr, b, bot_froms, prev_froms):
    # batch_tree_lstm2: select (h, c) pairs for left and right children via
    # multi_index_select gathers, then apply the binary tree-LSTM merge cell.
    h_l, c_l = _tree_state_select(h_bot, c_bot, h_buf, c_buf, bot_froms[0], prev_froms[0])
    h_r, c_r = _tree_state_select(h_bot, c_bot, h_buf, c_buf, bot_froms[1], prev_froms[1])
    h, c = _binary_tree_lstm_cell(h_l, c_l, h_r, c_r, Wl, Wr, b)
    return (h, c)

if __name__ == "__main__":
    import jax
    _d = setup_inputs()
    print(jax.jit(kernel)(*tuple(_d.values())))

</pallas_src>

<mosaic_0001>
#map = affine_map<(d0, d1) -> (0, 0)>
#map1 = affine_map<(d0, d1) -> (0)>
module attributes {stable_mosaic.version = 14 : i64} {
  func.func @k(%arg0: i32, %arg1: i32, %arg2: memref<100000x128xf32, #tpu.memory_space<hbm>>, %arg3: memref<100000x128xf32, #tpu.memory_space<hbm>>, %arg4: memref<60000xi32, #tpu.memory_space<hbm>>, %arg5: memref<60000xi32, #tpu.memory_space<hbm>>, %arg6: memref<12800x128xf32, #tpu.memory_space<hbm>>, %arg7: memref<12800x128xf32, #tpu.memory_space<hbm>>, %arg8: memref<12800x128xf32, #tpu.memory_space<hbm>>, %arg9: memref<12800x128xf32, #tpu.memory_space<hbm>>, %arg10: memref<400xi32, #tpu.memory_space<vmem>>, %arg11: memref<400x128xf32, #tpu.memory_space<vmem>>, %arg12: memref<400x128xf32, #tpu.memory_space<vmem>>, %arg13: memref<!tpu.dma_semaphore, #tpu.memory_space<semaphore_mem>>, %arg14: memref<!tpu.dma_semaphore, #tpu.memory_space<semaphore_mem>>) attributes {dimension_semantics = [#tpu.dimension_semantics<core_parallel>, #tpu.dimension_semantics<subcore_parallel>], iteration_bounds = array<i64: 2, 16>, scalar_prefetch = 0 : i64, scratch_operands = 5 : i64, tpu.core_type = #tpu.core_type<sc_vector_subcore>, window_params = [{transform_indices = #map}, {transform_indices = #map}, {transform_indices = #map1}, {transform_indices = #map1}, {transform_indices = #map}, {transform_indices = #map}, {transform_indices = #map}, {transform_indices = #map}]} {
    %mul3A = arith.constant 2 : i32
    %mul3A_0 = arith.muli %arg1, %mul3A : i32
    %add3A = arith.addi %mul3A_0, %arg0 : i32
    %lt3A = arith.constant 32 : i32
    %lt3A_1 = arith.cmpi slt, %add3A, %lt3A : i32
    %convert_element_type3A = arith.extui %lt3A_1 : i1 to i32
    %cond3A = arith.constant 0 : i32
    %cond3A_2 = arith.cmpi ne, %convert_element_type3A, %cond3A : i32
    scf.if %cond3A_2 {
      %mul3A_3 = arith.constant 400 : i32
      %mul3A_4 = arith.muli %add3A, %mul3A_3 : i32
      %add3A_5 = arith.constant 34400 : i32
      %add3A_6 = arith.addi %add3A_5, %mul3A_4 : i32
      "tpu.region"() ({
        %run_scoped3A = tpu.sem_alloc : memref<!tpu.dma_semaphore, #tpu.memory_space<semaphore_mem>>
        %dma_start3A_31 = tpu.memref_slice %arg4[%add3A_6] : memref<60000xi32, #tpu.memory_space<hbm>> -> memref<400xi32, #tpu.memory_space<hbm>>
        %dma_start3A_32 = tpu.memref_slice %arg4[%add3A_6] : memref<60000xi32, #tpu.memory_space<hbm>> -> memref<400xi32, #tpu.memory_space<hbm>>
        tpu.enqueue_dma source(%dma_start3A_32 : memref<400xi32, #tpu.memory_space<hbm>>) target(%arg10 : memref<400xi32, #tpu.memory_space<vmem>>) target_semaphore(%run_scoped3A : memref<!tpu.dma_semaphore, #tpu.memory_space<semaphore_mem>>)
        %dma_wait3A_33 = tpu.memref_slice %arg4[%add3A_6] : memref<60000xi32, #tpu.memory_space<hbm>> -> memref<400xi32, #tpu.memory_space<hbm>>
        %dma_wait3A_34 = tpu.memref_slice %arg4[%add3A_6] : memref<60000xi32, #tpu.memory_space<hbm>> -> memref<400xi32, #tpu.memory_space<hbm>>
        tpu.wait_dma2 semaphore(%run_scoped3A : memref<!tpu.dma_semaphore, #tpu.memory_space<semaphore_mem>>) src(%dma_wait3A_34 : memref<400xi32, #tpu.memory_space<hbm>>) dst(%arg10 : memref<400xi32, #tpu.memory_space<vmem>>)
        tpu.yield
      }) : () -> ()
      %dma_start3A = arith.constant 0 : i32
      %dma_start3A_7 = arith.constant 0 : i32
      %dma_start3A_8 = tpu.memref_slice %arg2[%dma_start3A, %dma_start3A_7] : memref<100000x128xf32, #tpu.memory_space<hbm>> -> memref<100000x128xf32, #tpu.memory_space<hbm>>
      tpu.enqueue_indirect_dma source(%dma_start3A_8 : memref<100000x128xf32, #tpu.memory_space<hbm>>) target(%arg11 : memref<400x128xf32, #tpu.memory_space<vmem>>) offsets(%arg10 : memref<400xi32, #tpu.memory_space<vmem>>) semaphore(%arg13 : memref<!tpu.dma_semaphore, #tpu.memory_space<semaphore_mem>>)
      %dma_start3A_9 = arith.constant 0 : i32
      %dma_start3A_10 = arith.constant 0 : i32
      %dma_start3A_11 = tpu.memref_slice %arg3[%dma_start3A_9, %dma_start3A_10] : memref<100000x128xf32, #tpu.memory_space<hbm>> -> memref<100000x128xf32, #tpu.memory_space<hbm>>
      tpu.enqueue_indirect_dma source(%dma_start3A_11 : memref<100000x128xf32, #tpu.memory_space<hbm>>) target(%arg12 : memref<400x128xf32, #tpu.memory_space<vmem>>) offsets(%arg10 : memref<400xi32, #tpu.memory_space<vmem>>) semaphore(%arg14 : memref<!tpu.dma_semaphore, #tpu.memory_space<semaphore_mem>>)
      %dma_wait3A = arith.constant 0 : i32
      %dma_wait3A_12 = arith.constant 0 : i32
      %dma_wait3A_13 = tpu.memref_slice %arg2[%dma_wait3A, %dma_wait3A_12] : memref<100000x128xf32, #tpu.memory_space<hbm>> -> memref<100000x128xf32, #tpu.memory_space<hbm>>
      tpu.wait_indirect_dma semaphore(%arg13 : memref<!tpu.dma_semaphore, #tpu.memory_space<semaphore_mem>>) src(%dma_wait3A_13 : memref<100000x128xf32, #tpu.memory_space<hbm>>) dst(%arg11 : memref<400x128xf32, #tpu.memory_space<vmem>>)
      %dma_wait3A_14 = arith.constant 0 : i32
      %dma_wait3A_15 = arith.constant 0 : i32
      %dma_wait3A_16 = tpu.memref_slice %arg3[%dma_wait3A_14, %dma_wait3A_15] : memref<100000x128xf32, #tpu.memory_space<hbm>> -> memref<100000x128xf32, #tpu.memory_space<hbm>>
      tpu.wait_indirect_dma semaphore(%arg14 : memref<!tpu.dma_semaphore, #tpu.memory_space<semaphore_mem>>) src(%dma_wait3A_16 : memref<100000x128xf32, #tpu.memory_space<hbm>>) dst(%arg12 : memref<400x128xf32, #tpu.memory_space<vmem>>)
      "tpu.region"() ({
        %run_scoped3A = tpu.sem_alloc : memref<!tpu.dma_semaphore, #tpu.memory_space<semaphore_mem>>
        %dma_start3A_31 = arith.constant 0 : i32
        %dma_start3A_32 = tpu.memref_slice %arg6[%mul3A_4, %dma_start3A_31] : memref<12800x128xf32, #tpu.memory_space<hbm>> -> memref<400x128xf32, #tpu.memory_space<hbm>>
        %dma_start3A_33 = arith.constant 0 : i32
        %dma_start3A_34 = tpu.memref_slice %arg6[%mul3A_4, %dma_start3A_33] : memref<12800x128xf32, #tpu.memory_space<hbm>> -> memref<400x128xf32, #tpu.memory_space<hbm>>
        tpu.enqueue_dma source(%arg11 : memref<400x128xf32, #tpu.memory_space<vmem>>) target(%dma_start3A_34 : memref<400x128xf32, #tpu.memory_space<hbm>>) target_semaphore(%run_scoped3A : memref<!tpu.dma_semaphore, #tpu.memory_space<semaphore_mem>>)
        %dma_wait3A_35 = arith.constant 0 : i32
        %dma_wait3A_36 = tpu.memref_slice %arg6[%mul3A_4, %dma_wait3A_35] : memref<12800x128xf32, #tpu.memory_space<hbm>> -> memref<400x128xf32, #tpu.memory_space<hbm>>
        %dma_wait3A_37 = arith.constant 0 : i32
        %dma_wait3A_38 = tpu.memref_slice %arg6[%mul3A_4, %dma_wait3A_37] : memref<12800x128xf32, #tpu.memory_space<hbm>> -> memref<400x128xf32, #tpu.memory_space<hbm>>
        tpu.wait_dma2 semaphore(%run_scoped3A : memref<!tpu.dma_semaphore, #tpu.memory_space<semaphore_mem>>) src(%arg11 : memref<400x128xf32, #tpu.memory_space<vmem>>) dst(%dma_wait3A_38 : memref<400x128xf32, #tpu.memory_space<hbm>>)
        tpu.yield
      }) : () -> ()
      "tpu.region"() ({
        %run_scoped3A = tpu.sem_alloc : memref<!tpu.dma_semaphore, #tpu.memory_space<semaphore_mem>>
        %dma_start3A_31 = arith.constant 0 : i32
        %dma_start3A_32 = tpu.memref_slice %arg7[%mul3A_4, %dma_start3A_31] : memref<12800x128xf32, #tpu.memory_space<hbm>> -> memref<400x128xf32, #tpu.memory_space<hbm>>
        %dma_start3A_33 = arith.constant 0 : i32
        %dma_start3A_34 = tpu.memref_slice %arg7[%mul3A_4, %dma_start3A_33] : memref<12800x128xf32, #tpu.memory_space<hbm>> -> memref<400x128xf32, #tpu.memory_space<hbm>>
        tpu.enqueue_dma source(%arg12 : memref<400x128xf32, #tpu.memory_space<vmem>>) target(%dma_start3A_34 : memref<400x128xf32, #tpu.memory_space<hbm>>) target_semaphore(%run_scoped3A : memref<!tpu.dma_semaphore, #tpu.memory_space<semaphore_mem>>)
        %dma_wait3A_35 = arith.constant 0 : i32
        %dma_wait3A_36 = tpu.memref_slice %arg7[%mul3A_4, %dma_wait3A_35] : memref<12800x128xf32, #tpu.memory_space<hbm>> -> memref<400x128xf32, #tpu.memory_space<hbm>>
        %dma_wait3A_37 = arith.constant 0 : i32
        %dma_wait3A_38 = tpu.memref_slice %arg7[%mul3A_4, %dma_wait3A_37] : memref<12800x128xf32, #tpu.memory_space<hbm>> -> memref<400x128xf32, #tpu.memory_space<hbm>>
        tpu.wait_dma2 semaphore(%run_scoped3A : memref<!tpu.dma_semaphore, #tpu.memory_space<semaphore_mem>>) src(%arg12 : memref<400x128xf32, #tpu.memory_space<vmem>>) dst(%dma_wait3A_38 : memref<400x128xf32, #tpu.memory_space<hbm>>)
        tpu.yield
      }) : () -> ()
      %add3A_17 = arith.constant 34400 : i32
      %add3A_18 = arith.addi %add3A_17, %mul3A_4 : i32
      "tpu.region"() ({
        %run_scoped3A = tpu.sem_alloc : memref<!tpu.dma_semaphore, #tpu.memory_space<semaphore_mem>>
        %dma_start3A_31 = tpu.memref_slice %arg5[%add3A_18] : memref<60000xi32, #tpu.memory_space<hbm>> -> memref<400xi32, #tpu.memory_space<hbm>>
        %dma_start3A_32 = tpu.memref_slice %arg5[%add3A_18] : memref<60000xi32, #tpu.memory_space<hbm>> -> memref<400xi32, #tpu.memory_space<hbm>>
        tpu.enqueue_dma source(%dma_start3A_32 : memref<400xi32, #tpu.memory_space<hbm>>) target(%arg10 : memref<400xi32, #tpu.memory_space<vmem>>) target_semaphore(%run_scoped3A : memref<!tpu.dma_semaphore, #tpu.memory_space<semaphore_mem>>)
        %dma_wait3A_33 = tpu.memref_slice %arg5[%add3A_18] : memref<60000xi32, #tpu.memory_space<hbm>> -> memref<400xi32, #tpu.memory_space<hbm>>
        %dma_wait3A_34 = tpu.memref_slice %arg5[%add3A_18] : memref<60000xi32, #tpu.memory_space<hbm>> -> memref<400xi32, #tpu.memory_space<hbm>>
        tpu.wait_dma2 semaphore(%run_scoped3A : memref<!tpu.dma_semaphore, #tpu.memory_space<semaphore_mem>>) src(%dma_wait3A_34 : memref<400xi32, #tpu.memory_space<hbm>>) dst(%arg10 : memref<400xi32, #tpu.memory_space<vmem>>)
        tpu.yield
      }) : () -> ()
      %dma_start3A_19 = arith.constant 0 : i32
      %dma_start3A_20 = arith.constant 0 : i32
      %dma_start3A_21 = tpu.memref_slice %arg2[%dma_start3A_19, %dma_start3A_20] : memref<100000x128xf32, #tpu.memory_space<hbm>> -> memref<100000x128xf32, #tpu.memory_space<hbm>>
      tpu.enqueue_indirect_dma source(%dma_start3A_21 : memref<100000x128xf32, #tpu.memory_space<hbm>>) target(%arg11 : memref<400x128xf32, #tpu.memory_space<vmem>>) offsets(%arg10 : memref<400xi32, #tpu.memory_space<vmem>>) semaphore(%arg13 : memref<!tpu.dma_semaphore, #tpu.memory_space<semaphore_mem>>)
      %dma_start3A_22 = arith.constant 0 : i32
      %dma_start3A_23 = arith.constant 0 : i32
      %dma_start3A_24 = tpu.memref_slice %arg3[%dma_start3A_22, %dma_start3A_23] : memref<100000x128xf32, #tpu.memory_space<hbm>> -> memref<100000x128xf32, #tpu.memory_space<hbm>>
      tpu.enqueue_indirect_dma source(%dma_start3A_24 : memref<100000x128xf32, #tpu.memory_space<hbm>>) target(%arg12 : memref<400x128xf32, #tpu.memory_space<vmem>>) offsets(%arg10 : memref<400xi32, #tpu.memory_space<vmem>>) semaphore(%arg14 : memref<!tpu.dma_semaphore, #tpu.memory_space<semaphore_mem>>)
      %dma_wait3A_25 = arith.constant 0 : i32
      %dma_wait3A_26 = arith.constant 0 : i32
      %dma_wait3A_27 = tpu.memref_slice %arg2[%dma_wait3A_25, %dma_wait3A_26] : memref<100000x128xf32, #tpu.memory_space<hbm>> -> memref<100000x128xf32, #tpu.memory_space<hbm>>
      tpu.wait_indirect_dma semaphore(%arg13 : memref<!tpu.dma_semaphore, #tpu.memory_space<semaphore_mem>>) src(%dma_wait3A_27 : memref<100000x128xf32, #tpu.memory_space<hbm>>) dst(%arg11 : memref<400x128xf32, #tpu.memory_space<vmem>>)
      %dma_wait3A_28 = arith.constant 0 : i32
      %dma_wait3A_29 = arith.constant 0 : i32
      %dma_wait3A_30 = tpu.memref_slice %arg3[%dma_wait3A_28, %dma_wait3A_29] : memref<100000x128xf32, #tpu.memory_space<hbm>> -> memref<100000x128xf32, #tpu.memory_space<hbm>>
      tpu.wait_indirect_dma semaphore(%arg14 : memref<!tpu.dma_semaphore, #tpu.memory_space<semaphore_mem>>) src(%dma_wait3A_30 : memref<100000x128xf32, #tpu.memory_space<hbm>>) dst(%arg12 : memref<400x128xf32, #tpu.memory_space<vmem>>)
      "tpu.region"() ({
        %run_scoped3A = tpu.sem_alloc : memref<!tpu.dma_semaphore, #tpu.memory_space<semaphore_mem>>
        %dma_start3A_31 = arith.constant 0 : i32
        %dma_start3A_32 = tpu.memref_slice %arg8[%mul3A_4, %dma_start3A_31] : memref<12800x128xf32, #tpu.memory_space<hbm>> -> memref<400x128xf32, #tpu.memory_space<hbm>>
        %dma_start3A_33 = arith.constant 0 : i32
        %dma_start3A_34 = tpu.memref_slice %arg8[%mul3A_4, %dma_start3A_33] : memref<12800x128xf32, #tpu.memory_space<hbm>> -> memref<400x128xf32, #tpu.memory_space<hbm>>
        tpu.enqueue_dma source(%arg11 : memref<400x128xf32, #tpu.memory_space<vmem>>) target(%dma_start3A_34 : memref<400x128xf32, #tpu.memory_space<hbm>>) target_semaphore(%run_scoped3A : memref<!tpu.dma_semaphore, #tpu.memory_space<semaphore_mem>>)
        %dma_wait3A_35 = arith.constant 0 : i32
        %dma_wait3A_36 = tpu.memref_slice %arg8[%mul3A_4, %dma_wait3A_35] : memref<12800x128xf32, #tpu.memory_space<hbm>> -> memref<400x128xf32, #tpu.memory_space<hbm>>
        %dma_wait3A_37 = arith.constant 0 : i32
        %dma_wait3A_38 = tpu.memref_slice %arg8[%mul3A_4, %dma_wait3A_37] : memref<12800x128xf32, #tpu.memory_space<hbm>> -> memref<400x128xf32, #tpu.memory_space<hbm>>
        tpu.wait_dma2 semaphore(%run_scoped3A : memref<!tpu.dma_semaphore, #tpu.memory_space<semaphore_mem>>) src(%arg11 : memref<400x128xf32, #tpu.memory_space<vmem>>) dst(%dma_wait3A_38 : memref<400x128xf32, #tpu.memory_space<hbm>>)
        tpu.yield
      }) : () -> ()
      "tpu.region"() ({
        %run_scoped3A = tpu.sem_alloc : memref<!tpu.dma_semaphore, #tpu.memory_space<semaphore_mem>>
        %dma_start3A_31 = arith.constant 0 : i32
        %dma_start3A_32 = tpu.memref_slice %arg9[%mul3A_4, %dma_start3A_31] : memref<12800x128xf32, #tpu.memory_space<hbm>> -> memref<400x128xf32, #tpu.memory_space<hbm>>
        %dma_start3A_33 = arith.constant 0 : i32
        %dma_start3A_34 = tpu.memref_slice %arg9[%mul3A_4, %dma_start3A_33] : memref<12800x128xf32, #tpu.memory_space<hbm>> -> memref<400x128xf32, #tpu.memory_space<hbm>>
        tpu.enqueue_dma source(%arg12 : memref<400x128xf32, #tpu.memory_space<vmem>>) target(%dma_start3A_34 : memref<400x128xf32, #tpu.memory_space<hbm>>) target_semaphore(%run_scoped3A : memref<!tpu.dma_semaphore, #tpu.memory_space<semaphore_mem>>)
        %dma_wait3A_35 = arith.constant 0 : i32
        %dma_wait3A_36 = tpu.memref_slice %arg9[%mul3A_4, %dma_wait3A_35] : memref<12800x128xf32, #tpu.memory_space<hbm>> -> memref<400x128xf32, #tpu.memory_space<hbm>>
        %dma_wait3A_37 = arith.constant 0 : i32
        %dma_wait3A_38 = tpu.memref_slice %arg9[%mul3A_4, %dma_wait3A_37] : memref<12800x128xf32, #tpu.memory_space<hbm>> -> memref<400x128xf32, #tpu.memory_space<hbm>>
        tpu.wait_dma2 semaphore(%run_scoped3A : memref<!tpu.dma_semaphore, #tpu.memory_space<semaphore_mem>>) src(%arg12 : memref<400x128xf32, #tpu.memory_space<vmem>>) dst(%dma_wait3A_38 : memref<400x128xf32, #tpu.memory_space<hbm>>)
        tpu.yield
      }) : () -> ()
    } else {
    }
    return
  }
}

#map = affine_map<(d0, d1) -> (0, 0)>
#map1 = affine_map<(d0, d1) -> (0)>
module attributes {stable_mosaic.version = 14 : i64} {
  func.func @k(%arg0: i32, %arg1: i32, %arg2: memref<100000x128xf32, #tpu.memory_space<hbm>>, %arg3: memref<100000x128xf32, #tpu.memory_space<hbm>>, %arg4: memref<60000xi32, #tpu.memory_space<hbm>>, %arg5: memref<60000xi32, #tpu.memory_space<hbm>>, %arg6: memref<8800x128xf32, #tpu.memory_space<hbm>>, %arg7: memref<8800x128xf32, #tpu.memory_space<hbm>>, %arg8: memref<8800x128xf32, #tpu.memory_space<hbm>>, %arg9: memref<8800x128xf32, #tpu.memory_space<hbm>>, %arg10: memref<400xi32, #tpu.memory_space<vmem>>, %arg11: memref<400x128xf32, #tpu.memory_space<vmem>>, %arg12: memref<400x128xf32, #tpu.memory_space<vmem>>, %arg13: memref<!tpu.dma_semaphore, #tpu.memory_space<semaphore_mem>>, %arg14: memref<!tpu.dma_semaphore, #tpu.memory_space<semaphore_mem>>) attributes {dimension_semantics = [#tpu.dimension_semantics<core_parallel>, #tpu.dimension_semantics<subcore_parallel>], iteration_bounds = array<i64: 2, 16>, scalar_prefetch = 0 : i64, scratch_operands = 5 : i64, tpu.core_type = #tpu.core_type<sc_vector_subcore>, window_params = [{transform_indices = #map}, {transform_indices = #map}, {transform_indices = #map1}, {transform_indices = #map1}, {transform_indices = #map}, {transform_indices = #map}, {transform_indices = #map}, {transform_indices = #map}]} {
    %mul3A = arith.constant 2 : i32
    %mul3A_0 = arith.muli %arg1, %mul3A : i32
    %add3A = arith.addi %mul3A_0, %arg0 : i32
    %lt3A = arith.constant 22 : i32
    %lt3A_1 = arith.cmpi slt, %add3A, %lt3A : i32
    %convert_element_type3A = arith.extui %lt3A_1 : i1 to i32
    %cond3A = arith.constant 0 : i32
    %cond3A_2 = arith.cmpi ne, %convert_element_type3A, %cond3A : i32
    scf.if %cond3A_2 {
      %mul3A_3 = arith.constant 400 : i32
      %mul3A_4 = arith.muli %add3A, %mul3A_3 : i32
      %add3A_5 = arith.constant 0 : i32
      %add3A_6 = arith.addi %add3A_5, %mul3A_4 : i32
      "tpu.region"() ({
        %run_scoped3A = tpu.sem_alloc : memref<!tpu.dma_semaphore, #tpu.memory_space<semaphore_mem>>
        %dma_start3A_31 = tpu.memref_slice %arg4[%add3A_6] : memref<60000xi32, #tpu.memory_space<hbm>> -> memref<400xi32, #tpu.memory_space<hbm>>
        %dma_start3A_32 = tpu.memref_slice %arg4[%add3A_6] : memref<60000xi32, #tpu.memory_space<hbm>> -> memref<400xi32, #tpu.memory_space<hbm>>
        tpu.enqueue_dma source(%dma_start3A_32 : memref<400xi32, #tpu.memory_space<hbm>>) target(%arg10 : memref<400xi32, #tpu.memory_space<vmem>>) target_semaphore(%run_scoped3A : memref<!tpu.dma_semaphore, #tpu.memory_space<semaphore_mem>>)
        %dma_wait3A_33 = tpu.memref_slice %arg4[%add3A_6] : memref<60000xi32, #tpu.memory_space<hbm>> -> memref<400xi32, #tpu.memory_space<hbm>>
        %dma_wait3A_34 = tpu.memref_slice %arg4[%add3A_6] : memref<60000xi32, #tpu.memory_space<hbm>> -> memref<400xi32, #tpu.memory_space<hbm>>
        tpu.wait_dma2 semaphore(%run_scoped3A : memref<!tpu.dma_semaphore, #tpu.memory_space<semaphore_mem>>) src(%dma_wait3A_34 : memref<400xi32, #tpu.memory_space<hbm>>) dst(%arg10 : memref<400xi32, #tpu.memory_space<vmem>>)
        tpu.yield
      }) : () -> ()
      %dma_start3A = arith.constant 0 : i32
      %dma_start3A_7 = arith.constant 0 : i32
      %dma_start3A_8 = tpu.memref_slice %arg2[%dma_start3A, %dma_start3A_7] : memref<100000x128xf32, #tpu.memory_space<hbm>> -> memref<100000x128xf32, #tpu.memory_space<hbm>>
      tpu.enqueue_indirect_dma source(%dma_start3A_8 : memref<100000x128xf32, #tpu.memory_space<hbm>>) target(%arg11 : memref<400x128xf32, #tpu.memory_space<vmem>>) offsets(%arg10 : memref<400xi32, #tpu.memory_space<vmem>>) semaphore(%arg13 : memref<!tpu.dma_semaphore, #tpu.memory_space<semaphore_mem>>)
      %dma_start3A_9 = arith.constant 0 : i32
      %dma_start3A_10 = arith.constant 0 : i32
      %dma_start3A_11 = tpu.memref_slice %arg3[%dma_start3A_9, %dma_start3A_10] : memref<100000x128xf32, #tpu.memory_space<hbm>> -> memref<100000x128xf32, #tpu.memory_space<hbm>>
      tpu.enqueue_indirect_dma source(%dma_start3A_11 : memref<100000x128xf32, #tpu.memory_space<hbm>>) target(%arg12 : memref<400x128xf32, #tpu.memory_space<vmem>>) offsets(%arg10 : memref<400xi32, #tpu.memory_space<vmem>>) semaphore(%arg14 : memref<!tpu.dma_semaphore, #tpu.memory_space<semaphore_mem>>)
      %dma_wait3A = arith.constant 0 : i32
      %dma_wait3A_12 = arith.constant 0 : i32
      %dma_wait3A_13 = tpu.memref_slice %arg2[%dma_wait3A, %dma_wait3A_12] : memref<100000x128xf32, #tpu.memory_space<hbm>> -> memref<100000x128xf32, #tpu.memory_space<hbm>>
      tpu.wait_indirect_dma semaphore(%arg13 : memref<!tpu.dma_semaphore, #tpu.memory_space<semaphore_mem>>) src(%dma_wait3A_13 : memref<100000x128xf32, #tpu.memory_space<hbm>>) dst(%arg11 : memref<400x128xf32, #tpu.memory_space<vmem>>)
      %dma_wait3A_14 = arith.constant 0 : i32
      %dma_wait3A_15 = arith.constant 0 : i32
      %dma_wait3A_16 = tpu.memref_slice %arg3[%dma_wait3A_14, %dma_wait3A_15] : memref<100000x128xf32, #tpu.memory_space<hbm>> -> memref<100000x128xf32, #tpu.memory_space<hbm>>
      tpu.wait_indirect_dma semaphore(%arg14 : memref<!tpu.dma_semaphore, #tpu.memory_space<semaphore_mem>>) src(%dma_wait3A_16 : memref<100000x128xf32, #tpu.memory_space<hbm>>) dst(%arg12 : memref<400x128xf32, #tpu.memory_space<vmem>>)
      "tpu.region"() ({
        %run_scoped3A = tpu.sem_alloc : memref<!tpu.dma_semaphore, #tpu.memory_space<semaphore_mem>>
        %dma_start3A_31 = arith.constant 0 : i32
        %dma_start3A_32 = tpu.memref_slice %arg6[%mul3A_4, %dma_start3A_31] : memref<8800x128xf32, #tpu.memory_space<hbm>> -> memref<400x128xf32, #tpu.memory_space<hbm>>
        %dma_start3A_33 = arith.constant 0 : i32
        %dma_start3A_34 = tpu.memref_slice %arg6[%mul3A_4, %dma_start3A_33] : memref<8800x128xf32, #tpu.memory_space<hbm>> -> memref<400x128xf32, #tpu.memory_space<hbm>>
        tpu.enqueue_dma source(%arg11 : memref<400x128xf32, #tpu.memory_space<vmem>>) target(%dma_start3A_34 : memref<400x128xf32, #tpu.memory_space<hbm>>) target_semaphore(%run_scoped3A : memref<!tpu.dma_semaphore, #tpu.memory_space<semaphore_mem>>)
        %dma_wait3A_35 = arith.constant 0 : i32
        %dma_wait3A_36 = tpu.memref_slice %arg6[%mul3A_4, %dma_wait3A_35] : memref<8800x128xf32, #tpu.memory_space<hbm>> -> memref<400x128xf32, #tpu.memory_space<hbm>>
        %dma_wait3A_37 = arith.constant 0 : i32
        %dma_wait3A_38 = tpu.memref_slice %arg6[%mul3A_4, %dma_wait3A_37] : memref<8800x128xf32, #tpu.memory_space<hbm>> -> memref<400x128xf32, #tpu.memory_space<hbm>>
        tpu.wait_dma2 semaphore(%run_scoped3A : memref<!tpu.dma_semaphore, #tpu.memory_space<semaphore_mem>>) src(%arg11 : memref<400x128xf32, #tpu.memory_space<vmem>>) dst(%dma_wait3A_38 : memref<400x128xf32, #tpu.memory_space<hbm>>)
        tpu.yield
      }) : () -> ()
      "tpu.region"() ({
        %run_scoped3A = tpu.sem_alloc : memref<!tpu.dma_semaphore, #tpu.memory_space<semaphore_mem>>
        %dma_start3A_31 = arith.constant 0 : i32
        %dma_start3A_32 = tpu.memref_slice %arg7[%mul3A_4, %dma_start3A_31] : memref<8800x128xf32, #tpu.memory_space<hbm>> -> memref<400x128xf32, #tpu.memory_space<hbm>>
        %dma_start3A_33 = arith.constant 0 : i32
        %dma_start3A_34 = tpu.memref_slice %arg7[%mul3A_4, %dma_start3A_33] : memref<8800x128xf32, #tpu.memory_space<hbm>> -> memref<400x128xf32, #tpu.memory_space<hbm>>
        tpu.enqueue_dma source(%arg12 : memref<400x128xf32, #tpu.memory_space<vmem>>) target(%dma_start3A_34 : memref<400x128xf32, #tpu.memory_space<hbm>>) target_semaphore(%run_scoped3A : memref<!tpu.dma_semaphore, #tpu.memory_space<semaphore_mem>>)
        %dma_wait3A_35 = arith.constant 0 : i32
        %dma_wait3A_36 = tpu.memref_slice %arg7[%mul3A_4, %dma_wait3A_35] : memref<8800x128xf32, #tpu.memory_space<hbm>> -> memref<400x128xf32, #tpu.memory_space<hbm>>
        %dma_wait3A_37 = arith.constant 0 : i32
        %dma_wait3A_38 = tpu.memref_slice %arg7[%mul3A_4, %dma_wait3A_37] : memref<8800x128xf32, #tpu.memory_space<hbm>> -> memref<400x128xf32, #tpu.memory_space<hbm>>
        tpu.wait_dma2 semaphore(%run_scoped3A : memref<!tpu.dma_semaphore, #tpu.memory_space<semaphore_mem>>) src(%arg12 : memref<400x128xf32, #tpu.memory_space<vmem>>) dst(%dma_wait3A_38 : memref<400x128xf32, #tpu.memory_space<hbm>>)
        tpu.yield
      }) : () -> ()
      %add3A_17 = arith.constant 0 : i32
      %add3A_18 = arith.addi %add3A_17, %mul3A_4 : i32
      "tpu.region"() ({
        %run_scoped3A = tpu.sem_alloc : memref<!tpu.dma_semaphore, #tpu.memory_space<semaphore_mem>>
        %dma_start3A_31 = tpu.memref_slice %arg5[%add3A_18] : memref<60000xi32, #tpu.memory_space<hbm>> -> memref<400xi32, #tpu.memory_space<hbm>>
        %dma_start3A_32 = tpu.memref_slice %arg5[%add3A_18] : memref<60000xi32, #tpu.memory_space<hbm>> -> memref<400xi32, #tpu.memory_space<hbm>>
        tpu.enqueue_dma source(%dma_start3A_32 : memref<400xi32, #tpu.memory_space<hbm>>) target(%arg10 : memref<400xi32, #tpu.memory_space<vmem>>) target_semaphore(%run_scoped3A : memref<!tpu.dma_semaphore, #tpu.memory_space<semaphore_mem>>)
        %dma_wait3A_33 = tpu.memref_slice %arg5[%add3A_18] : memref<60000xi32, #tpu.memory_space<hbm>> -> memref<400xi32, #tpu.memory_space<hbm>>
        %dma_wait3A_34 = tpu.memref_slice %arg5[%add3A_18] : memref<60000xi32, #tpu.memory_space<hbm>> -> memref<400xi32, #tpu.memory_space<hbm>>
        tpu.wait_dma2 semaphore(%run_scoped3A : memref<!tpu.dma_semaphore, #tpu.memory_space<semaphore_mem>>) src(%dma_wait3A_34 : memref<400xi32, #tpu.memory_space<hbm>>) dst(%arg10 : memref<400xi32, #tpu.memory_space<vmem>>)
        tpu.yield
      }) : () -> ()
      %dma_start3A_19 = arith.constant 0 : i32
      %dma_start3A_20 = arith.constant 0 : i32
      %dma_start3A_21 = tpu.memref_slice %arg2[%dma_start3A_19, %dma_start3A_20] : memref<100000x128xf32, #tpu.memory_space<hbm>> -> memref<100000x128xf32, #tpu.memory_space<hbm>>
      tpu.enqueue_indirect_dma source(%dma_start3A_21 : memref<100000x128xf32, #tpu.memory_space<hbm>>) target(%arg11 : memref<400x128xf32, #tpu.memory_space<vmem>>) offsets(%arg10 : memref<400xi32, #tpu.memory_space<vmem>>) semaphore(%arg13 : memref<!tpu.dma_semaphore, #tpu.memory_space<semaphore_mem>>)
      %dma_start3A_22 = arith.constant 0 : i32
      %dma_start3A_23 = arith.constant 0 : i32
      %dma_start3A_24 = tpu.memref_slice %arg3[%dma_start3A_22, %dma_start3A_23] : memref<100000x128xf32, #tpu.memory_space<hbm>> -> memref<100000x128xf32, #tpu.memory_space<hbm>>
      tpu.enqueue_indirect_dma source(%dma_start3A_24 : memref<100000x128xf32, #tpu.memory_space<hbm>>) target(%arg12 : memref<400x128xf32, #tpu.memory_space<vmem>>) offsets(%arg10 : memref<400xi32, #tpu.memory_space<vmem>>) semaphore(%arg14 : memref<!tpu.dma_semaphore, #tpu.memory_space<semaphore_mem>>)
      %dma_wait3A_25 = arith.constant 0 : i32
      %dma_wait3A_26 = arith.constant 0 : i32
      %dma_wait3A_27 = tpu.memref_slice %arg2[%dma_wait3A_25, %dma_wait3A_26] : memref<100000x128xf32, #tpu.memory_space<hbm>> -> memref<100000x128xf32, #tpu.memory_space<hbm>>
      tpu.wait_indirect_dma semaphore(%arg13 : memref<!tpu.dma_semaphore, #tpu.memory_space<semaphore_mem>>) src(%dma_wait3A_27 : memref<100000x128xf32, #tpu.memory_space<hbm>>) dst(%arg11 : memref<400x128xf32, #tpu.memory_space<vmem>>)
      %dma_wait3A_28 = arith.constant 0 : i32
      %dma_wait3A_29 = arith.constant 0 : i32
      %dma_wait3A_30 = tpu.memref_slice %arg3[%dma_wait3A_28, %dma_wait3A_29] : memref<100000x128xf32, #tpu.memory_space<hbm>> -> memref<100000x128xf32, #tpu.memory_space<hbm>>
      tpu.wait_indirect_dma semaphore(%arg14 : memref<!tpu.dma_semaphore, #tpu.memory_space<semaphore_mem>>) src(%dma_wait3A_30 : memref<100000x128xf32, #tpu.memory_space<hbm>>) dst(%arg12 : memref<400x128xf32, #tpu.memory_space<vmem>>)
      "tpu.region"() ({
        %run_scoped3A = tpu.sem_alloc : memref<!tpu.dma_semaphore, #tpu.memory_space<semaphore_mem>>
        %dma_start3A_31 = arith.constant 0 : i32
        %dma_start3A_32 = tpu.memref_slice %arg8[%mul3A_4, %dma_start3A_31] : memref<8800x128xf32, #tpu.memory_space<hbm>> -> memref<400x128xf32, #tpu.memory_space<hbm>>
        %dma_start3A_33 = arith.constant 0 : i32
        %dma_start3A_34 = tpu.memref_slice %arg8[%mul3A_4, %dma_start3A_33] : memref<8800x128xf32, #tpu.memory_space<hbm>> -> memref<400x128xf32, #tpu.memory_space<hbm>>
        tpu.enqueue_dma source(%arg11 : memref<400x128xf32, #tpu.memory_space<vmem>>) target(%dma_start3A_34 : memref<400x128xf32, #tpu.memory_space<hbm>>) target_semaphore(%run_scoped3A : memref<!tpu.dma_semaphore, #tpu.memory_space<semaphore_mem>>)
        %dma_wait3A_35 = arith.constant 0 : i32
        %dma_wait3A_36 = tpu.memref_slice %arg8[%mul3A_4, %dma_wait3A_35] : memref<8800x128xf32, #tpu.memory_space<hbm>> -> memref<400x128xf32, #tpu.memory_space<hbm>>
        %dma_wait3A_37 = arith.constant 0 : i32
        %dma_wait3A_38 = tpu.memref_slice %arg8[%mul3A_4, %dma_wait3A_37] : memref<8800x128xf32, #tpu.memory_space<hbm>> -> memref<400x128xf32, #tpu.memory_space<hbm>>
        tpu.wait_dma2 semaphore(%run_scoped3A : memref<!tpu.dma_semaphore, #tpu.memory_space<semaphore_mem>>) src(%arg11 : memref<400x128xf32, #tpu.memory_space<vmem>>) dst(%dma_wait3A_38 : memref<400x128xf32, #tpu.memory_space<hbm>>)
        tpu.yield
      }) : () -> ()
      "tpu.region"() ({
        %run_scoped3A = tpu.sem_alloc : memref<!tpu.dma_semaphore, #tpu.memory_space<semaphore_mem>>
        %dma_start3A_31 = arith.constant 0 : i32
        %dma_start3A_32 = tpu.memref_slice %arg9[%mul3A_4, %dma_start3A_31] : memref<8800x128xf32, #tpu.memory_space<hbm>> -> memref<400x128xf32, #tpu.memory_space<hbm>>
        %dma_start3A_33 = arith.constant 0 : i32
        %dma_start3A_34 = tpu.memref_slice %arg9[%mul3A_4, %dma_start3A_33] : memref<8800x128xf32, #tpu.memory_space<hbm>> -> memref<400x128xf32, #tpu.memory_space<hbm>>
        tpu.enqueue_dma source(%arg12 : memref<400x128xf32, #tpu.memory_space<vmem>>) target(%dma_start3A_34 : memref<400x128xf32, #tpu.memory_space<hbm>>) target_semaphore(%run_scoped3A : memref<!tpu.dma_semaphore, #tpu.memory_space<semaphore_mem>>)
        %dma_wait3A_35 = arith.constant 0 : i32
        %dma_wait3A_36 = tpu.memref_slice %arg9[%mul3A_4, %dma_wait3A_35] : memref<8800x128xf32, #tpu.memory_space<hbm>> -> memref<400x128xf32, #tpu.memory_space<hbm>>
        %dma_wait3A_37 = arith.constant 0 : i32
        %dma_wait3A_38 = tpu.memref_slice %arg9[%mul3A_4, %dma_wait3A_37] : memref<8800x128xf32, #tpu.memory_space<hbm>> -> memref<400x128xf32, #tpu.memory_space<hbm>>
        tpu.wait_dma2 semaphore(%run_scoped3A : memref<!tpu.dma_semaphore, #tpu.memory_space<semaphore_mem>>) src(%arg12 : memref<400x128xf32, #tpu.memory_space<vmem>>) dst(%dma_wait3A_38 : memref<400x128xf32, #tpu.memory_space<hbm>>)
        tpu.yield
      }) : () -> ()
    } else {
    }
    return
  }
}

#map = affine_map<(d0, d1) -> (0, 0)>
#map1 = affine_map<(d0, d1) -> (0)>
module attributes {stable_mosaic.version = 14 : i64} {
  func.func @k(%arg0: i32, %arg1: i32, %arg2: memref<100000x128xf32, #tpu.memory_space<hbm>>, %arg3: memref<100000x128xf32, #tpu.memory_space<hbm>>, %arg4: memref<60000xi32, #tpu.memory_space<hbm>>, %arg5: memref<60000xi32, #tpu.memory_space<hbm>>, %arg6: memref<12800x128xf32, #tpu.memory_space<hbm>>, %arg7: memref<12800x128xf32, #tpu.memory_space<hbm>>, %arg8: memref<12800x128xf32, #tpu.memory_space<hbm>>, %arg9: memref<12800x128xf32, #tpu.memory_space<hbm>>, %arg10: memref<400xi32, #tpu.memory_space<vmem>>, %arg11: memref<400x128xf32, #tpu.memory_space<vmem>>, %arg12: memref<400x128xf32, #tpu.memory_space<vmem>>, %arg13: memref<!tpu.dma_semaphore, #tpu.memory_space<semaphore_mem>>, %arg14: memref<!tpu.dma_semaphore, #tpu.memory_space<semaphore_mem>>) attributes {dimension_semantics = [#tpu.dimension_semantics<core_parallel>, #tpu.dimension_semantics<subcore_parallel>], iteration_bounds = array<i64: 2, 16>, scalar_prefetch = 0 : i64, scratch_operands = 5 : i64, tpu.core_type = #tpu.core_type<sc_vector_subcore>, window_params = [{transform_indices = #map}, {transform_indices = #map}, {transform_indices = #map1}, {transform_indices = #map1}, {transform_indices = #map}, {transform_indices = #map}, {transform_indices = #map}, {transform_indices = #map}]} {
    %mul3A = arith.constant 2 : i32
    %mul3A_0 = arith.muli %arg1, %mul3A : i32
    %add3A = arith.addi %mul3A_0, %arg0 : i32
    %lt3A = arith.constant 32 : i32
    %lt3A_1 = arith.cmpi slt, %add3A, %lt3A : i32
    %convert_element_type3A = arith.extui %lt3A_1 : i1 to i32
    %cond3A = arith.constant 0 : i32
    %cond3A_2 = arith.cmpi ne, %convert_element_type3A, %cond3A : i32
    scf.if %cond3A_2 {
      %mul3A_3 = arith.constant 400 : i32
      %mul3A_4 = arith.muli %add3A, %mul3A_3 : i32
      %add3A_5 = arith.constant 8800 : i32
      %add3A_6 = arith.addi %add3A_5, %mul3A_4 : i32
      "tpu.region"() ({
        %run_scoped3A = tpu.sem_alloc : memref<!tpu.dma_semaphore, #tpu.memory_space<semaphore_mem>>
        %dma_start3A_31 = tpu.memref_slice %arg4[%add3A_6] : memref<60000xi32, #tpu.memory_space<hbm>> -> memref<400xi32, #tpu.memory_space<hbm>>
        %dma_start3A_32 = tpu.memref_slice %arg4[%add3A_6] : memref<60000xi32, #tpu.memory_space<hbm>> -> memref<400xi32, #tpu.memory_space<hbm>>
        tpu.enqueue_dma source(%dma_start3A_32 : memref<400xi32, #tpu.memory_space<hbm>>) target(%arg10 : memref<400xi32, #tpu.memory_space<vmem>>) target_semaphore(%run_scoped3A : memref<!tpu.dma_semaphore, #tpu.memory_space<semaphore_mem>>)
        %dma_wait3A_33 = tpu.memref_slice %arg4[%add3A_6] : memref<60000xi32, #tpu.memory_space<hbm>> -> memref<400xi32, #tpu.memory_space<hbm>>
        %dma_wait3A_34 = tpu.memref_slice %arg4[%add3A_6] : memref<60000xi32, #tpu.memory_space<hbm>> -> memref<400xi32, #tpu.memory_space<hbm>>
        tpu.wait_dma2 semaphore(%run_scoped3A : memref<!tpu.dma_semaphore, #tpu.memory_space<semaphore_mem>>) src(%dma_wait3A_34 : memref<400xi32, #tpu.memory_space<hbm>>) dst(%arg10 : memref<400xi32, #tpu.memory_space<vmem>>)
        tpu.yield
      }) : () -> ()
      %dma_start3A = arith.constant 0 : i32
      %dma_start3A_7 = arith.constant 0 : i32
      %dma_start3A_8 = tpu.memref_slice %arg2[%dma_start3A, %dma_start3A_7] : memref<100000x128xf32, #tpu.memory_space<hbm>> -> memref<100000x128xf32, #tpu.memory_space<hbm>>
      tpu.enqueue_indirect_dma source(%dma_start3A_8 : memref<100000x128xf32, #tpu.memory_space<hbm>>) target(%arg11 : memref<400x128xf32, #tpu.memory_space<vmem>>) offsets(%arg10 : memref<400xi32, #tpu.memory_space<vmem>>) semaphore(%arg13 : memref<!tpu.dma_semaphore, #tpu.memory_space<semaphore_mem>>)
      %dma_start3A_9 = arith.constant 0 : i32
      %dma_start3A_10 = arith.constant 0 : i32
      %dma_start3A_11 = tpu.memref_slice %arg3[%dma_start3A_9, %dma_start3A_10] : memref<100000x128xf32, #tpu.memory_space<hbm>> -> memref<100000x128xf32, #tpu.memory_space<hbm>>
      tpu.enqueue_indirect_dma source(%dma_start3A_11 : memref<100000x128xf32, #tpu.memory_space<hbm>>) target(%arg12 : memref<400x128xf32, #tpu.memory_space<vmem>>) offsets(%arg10 : memref<400xi32, #tpu.memory_space<vmem>>) semaphore(%arg14 : memref<!tpu.dma_semaphore, #tpu.memory_space<semaphore_mem>>)
      %dma_wait3A = arith.constant 0 : i32
      %dma_wait3A_12 = arith.constant 0 : i32
      %dma_wait3A_13 = tpu.memref_slice %arg2[%dma_wait3A, %dma_wait3A_12] : memref<100000x128xf32, #tpu.memory_space<hbm>> -> memref<100000x128xf32, #tpu.memory_space<hbm>>
      tpu.wait_indirect_dma semaphore(%arg13 : memref<!tpu.dma_semaphore, #tpu.memory_space<semaphore_mem>>) src(%dma_wait3A_13 : memref<100000x128xf32, #tpu.memory_space<hbm>>) dst(%arg11 : memref<400x128xf32, #tpu.memory_space<vmem>>)
      %dma_wait3A_14 = arith.constant 0 : i32
      %dma_wait3A_15 = arith.constant 0 : i32
      %dma_wait3A_16 = tpu.memref_slice %arg3[%dma_wait3A_14, %dma_wait3A_15] : memref<100000x128xf32, #tpu.memory_space<hbm>> -> memref<100000x128xf32, #tpu.memory_space<hbm>>
      tpu.wait_indirect_dma semaphore(%arg14 : memref<!tpu.dma_semaphore, #tpu.memory_space<semaphore_mem>>) src(%dma_wait3A_16 : memref<100000x128xf32, #tpu.memory_space<hbm>>) dst(%arg12 : memref<400x128xf32, #tpu.memory_space<vmem>>)
      "tpu.region"() ({
        %run_scoped3A = tpu.sem_alloc : memref<!tpu.dma_semaphore, #tpu.memory_space<semaphore_mem>>
        %dma_start3A_31 = arith.constant 0 : i32
        %dma_start3A_32 = tpu.memref_slice %arg6[%mul3A_4, %dma_start3A_31] : memref<12800x128xf32, #tpu.memory_space<hbm>> -> memref<400x128xf32, #tpu.memory_space<hbm>>
        %dma_start3A_33 = arith.constant 0 : i32
        %dma_start3A_34 = tpu.memref_slice %arg6[%mul3A_4, %dma_start3A_33] : memref<12800x128xf32, #tpu.memory_space<hbm>> -> memref<400x128xf32, #tpu.memory_space<hbm>>
        tpu.enqueue_dma source(%arg11 : memref<400x128xf32, #tpu.memory_space<vmem>>) target(%dma_start3A_34 : memref<400x128xf32, #tpu.memory_space<hbm>>) target_semaphore(%run_scoped3A : memref<!tpu.dma_semaphore, #tpu.memory_space<semaphore_mem>>)
        %dma_wait3A_35 = arith.constant 0 : i32
        %dma_wait3A_36 = tpu.memref_slice %arg6[%mul3A_4, %dma_wait3A_35] : memref<12800x128xf32, #tpu.memory_space<hbm>> -> memref<400x128xf32, #tpu.memory_space<hbm>>
        %dma_wait3A_37 = arith.constant 0 : i32
        %dma_wait3A_38 = tpu.memref_slice %arg6[%mul3A_4, %dma_wait3A_37] : memref<12800x128xf32, #tpu.memory_space<hbm>> -> memref<400x128xf32, #tpu.memory_space<hbm>>
        tpu.wait_dma2 semaphore(%run_scoped3A : memref<!tpu.dma_semaphore, #tpu.memory_space<semaphore_mem>>) src(%arg11 : memref<400x128xf32, #tpu.memory_space<vmem>>) dst(%dma_wait3A_38 : memref<400x128xf32, #tpu.memory_space<hbm>>)
        tpu.yield
      }) : () -> ()
      "tpu.region"() ({
        %run_scoped3A = tpu.sem_alloc : memref<!tpu.dma_semaphore, #tpu.memory_space<semaphore_mem>>
        %dma_start3A_31 = arith.constant 0 : i32
        %dma_start3A_32 = tpu.memref_slice %arg7[%mul3A_4, %dma_start3A_31] : memref<12800x128xf32, #tpu.memory_space<hbm>> -> memref<400x128xf32, #tpu.memory_space<hbm>>
        %dma_start3A_33 = arith.constant 0 : i32
        %dma_start3A_34 = tpu.memref_slice %arg7[%mul3A_4, %dma_start3A_33] : memref<12800x128xf32, #tpu.memory_space<hbm>> -> memref<400x128xf32, #tpu.memory_space<hbm>>
        tpu.enqueue_dma source(%arg12 : memref<400x128xf32, #tpu.memory_space<vmem>>) target(%dma_start3A_34 : memref<400x128xf32, #tpu.memory_space<hbm>>) target_semaphore(%run_scoped3A : memref<!tpu.dma_semaphore, #tpu.memory_space<semaphore_mem>>)
        %dma_wait3A_35 = arith.constant 0 : i32
        %dma_wait3A_36 = tpu.memref_slice %arg7[%mul3A_4, %dma_wait3A_35] : memref<12800x128xf32, #tpu.memory_space<hbm>> -> memref<400x128xf32, #tpu.memory_space<hbm>>
        %dma_wait3A_37 = arith.constant 0 : i32
        %dma_wait3A_38 = tpu.memref_slice %arg7[%mul3A_4, %dma_wait3A_37] : memref<12800x128xf32, #tpu.memory_space<hbm>> -> memref<400x128xf32, #tpu.memory_space<hbm>>
        tpu.wait_dma2 semaphore(%run_scoped3A : memref<!tpu.dma_semaphore, #tpu.memory_space<semaphore_mem>>) src(%arg12 : memref<400x128xf32, #tpu.memory_space<vmem>>) dst(%dma_wait3A_38 : memref<400x128xf32, #tpu.memory_space<hbm>>)
        tpu.yield
      }) : () -> ()
      %add3A_17 = arith.constant 8800 : i32
      %add3A_18 = arith.addi %add3A_17, %mul3A_4 : i32
      "tpu.region"() ({
        %run_scoped3A = tpu.sem_alloc : memref<!tpu.dma_semaphore, #tpu.memory_space<semaphore_mem>>
        %dma_start3A_31 = tpu.memref_slice %arg5[%add3A_18] : memref<60000xi32, #tpu.memory_space<hbm>> -> memref<400xi32, #tpu.memory_space<hbm>>
        %dma_start3A_32 = tpu.memref_slice %arg5[%add3A_18] : memref<60000xi32, #tpu.memory_space<hbm>> -> memref<400xi32, #tpu.memory_space<hbm>>
        tpu.enqueue_dma source(%dma_start3A_32 : memref<400xi32, #tpu.memory_space<hbm>>) target(%arg10 : memref<400xi32, #tpu.memory_space<vmem>>) target_semaphore(%run_scoped3A : memref<!tpu.dma_semaphore, #tpu.memory_space<semaphore_mem>>)
        %dma_wait3A_33 = tpu.memref_slice %arg5[%add3A_18] : memref<60000xi32, #tpu.memory_space<hbm>> -> memref<400xi32, #tpu.memory_space<hbm>>
        %dma_wait3A_34 = tpu.memref_slice %arg5[%add3A_18] : memref<60000xi32, #tpu.memory_space<hbm>> -> memref<400xi32, #tpu.memory_space<hbm>>
        tpu.wait_dma2 semaphore(%run_scoped3A : memref<!tpu.dma_semaphore, #tpu.memory_space<semaphore_mem>>) src(%dma_wait3A_34 : memref<400xi32, #tpu.memory_space<hbm>>) dst(%arg10 : memref<400xi32, #tpu.memory_space<vmem>>)
        tpu.yield
      }) : () -> ()
      %dma_start3A_19 = arith.constant 0 : i32
      %dma_start3A_20 = arith.constant 0 : i32
      %dma_start3A_21 = tpu.memref_slice %arg2[%dma_start3A_19, %dma_start3A_20] : memref<100000x128xf32, #tpu.memory_space<hbm>> -> memref<100000x128xf32, #tpu.memory_space<hbm>>
      tpu.enqueue_indirect_dma source(%dma_start3A_21 : memref<100000x128xf32, #tpu.memory_space<hbm>>) target(%arg11 : memref<400x128xf32, #tpu.memory_space<vmem>>) offsets(%arg10 : memref<400xi32, #tpu.memory_space<vmem>>) semaphore(%arg13 : memref<!tpu.dma_semaphore, #tpu.memory_space<semaphore_mem>>)
      %dma_start3A_22 = arith.constant 0 : i32
      %dma_start3A_23 = arith.constant 0 : i32
      %dma_start3A_24 = tpu.memref_slice %arg3[%dma_start3A_22, %dma_start3A_23] : memref<100000x128xf32, #tpu.memory_space<hbm>> -> memref<100000x128xf32, #tpu.memory_space<hbm>>
      tpu.enqueue_indirect_dma source(%dma_start3A_24 : memref<100000x128xf32, #tpu.memory_space<hbm>>) target(%arg12 : memref<400x128xf32, #tpu.memory_space<vmem>>) offsets(%arg10 : memref<400xi32, #tpu.memory_space<vmem>>) semaphore(%arg14 : memref<!tpu.dma_semaphore, #tpu.memory_space<semaphore_mem>>)
      %dma_wait3A_25 = arith.constant 0 : i32
      %dma_wait3A_26 = arith.constant 0 : i32
      %dma_wait3A_27 = tpu.memref_slice %arg2[%dma_wait3A_25, %dma_wait3A_26] : memref<100000x128xf32, #tpu.memory_space<hbm>> -> memref<100000x128xf32, #tpu.memory_space<hbm>>
      tpu.wait_indirect_dma semaphore(%arg13 : memref<!tpu.dma_semaphore, #tpu.memory_space<semaphore_mem>>) src(%dma_wait3A_27 : memref<100000x128xf32, #tpu.memory_space<hbm>>) dst(%arg11 : memref<400x128xf32, #tpu.memory_space<vmem>>)
      %dma_wait3A_28 = arith.constant 0 : i32
      %dma_wait3A_29 = arith.constant 0 : i32
      %dma_wait3A_30 = tpu.memref_slice %arg3[%dma_wait3A_28, %dma_wait3A_29] : memref<100000x128xf32, #tpu.memory_space<hbm>> -> memref<100000x128xf32, #tpu.memory_space<hbm>>
      tpu.wait_indirect_dma semaphore(%arg14 : memref<!tpu.dma_semaphore, #tpu.memory_space<semaphore_mem>>) src(%dma_wait3A_30 : memref<100000x128xf32, #tpu.memory_space<hbm>>) dst(%arg12 : memref<400x128xf32, #tpu.memory_space<vmem>>)
      "tpu.region"() ({
        %run_scoped3A = tpu.sem_alloc : memref<!tpu.dma_semaphore, #tpu.memory_space<semaphore_mem>>
        %dma_start3A_31 = arith.constant 0 : i32
        %dma_start3A_32 = tpu.memref_slice %arg8[%mul3A_4, %dma_start3A_31] : memref<12800x128xf32, #tpu.memory_space<hbm>> -> memref<400x128xf32, #tpu.memory_space<hbm>>
        %dma_start3A_33 = arith.constant 0 : i32
        %dma_start3A_34 = tpu.memref_slice %arg8[%mul3A_4, %dma_start3A_33] : memref<12800x128xf32, #tpu.memory_space<hbm>> -> memref<400x128xf32, #tpu.memory_space<hbm>>
        tpu.enqueue_dma source(%arg11 : memref<400x128xf32, #tpu.memory_space<vmem>>) target(%dma_start3A_34 : memref<400x128xf32, #tpu.memory_space<hbm>>) target_semaphore(%run_scoped3A : memref<!tpu.dma_semaphore, #tpu.memory_space<semaphore_mem>>)
        %dma_wait3A_35 = arith.constant 0 : i32
        %dma_wait3A_36 = tpu.memref_slice %arg8[%mul3A_4, %dma_wait3A_35] : memref<12800x128xf32, #tpu.memory_space<hbm>> -> memref<400x128xf32, #tpu.memory_space<hbm>>
        %dma_wait3A_37 = arith.constant 0 : i32
        %dma_wait3A_38 = tpu.memref_slice %arg8[%mul3A_4, %dma_wait3A_37] : memref<12800x128xf32, #tpu.memory_space<hbm>> -> memref<400x128xf32, #tpu.memory_space<hbm>>
        tpu.wait_dma2 semaphore(%run_scoped3A : memref<!tpu.dma_semaphore, #tpu.memory_space<semaphore_mem>>) src(%arg11 : memref<400x128xf32, #tpu.memory_space<vmem>>) dst(%dma_wait3A_38 : memref<400x128xf32, #tpu.memory_space<hbm>>)
        tpu.yield
      }) : () -> ()
      "tpu.region"() ({
        %run_scoped3A = tpu.sem_alloc : memref<!tpu.dma_semaphore, #tpu.memory_space<semaphore_mem>>
        %dma_start3A_31 = arith.constant 0 : i32
        %dma_start3A_32 = tpu.memref_slice %arg9[%mul3A_4, %dma_start3A_31] : memref<12800x128xf32, #tpu.memory_space<hbm>> -> memref<400x128xf32, #tpu.memory_space<hbm>>
        %dma_start3A_33 = arith.constant 0 : i32
        %dma_start3A_34 = tpu.memref_slice %arg9[%mul3A_4, %dma_start3A_33] : memref<12800x128xf32, #tpu.memory_space<hbm>> -> memref<400x128xf32, #tpu.memory_space<hbm>>
        tpu.enqueue_dma source(%arg12 : memref<400x128xf32, #tpu.memory_space<vmem>>) target(%dma_start3A_34 : memref<400x128xf32, #tpu.memory_space<hbm>>) target_semaphore(%run_scoped3A : memref<!tpu.dma_semaphore, #tpu.memory_space<semaphore_mem>>)
        %dma_wait3A_35 = arith.constant 0 : i32
        %dma_wait3A_36 = tpu.memref_slice %arg9[%mul3A_4, %dma_wait3A_35] : memref<12800x128xf32, #tpu.memory_space<hbm>> -> memref<400x128xf32, #tpu.memory_space<hbm>>
        %dma_wait3A_37 = arith.constant 0 : i32
        %dma_wait3A_38 = tpu.memref_slice %arg9[%mul3A_4, %dma_wait3A_37] : memref<12800x128xf32, #tpu.memory_space<hbm>> -> memref<400x128xf32, #tpu.memory_space<hbm>>
        tpu.wait_dma2 semaphore(%run_scoped3A : memref<!tpu.dma_semaphore, #tpu.memory_space<semaphore_mem>>) src(%arg12 : memref<400x128xf32, #tpu.memory_space<vmem>>) dst(%dma_wait3A_38 : memref<400x128xf32, #tpu.memory_space<hbm>>)
        tpu.yield
      }) : () -> ()
    } else {
    }
    return
  }
}

#map = affine_map<(d0, d1) -> (0, 0)>
#map1 = affine_map<(d0, d1) -> (0)>
module attributes {stable_mosaic.version = 14 : i64} {
  func.func @k(%arg0: i32, %arg1: i32, %arg2: memref<100000x128xf32, #tpu.memory_space<hbm>>, %arg3: memref<100000x128xf32, #tpu.memory_space<hbm>>, %arg4: memref<60000xi32, #tpu.memory_space<hbm>>, %arg5: memref<60000xi32, #tpu.memory_space<hbm>>, %arg6: memref<12800x128xf32, #tpu.memory_space<hbm>>, %arg7: memref<12800x128xf32, #tpu.memory_space<hbm>>, %arg8: memref<12800x128xf32, #tpu.memory_space<hbm>>, %arg9: memref<12800x128xf32, #tpu.memory_space<hbm>>, %arg10: memref<400xi32, #tpu.memory_space<vmem>>, %arg11: memref<400x128xf32, #tpu.memory_space<vmem>>, %arg12: memref<400x128xf32, #tpu.memory_space<vmem>>, %arg13: memref<!tpu.dma_semaphore, #tpu.memory_space<semaphore_mem>>, %arg14: memref<!tpu.dma_semaphore, #tpu.memory_space<semaphore_mem>>) attributes {dimension_semantics = [#tpu.dimension_semantics<core_parallel>, #tpu.dimension_semantics<subcore_parallel>], iteration_bounds = array<i64: 2, 16>, scalar_prefetch = 0 : i64, scratch_operands = 5 : i64, tpu.core_type = #tpu.core_type<sc_vector_subcore>, window_params = [{transform_indices = #map}, {transform_indices = #map}, {transform_indices = #map1}, {transform_indices = #map1}, {transform_indices = #map}, {transform_indices = #map}, {transform_indices = #map}, {transform_indices = #map}]} {
    %mul3A = arith.constant 2 : i32
    %mul3A_0 = arith.muli %arg1, %mul3A : i32
    %add3A = arith.addi %mul3A_0, %arg0 : i32
    %lt3A = arith.constant 32 : i32
    %lt3A_1 = arith.cmpi slt, %add3A, %lt3A : i32
    %convert_element_type3A = arith.extui %lt3A_1 : i1 to i32
    %cond3A = arith.constant 0 : i32
    %cond3A_2 = arith.cmpi ne, %convert_element_type3A, %cond3A : i32
    scf.if %cond3A_2 {
      %mul3A_3 = arith.constant 400 : i32
      %mul3A_4 = arith.muli %add3A, %mul3A_3 : i32
      %add3A_5 = arith.constant 21600 : i32
      %add3A_6 = arith.addi %add3A_5, %mul3A_4 : i32
      "tpu.region"() ({
        %run_scoped3A = tpu.sem_alloc : memref<!tpu.dma_semaphore, #tpu.memory_space<semaphore_mem>>
        %dma_start3A_31 = tpu.memref_slice %arg4[%add3A_6] : memref<60000xi32, #tpu.memory_space<hbm>> -> memref<400xi32, #tpu.memory_space<hbm>>
        %dma_start3A_32 = tpu.memref_slice %arg4[%add3A_6] : memref<60000xi32, #tpu.memory_space<hbm>> -> memref<400xi32, #tpu.memory_space<hbm>>
        tpu.enqueue_dma source(%dma_start3A_32 : memref<400xi32, #tpu.memory_space<hbm>>) target(%arg10 : memref<400xi32, #tpu.memory_space<vmem>>) target_semaphore(%run_scoped3A : memref<!tpu.dma_semaphore, #tpu.memory_space<semaphore_mem>>)
        %dma_wait3A_33 = tpu.memref_slice %arg4[%add3A_6] : memref<60000xi32, #tpu.memory_space<hbm>> -> memref<400xi32, #tpu.memory_space<hbm>>
        %dma_wait3A_34 = tpu.memref_slice %arg4[%add3A_6] : memref<60000xi32, #tpu.memory_space<hbm>> -> memref<400xi32, #tpu.memory_space<hbm>>
        tpu.wait_dma2 semaphore(%run_scoped3A : memref<!tpu.dma_semaphore, #tpu.memory_space<semaphore_mem>>) src(%dma_wait3A_34 : memref<400xi32, #tpu.memory_space<hbm>>) dst(%arg10 : memref<400xi32, #tpu.memory_space<vmem>>)
        tpu.yield
      }) : () -> ()
      %dma_start3A = arith.constant 0 : i32
      %dma_start3A_7 = arith.constant 0 : i32
      %dma_start3A_8 = tpu.memref_slice %arg2[%dma_start3A, %dma_start3A_7] : memref<100000x128xf32, #tpu.memory_space<hbm>> -> memref<100000x128xf32, #tpu.memory_space<hbm>>
      tpu.enqueue_indirect_dma source(%dma_start3A_8 : memref<100000x128xf32, #tpu.memory_space<hbm>>) target(%arg11 : memref<400x128xf32, #tpu.memory_space<vmem>>) offsets(%arg10 : memref<400xi32, #tpu.memory_space<vmem>>) semaphore(%arg13 : memref<!tpu.dma_semaphore, #tpu.memory_space<semaphore_mem>>)
      %dma_start3A_9 = arith.constant 0 : i32
      %dma_start3A_10 = arith.constant 0 : i32
      %dma_start3A_11 = tpu.memref_slice %arg3[%dma_start3A_9, %dma_start3A_10] : memref<100000x128xf32, #tpu.memory_space<hbm>> -> memref<100000x128xf32, #tpu.memory_space<hbm>>
      tpu.enqueue_indirect_dma source(%dma_start3A_11 : memref<100000x128xf32, #tpu.memory_space<hbm>>) target(%arg12 : memref<400x128xf32, #tpu.memory_space<vmem>>) offsets(%arg10 : memref<400xi32, #tpu.memory_space<vmem>>) semaphore(%arg14 : memref<!tpu.dma_semaphore, #tpu.memory_space<semaphore_mem>>)
      %dma_wait3A = arith.constant 0 : i32
      %dma_wait3A_12 = arith.constant 0 : i32
      %dma_wait3A_13 = tpu.memref_slice %arg2[%dma_wait3A, %dma_wait3A_12] : memref<100000x128xf32, #tpu.memory_space<hbm>> -> memref<100000x128xf32, #tpu.memory_space<hbm>>
      tpu.wait_indirect_dma semaphore(%arg13 : memref<!tpu.dma_semaphore, #tpu.memory_space<semaphore_mem>>) src(%dma_wait3A_13 : memref<100000x128xf32, #tpu.memory_space<hbm>>) dst(%arg11 : memref<400x128xf32, #tpu.memory_space<vmem>>)
      %dma_wait3A_14 = arith.constant 0 : i32
      %dma_wait3A_15 = arith.constant 0 : i32
      %dma_wait3A_16 = tpu.memref_slice %arg3[%dma_wait3A_14, %dma_wait3A_15] : memref<100000x128xf32, #tpu.memory_space<hbm>> -> memref<100000x128xf32, #tpu.memory_space<hbm>>
      tpu.wait_indirect_dma semaphore(%arg14 : memref<!tpu.dma_semaphore, #tpu.memory_space<semaphore_mem>>) src(%dma_wait3A_16 : memref<100000x128xf32, #tpu.memory_space<hbm>>) dst(%arg12 : memref<400x128xf32, #tpu.memory_space<vmem>>)
      "tpu.region"() ({
        %run_scoped3A = tpu.sem_alloc : memref<!tpu.dma_semaphore, #tpu.memory_space<semaphore_mem>>
        %dma_start3A_31 = arith.constant 0 : i32
        %dma_start3A_32 = tpu.memref_slice %arg6[%mul3A_4, %dma_start3A_31] : memref<12800x128xf32, #tpu.memory_space<hbm>> -> memref<400x128xf32, #tpu.memory_space<hbm>>
        %dma_start3A_33 = arith.constant 0 : i32
        %dma_start3A_34 = tpu.memref_slice %arg6[%mul3A_4, %dma_start3A_33] : memref<12800x128xf32, #tpu.memory_space<hbm>> -> memref<400x128xf32, #tpu.memory_space<hbm>>
        tpu.enqueue_dma source(%arg11 : memref<400x128xf32, #tpu.memory_space<vmem>>) target(%dma_start3A_34 : memref<400x128xf32, #tpu.memory_space<hbm>>) target_semaphore(%run_scoped3A : memref<!tpu.dma_semaphore, #tpu.memory_space<semaphore_mem>>)
        %dma_wait3A_35 = arith.constant 0 : i32
        %dma_wait3A_36 = tpu.memref_slice %arg6[%mul3A_4, %dma_wait3A_35] : memref<12800x128xf32, #tpu.memory_space<hbm>> -> memref<400x128xf32, #tpu.memory_space<hbm>>
        %dma_wait3A_37 = arith.constant 0 : i32
        %dma_wait3A_38 = tpu.memref_slice %arg6[%mul3A_4, %dma_wait3A_37] : memref<12800x128xf32, #tpu.memory_space<hbm>> -> memref<400x128xf32, #tpu.memory_space<hbm>>
        tpu.wait_dma2 semaphore(%run_scoped3A : memref<!tpu.dma_semaphore, #tpu.memory_space<semaphore_mem>>) src(%arg11 : memref<400x128xf32, #tpu.memory_space<vmem>>) dst(%dma_wait3A_38 : memref<400x128xf32, #tpu.memory_space<hbm>>)
        tpu.yield
      }) : () -> ()
      "tpu.region"() ({
        %run_scoped3A = tpu.sem_alloc : memref<!tpu.dma_semaphore, #tpu.memory_space<semaphore_mem>>
        %dma_start3A_31 = arith.constant 0 : i32
        %dma_start3A_32 = tpu.memref_slice %arg7[%mul3A_4, %dma_start3A_31] : memref<12800x128xf32, #tpu.memory_space<hbm>> -> memref<400x128xf32, #tpu.memory_space<hbm>>
        %dma_start3A_33 = arith.constant 0 : i32
        %dma_start3A_34 = tpu.memref_slice %arg7[%mul3A_4, %dma_start3A_33] : memref<12800x128xf32, #tpu.memory_space<hbm>> -> memref<400x128xf32, #tpu.memory_space<hbm>>
        tpu.enqueue_dma source(%arg12 : memref<400x128xf32, #tpu.memory_space<vmem>>) target(%dma_start3A_34 : memref<400x128xf32, #tpu.memory_space<hbm>>) target_semaphore(%run_scoped3A : memref<!tpu.dma_semaphore, #tpu.memory_space<semaphore_mem>>)
        %dma_wait3A_35 = arith.constant 0 : i32
        %dma_wait3A_36 = tpu.memref_slice %arg7[%mul3A_4, %dma_wait3A_35] : memref<12800x128xf32, #tpu.memory_space<hbm>> -> memref<400x128xf32, #tpu.memory_space<hbm>>
        %dma_wait3A_37 = arith.constant 0 : i32
        %dma_wait3A_38 = tpu.memref_slice %arg7[%mul3A_4, %dma_wait3A_37] : memref<12800x128xf32, #tpu.memory_space<hbm>> -> memref<400x128xf32, #tpu.memory_space<hbm>>
        tpu.wait_dma2 semaphore(%run_scoped3A : memref<!tpu.dma_semaphore, #tpu.memory_space<semaphore_mem>>) src(%arg12 : memref<400x128xf32, #tpu.memory_space<vmem>>) dst(%dma_wait3A_38 : memref<400x128xf32, #tpu.memory_space<hbm>>)
        tpu.yield
      }) : () -> ()
      %add3A_17 = arith.constant 21600 : i32
      %add3A_18 = arith.addi %add3A_17, %mul3A_4 : i32
      "tpu.region"() ({
        %run_scoped3A = tpu.sem_alloc : memref<!tpu.dma_semaphore, #tpu.memory_space<semaphore_mem>>
        %dma_start3A_31 = tpu.memref_slice %arg5[%add3A_18] : memref<60000xi32, #tpu.memory_space<hbm>> -> memref<400xi32, #tpu.memory_space<hbm>>
        %dma_start3A_32 = tpu.memref_slice %arg5[%add3A_18] : memref<60000xi32, #tpu.memory_space<hbm>> -> memref<400xi32, #tpu.memory_space<hbm>>
        tpu.enqueue_dma source(%dma_start3A_32 : memref<400xi32, #tpu.memory_space<hbm>>) target(%arg10 : memref<400xi32, #tpu.memory_space<vmem>>) target_semaphore(%run_scoped3A : memref<!tpu.dma_semaphore, #tpu.memory_space<semaphore_mem>>)
        %dma_wait3A_33 = tpu.memref_slice %arg5[%add3A_18] : memref<60000xi32, #tpu.memory_space<hbm>> -> memref<400xi32, #tpu.memory_space<hbm>>
        %dma_wait3A_34 = tpu.memref_slice %arg5[%add3A_18] : memref<60000xi32, #tpu.memory_space<hbm>> -> memref<400xi32, #tpu.memory_space<hbm>>
        tpu.wait_dma2 semaphore(%run_scoped3A : memref<!tpu.dma_semaphore, #tpu.memory_space<semaphore_mem>>) src(%dma_wait3A_34 : memref<400xi32, #tpu.memory_space<hbm>>) dst(%arg10 : memref<400xi32, #tpu.memory_space<vmem>>)
        tpu.yield
      }) : () -> ()
      %dma_start3A_19 = arith.constant 0 : i32
      %dma_start3A_20 = arith.constant 0 : i32
      %dma_start3A_21 = tpu.memref_slice %arg2[%dma_start3A_19, %dma_start3A_20] : memref<100000x128xf32, #tpu.memory_space<hbm>> -> memref<100000x128xf32, #tpu.memory_space<hbm>>
      tpu.enqueue_indirect_dma source(%dma_start3A_21 : memref<100000x128xf32, #tpu.memory_space<hbm>>) target(%arg11 : memref<400x128xf32, #tpu.memory_space<vmem>>) offsets(%arg10 : memref<400xi32, #tpu.memory_space<vmem>>) semaphore(%arg13 : memref<!tpu.dma_semaphore, #tpu.memory_space<semaphore_mem>>)
      %dma_start3A_22 = arith.constant 0 : i32
      %dma_start3A_23 = arith.constant 0 : i32
      %dma_start3A_24 = tpu.memref_slice %arg3[%dma_start3A_22, %dma_start3A_23] : memref<100000x128xf32, #tpu.memory_space<hbm>> -> memref<100000x128xf32, #tpu.memory_space<hbm>>
      tpu.enqueue_indirect_dma source(%dma_start3A_24 : memref<100000x128xf32, #tpu.memory_space<hbm>>) target(%arg12 : memref<400x128xf32, #tpu.memory_space<vmem>>) offsets(%arg10 : memref<400xi32, #tpu.memory_space<vmem>>) semaphore(%arg14 : memref<!tpu.dma_semaphore, #tpu.memory_space<semaphore_mem>>)
      %dma_wait3A_25 = arith.constant 0 : i32
      %dma_wait3A_26 = arith.constant 0 : i32
      %dma_wait3A_27 = tpu.memref_slice %arg2[%dma_wait3A_25, %dma_wait3A_26] : memref<100000x128xf32, #tpu.memory_space<hbm>> -> memref<100000x128xf32, #tpu.memory_space<hbm>>
      tpu.wait_indirect_dma semaphore(%arg13 : memref<!tpu.dma_semaphore, #tpu.memory_space<semaphore_mem>>) src(%dma_wait3A_27 : memref<100000x128xf32, #tpu.memory_space<hbm>>) dst(%arg11 : memref<400x128xf32, #tpu.memory_space<vmem>>)
      %dma_wait3A_28 = arith.constant 0 : i32
      %dma_wait3A_29 = arith.constant 0 : i32
      %dma_wait3A_30 = tpu.memref_slice %arg3[%dma_wait3A_28, %dma_wait3A_29] : memref<100000x128xf32, #tpu.memory_space<hbm>> -> memref<100000x128xf32, #tpu.memory_space<hbm>>
      tpu.wait_indirect_dma semaphore(%arg14 : memref<!tpu.dma_semaphore, #tpu.memory_space<semaphore_mem>>) src(%dma_wait3A_30 : memref<100000x128xf32, #tpu.memory_space<hbm>>) dst(%arg12 : memref<400x128xf32, #tpu.memory_space<vmem>>)
      "tpu.region"() ({
        %run_scoped3A = tpu.sem_alloc : memref<!tpu.dma_semaphore, #tpu.memory_space<semaphore_mem>>
        %dma_start3A_31 = arith.constant 0 : i32
        %dma_start3A_32 = tpu.memref_slice %arg8[%mul3A_4, %dma_start3A_31] : memref<12800x128xf32, #tpu.memory_space<hbm>> -> memref<400x128xf32, #tpu.memory_space<hbm>>
        %dma_start3A_33 = arith.constant 0 : i32
        %dma_start3A_34 = tpu.memref_slice %arg8[%mul3A_4, %dma_start3A_33] : memref<12800x128xf32, #tpu.memory_space<hbm>> -> memref<400x128xf32, #tpu.memory_space<hbm>>
        tpu.enqueue_dma source(%arg11 : memref<400x128xf32, #tpu.memory_space<vmem>>) target(%dma_start3A_34 : memref<400x128xf32, #tpu.memory_space<hbm>>) target_semaphore(%run_scoped3A : memref<!tpu.dma_semaphore, #tpu.memory_space<semaphore_mem>>)
        %dma_wait3A_35 = arith.constant 0 : i32
        %dma_wait3A_36 = tpu.memref_slice %arg8[%mul3A_4, %dma_wait3A_35] : memref<12800x128xf32, #tpu.memory_space<hbm>> -> memref<400x128xf32, #tpu.memory_space<hbm>>
        %dma_wait3A_37 = arith.constant 0 : i32
        %dma_wait3A_38 = tpu.memref_slice %arg8[%mul3A_4, %dma_wait3A_37] : memref<12800x128xf32, #tpu.memory_space<hbm>> -> memref<400x128xf32, #tpu.memory_space<hbm>>
        tpu.wait_dma2 semaphore(%run_scoped3A : memref<!tpu.dma_semaphore, #tpu.memory_space<semaphore_mem>>) src(%arg11 : memref<400x128xf32, #tpu.memory_space<vmem>>) dst(%dma_wait3A_38 : memref<400x128xf32, #tpu.memory_space<hbm>>)
        tpu.yield
      }) : () -> ()
      "tpu.region"() ({
        %run_scoped3A = tpu.sem_alloc : memref<!tpu.dma_semaphore, #tpu.memory_space<semaphore_mem>>
        %dma_start3A_31 = arith.constant 0 : i32
        %dma_start3A_32 = tpu.memref_slice %arg9[%mul3A_4, %dma_start3A_31] : memref<12800x128xf32, #tpu.memory_space<hbm>> -> memref<400x128xf32, #tpu.memory_space<hbm>>
        %dma_start3A_33 = arith.constant 0 : i32
        %dma_start3A_34 = tpu.memref_slice %arg9[%mul3A_4, %dma_start3A_33] : memref<12800x128xf32, #tpu.memory_space<hbm>> -> memref<400x128xf32, #tpu.memory_space<hbm>>
        tpu.enqueue_dma source(%arg12 : memref<400x128xf32, #tpu.memory_space<vmem>>) target(%dma_start3A_34 : memref<400x128xf32, #tpu.memory_space<hbm>>) target_semaphore(%run_scoped3A : memref<!tpu.dma_semaphore, #tpu.memory_space<semaphore_mem>>)
        %dma_wait3A_35 = arith.constant 0 : i32
        %dma_wait3A_36 = tpu.memref_slice %arg9[%mul3A_4, %dma_wait3A_35] : memref<12800x128xf32, #tpu.memory_space<hbm>> -> memref<400x128xf32, #tpu.memory_space<hbm>>
        %dma_wait3A_37 = arith.constant 0 : i32
        %dma_wait3A_38 = tpu.memref_slice %arg9[%mul3A_4, %dma_wait3A_37] : memref<12800x128xf32, #tpu.memory_space<hbm>> -> memref<400x128xf32, #tpu.memory_space<hbm>>
        tpu.wait_dma2 semaphore(%run_scoped3A : memref<!tpu.dma_semaphore, #tpu.memory_space<semaphore_mem>>) src(%arg12 : memref<400x128xf32, #tpu.memory_space<vmem>>) dst(%dma_wait3A_38 : memref<400x128xf32, #tpu.memory_space<hbm>>)
        tpu.yield
      }) : () -> ()
    } else {
    }
    return
  }
}

#map = affine_map<(d0, d1) -> (0, 0)>
#map1 = affine_map<(d0, d1) -> (0)>
module attributes {stable_mosaic.version = 14 : i64} {
  func.func @k(%arg0: i32, %arg1: i32, %arg2: memref<100000x128xf32, #tpu.memory_space<hbm>>, %arg3: memref<100000x128xf32, #tpu.memory_space<hbm>>, %arg4: memref<60000xi32, #tpu.memory_space<hbm>>, %arg5: memref<60000xi32, #tpu.memory_space<hbm>>, %arg6: memref<12800x128xf32, #tpu.memory_space<hbm>>, %arg7: memref<12800x128xf32, #tpu.memory_space<hbm>>, %arg8: memref<12800x128xf32, #tpu.memory_space<hbm>>, %arg9: memref<12800x128xf32, #tpu.memory_space<hbm>>, %arg10: memref<400xi32, #tpu.memory_space<vmem>>, %arg11: memref<400x128xf32, #tpu.memory_space<vmem>>, %arg12: memref<400x128xf32, #tpu.memory_space<vmem>>, %arg13: memref<!tpu.dma_semaphore, #tpu.memory_space<semaphore_mem>>, %arg14: memref<!tpu.dma_semaphore, #tpu.memory_space<semaphore_mem>>) attributes {dimension_semantics = [#tpu.dimension_semantics<core_parallel>, #tpu.dimension_semantics<subcore_parallel>], iteration_bounds = array<i64: 2, 16>, scalar_prefetch = 0 : i64, scratch_operands = 5 : i64, tpu.core_type = #tpu.core_type<sc_vector_subcore>, window_params = [{transform_indices = #map}, {transform_indices = #map}, {transform_indices = #map1}, {transform_indices = #map1}, {transform_indices = #map}, {transform_indices = #map}, {transform_indices = #map}, {transform_indices = #map}]} {
    %mul3A = arith.constant 2 : i32
    %mul3A_0 = arith.muli %arg1, %mul3A : i32
    %add3A = arith.addi %mul3A_0, %arg0 : i32
    %lt3A = arith.constant 32 : i32
    %lt3A_1 = arith.cmpi slt, %add3A, %lt3A : i32
    %convert_element_type3A = arith.extui %lt3A_1 : i1 to i32
    %cond3A = arith.constant 0 : i32
    %cond3A_2 = arith.cmpi ne, %convert_element_type3A, %cond3A : i32
    scf.if %cond3A_2 {
      %mul3A_3 = arith.constant 400 : i32
      %mul3A_4 = arith.muli %add3A, %mul3A_3 : i32
      %add3A_5 = arith.constant 47200 : i32
      %add3A_6 = arith.addi %add3A_5, %mul3A_4 : i32
      "tpu.region"() ({
        %run_scoped3A = tpu.sem_alloc : memref<!tpu.dma_semaphore, #tpu.memory_space<semaphore_mem>>
        %dma_start3A_31 = tpu.memref_slice %arg4[%add3A_6] : memref<60000xi32, #tpu.memory_space<hbm>> -> memref<400xi32, #tpu.memory_space<hbm>>
        %dma_start3A_32 = tpu.memref_slice %arg4[%add3A_6] : memref<60000xi32, #tpu.memory_space<hbm>> -> memref<400xi32, #tpu.memory_space<hbm>>
        tpu.enqueue_dma source(%dma_start3A_32 : memref<400xi32, #tpu.memory_space<hbm>>) target(%arg10 : memref<400xi32, #tpu.memory_space<vmem>>) target_semaphore(%run_scoped3A : memref<!tpu.dma_semaphore, #tpu.memory_space<semaphore_mem>>)
        %dma_wait3A_33 = tpu.memref_slice %arg4[%add3A_6] : memref<60000xi32, #tpu.memory_space<hbm>> -> memref<400xi32, #tpu.memory_space<hbm>>
        %dma_wait3A_34 = tpu.memref_slice %arg4[%add3A_6] : memref<60000xi32, #tpu.memory_space<hbm>> -> memref<400xi32, #tpu.memory_space<hbm>>
        tpu.wait_dma2 semaphore(%run_scoped3A : memref<!tpu.dma_semaphore, #tpu.memory_space<semaphore_mem>>) src(%dma_wait3A_34 : memref<400xi32, #tpu.memory_space<hbm>>) dst(%arg10 : memref<400xi32, #tpu.memory_space<vmem>>)
        tpu.yield
      }) : () -> ()
      %dma_start3A = arith.constant 0 : i32
      %dma_start3A_7 = arith.constant 0 : i32
      %dma_start3A_8 = tpu.memref_slice %arg2[%dma_start3A, %dma_start3A_7] : memref<100000x128xf32, #tpu.memory_space<hbm>> -> memref<100000x128xf32, #tpu.memory_space<hbm>>
      tpu.enqueue_indirect_dma source(%dma_start3A_8 : memref<100000x128xf32, #tpu.memory_space<hbm>>) target(%arg11 : memref<400x128xf32, #tpu.memory_space<vmem>>) offsets(%arg10 : memref<400xi32, #tpu.memory_space<vmem>>) semaphore(%arg13 : memref<!tpu.dma_semaphore, #tpu.memory_space<semaphore_mem>>)
      %dma_start3A_9 = arith.constant 0 : i32
      %dma_start3A_10 = arith.constant 0 : i32
      %dma_start3A_11 = tpu.memref_slice %arg3[%dma_start3A_9, %dma_start3A_10] : memref<100000x128xf32, #tpu.memory_space<hbm>> -> memref<100000x128xf32, #tpu.memory_space<hbm>>
      tpu.enqueue_indirect_dma source(%dma_start3A_11 : memref<100000x128xf32, #tpu.memory_space<hbm>>) target(%arg12 : memref<400x128xf32, #tpu.memory_space<vmem>>) offsets(%arg10 : memref<400xi32, #tpu.memory_space<vmem>>) semaphore(%arg14 : memref<!tpu.dma_semaphore, #tpu.memory_space<semaphore_mem>>)
      %dma_wait3A = arith.constant 0 : i32
      %dma_wait3A_12 = arith.constant 0 : i32
      %dma_wait3A_13 = tpu.memref_slice %arg2[%dma_wait3A, %dma_wait3A_12] : memref<100000x128xf32, #tpu.memory_space<hbm>> -> memref<100000x128xf32, #tpu.memory_space<hbm>>
      tpu.wait_indirect_dma semaphore(%arg13 : memref<!tpu.dma_semaphore, #tpu.memory_space<semaphore_mem>>) src(%dma_wait3A_13 : memref<100000x128xf32, #tpu.memory_space<hbm>>) dst(%arg11 : memref<400x128xf32, #tpu.memory_space<vmem>>)
      %dma_wait3A_14 = arith.constant 0 : i32
      %dma_wait3A_15 = arith.constant 0 : i32
      %dma_wait3A_16 = tpu.memref_slice %arg3[%dma_wait3A_14, %dma_wait3A_15] : memref<100000x128xf32, #tpu.memory_space<hbm>> -> memref<100000x128xf32, #tpu.memory_space<hbm>>
      tpu.wait_indirect_dma semaphore(%arg14 : memref<!tpu.dma_semaphore, #tpu.memory_space<semaphore_mem>>) src(%dma_wait3A_16 : memref<100000x128xf32, #tpu.memory_space<hbm>>) dst(%arg12 : memref<400x128xf32, #tpu.memory_space<vmem>>)
      "tpu.region"() ({
        %run_scoped3A = tpu.sem_alloc : memref<!tpu.dma_semaphore, #tpu.memory_space<semaphore_mem>>
        %dma_start3A_31 = arith.constant 0 : i32
        %dma_start3A_32 = tpu.memref_slice %arg6[%mul3A_4, %dma_start3A_31] : memref<12800x128xf32, #tpu.memory_space<hbm>> -> memref<400x128xf32, #tpu.memory_space<hbm>>
        %dma_start3A_33 = arith.constant 0 : i32
        %dma_start3A_34 = tpu.memref_slice %arg6[%mul3A_4, %dma_start3A_33] : memref<12800x128xf32, #tpu.memory_space<hbm>> -> memref<400x128xf32, #tpu.memory_space<hbm>>
        tpu.enqueue_dma source(%arg11 : memref<400x128xf32, #tpu.memory_space<vmem>>) target(%dma_start3A_34 : memref<400x128xf32, #tpu.memory_space<hbm>>) target_semaphore(%run_scoped3A : memref<!tpu.dma_semaphore, #tpu.memory_space<semaphore_mem>>)
        %dma_wait3A_35 = arith.constant 0 : i32
        %dma_wait3A_36 = tpu.memref_slice %arg6[%mul3A_4, %dma_wait3A_35] : memref<12800x128xf32, #tpu.memory_space<hbm>> -> memref<400x128xf32, #tpu.memory_space<hbm>>
        %dma_wait3A_37 = arith.constant 0 : i32
        %dma_wait3A_38 = tpu.memref_slice %arg6[%mul3A_4, %dma_wait3A_37] : memref<12800x128xf32, #tpu.memory_space<hbm>> -> memref<400x128xf32, #tpu.memory_space<hbm>>
        tpu.wait_dma2 semaphore(%run_scoped3A : memref<!tpu.dma_semaphore, #tpu.memory_space<semaphore_mem>>) src(%arg11 : memref<400x128xf32, #tpu.memory_space<vmem>>) dst(%dma_wait3A_38 : memref<400x128xf32, #tpu.memory_space<hbm>>)
        tpu.yield
      }) : () -> ()
      "tpu.region"() ({
        %run_scoped3A = tpu.sem_alloc : memref<!tpu.dma_semaphore, #tpu.memory_space<semaphore_mem>>
        %dma_start3A_31 = arith.constant 0 : i32
        %dma_start3A_32 = tpu.memref_slice %arg7[%mul3A_4, %dma_start3A_31] : memref<12800x128xf32, #tpu.memory_space<hbm>> -> memref<400x128xf32, #tpu.memory_space<hbm>>
        %dma_start3A_33 = arith.constant 0 : i32
        %dma_start3A_34 = tpu.memref_slice %arg7[%mul3A_4, %dma_start3A_33] : memref<12800x128xf32, #tpu.memory_space<hbm>> -> memref<400x128xf32, #tpu.memory_space<hbm>>
        tpu.enqueue_dma source(%arg12 : memref<400x128xf32, #tpu.memory_space<vmem>>) target(%dma_start3A_34 : memref<400x128xf32, #tpu.memory_space<hbm>>) target_semaphore(%run_scoped3A : memref<!tpu.dma_semaphore, #tpu.memory_space<semaphore_mem>>)
        %dma_wait3A_35 = arith.constant 0 : i32
        %dma_wait3A_36 = tpu.memref_slice %arg7[%mul3A_4, %dma_wait3A_35] : memref<12800x128xf32, #tpu.memory_space<hbm>> -> memref<400x128xf32, #tpu.memory_space<hbm>>
        %dma_wait3A_37 = arith.constant 0 : i32
        %dma_wait3A_38 = tpu.memref_slice %arg7[%mul3A_4, %dma_wait3A_37] : memref<12800x128xf32, #tpu.memory_space<hbm>> -> memref<400x128xf32, #tpu.memory_space<hbm>>
        tpu.wait_dma2 semaphore(%run_scoped3A : memref<!tpu.dma_semaphore, #tpu.memory_space<semaphore_mem>>) src(%arg12 : memref<400x128xf32, #tpu.memory_space<vmem>>) dst(%dma_wait3A_38 : memref<400x128xf32, #tpu.memory_space<hbm>>)
        tpu.yield
      }) : () -> ()
      %add3A_17 = arith.constant 47200 : i32
      %add3A_18 = arith.addi %add3A_17, %mul3A_4 : i32
      "tpu.region"() ({
        %run_scoped3A = tpu.sem_alloc : memref<!tpu.dma_semaphore, #tpu.memory_space<semaphore_mem>>
        %dma_start3A_31 = tpu.memref_slice %arg5[%add3A_18] : memref<60000xi32, #tpu.memory_space<hbm>> -> memref<400xi32, #tpu.memory_space<hbm>>
        %dma_start3A_32 = tpu.memref_slice %arg5[%add3A_18] : memref<60000xi32, #tpu.memory_space<hbm>> -> memref<400xi32, #tpu.memory_space<hbm>>
        tpu.enqueue_dma source(%dma_start3A_32 : memref<400xi32, #tpu.memory_space<hbm>>) target(%arg10 : memref<400xi32, #tpu.memory_space<vmem>>) target_semaphore(%run_scoped3A : memref<!tpu.dma_semaphore, #tpu.memory_space<semaphore_mem>>)
        %dma_wait3A_33 = tpu.memref_slice %arg5[%add3A_18] : memref<60000xi32, #tpu.memory_space<hbm>> -> memref<400xi32, #tpu.memory_space<hbm>>
        %dma_wait3A_34 = tpu.memref_slice %arg5[%add3A_18] : memref<60000xi32, #tpu.memory_space<hbm>> -> memref<400xi32, #tpu.memory_space<hbm>>
        tpu.wait_dma2 semaphore(%run_scoped3A : memref<!tpu.dma_semaphore, #tpu.memory_space<semaphore_mem>>) src(%dma_wait3A_34 : memref<400xi32, #tpu.memory_space<hbm>>) dst(%arg10 : memref<400xi32, #tpu.memory_space<vmem>>)
        tpu.yield
      }) : () -> ()
      %dma_start3A_19 = arith.constant 0 : i32
      %dma_start3A_20 = arith.constant 0 : i32
      %dma_start3A_21 = tpu.memref_slice %arg2[%dma_start3A_19, %dma_start3A_20] : memref<100000x128xf32, #tpu.memory_space<hbm>> -> memref<100000x128xf32, #tpu.memory_space<hbm>>
      tpu.enqueue_indirect_dma source(%dma_start3A_21 : memref<100000x128xf32, #tpu.memory_space<hbm>>) target(%arg11 : memref<400x128xf32, #tpu.memory_space<vmem>>) offsets(%arg10 : memref<400xi32, #tpu.memory_space<vmem>>) semaphore(%arg13 : memref<!tpu.dma_semaphore, #tpu.memory_space<semaphore_mem>>)
      %dma_start3A_22 = arith.constant 0 : i32
      %dma_start3A_23 = arith.constant 0 : i32
      %dma_start3A_24 = tpu.memref_slice %arg3[%dma_start3A_22, %dma_start3A_23] : memref<100000x128xf32, #tpu.memory_space<hbm>> -> memref<100000x128xf32, #tpu.memory_space<hbm>>
      tpu.enqueue_indirect_dma source(%dma_start3A_24 : memref<100000x128xf32, #tpu.memory_space<hbm>>) target(%arg12 : memref<400x128xf32, #tpu.memory_space<vmem>>) offsets(%arg10 : memref<400xi32, #tpu.memory_space<vmem>>) semaphore(%arg14 : memref<!tpu.dma_semaphore, #tpu.memory_space<semaphore_mem>>)
      %dma_wait3A_25 = arith.constant 0 : i32
      %dma_wait3A_26 = arith.constant 0 : i32
      %dma_wait3A_27 = tpu.memref_slice %arg2[%dma_wait3A_25, %dma_wait3A_26] : memref<100000x128xf32, #tpu.memory_space<hbm>> -> memref<100000x128xf32, #tpu.memory_space<hbm>>
      tpu.wait_indirect_dma semaphore(%arg13 : memref<!tpu.dma_semaphore, #tpu.memory_space<semaphore_mem>>) src(%dma_wait3A_27 : memref<100000x128xf32, #tpu.memory_space<hbm>>) dst(%arg11 : memref<400x128xf32, #tpu.memory_space<vmem>>)
      %dma_wait3A_28 = arith.constant 0 : i32
      %dma_wait3A_29 = arith.constant 0 : i32
      %dma_wait3A_30 = tpu.memref_slice %arg3[%dma_wait3A_28, %dma_wait3A_29] : memref<100000x128xf32, #tpu.memory_space<hbm>> -> memref<100000x128xf32, #tpu.memory_space<hbm>>
      tpu.wait_indirect_dma semaphore(%arg14 : memref<!tpu.dma_semaphore, #tpu.memory_space<semaphore_mem>>) src(%dma_wait3A_30 : memref<100000x128xf32, #tpu.memory_space<hbm>>) dst(%arg12 : memref<400x128xf32, #tpu.memory_space<vmem>>)
      "tpu.region"() ({
        %run_scoped3A = tpu.sem_alloc : memref<!tpu.dma_semaphore, #tpu.memory_space<semaphore_mem>>
        %dma_start3A_31 = arith.constant 0 : i32
        %dma_start3A_32 = tpu.memref_slice %arg8[%mul3A_4, %dma_start3A_31] : memref<12800x128xf32, #tpu.memory_space<hbm>> -> memref<400x128xf32, #tpu.memory_space<hbm>>
        %dma_start3A_33 = arith.constant 0 : i32
        %dma_start3A_34 = tpu.memref_slice %arg8[%mul3A_4, %dma_start3A_33] : memref<12800x128xf32, #tpu.memory_space<hbm>> -> memref<400x128xf32, #tpu.memory_space<hbm>>
        tpu.enqueue_dma source(%arg11 : memref<400x128xf32, #tpu.memory_space<vmem>>) target(%dma_start3A_34 : memref<400x128xf32, #tpu.memory_space<hbm>>) target_semaphore(%run_scoped3A : memref<!tpu.dma_semaphore, #tpu.memory_space<semaphore_mem>>)
        %dma_wait3A_35 = arith.constant 0 : i32
        %dma_wait3A_36 = tpu.memref_slice %arg8[%mul3A_4, %dma_wait3A_35] : memref<12800x128xf32, #tpu.memory_space<hbm>> -> memref<400x128xf32, #tpu.memory_space<hbm>>
        %dma_wait3A_37 = arith.constant 0 : i32
        %dma_wait3A_38 = tpu.memref_slice %arg8[%mul3A_4, %dma_wait3A_37] : memref<12800x128xf32, #tpu.memory_space<hbm>> -> memref<400x128xf32, #tpu.memory_space<hbm>>
        tpu.wait_dma2 semaphore(%run_scoped3A : memref<!tpu.dma_semaphore, #tpu.memory_space<semaphore_mem>>) src(%arg11 : memref<400x128xf32, #tpu.memory_space<vmem>>) dst(%dma_wait3A_38 : memref<400x128xf32, #tpu.memory_space<hbm>>)
        tpu.yield
      }) : () -> ()
      "tpu.region"() ({
        %run_scoped3A = tpu.sem_alloc : memref<!tpu.dma_semaphore, #tpu.memory_space<semaphore_mem>>
        %dma_start3A_31 = arith.constant 0 : i32
        %dma_start3A_32 = tpu.memref_slice %arg9[%mul3A_4, %dma_start3A_31] : memref<12800x128xf32, #tpu.memory_space<hbm>> -> memref<400x128xf32, #tpu.memory_space<hbm>>
        %dma_start3A_33 = arith.constant 0 : i32
        %dma_start3A_34 = tpu.memref_slice %arg9[%mul3A_4, %dma_start3A_33] : memref<12800x128xf32, #tpu.memory_space<hbm>> -> memref<400x128xf32, #tpu.memory_space<hbm>>
        tpu.enqueue_dma source(%arg12 : memref<400x128xf32, #tpu.memory_space<vmem>>) target(%dma_start3A_34 : memref<400x128xf32, #tpu.memory_space<hbm>>) target_semaphore(%run_scoped3A : memref<!tpu.dma_semaphore, #tpu.memory_space<semaphore_mem>>)
        %dma_wait3A_35 = arith.constant 0 : i32
        %dma_wait3A_36 = tpu.memref_slice %arg9[%mul3A_4, %dma_wait3A_35] : memref<12800x128xf32, #tpu.memory_space<hbm>> -> memref<400x128xf32, #tpu.memory_space<hbm>>
        %dma_wait3A_37 = arith.constant 0 : i32
        %dma_wait3A_38 = tpu.memref_slice %arg9[%mul3A_4, %dma_wait3A_37] : memref<12800x128xf32, #tpu.memory_space<hbm>> -> memref<400x128xf32, #tpu.memory_space<hbm>>
        tpu.wait_dma2 semaphore(%run_scoped3A : memref<!tpu.dma_semaphore, #tpu.memory_space<semaphore_mem>>) src(%arg12 : memref<400x128xf32, #tpu.memory_space<vmem>>) dst(%dma_wait3A_38 : memref<400x128xf32, #tpu.memory_space<hbm>>)
        tpu.yield
      }) : () -> ()
    } else {
    }
    return
  }
}

#map = affine_map<(d0, d1) -> (0, 0)>
#map1 = affine_map<(d0, d1) -> (0)>
module attributes {stable_mosaic.version = 14 : i64} {
  func.func @k(%arg0: i32, %arg1: i32, %arg2: memref<50000x128xf32, #tpu.memory_space<hbm>>, %arg3: memref<50000x128xf32, #tpu.memory_space<hbm>>, %arg4: memref<40000xi32, #tpu.memory_space<hbm>>, %arg5: memref<40000xi32, #tpu.memory_space<hbm>>, %arg6: memref<11200x128xf32, #tpu.memory_space<hbm>>, %arg7: memref<11200x128xf32, #tpu.memory_space<hbm>>, %arg8: memref<11200x128xf32, #tpu.memory_space<hbm>>, %arg9: memref<11200x128xf32, #tpu.memory_space<hbm>>, %arg10: memref<400xi32, #tpu.memory_space<vmem>>, %arg11: memref<400x128xf32, #tpu.memory_space<vmem>>, %arg12: memref<400x128xf32, #tpu.memory_space<vmem>>, %arg13: memref<!tpu.dma_semaphore, #tpu.memory_space<semaphore_mem>>, %arg14: memref<!tpu.dma_semaphore, #tpu.memory_space<semaphore_mem>>) attributes {dimension_semantics = [#tpu.dimension_semantics<core_parallel>, #tpu.dimension_semantics<subcore_parallel>], iteration_bounds = array<i64: 2, 16>, scalar_prefetch = 0 : i64, scratch_operands = 5 : i64, tpu.core_type = #tpu.core_type<sc_vector_subcore>, window_params = [{transform_indices = #map}, {transform_indices = #map}, {transform_indices = #map1}, {transform_indices = #map1}, {transform_indices = #map}, {transform_indices = #map}, {transform_indices = #map}, {transform_indices = #map}]} {
    %mul3A = arith.constant 2 : i32
    %mul3A_0 = arith.muli %arg1, %mul3A : i32
    %add3A = arith.addi %mul3A_0, %arg0 : i32
    %lt3A = arith.constant 28 : i32
    %lt3A_1 = arith.cmpi slt, %add3A, %lt3A : i32
    %convert_element_type3A = arith.extui %lt3A_1 : i1 to i32
    %cond3A = arith.constant 0 : i32
    %cond3A_2 = arith.cmpi ne, %convert_element_type3A, %cond3A : i32
    scf.if %cond3A_2 {
      %mul3A_3 = arith.constant 400 : i32
      %mul3A_4 = arith.muli %add3A, %mul3A_3 : i32
      %add3A_5 = arith.constant 0 : i32
      %add3A_6 = arith.addi %add3A_5, %mul3A_4 : i32
      "tpu.region"() ({
        %run_scoped3A = tpu.sem_alloc : memref<!tpu.dma_semaphore, #tpu.memory_space<semaphore_mem>>
        %dma_start3A_31 = tpu.memref_slice %arg4[%add3A_6] : memref<40000xi32, #tpu.memory_space<hbm>> -> memref<400xi32, #tpu.memory_space<hbm>>
        %dma_start3A_32 = tpu.memref_slice %arg4[%add3A_6] : memref<40000xi32, #tpu.memory_space<hbm>> -> memref<400xi32, #tpu.memory_space<hbm>>
        tpu.enqueue_dma source(%dma_start3A_32 : memref<400xi32, #tpu.memory_space<hbm>>) target(%arg10 : memref<400xi32, #tpu.memory_space<vmem>>) target_semaphore(%run_scoped3A : memref<!tpu.dma_semaphore, #tpu.memory_space<semaphore_mem>>)
        %dma_wait3A_33 = tpu.memref_slice %arg4[%add3A_6] : memref<40000xi32, #tpu.memory_space<hbm>> -> memref<400xi32, #tpu.memory_space<hbm>>
        %dma_wait3A_34 = tpu.memref_slice %arg4[%add3A_6] : memref<40000xi32, #tpu.memory_space<hbm>> -> memref<400xi32, #tpu.memory_space<hbm>>
        tpu.wait_dma2 semaphore(%run_scoped3A : memref<!tpu.dma_semaphore, #tpu.memory_space<semaphore_mem>>) src(%dma_wait3A_34 : memref<400xi32, #tpu.memory_space<hbm>>) dst(%arg10 : memref<400xi32, #tpu.memory_space<vmem>>)
        tpu.yield
      }) : () -> ()
      %dma_start3A = arith.constant 0 : i32
      %dma_start3A_7 = arith.constant 0 : i32
      %dma_start3A_8 = tpu.memref_slice %arg2[%dma_start3A, %dma_start3A_7] : memref<50000x128xf32, #tpu.memory_space<hbm>> -> memref<50000x128xf32, #tpu.memory_space<hbm>>
      tpu.enqueue_indirect_dma source(%dma_start3A_8 : memref<50000x128xf32, #tpu.memory_space<hbm>>) target(%arg11 : memref<400x128xf32, #tpu.memory_space<vmem>>) offsets(%arg10 : memref<400xi32, #tpu.memory_space<vmem>>) semaphore(%arg13 : memref<!tpu.dma_semaphore, #tpu.memory_space<semaphore_mem>>)
      %dma_start3A_9 = arith.constant 0 : i32
      %dma_start3A_10 = arith.constant 0 : i32
      %dma_start3A_11 = tpu.memref_slice %arg3[%dma_start3A_9, %dma_start3A_10] : memref<50000x128xf32, #tpu.memory_space<hbm>> -> memref<50000x128xf32, #tpu.memory_space<hbm>>
      tpu.enqueue_indirect_dma source(%dma_start3A_11 : memref<50000x128xf32, #tpu.memory_space<hbm>>) target(%arg12 : memref<400x128xf32, #tpu.memory_space<vmem>>) offsets(%arg10 : memref<400xi32, #tpu.memory_space<vmem>>) semaphore(%arg14 : memref<!tpu.dma_semaphore, #tpu.memory_space<semaphore_mem>>)
      %dma_wait3A = arith.constant 0 : i32
      %dma_wait3A_12 = arith.constant 0 : i32
      %dma_wait3A_13 = tpu.memref_slice %arg2[%dma_wait3A, %dma_wait3A_12] : memref<50000x128xf32, #tpu.memory_space<hbm>> -> memref<50000x128xf32, #tpu.memory_space<hbm>>
      tpu.wait_indirect_dma semaphore(%arg13 : memref<!tpu.dma_semaphore, #tpu.memory_space<semaphore_mem>>) src(%dma_wait3A_13 : memref<50000x128xf32, #tpu.memory_space<hbm>>) dst(%arg11 : memref<400x128xf32, #tpu.memory_space<vmem>>)
      %dma_wait3A_14 = arith.constant 0 : i32
      %dma_wait3A_15 = arith.constant 0 : i32
      %dma_wait3A_16 = tpu.memref_slice %arg3[%dma_wait3A_14, %dma_wait3A_15] : memref<50000x128xf32, #tpu.memory_space<hbm>> -> memref<50000x128xf32, #tpu.memory_space<hbm>>
      tpu.wait_indirect_dma semaphore(%arg14 : memref<!tpu.dma_semaphore, #tpu.memory_space<semaphore_mem>>) src(%dma_wait3A_16 : memref<50000x128xf32, #tpu.memory_space<hbm>>) dst(%arg12 : memref<400x128xf32, #tpu.memory_space<vmem>>)
      "tpu.region"() ({
        %run_scoped3A = tpu.sem_alloc : memref<!tpu.dma_semaphore, #tpu.memory_space<semaphore_mem>>
        %dma_start3A_31 = arith.constant 0 : i32
        %dma_start3A_32 = tpu.memref_slice %arg6[%mul3A_4, %dma_start3A_31] : memref<11200x128xf32, #tpu.memory_space<hbm>> -> memref<400x128xf32, #tpu.memory_space<hbm>>
        %dma_start3A_33 = arith.constant 0 : i32
        %dma_start3A_34 = tpu.memref_slice %arg6[%mul3A_4, %dma_start3A_33] : memref<11200x128xf32, #tpu.memory_space<hbm>> -> memref<400x128xf32, #tpu.memory_space<hbm>>
        tpu.enqueue_dma source(%arg11 : memref<400x128xf32, #tpu.memory_space<vmem>>) target(%dma_start3A_34 : memref<400x128xf32, #tpu.memory_space<hbm>>) target_semaphore(%run_scoped3A : memref<!tpu.dma_semaphore, #tpu.memory_space<semaphore_mem>>)
        %dma_wait3A_35 = arith.constant 0 : i32
        %dma_wait3A_36 = tpu.memref_slice %arg6[%mul3A_4, %dma_wait3A_35] : memref<11200x128xf32, #tpu.memory_space<hbm>> -> memref<400x128xf32, #tpu.memory_space<hbm>>
        %dma_wait3A_37 = arith.constant 0 : i32
        %dma_wait3A_38 = tpu.memref_slice %arg6[%mul3A_4, %dma_wait3A_37] : memref<11200x128xf32, #tpu.memory_space<hbm>> -> memref<400x128xf32, #tpu.memory_space<hbm>>
        tpu.wait_dma2 semaphore(%run_scoped3A : memref<!tpu.dma_semaphore, #tpu.memory_space<semaphore_mem>>) src(%arg11 : memref<400x128xf32, #tpu.memory_space<vmem>>) dst(%dma_wait3A_38 : memref<400x128xf32, #tpu.memory_space<hbm>>)
        tpu.yield
      }) : () -> ()
      "tpu.region"() ({
        %run_scoped3A = tpu.sem_alloc : memref<!tpu.dma_semaphore, #tpu.memory_space<semaphore_mem>>
        %dma_start3A_31 = arith.constant 0 : i32
        %dma_start3A_32 = tpu.memref_slice %arg7[%mul3A_4, %dma_start3A_31] : memref<11200x128xf32, #tpu.memory_space<hbm>> -> memref<400x128xf32, #tpu.memory_space<hbm>>
        %dma_start3A_33 = arith.constant 0 : i32
        %dma_start3A_34 = tpu.memref_slice %arg7[%mul3A_4, %dma_start3A_33] : memref<11200x128xf32, #tpu.memory_space<hbm>> -> memref<400x128xf32, #tpu.memory_space<hbm>>
        tpu.enqueue_dma source(%arg12 : memref<400x128xf32, #tpu.memory_space<vmem>>) target(%dma_start3A_34 : memref<400x128xf32, #tpu.memory_space<hbm>>) target_semaphore(%run_scoped3A : memref<!tpu.dma_semaphore, #tpu.memory_space<semaphore_mem>>)
        %dma_wait3A_35 = arith.constant 0 : i32
        %dma_wait3A_36 = tpu.memref_slice %arg7[%mul3A_4, %dma_wait3A_35] : memref<11200x128xf32, #tpu.memory_space<hbm>> -> memref<400x128xf32, #tpu.memory_space<hbm>>
        %dma_wait3A_37 = arith.constant 0 : i32
        %dma_wait3A_38 = tpu.memref_slice %arg7[%mul3A_4, %dma_wait3A_37] : memref<11200x128xf32, #tpu.memory_space<hbm>> -> memref<400x128xf32, #tpu.memory_space<hbm>>
        tpu.wait_dma2 semaphore(%run_scoped3A : memref<!tpu.dma_semaphore, #tpu.memory_space<semaphore_mem>>) src(%arg12 : memref<400x128xf32, #tpu.memory_space<vmem>>) dst(%dma_wait3A_38 : memref<400x128xf32, #tpu.memory_space<hbm>>)
        tpu.yield
      }) : () -> ()
      %add3A_17 = arith.constant 0 : i32
      %add3A_18 = arith.addi %add3A_17, %mul3A_4 : i32
      "tpu.region"() ({
        %run_scoped3A = tpu.sem_alloc : memref<!tpu.dma_semaphore, #tpu.memory_space<semaphore_mem>>
        %dma_start3A_31 = tpu.memref_slice %arg5[%add3A_18] : memref<40000xi32, #tpu.memory_space<hbm>> -> memref<400xi32, #tpu.memory_space<hbm>>
        %dma_start3A_32 = tpu.memref_slice %arg5[%add3A_18] : memref<40000xi32, #tpu.memory_space<hbm>> -> memref<400xi32, #tpu.memory_space<hbm>>
        tpu.enqueue_dma source(%dma_start3A_32 : memref<400xi32, #tpu.memory_space<hbm>>) target(%arg10 : memref<400xi32, #tpu.memory_space<vmem>>) target_semaphore(%run_scoped3A : memref<!tpu.dma_semaphore, #tpu.memory_space<semaphore_mem>>)
        %dma_wait3A_33 = tpu.memref_slice %arg5[%add3A_18] : memref<40000xi32, #tpu.memory_space<hbm>> -> memref<400xi32, #tpu.memory_space<hbm>>
        %dma_wait3A_34 = tpu.memref_slice %arg5[%add3A_18] : memref<40000xi32, #tpu.memory_space<hbm>> -> memref<400xi32, #tpu.memory_space<hbm>>
        tpu.wait_dma2 semaphore(%run_scoped3A : memref<!tpu.dma_semaphore, #tpu.memory_space<semaphore_mem>>) src(%dma_wait3A_34 : memref<400xi32, #tpu.memory_space<hbm>>) dst(%arg10 : memref<400xi32, #tpu.memory_space<vmem>>)
        tpu.yield
      }) : () -> ()
      %dma_start3A_19 = arith.constant 0 : i32
      %dma_start3A_20 = arith.constant 0 : i32
      %dma_start3A_21 = tpu.memref_slice %arg2[%dma_start3A_19, %dma_start3A_20] : memref<50000x128xf32, #tpu.memory_space<hbm>> -> memref<50000x128xf32, #tpu.memory_space<hbm>>
      tpu.enqueue_indirect_dma source(%dma_start3A_21 : memref<50000x128xf32, #tpu.memory_space<hbm>>) target(%arg11 : memref<400x128xf32, #tpu.memory_space<vmem>>) offsets(%arg10 : memref<400xi32, #tpu.memory_space<vmem>>) semaphore(%arg13 : memref<!tpu.dma_semaphore, #tpu.memory_space<semaphore_mem>>)
      %dma_start3A_22 = arith.constant 0 : i32
      %dma_start3A_23 = arith.constant 0 : i32
      %dma_start3A_24 = tpu.memref_slice %arg3[%dma_start3A_22, %dma_start3A_23] : memref<50000x128xf32, #tpu.memory_space<hbm>> -> memref<50000x128xf32, #tpu.memory_space<hbm>>
      tpu.enqueue_indirect_dma source(%dma_start3A_24 : memref<50000x128xf32, #tpu.memory_space<hbm>>) target(%arg12 : memref<400x128xf32, #tpu.memory_space<vmem>>) offsets(%arg10 : memref<400xi32, #tpu.memory_space<vmem>>) semaphore(%arg14 : memref<!tpu.dma_semaphore, #tpu.memory_space<semaphore_mem>>)
      %dma_wait3A_25 = arith.constant 0 : i32
      %dma_wait3A_26 = arith.constant 0 : i32
      %dma_wait3A_27 = tpu.memref_slice %arg2[%dma_wait3A_25, %dma_wait3A_26] : memref<50000x128xf32, #tpu.memory_space<hbm>> -> memref<50000x128xf32, #tpu.memory_space<hbm>>
      tpu.wait_indirect_dma semaphore(%arg13 : memref<!tpu.dma_semaphore, #tpu.memory_space<semaphore_mem>>) src(%dma_wait3A_27 : memref<50000x128xf32, #tpu.memory_space<hbm>>) dst(%arg11 : memref<400x128xf32, #tpu.memory_space<vmem>>)
      %dma_wait3A_28 = arith.constant 0 : i32
      %dma_wait3A_29 = arith.constant 0 : i32
      %dma_wait3A_30 = tpu.memref_slice %arg3[%dma_wait3A_28, %dma_wait3A_29] : memref<50000x128xf32, #tpu.memory_space<hbm>> -> memref<50000x128xf32, #tpu.memory_space<hbm>>
      tpu.wait_indirect_dma semaphore(%arg14 : memref<!tpu.dma_semaphore, #tpu.memory_space<semaphore_mem>>) src(%dma_wait3A_30 : memref<50000x128xf32, #tpu.memory_space<hbm>>) dst(%arg12 : memref<400x128xf32, #tpu.memory_space<vmem>>)
      "tpu.region"() ({
        %run_scoped3A = tpu.sem_alloc : memref<!tpu.dma_semaphore, #tpu.memory_space<semaphore_mem>>
        %dma_start3A_31 = arith.constant 0 : i32
        %dma_start3A_32 = tpu.memref_slice %arg8[%mul3A_4, %dma_start3A_31] : memref<11200x128xf32, #tpu.memory_space<hbm>> -> memref<400x128xf32, #tpu.memory_space<hbm>>
        %dma_start3A_33 = arith.constant 0 : i32
        %dma_start3A_34 = tpu.memref_slice %arg8[%mul3A_4, %dma_start3A_33] : memref<11200x128xf32, #tpu.memory_space<hbm>> -> memref<400x128xf32, #tpu.memory_space<hbm>>
        tpu.enqueue_dma source(%arg11 : memref<400x128xf32, #tpu.memory_space<vmem>>) target(%dma_start3A_34 : memref<400x128xf32, #tpu.memory_space<hbm>>) target_semaphore(%run_scoped3A : memref<!tpu.dma_semaphore, #tpu.memory_space<semaphore_mem>>)
        %dma_wait3A_35 = arith.constant 0 : i32
        %dma_wait3A_36 = tpu.memref_slice %arg8[%mul3A_4, %dma_wait3A_35] : memref<11200x128xf32, #tpu.memory_space<hbm>> -> memref<400x128xf32, #tpu.memory_space<hbm>>
        %dma_wait3A_37 = arith.constant 0 : i32
        %dma_wait3A_38 = tpu.memref_slice %arg8[%mul3A_4, %dma_wait3A_37] : memref<11200x128xf32, #tpu.memory_space<hbm>> -> memref<400x128xf32, #tpu.memory_space<hbm>>
        tpu.wait_dma2 semaphore(%run_scoped3A : memref<!tpu.dma_semaphore, #tpu.memory_space<semaphore_mem>>) src(%arg11 : memref<400x128xf32, #tpu.memory_space<vmem>>) dst(%dma_wait3A_38 : memref<400x128xf32, #tpu.memory_space<hbm>>)
        tpu.yield
      }) : () -> ()
      "tpu.region"() ({
        %run_scoped3A = tpu.sem_alloc : memref<!tpu.dma_semaphore, #tpu.memory_space<semaphore_mem>>
        %dma_start3A_31 = arith.constant 0 : i32
        %dma_start3A_32 = tpu.memref_slice %arg9[%mul3A_4, %dma_start3A_31] : memref<11200x128xf32, #tpu.memory_space<hbm>> -> memref<400x128xf32, #tpu.memory_space<hbm>>
        %dma_start3A_33 = arith.constant 0 : i32
        %dma_start3A_34 = tpu.memref_slice %arg9[%mul3A_4, %dma_start3A_33] : memref<11200x128xf32, #tpu.memory_space<hbm>> -> memref<400x128xf32, #tpu.memory_space<hbm>>
        tpu.enqueue_dma source(%arg12 : memref<400x128xf32, #tpu.memory_space<vmem>>) target(%dma_start3A_34 : memref<400x128xf32, #tpu.memory_space<hbm>>) target_semaphore(%run_scoped3A : memref<!tpu.dma_semaphore, #tpu.memory_space<semaphore_mem>>)
        %dma_wait3A_35 = arith.constant 0 : i32
        %dma_wait3A_36 = tpu.memref_slice %arg9[%mul3A_4, %dma_wait3A_35] : memref<11200x128xf32, #tpu.memory_space<hbm>> -> memref<400x128xf32, #tpu.memory_space<hbm>>
        %dma_wait3A_37 = arith.constant 0 : i32
        %dma_wait3A_38 = tpu.memref_slice %arg9[%mul3A_4, %dma_wait3A_37] : memref<11200x128xf32, #tpu.memory_space<hbm>> -> memref<400x128xf32, #tpu.memory_space<hbm>>
        tpu.wait_dma2 semaphore(%run_scoped3A : memref<!tpu.dma_semaphore, #tpu.memory_space<semaphore_mem>>) src(%arg12 : memref<400x128xf32, #tpu.memory_space<vmem>>) dst(%dma_wait3A_38 : memref<400x128xf32, #tpu.memory_space<hbm>>)
        tpu.yield
      }) : () -> ()
    } else {
    }
    return
  }
}

#map = affine_map<(d0, d1) -> (0, 0)>
#map1 = affine_map<(d0, d1) -> (0)>
module attributes {stable_mosaic.version = 14 : i64} {
  func.func @k(%arg0: i32, %arg1: i32, %arg2: memref<50000x128xf32, #tpu.memory_space<hbm>>, %arg3: memref<50000x128xf32, #tpu.memory_space<hbm>>, %arg4: memref<40000xi32, #tpu.memory_space<hbm>>, %arg5: memref<40000xi32, #tpu.memory_space<hbm>>, %arg6: memref<11200x128xf32, #tpu.memory_space<hbm>>, %arg7: memref<11200x128xf32, #tpu.memory_space<hbm>>, %arg8: memref<11200x128xf32, #tpu.memory_space<hbm>>, %arg9: memref<11200x128xf32, #tpu.memory_space<hbm>>, %arg10: memref<400xi32, #tpu.memory_space<vmem>>, %arg11: memref<400x128xf32, #tpu.memory_space<vmem>>, %arg12: memref<400x128xf32, #tpu.memory_space<vmem>>, %arg13: memref<!tpu.dma_semaphore, #tpu.memory_space<semaphore_mem>>, %arg14: memref<!tpu.dma_semaphore, #tpu.memory_space<semaphore_mem>>) attributes {dimension_semantics = [#tpu.dimension_semantics<core_parallel>, #tpu.dimension_semantics<subcore_parallel>], iteration_bounds = array<i64: 2, 16>, scalar_prefetch = 0 : i64, scratch_operands = 5 : i64, tpu.core_type = #tpu.core_type<sc_vector_subcore>, window_params = [{transform_indices = #map}, {transform_indices = #map}, {transform_indices = #map1}, {transform_indices = #map1}, {transform_indices = #map}, {transform_indices = #map}, {transform_indices = #map}, {transform_indices = #map}]} {
    %mul3A = arith.constant 2 : i32
    %mul3A_0 = arith.muli %arg1, %mul3A : i32
    %add3A = arith.addi %mul3A_0, %arg0 : i32
    %lt3A = arith.constant 28 : i32
    %lt3A_1 = arith.cmpi slt, %add3A, %lt3A : i32
    %convert_element_type3A = arith.extui %lt3A_1 : i1 to i32
    %cond3A = arith.constant 0 : i32
    %cond3A_2 = arith.cmpi ne, %convert_element_type3A, %cond3A : i32
    scf.if %cond3A_2 {
      %mul3A_3 = arith.constant 400 : i32
      %mul3A_4 = arith.muli %add3A, %mul3A_3 : i32
      %add3A_5 = arith.constant 22400 : i32
      %add3A_6 = arith.addi %add3A_5, %mul3A_4 : i32
      "tpu.region"() ({
        %run_scoped3A = tpu.sem_alloc : memref<!tpu.dma_semaphore, #tpu.memory_space<semaphore_mem>>
        %dma_start3A_31 = tpu.memref_slice %arg4[%add3A_6] : memref<40000xi32, #tpu.memory_space<hbm>> -> memref<400xi32, #tpu.memory_space<hbm>>
        %dma_start3A_32 = tpu.memref_slice %arg4[%add3A_6] : memref<40000xi32, #tpu.memory_space<hbm>> -> memref<400xi32, #tpu.memory_space<hbm>>
        tpu.enqueue_dma source(%dma_start3A_32 : memref<400xi32, #tpu.memory_space<hbm>>) target(%arg10 : memref<400xi32, #tpu.memory_space<vmem>>) target_semaphore(%run_scoped3A : memref<!tpu.dma_semaphore, #tpu.memory_space<semaphore_mem>>)
        %dma_wait3A_33 = tpu.memref_slice %arg4[%add3A_6] : memref<40000xi32, #tpu.memory_space<hbm>> -> memref<400xi32, #tpu.memory_space<hbm>>
        %dma_wait3A_34 = tpu.memref_slice %arg4[%add3A_6] : memref<40000xi32, #tpu.memory_space<hbm>> -> memref<400xi32, #tpu.memory_space<hbm>>
        tpu.wait_dma2 semaphore(%run_scoped3A : memref<!tpu.dma_semaphore, #tpu.memory_space<semaphore_mem>>) src(%dma_wait3A_34 : memref<400xi32, #tpu.memory_space<hbm>>) dst(%arg10 : memref<400xi32, #tpu.memory_space<vmem>>)
        tpu.yield
      }) : () -> ()
      %dma_start3A = arith.constant 0 : i32
      %dma_start3A_7 = arith.constant 0 : i32
      %dma_start3A_8 = tpu.memref_slice %arg2[%dma_start3A, %dma_start3A_7] : memref<50000x128xf32, #tpu.memory_space<hbm>> -> memref<50000x128xf32, #tpu.memory_space<hbm>>
      tpu.enqueue_indirect_dma source(%dma_start3A_8 : memref<50000x128xf32, #tpu.memory_space<hbm>>) target(%arg11 : memref<400x128xf32, #tpu.memory_space<vmem>>) offsets(%arg10 : memref<400xi32, #tpu.memory_space<vmem>>) semaphore(%arg13 : memref<!tpu.dma_semaphore, #tpu.memory_space<semaphore_mem>>)
      %dma_start3A_9 = arith.constant 0 : i32
      %dma_start3A_10 = arith.constant 0 : i32
      %dma_start3A_11 = tpu.memref_slice %arg3[%dma_start3A_9, %dma_start3A_10] : memref<50000x128xf32, #tpu.memory_space<hbm>> -> memref<50000x128xf32, #tpu.memory_space<hbm>>
      tpu.enqueue_indirect_dma source(%dma_start3A_11 : memref<50000x128xf32, #tpu.memory_space<hbm>>) target(%arg12 : memref<400x128xf32, #tpu.memory_space<vmem>>) offsets(%arg10 : memref<400xi32, #tpu.memory_space<vmem>>) semaphore(%arg14 : memref<!tpu.dma_semaphore, #tpu.memory_space<semaphore_mem>>)
      %dma_wait3A = arith.constant 0 : i32
      %dma_wait3A_12 = arith.constant 0 : i32
      %dma_wait3A_13 = tpu.memref_slice %arg2[%dma_wait3A, %dma_wait3A_12] : memref<50000x128xf32, #tpu.memory_space<hbm>> -> memref<50000x128xf32, #tpu.memory_space<hbm>>
      tpu.wait_indirect_dma semaphore(%arg13 : memref<!tpu.dma_semaphore, #tpu.memory_space<semaphore_mem>>) src(%dma_wait3A_13 : memref<50000x128xf32, #tpu.memory_space<hbm>>) dst(%arg11 : memref<400x128xf32, #tpu.memory_space<vmem>>)
      %dma_wait3A_14 = arith.constant 0 : i32
      %dma_wait3A_15 = arith.constant 0 : i32
      %dma_wait3A_16 = tpu.memref_slice %arg3[%dma_wait3A_14, %dma_wait3A_15] : memref<50000x128xf32, #tpu.memory_space<hbm>> -> memref<50000x128xf32, #tpu.memory_space<hbm>>
      tpu.wait_indirect_dma semaphore(%arg14 : memref<!tpu.dma_semaphore, #tpu.memory_space<semaphore_mem>>) src(%dma_wait3A_16 : memref<50000x128xf32, #tpu.memory_space<hbm>>) dst(%arg12 : memref<400x128xf32, #tpu.memory_space<vmem>>)
      "tpu.region"() ({
        %run_scoped3A = tpu.sem_alloc : memref<!tpu.dma_semaphore, #tpu.memory_space<semaphore_mem>>
        %dma_start3A_31 = arith.constant 0 : i32
        %dma_start3A_32 = tpu.memref_slice %arg6[%mul3A_4, %dma_start3A_31] : memref<11200x128xf32, #tpu.memory_space<hbm>> -> memref<400x128xf32, #tpu.memory_space<hbm>>
        %dma_start3A_33 = arith.constant 0 : i32
        %dma_start3A_34 = tpu.memref_slice %arg6[%mul3A_4, %dma_start3A_33] : memref<11200x128xf32, #tpu.memory_space<hbm>> -> memref<400x128xf32, #tpu.memory_space<hbm>>
        tpu.enqueue_dma source(%arg11 : memref<400x128xf32, #tpu.memory_space<vmem>>) target(%dma_start3A_34 : memref<400x128xf32, #tpu.memory_space<hbm>>) target_semaphore(%run_scoped3A : memref<!tpu.dma_semaphore, #tpu.memory_space<semaphore_mem>>)
        %dma_wait3A_35 = arith.constant 0 : i32
        %dma_wait3A_36 = tpu.memref_slice %arg6[%mul3A_4, %dma_wait3A_35] : memref<11200x128xf32, #tpu.memory_space<hbm>> -> memref<400x128xf32, #tpu.memory_space<hbm>>
        %dma_wait3A_37 = arith.constant 0 : i32
        %dma_wait3A_38 = tpu.memref_slice %arg6[%mul3A_4, %dma_wait3A_37] : memref<11200x128xf32, #tpu.memory_space<hbm>> -> memref<400x128xf32, #tpu.memory_space<hbm>>
        tpu.wait_dma2 semaphore(%run_scoped3A : memref<!tpu.dma_semaphore, #tpu.memory_space<semaphore_mem>>) src(%arg11 : memref<400x128xf32, #tpu.memory_space<vmem>>) dst(%dma_wait3A_38 : memref<400x128xf32, #tpu.memory_space<hbm>>)
        tpu.yield
      }) : () -> ()
      "tpu.region"() ({
        %run_scoped3A = tpu.sem_alloc : memref<!tpu.dma_semaphore, #tpu.memory_space<semaphore_mem>>
        %dma_start3A_31 = arith.constant 0 : i32
        %dma_start3A_32 = tpu.memref_slice %arg7[%mul3A_4, %dma_start3A_31] : memref<11200x128xf32, #tpu.memory_space<hbm>> -> memref<400x128xf32, #tpu.memory_space<hbm>>
        %dma_start3A_33 = arith.constant 0 : i32
        %dma_start3A_34 = tpu.memref_slice %arg7[%mul3A_4, %dma_start3A_33] : memref<11200x128xf32, #tpu.memory_space<hbm>> -> memref<400x128xf32, #tpu.memory_space<hbm>>
        tpu.enqueue_dma source(%arg12 : memref<400x128xf32, #tpu.memory_space<vmem>>) target(%dma_start3A_34 : memref<400x128xf32, #tpu.memory_space<hbm>>) target_semaphore(%run_scoped3A : memref<!tpu.dma_semaphore, #tpu.memory_space<semaphore_mem>>)
        %dma_wait3A_35 = arith.constant 0 : i32
        %dma_wait3A_36 = tpu.memref_slice %arg7[%mul3A_4, %dma_wait3A_35] : memref<11200x128xf32, #tpu.memory_space<hbm>> -> memref<400x128xf32, #tpu.memory_space<hbm>>
        %dma_wait3A_37 = arith.constant 0 : i32
        %dma_wait3A_38 = tpu.memref_slice %arg7[%mul3A_4, %dma_wait3A_37] : memref<11200x128xf32, #tpu.memory_space<hbm>> -> memref<400x128xf32, #tpu.memory_space<hbm>>
        tpu.wait_dma2 semaphore(%run_scoped3A : memref<!tpu.dma_semaphore, #tpu.memory_space<semaphore_mem>>) src(%arg12 : memref<400x128xf32, #tpu.memory_space<vmem>>) dst(%dma_wait3A_38 : memref<400x128xf32, #tpu.memory_space<hbm>>)
        tpu.yield
      }) : () -> ()
      %add3A_17 = arith.constant 22400 : i32
      %add3A_18 = arith.addi %add3A_17, %mul3A_4 : i32
      "tpu.region"() ({
        %run_scoped3A = tpu.sem_alloc : memref<!tpu.dma_semaphore, #tpu.memory_space<semaphore_mem>>
        %dma_start3A_31 = tpu.memref_slice %arg5[%add3A_18] : memref<40000xi32, #tpu.memory_space<hbm>> -> memref<400xi32, #tpu.memory_space<hbm>>
        %dma_start3A_32 = tpu.memref_slice %arg5[%add3A_18] : memref<40000xi32, #tpu.memory_space<hbm>> -> memref<400xi32, #tpu.memory_space<hbm>>
        tpu.enqueue_dma source(%dma_start3A_32 : memref<400xi32, #tpu.memory_space<hbm>>) target(%arg10 : memref<400xi32, #tpu.memory_space<vmem>>) target_semaphore(%run_scoped3A : memref<!tpu.dma_semaphore, #tpu.memory_space<semaphore_mem>>)
        %dma_wait3A_33 = tpu.memref_slice %arg5[%add3A_18] : memref<40000xi32, #tpu.memory_space<hbm>> -> memref<400xi32, #tpu.memory_space<hbm>>
        %dma_wait3A_34 = tpu.memref_slice %arg5[%add3A_18] : memref<40000xi32, #tpu.memory_space<hbm>> -> memref<400xi32, #tpu.memory_space<hbm>>
        tpu.wait_dma2 semaphore(%run_scoped3A : memref<!tpu.dma_semaphore, #tpu.memory_space<semaphore_mem>>) src(%dma_wait3A_34 : memref<400xi32, #tpu.memory_space<hbm>>) dst(%arg10 : memref<400xi32, #tpu.memory_space<vmem>>)
        tpu.yield
      }) : () -> ()
      %dma_start3A_19 = arith.constant 0 : i32
      %dma_start3A_20 = arith.constant 0 : i32
      %dma_start3A_21 = tpu.memref_slice %arg2[%dma_start3A_19, %dma_start3A_20] : memref<50000x128xf32, #tpu.memory_space<hbm>> -> memref<50000x128xf32, #tpu.memory_space<hbm>>
      tpu.enqueue_indirect_dma source(%dma_start3A_21 : memref<50000x128xf32, #tpu.memory_space<hbm>>) target(%arg11 : memref<400x128xf32, #tpu.memory_space<vmem>>) offsets(%arg10 : memref<400xi32, #tpu.memory_space<vmem>>) semaphore(%arg13 : memref<!tpu.dma_semaphore, #tpu.memory_space<semaphore_mem>>)
      %dma_start3A_22 = arith.constant 0 : i32
      %dma_start3A_23 = arith.constant 0 : i32
      %dma_start3A_24 = tpu.memref_slice %arg3[%dma_start3A_22, %dma_start3A_23] : memref<50000x128xf32, #tpu.memory_space<hbm>> -> memref<50000x128xf32, #tpu.memory_space<hbm>>
      tpu.enqueue_indirect_dma source(%dma_start3A_24 : memref<50000x128xf32, #tpu.memory_space<hbm>>) target(%arg12 : memref<400x128xf32, #tpu.memory_space<vmem>>) offsets(%arg10 : memref<400xi32, #tpu.memory_space<vmem>>) semaphore(%arg14 : memref<!tpu.dma_semaphore, #tpu.memory_space<semaphore_mem>>)
      %dma_wait3A_25 = arith.constant 0 : i32
      %dma_wait3A_26 = arith.constant 0 : i32
      %dma_wait3A_27 = tpu.memref_slice %arg2[%dma_wait3A_25, %dma_wait3A_26] : memref<50000x128xf32, #tpu.memory_space<hbm>> -> memref<50000x128xf32, #tpu.memory_space<hbm>>
      tpu.wait_indirect_dma semaphore(%arg13 : memref<!tpu.dma_semaphore, #tpu.memory_space<semaphore_mem>>) src(%dma_wait3A_27 : memref<50000x128xf32, #tpu.memory_space<hbm>>) dst(%arg11 : memref<400x128xf32, #tpu.memory_space<vmem>>)
      %dma_wait3A_28 = arith.constant 0 : i32
      %dma_wait3A_29 = arith.constant 0 : i32
      %dma_wait3A_30 = tpu.memref_slice %arg3[%dma_wait3A_28, %dma_wait3A_29] : memref<50000x128xf32, #tpu.memory_space<hbm>> -> memref<50000x128xf32, #tpu.memory_space<hbm>>
      tpu.wait_indirect_dma semaphore(%arg14 : memref<!tpu.dma_semaphore, #tpu.memory_space<semaphore_mem>>) src(%dma_wait3A_30 : memref<50000x128xf32, #tpu.memory_space<hbm>>) dst(%arg12 : memref<400x128xf32, #tpu.memory_space<vmem>>)
      "tpu.region"() ({
        %run_scoped3A = tpu.sem_alloc : memref<!tpu.dma_semaphore, #tpu.memory_space<semaphore_mem>>
        %dma_start3A_31 = arith.constant 0 : i32
        %dma_start3A_32 = tpu.memref_slice %arg8[%mul3A_4, %dma_start3A_31] : memref<11200x128xf32, #tpu.memory_space<hbm>> -> memref<400x128xf32, #tpu.memory_space<hbm>>
        %dma_start3A_33 = arith.constant 0 : i32
        %dma_start3A_34 = tpu.memref_slice %arg8[%mul3A_4, %dma_start3A_33] : memref<11200x128xf32, #tpu.memory_space<hbm>> -> memref<400x128xf32, #tpu.memory_space<hbm>>
        tpu.enqueue_dma source(%arg11 : memref<400x128xf32, #tpu.memory_space<vmem>>) target(%dma_start3A_34 : memref<400x128xf32, #tpu.memory_space<hbm>>) target_semaphore(%run_scoped3A : memref<!tpu.dma_semaphore, #tpu.memory_space<semaphore_mem>>)
        %dma_wait3A_35 = arith.constant 0 : i32
        %dma_wait3A_36 = tpu.memref_slice %arg8[%mul3A_4, %dma_wait3A_35] : memref<11200x128xf32, #tpu.memory_space<hbm>> -> memref<400x128xf32, #tpu.memory_space<hbm>>
        %dma_wait3A_37 = arith.constant 0 : i32
        %dma_wait3A_38 = tpu.memref_slice %arg8[%mul3A_4, %dma_wait3A_37] : memref<11200x128xf32, #tpu.memory_space<hbm>> -> memref<400x128xf32, #tpu.memory_space<hbm>>
        tpu.wait_dma2 semaphore(%run_scoped3A : memref<!tpu.dma_semaphore, #tpu.memory_space<semaphore_mem>>) src(%arg11 : memref<400x128xf32, #tpu.memory_space<vmem>>) dst(%dma_wait3A_38 : memref<400x128xf32, #tpu.memory_space<hbm>>)
        tpu.yield
      }) : () -> ()
      "tpu.region"() ({
        %run_scoped3A = tpu.sem_alloc : memref<!tpu.dma_semaphore, #tpu.memory_space<semaphore_mem>>
        %dma_start3A_31 = arith.constant 0 : i32
        %dma_start3A_32 = tpu.memref_slice %arg9[%mul3A_4, %dma_start3A_31] : memref<11200x128xf32, #tpu.memory_space<hbm>> -> memref<400x128xf32, #tpu.memory_space<hbm>>
        %dma_start3A_33 = arith.constant 0 : i32
        %dma_start3A_34 = tpu.memref_slice %arg9[%mul3A_4, %dma_start3A_33] : memref<11200x128xf32, #tpu.memory_space<hbm>> -> memref<400x128xf32, #tpu.memory_space<hbm>>
        tpu.enqueue_dma source(%arg12 : memref<400x128xf32, #tpu.memory_space<vmem>>) target(%dma_start3A_34 : memref<400x128xf32, #tpu.memory_space<hbm>>) target_semaphore(%run_scoped3A : memref<!tpu.dma_semaphore, #tpu.memory_space<semaphore_mem>>)
        %dma_wait3A_35 = arith.constant 0 : i32
        %dma_wait3A_36 = tpu.memref_slice %arg9[%mul3A_4, %dma_wait3A_35] : memref<11200x128xf32, #tpu.memory_space<hbm>> -> memref<400x128xf32, #tpu.memory_space<hbm>>
        %dma_wait3A_37 = arith.constant 0 : i32
        %dma_wait3A_38 = tpu.memref_slice %arg9[%mul3A_4, %dma_wait3A_37] : memref<11200x128xf32, #tpu.memory_space<hbm>> -> memref<400x128xf32, #tpu.memory_space<hbm>>
        tpu.wait_dma2 semaphore(%run_scoped3A : memref<!tpu.dma_semaphore, #tpu.memory_space<semaphore_mem>>) src(%arg12 : memref<400x128xf32, #tpu.memory_space<vmem>>) dst(%dma_wait3A_38 : memref<400x128xf32, #tpu.memory_space<hbm>>)
        tpu.yield
      }) : () -> ()
    } else {
    }
    return
  }
}

#map = affine_map<(d0, d1) -> (0, 0)>
#map1 = affine_map<(d0, d1) -> (0)>
module attributes {stable_mosaic.version = 14 : i64} {
  func.func @k(%arg0: i32, %arg1: i32, %arg2: memref<50000x128xf32, #tpu.memory_space<hbm>>, %arg3: memref<50000x128xf32, #tpu.memory_space<hbm>>, %arg4: memref<40000xi32, #tpu.memory_space<hbm>>, %arg5: memref<40000xi32, #tpu.memory_space<hbm>>, %arg6: memref<11200x128xf32, #tpu.memory_space<hbm>>, %arg7: memref<11200x128xf32, #tpu.memory_space<hbm>>, %arg8: memref<11200x128xf32, #tpu.memory_space<hbm>>, %arg9: memref<11200x128xf32, #tpu.memory_space<hbm>>, %arg10: memref<400xi32, #tpu.memory_space<vmem>>, %arg11: memref<400x128xf32, #tpu.memory_space<vmem>>, %arg12: memref<400x128xf32, #tpu.memory_space<vmem>>, %arg13: memref<!tpu.dma_semaphore, #tpu.memory_space<semaphore_mem>>, %arg14: memref<!tpu.dma_semaphore, #tpu.memory_space<semaphore_mem>>) attributes {dimension_semantics = [#tpu.dimension_semantics<core_parallel>, #tpu.dimension_semantics<subcore_parallel>], iteration_bounds = array<i64: 2, 16>, scalar_prefetch = 0 : i64, scratch_operands = 5 : i64, tpu.core_type = #tpu.core_type<sc_vector_subcore>, window_params = [{transform_indices = #map}, {transform_indices = #map}, {transform_indices = #map1}, {transform_indices = #map1}, {transform_indices = #map}, {transform_indices = #map}, {transform_indices = #map}, {transform_indices = #map}]} {
    %mul3A = arith.constant 2 : i32
    %mul3A_0 = arith.muli %arg1, %mul3A : i32
    %add3A = arith.addi %mul3A_0, %arg0 : i32
    %lt3A = arith.constant 28 : i32
    %lt3A_1 = arith.cmpi slt, %add3A, %lt3A : i32
    %convert_element_type3A = arith.extui %lt3A_1 : i1 to i32
    %cond3A = arith.constant 0 : i32
    %cond3A_2 = arith.cmpi ne, %convert_element_type3A, %cond3A : i32
    scf.if %cond3A_2 {
      %mul3A_3 = arith.constant 400 : i32
      %mul3A_4 = arith.muli %add3A, %mul3A_3 : i32
      %add3A_5 = arith.constant 11200 : i32
      %add3A_6 = arith.addi %add3A_5, %mul3A_4 : i32
      "tpu.region"() ({
        %run_scoped3A = tpu.sem_alloc : memref<!tpu.dma_semaphore, #tpu.memory_space<semaphore_mem>>
        %dma_start3A_31 = tpu.memref_slice %arg4[%add3A_6] : memref<40000xi32, #tpu.memory_space<hbm>> -> memref<400xi32, #tpu.memory_space<hbm>>
        %dma_start3A_32 = tpu.memref_slice %arg4[%add3A_6] : memref<40000xi32, #tpu.memory_space<hbm>> -> memref<400xi32, #tpu.memory_space<hbm>>
        tpu.enqueue_dma source(%dma_start3A_32 : memref<400xi32, #tpu.memory_space<hbm>>) target(%arg10 : memref<400xi32, #tpu.memory_space<vmem>>) target_semaphore(%run_scoped3A : memref<!tpu.dma_semaphore, #tpu.memory_space<semaphore_mem>>)
        %dma_wait3A_33 = tpu.memref_slice %arg4[%add3A_6] : memref<40000xi32, #tpu.memory_space<hbm>> -> memref<400xi32, #tpu.memory_space<hbm>>
        %dma_wait3A_34 = tpu.memref_slice %arg4[%add3A_6] : memref<40000xi32, #tpu.memory_space<hbm>> -> memref<400xi32, #tpu.memory_space<hbm>>
        tpu.wait_dma2 semaphore(%run_scoped3A : memref<!tpu.dma_semaphore, #tpu.memory_space<semaphore_mem>>) src(%dma_wait3A_34 : memref<400xi32, #tpu.memory_space<hbm>>) dst(%arg10 : memref<400xi32, #tpu.memory_space<vmem>>)
        tpu.yield
      }) : () -> ()
      %dma_start3A = arith.constant 0 : i32
      %dma_start3A_7 = arith.constant 0 : i32
      %dma_start3A_8 = tpu.memref_slice %arg2[%dma_start3A, %dma_start3A_7] : memref<50000x128xf32, #tpu.memory_space<hbm>> -> memref<50000x128xf32, #tpu.memory_space<hbm>>
      tpu.enqueue_indirect_dma source(%dma_start3A_8 : memref<50000x128xf32, #tpu.memory_space<hbm>>) target(%arg11 : memref<400x128xf32, #tpu.memory_space<vmem>>) offsets(%arg10 : memref<400xi32, #tpu.memory_space<vmem>>) semaphore(%arg13 : memref<!tpu.dma_semaphore, #tpu.memory_space<semaphore_mem>>)
      %dma_start3A_9 = arith.constant 0 : i32
      %dma_start3A_10 = arith.constant 0 : i32
      %dma_start3A_11 = tpu.memref_slice %arg3[%dma_start3A_9, %dma_start3A_10] : memref<50000x128xf32, #tpu.memory_space<hbm>> -> memref<50000x128xf32, #tpu.memory_space<hbm>>
      tpu.enqueue_indirect_dma source(%dma_start3A_11 : memref<50000x128xf32, #tpu.memory_space<hbm>>) target(%arg12 : memref<400x128xf32, #tpu.memory_space<vmem>>) offsets(%arg10 : memref<400xi32, #tpu.memory_space<vmem>>) semaphore(%arg14 : memref<!tpu.dma_semaphore, #tpu.memory_space<semaphore_mem>>)
      %dma_wait3A = arith.constant 0 : i32
      %dma_wait3A_12 = arith.constant 0 : i32
      %dma_wait3A_13 = tpu.memref_slice %arg2[%dma_wait3A, %dma_wait3A_12] : memref<50000x128xf32, #tpu.memory_space<hbm>> -> memref<50000x128xf32, #tpu.memory_space<hbm>>
      tpu.wait_indirect_dma semaphore(%arg13 : memref<!tpu.dma_semaphore, #tpu.memory_space<semaphore_mem>>) src(%dma_wait3A_13 : memref<50000x128xf32, #tpu.memory_space<hbm>>) dst(%arg11 : memref<400x128xf32, #tpu.memory_space<vmem>>)
      %dma_wait3A_14 = arith.constant 0 : i32
      %dma_wait3A_15 = arith.constant 0 : i32
      %dma_wait3A_16 = tpu.memref_slice %arg3[%dma_wait3A_14, %dma_wait3A_15] : memref<50000x128xf32, #tpu.memory_space<hbm>> -> memref<50000x128xf32, #tpu.memory_space<hbm>>
      tpu.wait_indirect_dma semaphore(%arg14 : memref<!tpu.dma_semaphore, #tpu.memory_space<semaphore_mem>>) src(%dma_wait3A_16 : memref<50000x128xf32, #tpu.memory_space<hbm>>) dst(%arg12 : memref<400x128xf32, #tpu.memory_space<vmem>>)
      "tpu.region"() ({
        %run_scoped3A = tpu.sem_alloc : memref<!tpu.dma_semaphore, #tpu.memory_space<semaphore_mem>>
        %dma_start3A_31 = arith.constant 0 : i32
        %dma_start3A_32 = tpu.memref_slice %arg6[%mul3A_4, %dma_start3A_31] : memref<11200x128xf32, #tpu.memory_space<hbm>> -> memref<400x128xf32, #tpu.memory_space<hbm>>
        %dma_start3A_33 = arith.constant 0 : i32
        %dma_start3A_34 = tpu.memref_slice %arg6[%mul3A_4, %dma_start3A_33] : memref<11200x128xf32, #tpu.memory_space<hbm>> -> memref<400x128xf32, #tpu.memory_space<hbm>>
        tpu.enqueue_dma source(%arg11 : memref<400x128xf32, #tpu.memory_space<vmem>>) target(%dma_start3A_34 : memref<400x128xf32, #tpu.memory_space<hbm>>) target_semaphore(%run_scoped3A : memref<!tpu.dma_semaphore, #tpu.memory_space<semaphore_mem>>)
        %dma_wait3A_35 = arith.constant 0 : i32
        %dma_wait3A_36 = tpu.memref_slice %arg6[%mul3A_4, %dma_wait3A_35] : memref<11200x128xf32, #tpu.memory_space<hbm>> -> memref<400x128xf32, #tpu.memory_space<hbm>>
        %dma_wait3A_37 = arith.constant 0 : i32
        %dma_wait3A_38 = tpu.memref_slice %arg6[%mul3A_4, %dma_wait3A_37] : memref<11200x128xf32, #tpu.memory_space<hbm>> -> memref<400x128xf32, #tpu.memory_space<hbm>>
        tpu.wait_dma2 semaphore(%run_scoped3A : memref<!tpu.dma_semaphore, #tpu.memory_space<semaphore_mem>>) src(%arg11 : memref<400x128xf32, #tpu.memory_space<vmem>>) dst(%dma_wait3A_38 : memref<400x128xf32, #tpu.memory_space<hbm>>)
        tpu.yield
      }) : () -> ()
      "tpu.region"() ({
        %run_scoped3A = tpu.sem_alloc : memref<!tpu.dma_semaphore, #tpu.memory_space<semaphore_mem>>
        %dma_start3A_31 = arith.constant 0 : i32
        %dma_start3A_32 = tpu.memref_slice %arg7[%mul3A_4, %dma_start3A_31] : memref<11200x128xf32, #tpu.memory_space<hbm>> -> memref<400x128xf32, #tpu.memory_space<hbm>>
        %dma_start3A_33 = arith.constant 0 : i32
        %dma_start3A_34 = tpu.memref_slice %arg7[%mul3A_4, %dma_start3A_33] : memref<11200x128xf32, #tpu.memory_space<hbm>> -> memref<400x128xf32, #tpu.memory_space<hbm>>
        tpu.enqueue_dma source(%arg12 : memref<400x128xf32, #tpu.memory_space<vmem>>) target(%dma_start3A_34 : memref<400x128xf32, #tpu.memory_space<hbm>>) target_semaphore(%run_scoped3A : memref<!tpu.dma_semaphore, #tpu.memory_space<semaphore_mem>>)
        %dma_wait3A_35 = arith.constant 0 : i32
        %dma_wait3A_36 = tpu.memref_slice %arg7[%mul3A_4, %dma_wait3A_35] : memref<11200x128xf32, #tpu.memory_space<hbm>> -> memref<400x128xf32, #tpu.memory_space<hbm>>
        %dma_wait3A_37 = arith.constant 0 : i32
        %dma_wait3A_38 = tpu.memref_slice %arg7[%mul3A_4, %dma_wait3A_37] : memref<11200x128xf32, #tpu.memory_space<hbm>> -> memref<400x128xf32, #tpu.memory_space<hbm>>
        tpu.wait_dma2 semaphore(%run_scoped3A : memref<!tpu.dma_semaphore, #tpu.memory_space<semaphore_mem>>) src(%arg12 : memref<400x128xf32, #tpu.memory_space<vmem>>) dst(%dma_wait3A_38 : memref<400x128xf32, #tpu.memory_space<hbm>>)
        tpu.yield
      }) : () -> ()
      %add3A_17 = arith.constant 11200 : i32
      %add3A_18 = arith.addi %add3A_17, %mul3A_4 : i32
      "tpu.region"() ({
        %run_scoped3A = tpu.sem_alloc : memref<!tpu.dma_semaphore, #tpu.memory_space<semaphore_mem>>
        %dma_start3A_31 = tpu.memref_slice %arg5[%add3A_18] : memref<40000xi32, #tpu.memory_space<hbm>> -> memref<400xi32, #tpu.memory_space<hbm>>
        %dma_start3A_32 = tpu.memref_slice %arg5[%add3A_18] : memref<40000xi32, #tpu.memory_space<hbm>> -> memref<400xi32, #tpu.memory_space<hbm>>
        tpu.enqueue_dma source(%dma_start3A_32 : memref<400xi32, #tpu.memory_space<hbm>>) target(%arg10 : memref<400xi32, #tpu.memory_space<vmem>>) target_semaphore(%run_scoped3A : memref<!tpu.dma_semaphore, #tpu.memory_space<semaphore_mem>>)
        %dma_wait3A_33 = tpu.memref_slice %arg5[%add3A_18] : memref<40000xi32, #tpu.memory_space<hbm>> -> memref<400xi32, #tpu.memory_space<hbm>>
        %dma_wait3A_34 = tpu.memref_slice %arg5[%add3A_18] : memref<40000xi32, #tpu.memory_space<hbm>> -> memref<400xi32, #tpu.memory_space<hbm>>
        tpu.wait_dma2 semaphore(%run_scoped3A : memref<!tpu.dma_semaphore, #tpu.memory_space<semaphore_mem>>) src(%dma_wait3A_34 : memref<400xi32, #tpu.memory_space<hbm>>) dst(%arg10 : memref<400xi32, #tpu.memory_space<vmem>>)
        tpu.yield
      }) : () -> ()
      %dma_start3A_19 = arith.constant 0 : i32
      %dma_start3A_20 = arith.constant 0 : i32
      %dma_start3A_21 = tpu.memref_slice %arg2[%dma_start3A_19, %dma_start3A_20] : memref<50000x128xf32, #tpu.memory_space<hbm>> -> memref<50000x128xf32, #tpu.memory_space<hbm>>
      tpu.enqueue_indirect_dma source(%dma_start3A_21 : memref<50000x128xf32, #tpu.memory_space<hbm>>) target(%arg11 : memref<400x128xf32, #tpu.memory_space<vmem>>) offsets(%arg10 : memref<400xi32, #tpu.memory_space<vmem>>) semaphore(%arg13 : memref<!tpu.dma_semaphore, #tpu.memory_space<semaphore_mem>>)
      %dma_start3A_22 = arith.constant 0 : i32
      %dma_start3A_23 = arith.constant 0 : i32
      %dma_start3A_24 = tpu.memref_slice %arg3[%dma_start3A_22, %dma_start3A_23] : memref<50000x128xf32, #tpu.memory_space<hbm>> -> memref<50000x128xf32, #tpu.memory_space<hbm>>
      tpu.enqueue_indirect_dma source(%dma_start3A_24 : memref<50000x128xf32, #tpu.memory_space<hbm>>) target(%arg12 : memref<400x128xf32, #tpu.memory_space<vmem>>) offsets(%arg10 : memref<400xi32, #tpu.memory_space<vmem>>) semaphore(%arg14 : memref<!tpu.dma_semaphore, #tpu.memory_space<semaphore_mem>>)
      %dma_wait3A_25 = arith.constant 0 : i32
      %dma_wait3A_26 = arith.constant 0 : i32
      %dma_wait3A_27 = tpu.memref_slice %arg2[%dma_wait3A_25, %dma_wait3A_26] : memref<50000x128xf32, #tpu.memory_space<hbm>> -> memref<50000x128xf32, #tpu.memory_space<hbm>>
      tpu.wait_indirect_dma semaphore(%arg13 : memref<!tpu.dma_semaphore, #tpu.memory_space<semaphore_mem>>) src(%dma_wait3A_27 : memref<50000x128xf32, #tpu.memory_space<hbm>>) dst(%arg11 : memref<400x128xf32, #tpu.memory_space<vmem>>)
      %dma_wait3A_28 = arith.constant 0 : i32
      %dma_wait3A_29 = arith.constant 0 : i32
      %dma_wait3A_30 = tpu.memref_slice %arg3[%dma_wait3A_28, %dma_wait3A_29] : memref<50000x128xf32, #tpu.memory_space<hbm>> -> memref<50000x128xf32, #tpu.memory_space<hbm>>
      tpu.wait_indirect_dma semaphore(%arg14 : memref<!tpu.dma_semaphore, #tpu.memory_space<semaphore_mem>>) src(%dma_wait3A_30 : memref<50000x128xf32, #tpu.memory_space<hbm>>) dst(%arg12 : memref<400x128xf32, #tpu.memory_space<vmem>>)
      "tpu.region"() ({
        %run_scoped3A = tpu.sem_alloc : memref<!tpu.dma_semaphore, #tpu.memory_space<semaphore_mem>>
        %dma_start3A_31 = arith.constant 0 : i32
        %dma_start3A_32 = tpu.memref_slice %arg8[%mul3A_4, %dma_start3A_31] : memref<11200x128xf32, #tpu.memory_space<hbm>> -> memref<400x128xf32, #tpu.memory_space<hbm>>
        %dma_start3A_33 = arith.constant 0 : i32
        %dma_start3A_34 = tpu.memref_slice %arg8[%mul3A_4, %dma_start3A_33] : memref<11200x128xf32, #tpu.memory_space<hbm>> -> memref<400x128xf32, #tpu.memory_space<hbm>>
        tpu.enqueue_dma source(%arg11 : memref<400x128xf32, #tpu.memory_space<vmem>>) target(%dma_start3A_34 : memref<400x128xf32, #tpu.memory_space<hbm>>) target_semaphore(%run_scoped3A : memref<!tpu.dma_semaphore, #tpu.memory_space<semaphore_mem>>)
        %dma_wait3A_35 = arith.constant 0 : i32
        %dma_wait3A_36 = tpu.memref_slice %arg8[%mul3A_4, %dma_wait3A_35] : memref<11200x128xf32, #tpu.memory_space<hbm>> -> memref<400x128xf32, #tpu.memory_space<hbm>>
        %dma_wait3A_37 = arith.constant 0 : i32
        %dma_wait3A_38 = tpu.memref_slice %arg8[%mul3A_4, %dma_wait3A_37] : memref<11200x128xf32, #tpu.memory_space<hbm>> -> memref<400x128xf32, #tpu.memory_space<hbm>>
        tpu.wait_dma2 semaphore(%run_scoped3A : memref<!tpu.dma_semaphore, #tpu.memory_space<semaphore_mem>>) src(%arg11 : memref<400x128xf32, #tpu.memory_space<vmem>>) dst(%dma_wait3A_38 : memref<400x128xf32, #tpu.memory_space<hbm>>)
        tpu.yield
      }) : () -> ()
      "tpu.region"() ({
        %run_scoped3A = tpu.sem_alloc : memref<!tpu.dma_semaphore, #tpu.memory_space<semaphore_mem>>
        %dma_start3A_31 = arith.constant 0 : i32
        %dma_start3A_32 = tpu.memref_slice %arg9[%mul3A_4, %dma_start3A_31] : memref<11200x128xf32, #tpu.memory_space<hbm>> -> memref<400x128xf32, #tpu.memory_space<hbm>>
        %dma_start3A_33 = arith.constant 0 : i32
        %dma_start3A_34 = tpu.memref_slice %arg9[%mul3A_4, %dma_start3A_33] : memref<11200x128xf32, #tpu.memory_space<hbm>> -> memref<400x128xf32, #tpu.memory_space<hbm>>
        tpu.enqueue_dma source(%arg12 : memref<400x128xf32, #tpu.memory_space<vmem>>) target(%dma_start3A_34 : memref<400x128xf32, #tpu.memory_space<hbm>>) target_semaphore(%run_scoped3A : memref<!tpu.dma_semaphore, #tpu.memory_space<semaphore_mem>>)
        %dma_wait3A_35 = arith.constant 0 : i32
        %dma_wait3A_36 = tpu.memref_slice %arg9[%mul3A_4, %dma_wait3A_35] : memref<11200x128xf32, #tpu.memory_space<hbm>> -> memref<400x128xf32, #tpu.memory_space<hbm>>
        %dma_wait3A_37 = arith.constant 0 : i32
        %dma_wait3A_38 = tpu.memref_slice %arg9[%mul3A_4, %dma_wait3A_37] : memref<11200x128xf32, #tpu.memory_space<hbm>> -> memref<400x128xf32, #tpu.memory_space<hbm>>
        tpu.wait_dma2 semaphore(%run_scoped3A : memref<!tpu.dma_semaphore, #tpu.memory_space<semaphore_mem>>) src(%arg12 : memref<400x128xf32, #tpu.memory_space<vmem>>) dst(%dma_wait3A_38 : memref<400x128xf32, #tpu.memory_space<hbm>>)
        tpu.yield
      }) : () -> ()
    } else {
    }
    return
  }
}

#map = affine_map<(d0, d1) -> (0, 0)>
#map1 = affine_map<(d0, d1) -> (0)>
module attributes {stable_mosaic.version = 14 : i64} {
  func.func @k(%arg0: i32, %arg1: i32, %arg2: memref<50000x128xf32, #tpu.memory_space<hbm>>, %arg3: memref<50000x128xf32, #tpu.memory_space<hbm>>, %arg4: memref<40000xi32, #tpu.memory_space<hbm>>, %arg5: memref<40000xi32, #tpu.memory_space<hbm>>, %arg6: memref<6400x128xf32, #tpu.memory_space<hbm>>, %arg7: memref<6400x128xf32, #tpu.memory_space<hbm>>, %arg8: memref<6400x128xf32, #tpu.memory_space<hbm>>, %arg9: memref<6400x128xf32, #tpu.memory_space<hbm>>, %arg10: memref<400xi32, #tpu.memory_space<vmem>>, %arg11: memref<400x128xf32, #tpu.memory_space<vmem>>, %arg12: memref<400x128xf32, #tpu.memory_space<vmem>>, %arg13: memref<!tpu.dma_semaphore, #tpu.memory_space<semaphore_mem>>, %arg14: memref<!tpu.dma_semaphore, #tpu.memory_space<semaphore_mem>>) attributes {dimension_semantics = [#tpu.dimension_semantics<core_parallel>, #tpu.dimension_semantics<subcore_parallel>], iteration_bounds = array<i64: 2, 16>, scalar_prefetch = 0 : i64, scratch_operands = 5 : i64, tpu.core_type = #tpu.core_type<sc_vector_subcore>, window_params = [{transform_indices = #map}, {transform_indices = #map}, {transform_indices = #map1}, {transform_indices = #map1}, {transform_indices = #map}, {transform_indices = #map}, {transform_indices = #map}, {transform_indices = #map}]} {
    %mul3A = arith.constant 2 : i32
    %mul3A_0 = arith.muli %arg1, %mul3A : i32
    %add3A = arith.addi %mul3A_0, %arg0 : i32
    %lt3A = arith.constant 16 : i32
    %lt3A_1 = arith.cmpi slt, %add3A, %lt3A : i32
    %convert_element_type3A = arith.extui %lt3A_1 : i1 to i32
    %cond3A = arith.constant 0 : i32
    %cond3A_2 = arith.cmpi ne, %convert_element_type3A, %cond3A : i32
    scf.if %cond3A_2 {
      %mul3A_3 = arith.constant 400 : i32
      %mul3A_4 = arith.muli %add3A, %mul3A_3 : i32
      %add3A_5 = arith.constant 33600 : i32
      %add3A_6 = arith.addi %add3A_5, %mul3A_4 : i32
      "tpu.region"() ({
        %run_scoped3A = tpu.sem_alloc : memref<!tpu.dma_semaphore, #tpu.memory_space<semaphore_mem>>
        %dma_start3A_31 = tpu.memref_slice %arg4[%add3A_6] : memref<40000xi32, #tpu.memory_space<hbm>> -> memref<400xi32, #tpu.memory_space<hbm>>
        %dma_start3A_32 = tpu.memref_slice %arg4[%add3A_6] : memref<40000xi32, #tpu.memory_space<hbm>> -> memref<400xi32, #tpu.memory_space<hbm>>
        tpu.enqueue_dma source(%dma_start3A_32 : memref<400xi32, #tpu.memory_space<hbm>>) target(%arg10 : memref<400xi32, #tpu.memory_space<vmem>>) target_semaphore(%run_scoped3A : memref<!tpu.dma_semaphore, #tpu.memory_space<semaphore_mem>>)
        %dma_wait3A_33 = tpu.memref_slice %arg4[%add3A_6] : memref<40000xi32, #tpu.memory_space<hbm>> -> memref<400xi32, #tpu.memory_space<hbm>>
        %dma_wait3A_34 = tpu.memref_slice %arg4[%add3A_6] : memref<40000xi32, #tpu.memory_space<hbm>> -> memref<400xi32, #tpu.memory_space<hbm>>
        tpu.wait_dma2 semaphore(%run_scoped3A : memref<!tpu.dma_semaphore, #tpu.memory_space<semaphore_mem>>) src(%dma_wait3A_34 : memref<400xi32, #tpu.memory_space<hbm>>) dst(%arg10 : memref<400xi32, #tpu.memory_space<vmem>>)
        tpu.yield
      }) : () -> ()
      %dma_start3A = arith.constant 0 : i32
      %dma_start3A_7 = arith.constant 0 : i32
      %dma_start3A_8 = tpu.memref_slice %arg2[%dma_start3A, %dma_start3A_7] : memref<50000x128xf32, #tpu.memory_space<hbm>> -> memref<50000x128xf32, #tpu.memory_space<hbm>>
      tpu.enqueue_indirect_dma source(%dma_start3A_8 : memref<50000x128xf32, #tpu.memory_space<hbm>>) target(%arg11 : memref<400x128xf32, #tpu.memory_space<vmem>>) offsets(%arg10 : memref<400xi32, #tpu.memory_space<vmem>>) semaphore(%arg13 : memref<!tpu.dma_semaphore, #tpu.memory_space<semaphore_mem>>)
      %dma_start3A_9 = arith.constant 0 : i32
      %dma_start3A_10 = arith.constant 0 : i32
      %dma_start3A_11 = tpu.memref_slice %arg3[%dma_start3A_9, %dma_start3A_10] : memref<50000x128xf32, #tpu.memory_space<hbm>> -> memref<50000x128xf32, #tpu.memory_space<hbm>>
      tpu.enqueue_indirect_dma source(%dma_start3A_11 : memref<50000x128xf32, #tpu.memory_space<hbm>>) target(%arg12 : memref<400x128xf32, #tpu.memory_space<vmem>>) offsets(%arg10 : memref<400xi32, #tpu.memory_space<vmem>>) semaphore(%arg14 : memref<!tpu.dma_semaphore, #tpu.memory_space<semaphore_mem>>)
      %dma_wait3A = arith.constant 0 : i32
      %dma_wait3A_12 = arith.constant 0 : i32
      %dma_wait3A_13 = tpu.memref_slice %arg2[%dma_wait3A, %dma_wait3A_12] : memref<50000x128xf32, #tpu.memory_space<hbm>> -> memref<50000x128xf32, #tpu.memory_space<hbm>>
      tpu.wait_indirect_dma semaphore(%arg13 : memref<!tpu.dma_semaphore, #tpu.memory_space<semaphore_mem>>) src(%dma_wait3A_13 : memref<50000x128xf32, #tpu.memory_space<hbm>>) dst(%arg11 : memref<400x128xf32, #tpu.memory_space<vmem>>)
      %dma_wait3A_14 = arith.constant 0 : i32
      %dma_wait3A_15 = arith.constant 0 : i32
      %dma_wait3A_16 = tpu.memref_slice %arg3[%dma_wait3A_14, %dma_wait3A_15] : memref<50000x128xf32, #tpu.memory_space<hbm>> -> memref<50000x128xf32, #tpu.memory_space<hbm>>
      tpu.wait_indirect_dma semaphore(%arg14 : memref<!tpu.dma_semaphore, #tpu.memory_space<semaphore_mem>>) src(%dma_wait3A_16 : memref<50000x128xf32, #tpu.memory_space<hbm>>) dst(%arg12 : memref<400x128xf32, #tpu.memory_space<vmem>>)
      "tpu.region"() ({
        %run_scoped3A = tpu.sem_alloc : memref<!tpu.dma_semaphore, #tpu.memory_space<semaphore_mem>>
        %dma_start3A_31 = arith.constant 0 : i32
        %dma_start3A_32 = tpu.memref_slice %arg6[%mul3A_4, %dma_start3A_31] : memref<6400x128xf32, #tpu.memory_space<hbm>> -> memref<400x128xf32, #tpu.memory_space<hbm>>
        %dma_start3A_33 = arith.constant 0 : i32
        %dma_start3A_34 = tpu.memref_slice %arg6[%mul3A_4, %dma_start3A_33] : memref<6400x128xf32, #tpu.memory_space<hbm>> -> memref<400x128xf32, #tpu.memory_space<hbm>>
        tpu.enqueue_dma source(%arg11 : memref<400x128xf32, #tpu.memory_space<vmem>>) target(%dma_start3A_34 : memref<400x128xf32, #tpu.memory_space<hbm>>) target_semaphore(%run_scoped3A : memref<!tpu.dma_semaphore, #tpu.memory_space<semaphore_mem>>)
        %dma_wait3A_35 = arith.constant 0 : i32
        %dma_wait3A_36 = tpu.memref_slice %arg6[%mul3A_4, %dma_wait3A_35] : memref<6400x128xf32, #tpu.memory_space<hbm>> -> memref<400x128xf32, #tpu.memory_space<hbm>>
        %dma_wait3A_37 = arith.constant 0 : i32
        %dma_wait3A_38 = tpu.memref_slice %arg6[%mul3A_4, %dma_wait3A_37] : memref<6400x128xf32, #tpu.memory_space<hbm>> -> memref<400x128xf32, #tpu.memory_space<hbm>>
        tpu.wait_dma2 semaphore(%run_scoped3A : memref<!tpu.dma_semaphore, #tpu.memory_space<semaphore_mem>>) src(%arg11 : memref<400x128xf32, #tpu.memory_space<vmem>>) dst(%dma_wait3A_38 : memref<400x128xf32, #tpu.memory_space<hbm>>)
        tpu.yield
      }) : () -> ()
      "tpu.region"() ({
        %run_scoped3A = tpu.sem_alloc : memref<!tpu.dma_semaphore, #tpu.memory_space<semaphore_mem>>
        %dma_start3A_31 = arith.constant 0 : i32
        %dma_start3A_32 = tpu.memref_slice %arg7[%mul3A_4, %dma_start3A_31] : memref<6400x128xf32, #tpu.memory_space<hbm>> -> memref<400x128xf32, #tpu.memory_space<hbm>>
        %dma_start3A_33 = arith.constant 0 : i32
        %dma_start3A_34 = tpu.memref_slice %arg7[%mul3A_4, %dma_start3A_33] : memref<6400x128xf32, #tpu.memory_space<hbm>> -> memref<400x128xf32, #tpu.memory_space<hbm>>
        tpu.enqueue_dma source(%arg12 : memref<400x128xf32, #tpu.memory_space<vmem>>) target(%dma_start3A_34 : memref<400x128xf32, #tpu.memory_space<hbm>>) target_semaphore(%run_scoped3A : memref<!tpu.dma_semaphore, #tpu.memory_space<semaphore_mem>>)
        %dma_wait3A_35 = arith.constant 0 : i32
        %dma_wait3A_36 = tpu.memref_slice %arg7[%mul3A_4, %dma_wait3A_35] : memref<6400x128xf32, #tpu.memory_space<hbm>> -> memref<400x128xf32, #tpu.memory_space<hbm>>
        %dma_wait3A_37 = arith.constant 0 : i32
        %dma_wait3A_38 = tpu.memref_slice %arg7[%mul3A_4, %dma_wait3A_37] : memref<6400x128xf32, #tpu.memory_space<hbm>> -> memref<400x128xf32, #tpu.memory_space<hbm>>
        tpu.wait_dma2 semaphore(%run_scoped3A : memref<!tpu.dma_semaphore, #tpu.memory_space<semaphore_mem>>) src(%arg12 : memref<400x128xf32, #tpu.memory_space<vmem>>) dst(%dma_wait3A_38 : memref<400x128xf32, #tpu.memory_space<hbm>>)
        tpu.yield
      }) : () -> ()
      %add3A_17 = arith.constant 33600 : i32
      %add3A_18 = arith.addi %add3A_17, %mul3A_4 : i32
      "tpu.region"() ({
        %run_scoped3A = tpu.sem_alloc : memref<!tpu.dma_semaphore, #tpu.memory_space<semaphore_mem>>
        %dma_start3A_31 = tpu.memref_slice %arg5[%add3A_18] : memref<40000xi32, #tpu.memory_space<hbm>> -> memref<400xi32, #tpu.memory_space<hbm>>
        %dma_start3A_32 = tpu.memref_slice %arg5[%add3A_18] : memref<40000xi32, #tpu.memory_space<hbm>> -> memref<400xi32, #tpu.memory_space<hbm>>
        tpu.enqueue_dma source(%dma_start3A_32 : memref<400xi32, #tpu.memory_space<hbm>>) target(%arg10 : memref<400xi32, #tpu.memory_space<vmem>>) target_semaphore(%run_scoped3A : memref<!tpu.dma_semaphore, #tpu.memory_space<semaphore_mem>>)
        %dma_wait3A_33 = tpu.memref_slice %arg5[%add3A_18] : memref<40000xi32, #tpu.memory_space<hbm>> -> memref<400xi32, #tpu.memory_space<hbm>>
        %dma_wait3A_34 = tpu.memref_slice %arg5[%add3A_18] : memref<40000xi32, #tpu.memory_space<hbm>> -> memref<400xi32, #tpu.memory_space<hbm>>
        tpu.wait_dma2 semaphore(%run_scoped3A : memref<!tpu.dma_semaphore, #tpu.memory_space<semaphore_mem>>) src(%dma_wait3A_34 : memref<400xi32, #tpu.memory_space<hbm>>) dst(%arg10 : memref<400xi32, #tpu.memory_space<vmem>>)
        tpu.yield
      }) : () -> ()
      %dma_start3A_19 = arith.constant 0 : i32
      %dma_start3A_20 = arith.constant 0 : i32
      %dma_start3A_21 = tpu.memref_slice %arg2[%dma_start3A_19, %dma_start3A_20] : memref<50000x128xf32, #tpu.memory_space<hbm>> -> memref<50000x128xf32, #tpu.memory_space<hbm>>
      tpu.enqueue_indirect_dma source(%dma_start3A_21 : memref<50000x128xf32, #tpu.memory_space<hbm>>) target(%arg11 : memref<400x128xf32, #tpu.memory_space<vmem>>) offsets(%arg10 : memref<400xi32, #tpu.memory_space<vmem>>) semaphore(%arg13 : memref<!tpu.dma_semaphore, #tpu.memory_space<semaphore_mem>>)
      %dma_start3A_22 = arith.constant 0 : i32
      %dma_start3A_23 = arith.constant 0 : i32
      %dma_start3A_24 = tpu.memref_slice %arg3[%dma_start3A_22, %dma_start3A_23] : memref<50000x128xf32, #tpu.memory_space<hbm>> -> memref<50000x128xf32, #tpu.memory_space<hbm>>
      tpu.enqueue_indirect_dma source(%dma_start3A_24 : memref<50000x128xf32, #tpu.memory_space<hbm>>) target(%arg12 : memref<400x128xf32, #tpu.memory_space<vmem>>) offsets(%arg10 : memref<400xi32, #tpu.memory_space<vmem>>) semaphore(%arg14 : memref<!tpu.dma_semaphore, #tpu.memory_space<semaphore_mem>>)
      %dma_wait3A_25 = arith.constant 0 : i32
      %dma_wait3A_26 = arith.constant 0 : i32
      %dma_wait3A_27 = tpu.memref_slice %arg2[%dma_wait3A_25, %dma_wait3A_26] : memref<50000x128xf32, #tpu.memory_space<hbm>> -> memref<50000x128xf32, #tpu.memory_space<hbm>>
      tpu.wait_indirect_dma semaphore(%arg13 : memref<!tpu.dma_semaphore, #tpu.memory_space<semaphore_mem>>) src(%dma_wait3A_27 : memref<50000x128xf32, #tpu.memory_space<hbm>>) dst(%arg11 : memref<400x128xf32, #tpu.memory_space<vmem>>)
      %dma_wait3A_28 = arith.constant 0 : i32
      %dma_wait3A_29 = arith.constant 0 : i32
      %dma_wait3A_30 = tpu.memref_slice %arg3[%dma_wait3A_28, %dma_wait3A_29] : memref<50000x128xf32, #tpu.memory_space<hbm>> -> memref<50000x128xf32, #tpu.memory_space<hbm>>
      tpu.wait_indirect_dma semaphore(%arg14 : memref<!tpu.dma_semaphore, #tpu.memory_space<semaphore_mem>>) src(%dma_wait3A_30 : memref<50000x128xf32, #tpu.memory_space<hbm>>) dst(%arg12 : memref<400x128xf32, #tpu.memory_space<vmem>>)
      "tpu.region"() ({
        %run_scoped3A = tpu.sem_alloc : memref<!tpu.dma_semaphore, #tpu.memory_space<semaphore_mem>>
        %dma_start3A_31 = arith.constant 0 : i32
        %dma_start3A_32 = tpu.memref_slice %arg8[%mul3A_4, %dma_start3A_31] : memref<6400x128xf32, #tpu.memory_space<hbm>> -> memref<400x128xf32, #tpu.memory_space<hbm>>
        %dma_start3A_33 = arith.constant 0 : i32
        %dma_start3A_34 = tpu.memref_slice %arg8[%mul3A_4, %dma_start3A_33] : memref<6400x128xf32, #tpu.memory_space<hbm>> -> memref<400x128xf32, #tpu.memory_space<hbm>>
        tpu.enqueue_dma source(%arg11 : memref<400x128xf32, #tpu.memory_space<vmem>>) target(%dma_start3A_34 : memref<400x128xf32, #tpu.memory_space<hbm>>) target_semaphore(%run_scoped3A : memref<!tpu.dma_semaphore, #tpu.memory_space<semaphore_mem>>)
        %dma_wait3A_35 = arith.constant 0 : i32
        %dma_wait3A_36 = tpu.memref_slice %arg8[%mul3A_4, %dma_wait3A_35] : memref<6400x128xf32, #tpu.memory_space<hbm>> -> memref<400x128xf32, #tpu.memory_space<hbm>>
        %dma_wait3A_37 = arith.constant 0 : i32
        %dma_wait3A_38 = tpu.memref_slice %arg8[%mul3A_4, %dma_wait3A_37] : memref<6400x128xf32, #tpu.memory_space<hbm>> -> memref<400x128xf32, #tpu.memory_space<hbm>>
        tpu.wait_dma2 semaphore(%run_scoped3A : memref<!tpu.dma_semaphore, #tpu.memory_space<semaphore_mem>>) src(%arg11 : memref<400x128xf32, #tpu.memory_space<vmem>>) dst(%dma_wait3A_38 : memref<400x128xf32, #tpu.memory_space<hbm>>)
        tpu.yield
      }) : () -> ()
      "tpu.region"() ({
        %run_scoped3A = tpu.sem_alloc : memref<!tpu.dma_semaphore, #tpu.memory_space<semaphore_mem>>
        %dma_start3A_31 = arith.constant 0 : i32
        %dma_start3A_32 = tpu.memref_slice %arg9[%mul3A_4, %dma_start3A_31] : memref<6400x128xf32, #tpu.memory_space<hbm>> -> memref<400x128xf32, #tpu.memory_space<hbm>>
        %dma_start3A_33 = arith.constant 0 : i32
        %dma_start3A_34 = tpu.memref_slice %arg9[%mul3A_4, %dma_start3A_33] : memref<6400x128xf32, #tpu.memory_space<hbm>> -> memref<400x128xf32, #tpu.memory_space<hbm>>
        tpu.enqueue_dma source(%arg12 : memref<400x128xf32, #tpu.memory_space<vmem>>) target(%dma_start3A_34 : memref<400x128xf32, #tpu.memory_space<hbm>>) target_semaphore(%run_scoped3A : memref<!tpu.dma_semaphore, #tpu.memory_space<semaphore_mem>>)
        %dma_wait3A_35 = arith.constant 0 : i32
        %dma_wait3A_36 = tpu.memref_slice %arg9[%mul3A_4, %dma_wait3A_35] : memref<6400x128xf32, #tpu.memory_space<hbm>> -> memref<400x128xf32, #tpu.memory_space<hbm>>
        %dma_wait3A_37 = arith.constant 0 : i32
        %dma_wait3A_38 = tpu.memref_slice %arg9[%mul3A_4, %dma_wait3A_37] : memref<6400x128xf32, #tpu.memory_space<hbm>> -> memref<400x128xf32, #tpu.memory_space<hbm>>
        tpu.wait_dma2 semaphore(%run_scoped3A : memref<!tpu.dma_semaphore, #tpu.memory_space<semaphore_mem>>) src(%arg12 : memref<400x128xf32, #tpu.memory_space<vmem>>) dst(%dma_wait3A_38 : memref<400x128xf32, #tpu.memory_space<hbm>>)
        tpu.yield
      }) : () -> ()
    } else {
    }
    return
  }
}

module attributes {stable_mosaic.version = 14 : i64} {
  func.func @_cell_math(%arg0: i32, %arg1: memref<800x128xf32, #tpu.memory_space<vmem>>, %arg2: memref<800x128xf32, #tpu.memory_space<vmem>>, %arg3: memref<800x128xf32, #tpu.memory_space<vmem>>, %arg4: memref<800x128xf32, #tpu.memory_space<vmem>>, %arg5: memref<128x640xf32, #tpu.memory_space<vmem>>, %arg6: memref<128x640xf32, #tpu.memory_space<vmem>>, %arg7: memref<8x640xf32, #tpu.memory_space<vmem>>, %arg8: memref<800x128xf32, #tpu.memory_space<vmem>>, %arg9: memref<800x128xf32, #tpu.memory_space<vmem>>) attributes {dimension_semantics = [#tpu.dimension_semantics<arbitrary>], iteration_bounds = array<i64: 11>, scalar_prefetch = 0 : i64, scratch_operands = 0 : i64, tpu.core_type = #tpu.core_type<tc>, window_params = [{transform_indices = @transform_0, window_bounds = array<i64: 800, 128>}, {transform_indices = @transform_1, window_bounds = array<i64: 800, 128>}, {transform_indices = @transform_2, window_bounds = array<i64: 800, 128>}, {transform_indices = @transform_3, window_bounds = array<i64: 800, 128>}, {pipeline_mode = #tpu.pipeline_mode<synchronous>, transform_indices = @transform_4, window_bounds = array<i64: 128, 640>}, {pipeline_mode = #tpu.pipeline_mode<synchronous>, transform_indices = @transform_5, window_bounds = array<i64: 128, 640>}, {pipeline_mode = #tpu.pipeline_mode<synchronous>, transform_indices = @transform_6, window_bounds = array<i64: 8, 640>}, {transform_indices = @transform_7, window_bounds = array<i64: 800, 128>}, {transform_indices = @transform_8, window_bounds = array<i64: 800, 128>}]} {
    %get3A = arith.constant 0 : index
    %get3A_0 = arith.constant 0 : index
    %get3A_1 = vector.load %arg1[%get3A, %get3A_0] : memref<800x128xf32, #tpu.memory_space<vmem>>, vector<800x128xf32>
    %get3A_2 = arith.constant 0 : index
    %get3A_3 = arith.constant 0 : index
    %get3A_4 = vector.load %arg5[%get3A_2, %get3A_3] : memref<128x640xf32, #tpu.memory_space<vmem>>, vector<128x640xf32>
    %dot_general3A = arith.constant dense<0.000000e+00> : vector<800x640xf32>
    %dot_general3A_5 = tpu.matmul %get3A_1, %get3A_4, %dot_general3A {dimension_numbers = #tpu.dot_dimension_numbers<[1], [0], [0], [1], [0, 0, 1, 1], [], []>, transpose_lhs_hint = false} : vector<800x128xf32>, vector<128x640xf32>, vector<800x640xf32> -> vector<800x640xf32>
    %get3A_6 = arith.constant 0 : index
    %get3A_7 = arith.constant 0 : index
    %get3A_8 = vector.load %arg2[%get3A_6, %get3A_7] : memref<800x128xf32, #tpu.memory_space<vmem>>, vector<800x128xf32>
    %get3A_9 = arith.constant 0 : index
    %get3A_10 = arith.constant 0 : index
    %get3A_11 = vector.load %arg6[%get3A_9, %get3A_10] : memref<128x640xf32, #tpu.memory_space<vmem>>, vector<128x640xf32>
    %dot_general3A_12 = arith.constant dense<0.000000e+00> : vector<800x640xf32>
    %dot_general3A_13 = tpu.matmul %get3A_8, %get3A_11, %dot_general3A_12 {dimension_numbers = #tpu.dot_dimension_numbers<[1], [0], [0], [1], [0, 0, 1, 1], [], []>, transpose_lhs_hint = false} : vector<800x128xf32>, vector<128x640xf32>, vector<800x640xf32> -> vector<800x640xf32>
    %add3A = arith.addf %dot_general3A_5, %dot_general3A_13 : vector<800x640xf32>
    %get3A_14 = arith.constant 0 : index
    %get3A_15 = arith.constant 0 : index
    %get3A_16 = vector.load %arg7[%get3A_14, %get3A_15] : memref<8x640xf32, #tpu.memory_space<vmem>>, vector<1x640xf32>
    %add3A_17 = vector.broadcast %get3A_16 : vector<1x640xf32> to vector<800x640xf32>
    %add3A_18 = arith.addf %add3A, %add3A_17 : vector<800x640xf32>
    %slice3A = vector.extract_strided_slice %add3A_18 {offsets = [0, 0], sizes = [800, 128], strides = [1, 1]} : vector<800x640xf32> to vector<800x128xf32>
    %logistic3A = arith.negf %slice3A : vector<800x128xf32>
    %logistic3A_19 = math.exp %logistic3A : vector<800x128xf32>
    %logistic3A_20 = arith.constant 1.000000e+00 : f32
    %logistic3A_21 = vector.broadcast %logistic3A_20 : f32 to vector<800x128xf32>
    %logistic3A_22 = arith.addf %logistic3A_21, %logistic3A_19 : vector<800x128xf32>
    %logistic3A_23 = arith.divf %logistic3A_21, %logistic3A_22 : vector<800x128xf32>
    %slice3A_24 = vector.extract_strided_slice %add3A_18 {offsets = [0, 128], sizes = [800, 128], strides = [1, 1]} : vector<800x640xf32> to vector<800x128xf32>
    %logistic3A_25 = arith.negf %slice3A_24 : vector<800x128xf32>
    %logistic3A_26 = math.exp %logistic3A_25 : vector<800x128xf32>
    %logistic3A_27 = arith.constant 1.000000e+00 : f32
    %logistic3A_28 = vector.broadcast %logistic3A_27 : f32 to vector<800x128xf32>
    %logistic3A_29 = arith.addf %logistic3A_28, %logistic3A_26 : vector<800x128xf32>
    %logistic3A_30 = arith.divf %logistic3A_28, %logistic3A_29 : vector<800x128xf32>
    %slice3A_31 = vector.extract_strided_slice %add3A_18 {offsets = [0, 256], sizes = [800, 128], strides = [1, 1]} : vector<800x640xf32> to vector<800x128xf32>
    %tanh3A = math.tanh %slice3A_31 : vector<800x128xf32>
    %slice3A_32 = vector.extract_strided_slice %add3A_18 {offsets = [0, 384], sizes = [800, 128], strides = [1, 1]} : vector<800x640xf32> to vector<800x128xf32>
    %logistic3A_33 = arith.negf %slice3A_32 : vector<800x128xf32>
    %logistic3A_34 = math.exp %logistic3A_33 : vector<800x128xf32>
    %logistic3A_35 = arith.constant 1.000000e+00 : f32
    %logistic3A_36 = vector.broadcast %logistic3A_35 : f32 to vector<800x128xf32>
    %logistic3A_37 = arith.addf %logistic3A_36, %logistic3A_34 : vector<800x128xf32>
    %logistic3A_38 = arith.divf %logistic3A_36, %logistic3A_37 : vector<800x128xf32>
    %slice3A_39 = vector.extract_strided_slice %add3A_18 {offsets = [0, 512], sizes = [800, 128], strides = [1, 1]} : vector<800x640xf32> to vector<800x128xf32>
    %logistic3A_40 = arith.negf %slice3A_39 : vector<800x128xf32>
    %logistic3A_41 = math.exp %logistic3A_40 : vector<800x128xf32>
    %logistic3A_42 = arith.constant 1.000000e+00 : f32
    %logistic3A_43 = vector.broadcast %logistic3A_42 : f32 to vector<800x128xf32>
    %logistic3A_44 = arith.addf %logistic3A_43, %logistic3A_41 : vector<800x128xf32>
    %logistic3A_45 = arith.divf %logistic3A_43, %logistic3A_44 : vector<800x128xf32>
    %mul3A = arith.mulf %logistic3A_23, %tanh3A : vector<800x128xf32>
    %get3A_46 = arith.constant 0 : index
    %get3A_47 = arith.constant 0 : index
    %get3A_48 = vector.load %arg3[%get3A_46, %get3A_47] : memref<800x128xf32, #tpu.memory_space<vmem>>, vector<800x128xf32>
    %mul3A_49 = arith.mulf %logistic3A_38, %get3A_48 : vector<800x128xf32>
    %add3A_50 = arith.addf %mul3A, %mul3A_49 : vector<800x128xf32>
    %get3A_51 = arith.constant 0 : index
    %get3A_52 = arith.constant 0 : index
    %get3A_53 = vector.load %arg4[%get3A_51, %get3A_52] : memref<800x128xf32, #tpu.memory_space<vmem>>, vector<800x128xf32>
    %mul3A_54 = arith.mulf %logistic3A_45, %get3A_53 : vector<800x128xf32>
    %add3A_55 = arith.addf %add3A_50, %mul3A_54 : vector<800x128xf32>
    %tanh3A_56 = math.tanh %add3A_55 : vector<800x128xf32>
    %mul3A_57 = arith.mulf %logistic3A_30, %tanh3A_56 : vector<800x128xf32>
    %swap3A = arith.constant 0 : index
    %swap3A_58 = arith.constant 0 : index
    %swap3A_59 = vector.load %arg8[%swap3A, %swap3A_58] : memref<800x128xf32, #tpu.memory_space<vmem>>, vector<800x128xf32>
    tpu.vector_store %arg8[%swap3A, %swap3A_58], %mul3A_57 {strides = array<i32>} : memref<800x128xf32, #tpu.memory_space<vmem>>, vector<800x128xf32>,
    %swap3A_60 = arith.constant 0 : index
    %swap3A_61 = arith.constant 0 : index
    %swap3A_62 = vector.load %arg9[%swap3A_60, %swap3A_61] : memref<800x128xf32, #tpu.memory_space<vmem>>, vector<800x128xf32>
    tpu.vector_store %arg9[%swap3A_60, %swap3A_61], %add3A_55 {strides = array<i32>} : memref<800x128xf32, #tpu.memory_space<vmem>>, vector<800x128xf32>,
    return
  }
  func.func @transform_0(%arg0: i32) -> (i32, i32) {
    %c0_i32 = arith.constant 0 : i32
    %c0_i32_0 = arith.constant 0 : i32
    return %arg0, %c0_i32 : i32, i32
  }
  func.func @transform_1(%arg0: i32) -> (i32, i32) {
    %c0_i32 = arith.constant 0 : i32
    %c0_i32_0 = arith.constant 0 : i32
    return %arg0, %c0_i32 : i32, i32
  }
  func.func @transform_2(%arg0: i32) -> (i32, i32) {
    %c0_i32 = arith.constant 0 : i32
    %c0_i32_0 = arith.constant 0 : i32
    return %arg0, %c0_i32 : i32, i32
  }
  func.func @transform_3(%arg0: i32) -> (i32, i32) {
    %c0_i32 = arith.constant 0 : i32
    %c0_i32_0 = arith.constant 0 : i32
    return %arg0, %c0_i32 : i32, i32
  }
  func.func @transform_4(%arg0: i32) -> (i32, i32) {
    %c0_i32 = arith.constant 0 : i32
    %c0_i32_0 = arith.constant 0 : i32
    %c0_i32_1 = arith.constant 0 : i32
    return %c0_i32, %c0_i32_0 : i32, i32
  }
  func.func @transform_5(%arg0: i32) -> (i32, i32) {
    %c0_i32 = arith.constant 0 : i32
    %c0_i32_0 = arith.constant 0 : i32
    %c0_i32_1 = arith.constant 0 : i32
    return %c0_i32, %c0_i32_0 : i32, i32
  }
  func.func @transform_6(%arg0: i32) -> (i32, i32) {
    %c0_i32 = arith.constant 0 : i32
    %c0_i32_0 = arith.constant 0 : i32
    %c0_i32_1 = arith.constant 0 : i32
    return %c0_i32, %c0_i32_0 : i32, i32
  }
  func.func @transform_7(%arg0: i32) -> (i32, i32) {
    %add3A = arith.constant 0 : i32
    %add3A_0 = arith.addi %add3A, %arg0 : i32
    %c0_i32 = arith.constant 0 : i32
    %c0_i32_1 = arith.constant 0 : i32
    return %add3A_0, %c0_i32 : i32, i32
  }
  func.func @transform_8(%arg0: i32) -> (i32, i32) {
    %add3A = arith.constant 0 : i32
    %add3A_0 = arith.addi %add3A, %arg0 : i32
    %c0_i32 = arith.constant 0 : i32
    %c0_i32_1 = arith.constant 0 : i32
    return %add3A_0, %c0_i32 : i32, i32
  }
}

module attributes {stable_mosaic.version = 14 : i64} {
  func.func @_tc_body_alias(%arg0: i32, %arg1: memref<100000x128xf32, #tpu.memory_space<any>>, %arg2: memref<100000x128xf32, #tpu.memory_space<any>>, %arg3: memref<800x128xf32, #tpu.memory_space<vmem>>, %arg4: memref<800x128xf32, #tpu.memory_space<vmem>>, %arg5: memref<800x128xf32, #tpu.memory_space<vmem>>, %arg6: memref<800x128xf32, #tpu.memory_space<vmem>>, %arg7: memref<128x640xf32, #tpu.memory_space<vmem>>, %arg8: memref<128x640xf32, #tpu.memory_space<vmem>>, %arg9: memref<8x640xf32, #tpu.memory_space<vmem>>, %arg10: memref<800x128xf32, #tpu.memory_space<vmem>>, %arg11: memref<800x128xf32, #tpu.memory_space<vmem>>) attributes {dimension_semantics = [#tpu.dimension_semantics<arbitrary>], iteration_bounds = array<i64: 16>, scalar_prefetch = 0 : i64, scratch_operands = 0 : i64, tpu.core_type = #tpu.core_type<tc>, window_params = [{}, {}, {transform_indices = @transform_2, window_bounds = array<i64: 800, 128>}, {transform_indices = @transform_3, window_bounds = array<i64: 800, 128>}, {transform_indices = @transform_4, window_bounds = array<i64: 800, 128>}, {transform_indices = @transform_5, window_bounds = array<i64: 800, 128>}, {pipeline_mode = #tpu.pipeline_mode<synchronous>, transform_indices = @transform_6, window_bounds = array<i64: 128, 640>}, {pipeline_mode = #tpu.pipeline_mode<synchronous>, transform_indices = @transform_7, window_bounds = array<i64: 128, 640>}, {pipeline_mode = #tpu.pipeline_mode<synchronous>, transform_indices = @transform_8, window_bounds = array<i64: 8, 640>}, {transform_indices = @transform_9, window_bounds = array<i64: 800, 128>}, {transform_indices = @transform_10, window_bounds = array<i64: 800, 128>}]} {
    %get3A = arith.constant 0 : index
    %get3A_0 = arith.constant 0 : index
    %get3A_1 = vector.load %arg3[%get3A, %get3A_0] : memref<800x128xf32, #tpu.memory_space<vmem>>, vector<800x128xf32>
    %get3A_2 = arith.constant 0 : index
    %get3A_3 = arith.constant 0 : index
    %get3A_4 = vector.load %arg7[%get3A_2, %get3A_3] : memref<128x640xf32, #tpu.memory_space<vmem>>, vector<128x640xf32>
    %dot_general3A = arith.constant dense<0.000000e+00> : vector<800x640xf32>
    %dot_general3A_5 = tpu.matmul %get3A_1, %get3A_4, %dot_general3A {dimension_numbers = #tpu.dot_dimension_numbers<[1], [0], [0], [1], [0, 0, 1, 1], [], []>, transpose_lhs_hint = false} : vector<800x128xf32>, vector<128x640xf32>, vector<800x640xf32> -> vector<800x640xf32>
    %get3A_6 = arith.constant 0 : index
    %get3A_7 = arith.constant 0 : index
    %get3A_8 = vector.load %arg4[%get3A_6, %get3A_7] : memref<800x128xf32, #tpu.memory_space<vmem>>, vector<800x128xf32>
    %get3A_9 = arith.constant 0 : index
    %get3A_10 = arith.constant 0 : index
    %get3A_11 = vector.load %arg8[%get3A_9, %get3A_10] : memref<128x640xf32, #tpu.memory_space<vmem>>, vector<128x640xf32>
    %dot_general3A_12 = arith.constant dense<0.000000e+00> : vector<800x640xf32>
    %dot_general3A_13 = tpu.matmul %get3A_8, %get3A_11, %dot_general3A_12 {dimension_numbers = #tpu.dot_dimension_numbers<[1], [0], [0], [1], [0, 0, 1, 1], [], []>, transpose_lhs_hint = false} : vector<800x128xf32>, vector<128x640xf32>, vector<800x640xf32> -> vector<800x640xf32>
    %add3A = arith.addf %dot_general3A_5, %dot_general3A_13 : vector<800x640xf32>
    %get3A_14 = arith.constant 0 : index
    %get3A_15 = arith.constant 0 : index
    %get3A_16 = vector.load %arg9[%get3A_14, %get3A_15] : memref<8x640xf32, #tpu.memory_space<vmem>>, vector<1x640xf32>
    %add3A_17 = vector.broadcast %get3A_16 : vector<1x640xf32> to vector<800x640xf32>
    %add3A_18 = arith.addf %add3A, %add3A_17 : vector<800x640xf32>
    %slice3A = vector.extract_strided_slice %add3A_18 {offsets = [0, 0], sizes = [800, 128], strides = [1, 1]} : vector<800x640xf32> to vector<800x128xf32>
    %logistic3A = arith.negf %slice3A : vector<800x128xf32>
    %logistic3A_19 = math.exp %logistic3A : vector<800x128xf32>
    %logistic3A_20 = arith.constant 1.000000e+00 : f32
    %logistic3A_21 = vector.broadcast %logistic3A_20 : f32 to vector<800x128xf32>
    %logistic3A_22 = arith.addf %logistic3A_21, %logistic3A_19 : vector<800x128xf32>
    %logistic3A_23 = arith.divf %logistic3A_21, %logistic3A_22 : vector<800x128xf32>
    %slice3A_24 = vector.extract_strided_slice %add3A_18 {offsets = [0, 128], sizes = [800, 128], strides = [1, 1]} : vector<800x640xf32> to vector<800x128xf32>
    %logistic3A_25 = arith.negf %slice3A_24 : vector<800x128xf32>
    %logistic3A_26 = math.exp %logistic3A_25 : vector<800x128xf32>
    %logistic3A_27 = arith.constant 1.000000e+00 : f32
    %logistic3A_28 = vector.broadcast %logistic3A_27 : f32 to vector<800x128xf32>
    %logistic3A_29 = arith.addf %logistic3A_28, %logistic3A_26 : vector<800x128xf32>
    %logistic3A_30 = arith.divf %logistic3A_28, %logistic3A_29 : vector<800x128xf32>
    %slice3A_31 = vector.extract_strided_slice %add3A_18 {offsets = [0, 256], sizes = [800, 128], strides = [1, 1]} : vector<800x640xf32> to vector<800x128xf32>
    %tanh3A = math.tanh %slice3A_31 : vector<800x128xf32>
    %slice3A_32 = vector.extract_strided_slice %add3A_18 {offsets = [0, 384], sizes = [800, 128], strides = [1, 1]} : vector<800x640xf32> to vector<800x128xf32>
    %logistic3A_33 = arith.negf %slice3A_32 : vector<800x128xf32>
    %logistic3A_34 = math.exp %logistic3A_33 : vector<800x128xf32>
    %logistic3A_35 = arith.constant 1.000000e+00 : f32
    %logistic3A_36 = vector.broadcast %logistic3A_35 : f32 to vector<800x128xf32>
    %logistic3A_37 = arith.addf %logistic3A_36, %logistic3A_34 : vector<800x128xf32>
    %logistic3A_38 = arith.divf %logistic3A_36, %logistic3A_37 : vector<800x128xf32>
    %slice3A_39 = vector.extract_strided_slice %add3A_18 {offsets = [0, 512], sizes = [800, 128], strides = [1, 1]} : vector<800x640xf32> to vector<800x128xf32>
    %logistic3A_40 = arith.negf %slice3A_39 : vector<800x128xf32>
    %logistic3A_41 = math.exp %logistic3A_40 : vector<800x128xf32>
    %logistic3A_42 = arith.constant 1.000000e+00 : f32
    %logistic3A_43 = vector.broadcast %logistic3A_42 : f32 to vector<800x128xf32>
    %logistic3A_44 = arith.addf %logistic3A_43, %logistic3A_41 : vector<800x128xf32>
    %logistic3A_45 = arith.divf %logistic3A_43, %logistic3A_44 : vector<800x128xf32>
    %mul3A = arith.mulf %logistic3A_23, %tanh3A : vector<800x128xf32>
    %get3A_46 = arith.constant 0 : index
    %get3A_47 = arith.constant 0 : index
    %get3A_48 = vector.load %arg5[%get3A_46, %get3A_47] : memref<800x128xf32, #tpu.memory_space<vmem>>, vector<800x128xf32>
    %mul3A_49 = arith.mulf %logistic3A_38, %get3A_48 : vector<800x128xf32>
    %add3A_50 = arith.addf %mul3A, %mul3A_49 : vector<800x128xf32>
    %get3A_51 = arith.constant 0 : index
    %get3A_52 = arith.constant 0 : index
    %get3A_53 = vector.load %arg6[%get3A_51, %get3A_52] : memref<800x128xf32, #tpu.memory_space<vmem>>, vector<800x128xf32>
    %mul3A_54 = arith.mulf %logistic3A_45, %get3A_53 : vector<800x128xf32>
    %add3A_55 = arith.addf %add3A_50, %mul3A_54 : vector<800x128xf32>
    %tanh3A_56 = math.tanh %add3A_55 : vector<800x128xf32>
    %mul3A_57 = arith.mulf %logistic3A_30, %tanh3A_56 : vector<800x128xf32>
    %swap3A = arith.constant 0 : index
    %swap3A_58 = arith.constant 0 : index
    %swap3A_59 = vector.load %arg10[%swap3A, %swap3A_58] : memref<800x128xf32, #tpu.memory_space<vmem>>, vector<800x128xf32>
    tpu.vector_store %arg10[%swap3A, %swap3A_58], %mul3A_57 {strides = array<i32>} : memref<800x128xf32, #tpu.memory_space<vmem>>, vector<800x128xf32>,
    %swap3A_60 = arith.constant 0 : index
    %swap3A_61 = arith.constant 0 : index
    %swap3A_62 = vector.load %arg11[%swap3A_60, %swap3A_61] : memref<800x128xf32, #tpu.memory_space<vmem>>, vector<800x128xf32>
    tpu.vector_store %arg11[%swap3A_60, %swap3A_61], %add3A_55 {strides = array<i32>} : memref<800x128xf32, #tpu.memory_space<vmem>>, vector<800x128xf32>,
    return
  }
  func.func @transform_2(%arg0: i32) -> (i32, i32) {
    %c0_i32 = arith.constant 0 : i32
    %c0_i32_0 = arith.constant 0 : i32
    return %arg0, %c0_i32 : i32, i32
  }
  func.func @transform_3(%arg0: i32) -> (i32, i32) {
    %c0_i32 = arith.constant 0 : i32
    %c0_i32_0 = arith.constant 0 : i32
    return %arg0, %c0_i32 : i32, i32
  }
  func.func @transform_4(%arg0: i32) -> (i32, i32) {
    %c0_i32 = arith.constant 0 : i32
    %c0_i32_0 = arith.constant 0 : i32
    return %arg0, %c0_i32 : i32, i32
  }
  func.func @transform_5(%arg0: i32) -> (i32, i32) {
    %c0_i32 = arith.constant 0 : i32
    %c0_i32_0 = arith.constant 0 : i32
    return %arg0, %c0_i32 : i32, i32
  }
  func.func @transform_6(%arg0: i32) -> (i32, i32) {
    %c0_i32 = arith.constant 0 : i32
    %c0_i32_0 = arith.constant 0 : i32
    %c0_i32_1 = arith.constant 0 : i32
    return %c0_i32, %c0_i32_0 : i32, i32
  }
  func.func @transform_7(%arg0: i32) -> (i32, i32) {
    %c0_i32 = arith.constant 0 : i32
    %c0_i32_0 = arith.constant 0 : i32
    %c0_i32_1 = arith.constant 0 : i32
    return %c0_i32, %c0_i32_0 : i32, i32
  }
  func.func @transform_8(%arg0: i32) -> (i32, i32) {
    %c0_i32 = arith.constant 0 : i32
    %c0_i32_0 = arith.constant 0 : i32
    %c0_i32_1 = arith.constant 0 : i32
    return %c0_i32, %c0_i32_0 : i32, i32
  }
  func.func @transform_9(%arg0: i32) -> (i32, i32) {
    %add3A = arith.constant 11 : i32
    %add3A_0 = arith.addi %add3A, %arg0 : i32
    %c0_i32 = arith.constant 0 : i32
    %c0_i32_1 = arith.constant 0 : i32
    return %add3A_0, %c0_i32 : i32, i32
  }
  func.func @transform_10(%arg0: i32) -> (i32, i32) {
    %add3A = arith.constant 11 : i32
    %add3A_0 = arith.addi %add3A, %arg0 : i32
    %c0_i32 = arith.constant 0 : i32
    %c0_i32_1 = arith.constant 0 : i32
    return %add3A_0, %c0_i32 : i32, i32
  }
}

module attributes {stable_mosaic.version = 14 : i64} {
  func.func @_tc_body_alias(%arg0: i32, %arg1: memref<100000x128xf32, #tpu.memory_space<any>>, %arg2: memref<100000x128xf32, #tpu.memory_space<any>>, %arg3: memref<800x128xf32, #tpu.memory_space<vmem>>, %arg4: memref<800x128xf32, #tpu.memory_space<vmem>>, %arg5: memref<800x128xf32, #tpu.memory_space<vmem>>, %arg6: memref<800x128xf32, #tpu.memory_space<vmem>>, %arg7: memref<128x640xf32, #tpu.memory_space<vmem>>, %arg8: memref<128x640xf32, #tpu.memory_space<vmem>>, %arg9: memref<8x640xf32, #tpu.memory_space<vmem>>, %arg10: memref<800x128xf32, #tpu.memory_space<vmem>>, %arg11: memref<800x128xf32, #tpu.memory_space<vmem>>) attributes {dimension_semantics = [#tpu.dimension_semantics<arbitrary>], iteration_bounds = array<i64: 16>, scalar_prefetch = 0 : i64, scratch_operands = 0 : i64, tpu.core_type = #tpu.core_type<tc>, window_params = [{}, {}, {transform_indices = @transform_2, window_bounds = array<i64: 800, 128>}, {transform_indices = @transform_3, window_bounds = array<i64: 800, 128>}, {transform_indices = @transform_4, window_bounds = array<i64: 800, 128>}, {transform_indices = @transform_5, window_bounds = array<i64: 800, 128>}, {pipeline_mode = #tpu.pipeline_mode<synchronous>, transform_indices = @transform_6, window_bounds = array<i64: 128, 640>}, {pipeline_mode = #tpu.pipeline_mode<synchronous>, transform_indices = @transform_7, window_bounds = array<i64: 128, 640>}, {pipeline_mode = #tpu.pipeline_mode<synchronous>, transform_indices = @transform_8, window_bounds = array<i64: 8, 640>}, {transform_indices = @transform_9, window_bounds = array<i64: 800, 128>}, {transform_indices = @transform_10, window_bounds = array<i64: 800, 128>}]} {
    %get3A = arith.constant 0 : index
    %get3A_0 = arith.constant 0 : index
    %get3A_1 = vector.load %arg3[%get3A, %get3A_0] : memref<800x128xf32, #tpu.memory_space<vmem>>, vector<800x128xf32>
    %get3A_2 = arith.constant 0 : index
    %get3A_3 = arith.constant 0 : index
    %get3A_4 = vector.load %arg7[%get3A_2, %get3A_3] : memref<128x640xf32, #tpu.memory_space<vmem>>, vector<128x640xf32>
    %dot_general3A = arith.constant dense<0.000000e+00> : vector<800x640xf32>
    %dot_general3A_5 = tpu.matmul %get3A_1, %get3A_4, %dot_general3A {dimension_numbers = #tpu.dot_dimension_numbers<[1], [0], [0], [1], [0, 0, 1, 1], [], []>, transpose_lhs_hint = false} : vector<800x128xf32>, vector<128x640xf32>, vector<800x640xf32> -> vector<800x640xf32>
    %get3A_6 = arith.constant 0 : index
    %get3A_7 = arith.constant 0 : index
    %get3A_8 = vector.load %arg4[%get3A_6, %get3A_7] : memref<800x128xf32, #tpu.memory_space<vmem>>, vector<800x128xf32>
    %get3A_9 = arith.constant 0 : index
    %get3A_10 = arith.constant 0 : index
    %get3A_11 = vector.load %arg8[%get3A_9, %get3A_10] : memref<128x640xf32, #tpu.memory_space<vmem>>, vector<128x640xf32>
    %dot_general3A_12 = arith.constant dense<0.000000e+00> : vector<800x640xf32>
    %dot_general3A_13 = tpu.matmul %get3A_8, %get3A_11, %dot_general3A_12 {dimension_numbers = #tpu.dot_dimension_numbers<[1], [0], [0], [1], [0, 0, 1, 1], [], []>, transpose_lhs_hint = false} : vector<800x128xf32>, vector<128x640xf32>, vector<800x640xf32> -> vector<800x640xf32>
    %add3A = arith.addf %dot_general3A_5, %dot_general3A_13 : vector<800x640xf32>
    %get3A_14 = arith.constant 0 : index
    %get3A_15 = arith.constant 0 : index
    %get3A_16 = vector.load %arg9[%get3A_14, %get3A_15] : memref<8x640xf32, #tpu.memory_space<vmem>>, vector<1x640xf32>
    %add3A_17 = vector.broadcast %get3A_16 : vector<1x640xf32> to vector<800x640xf32>
    %add3A_18 = arith.addf %add3A, %add3A_17 : vector<800x640xf32>
    %slice3A = vector.extract_strided_slice %add3A_18 {offsets = [0, 0], sizes = [800, 128], strides = [1, 1]} : vector<800x640xf32> to vector<800x128xf32>
    %logistic3A = arith.negf %slice3A : vector<800x128xf32>
    %logistic3A_19 = math.exp %logistic3A : vector<800x128xf32>
    %logistic3A_20 = arith.constant 1.000000e+00 : f32
    %logistic3A_21 = vector.broadcast %logistic3A_20 : f32 to vector<800x128xf32>
    %logistic3A_22 = arith.addf %logistic3A_21, %logistic3A_19 : vector<800x128xf32>
    %logistic3A_23 = arith.divf %logistic3A_21, %logistic3A_22 : vector<800x128xf32>
    %slice3A_24 = vector.extract_strided_slice %add3A_18 {offsets = [0, 128], sizes = [800, 128], strides = [1, 1]} : vector<800x640xf32> to vector<800x128xf32>
    %logistic3A_25 = arith.negf %slice3A_24 : vector<800x128xf32>
    %logistic3A_26 = math.exp %logistic3A_25 : vector<800x128xf32>
    %logistic3A_27 = arith.constant 1.000000e+00 : f32
    %logistic3A_28 = vector.broadcast %logistic3A_27 : f32 to vector<800x128xf32>
    %logistic3A_29 = arith.addf %logistic3A_28, %logistic3A_26 : vector<800x128xf32>
    %logistic3A_30 = arith.divf %logistic3A_28, %logistic3A_29 : vector<800x128xf32>
    %slice3A_31 = vector.extract_strided_slice %add3A_18 {offsets = [0, 256], sizes = [800, 128], strides = [1, 1]} : vector<800x640xf32> to vector<800x128xf32>
    %tanh3A = math.tanh %slice3A_31 : vector<800x128xf32>
    %slice3A_32 = vector.extract_strided_slice %add3A_18 {offsets = [0, 384], sizes = [800, 128], strides = [1, 1]} : vector<800x640xf32> to vector<800x128xf32>
    %logistic3A_33 = arith.negf %slice3A_32 : vector<800x128xf32>
    %logistic3A_34 = math.exp %logistic3A_33 : vector<800x128xf32>
    %logistic3A_35 = arith.constant 1.000000e+00 : f32
    %logistic3A_36 = vector.broadcast %logistic3A_35 : f32 to vector<800x128xf32>
    %logistic3A_37 = arith.addf %logistic3A_36, %logistic3A_34 : vector<800x128xf32>
    %logistic3A_38 = arith.divf %logistic3A_36, %logistic3A_37 : vector<800x128xf32>
    %slice3A_39 = vector.extract_strided_slice %add3A_18 {offsets = [0, 512], sizes = [800, 128], strides = [1, 1]} : vector<800x640xf32> to vector<800x128xf32>
    %logistic3A_40 = arith.negf %slice3A_39 : vector<800x128xf32>
    %logistic3A_41 = math.exp %logistic3A_40 : vector<800x128xf32>
    %logistic3A_42 = arith.constant 1.000000e+00 : f32
    %logistic3A_43 = vector.broadcast %logistic3A_42 : f32 to vector<800x128xf32>
    %logistic3A_44 = arith.addf %logistic3A_43, %logistic3A_41 : vector<800x128xf32>
    %logistic3A_45 = arith.divf %logistic3A_43, %logistic3A_44 : vector<800x128xf32>
    %mul3A = arith.mulf %logistic3A_23, %tanh3A : vector<800x128xf32>
    %get3A_46 = arith.constant 0 : index
    %get3A_47 = arith.constant 0 : index
    %get3A_48 = vector.load %arg5[%get3A_46, %get3A_47] : memref<800x128xf32, #tpu.memory_space<vmem>>, vector<800x128xf32>
    %mul3A_49 = arith.mulf %logistic3A_38, %get3A_48 : vector<800x128xf32>
    %add3A_50 = arith.addf %mul3A, %mul3A_49 : vector<800x128xf32>
    %get3A_51 = arith.constant 0 : index
    %get3A_52 = arith.constant 0 : index
    %get3A_53 = vector.load %arg6[%get3A_51, %get3A_52] : memref<800x128xf32, #tpu.memory_space<vmem>>, vector<800x128xf32>
    %mul3A_54 = arith.mulf %logistic3A_45, %get3A_53 : vector<800x128xf32>
    %add3A_55 = arith.addf %add3A_50, %mul3A_54 : vector<800x128xf32>
    %tanh3A_56 = math.tanh %add3A_55 : vector<800x128xf32>
    %mul3A_57 = arith.mulf %logistic3A_30, %tanh3A_56 : vector<800x128xf32>
    %swap3A = arith.constant 0 : index
    %swap3A_58 = arith.constant 0 : index
    %swap3A_59 = vector.load %arg10[%swap3A, %swap3A_58] : memref<800x128xf32, #tpu.memory_space<vmem>>, vector<800x128xf32>
    tpu.vector_store %arg10[%swap3A, %swap3A_58], %mul3A_57 {strides = array<i32>} : memref<800x128xf32, #tpu.memory_space<vmem>>, vector<800x128xf32>,
    %swap3A_60 = arith.constant 0 : index
    %swap3A_61 = arith.constant 0 : index
    %swap3A_62 = vector.load %arg11[%swap3A_60, %swap3A_61] : memref<800x128xf32, #tpu.memory_space<vmem>>, vector<800x128xf32>
    tpu.vector_store %arg11[%swap3A_60, %swap3A_61], %add3A_55 {strides = array<i32>} : memref<800x128xf32, #tpu.memory_space<vmem>>, vector<800x128xf32>,
    return
  }
  func.func @transform_2(%arg0: i32) -> (i32, i32) {
    %c0_i32 = arith.constant 0 : i32
    %c0_i32_0 = arith.constant 0 : i32
    return %arg0, %c0_i32 : i32, i32
  }
  func.func @transform_3(%arg0: i32) -> (i32, i32) {
    %c0_i32 = arith.constant 0 : i32
    %c0_i32_0 = arith.constant 0 : i32
    return %arg0, %c0_i32 : i32, i32
  }
  func.func @transform_4(%arg0: i32) -> (i32, i32) {
    %c0_i32 = arith.constant 0 : i32
    %c0_i32_0 = arith.constant 0 : i32
    return %arg0, %c0_i32 : i32, i32
  }
  func.func @transform_5(%arg0: i32) -> (i32, i32) {
    %c0_i32 = arith.constant 0 : i32
    %c0_i32_0 = arith.constant 0 : i32
    return %arg0, %c0_i32 : i32, i32
  }
  func.func @transform_6(%arg0: i32) -> (i32, i32) {
    %c0_i32 = arith.constant 0 : i32
    %c0_i32_0 = arith.constant 0 : i32
    %c0_i32_1 = arith.constant 0 : i32
    return %c0_i32, %c0_i32_0 : i32, i32
  }
  func.func @transform_7(%arg0: i32) -> (i32, i32) {
    %c0_i32 = arith.constant 0 : i32
    %c0_i32_0 = arith.constant 0 : i32
    %c0_i32_1 = arith.constant 0 : i32
    return %c0_i32, %c0_i32_0 : i32, i32
  }
  func.func @transform_8(%arg0: i32) -> (i32, i32) {
    %c0_i32 = arith.constant 0 : i32
    %c0_i32_0 = arith.constant 0 : i32
    %c0_i32_1 = arith.constant 0 : i32
    return %c0_i32, %c0_i32_0 : i32, i32
  }
  func.func @transform_9(%arg0: i32) -> (i32, i32) {
    %add3A = arith.constant 27 : i32
    %add3A_0 = arith.addi %add3A, %arg0 : i32
    %c0_i32 = arith.constant 0 : i32
    %c0_i32_1 = arith.constant 0 : i32
    return %add3A_0, %c0_i32 : i32, i32
  }
  func.func @transform_10(%arg0: i32) -> (i32, i32) {
    %add3A = arith.constant 27 : i32
    %add3A_0 = arith.addi %add3A, %arg0 : i32
    %c0_i32 = arith.constant 0 : i32
    %c0_i32_1 = arith.constant 0 : i32
    return %add3A_0, %c0_i32 : i32, i32
  }
}

module attributes {stable_mosaic.version = 14 : i64} {
  func.func @_tc_body_alias(%arg0: i32, %arg1: memref<100000x128xf32, #tpu.memory_space<any>>, %arg2: memref<100000x128xf32, #tpu.memory_space<any>>, %arg3: memref<800x128xf32, #tpu.memory_space<vmem>>, %arg4: memref<800x128xf32, #tpu.memory_space<vmem>>, %arg5: memref<800x128xf32, #tpu.memory_space<vmem>>, %arg6: memref<800x128xf32, #tpu.memory_space<vmem>>, %arg7: memref<128x640xf32, #tpu.memory_space<vmem>>, %arg8: memref<128x640xf32, #tpu.memory_space<vmem>>, %arg9: memref<8x640xf32, #tpu.memory_space<vmem>>, %arg10: memref<800x128xf32, #tpu.memory_space<vmem>>, %arg11: memref<800x128xf32, #tpu.memory_space<vmem>>) attributes {dimension_semantics = [#tpu.dimension_semantics<arbitrary>], iteration_bounds = array<i64: 16>, scalar_prefetch = 0 : i64, scratch_operands = 0 : i64, tpu.core_type = #tpu.core_type<tc>, window_params = [{}, {}, {transform_indices = @transform_2, window_bounds = array<i64: 800, 128>}, {transform_indices = @transform_3, window_bounds = array<i64: 800, 128>}, {transform_indices = @transform_4, window_bounds = array<i64: 800, 128>}, {transform_indices = @transform_5, window_bounds = array<i64: 800, 128>}, {pipeline_mode = #tpu.pipeline_mode<synchronous>, transform_indices = @transform_6, window_bounds = array<i64: 128, 640>}, {pipeline_mode = #tpu.pipeline_mode<synchronous>, transform_indices = @transform_7, window_bounds = array<i64: 128, 640>}, {pipeline_mode = #tpu.pipeline_mode<synchronous>, transform_indices = @transform_8, window_bounds = array<i64: 8, 640>}, {transform_indices = @transform_9, window_bounds = array<i64: 800, 128>}, {transform_indices = @transform_10, window_bounds = array<i64: 800, 128>}]} {
    %get3A = arith.constant 0 : index
    %get3A_0 = arith.constant 0 : index
    %get3A_1 = vector.load %arg3[%get3A, %get3A_0] : memref<800x128xf32, #tpu.memory_space<vmem>>, vector<800x128xf32>
    %get3A_2 = arith.constant 0 : index
    %get3A_3 = arith.constant 0 : index
    %get3A_4 = vector.load %arg7[%get3A_2, %get3A_3] : memref<128x640xf32, #tpu.memory_space<vmem>>, vector<128x640xf32>
    %dot_general3A = arith.constant dense<0.000000e+00> : vector<800x640xf32>
    %dot_general3A_5 = tpu.matmul %get3A_1, %get3A_4, %dot_general3A {dimension_numbers = #tpu.dot_dimension_numbers<[1], [0], [0], [1], [0, 0, 1, 1], [], []>, transpose_lhs_hint = false} : vector<800x128xf32>, vector<128x640xf32>, vector<800x640xf32> -> vector<800x640xf32>
    %get3A_6 = arith.constant 0 : index
    %get3A_7 = arith.constant 0 : index
    %get3A_8 = vector.load %arg4[%get3A_6, %get3A_7] : memref<800x128xf32, #tpu.memory_space<vmem>>, vector<800x128xf32>
    %get3A_9 = arith.constant 0 : index
    %get3A_10 = arith.constant 0 : index
    %get3A_11 = vector.load %arg8[%get3A_9, %get3A_10] : memref<128x640xf32, #tpu.memory_space<vmem>>, vector<128x640xf32>
    %dot_general3A_12 = arith.constant dense<0.000000e+00> : vector<800x640xf32>
    %dot_general3A_13 = tpu.matmul %get3A_8, %get3A_11, %dot_general3A_12 {dimension_numbers = #tpu.dot_dimension_numbers<[1], [0], [0], [1], [0, 0, 1, 1], [], []>, transpose_lhs_hint = false} : vector<800x128xf32>, vector<128x640xf32>, vector<800x640xf32> -> vector<800x640xf32>
    %add3A = arith.addf %dot_general3A_5, %dot_general3A_13 : vector<800x640xf32>
    %get3A_14 = arith.constant 0 : index
    %get3A_15 = arith.constant 0 : index
    %get3A_16 = vector.load %arg9[%get3A_14, %get3A_15] : memref<8x640xf32, #tpu.memory_space<vmem>>, vector<1x640xf32>
    %add3A_17 = vector.broadcast %get3A_16 : vector<1x640xf32> to vector<800x640xf32>
    %add3A_18 = arith.addf %add3A, %add3A_17 : vector<800x640xf32>
    %slice3A = vector.extract_strided_slice %add3A_18 {offsets = [0, 0], sizes = [800, 128], strides = [1, 1]} : vector<800x640xf32> to vector<800x128xf32>
    %logistic3A = arith.negf %slice3A : vector<800x128xf32>
    %logistic3A_19 = math.exp %logistic3A : vector<800x128xf32>
    %logistic3A_20 = arith.constant 1.000000e+00 : f32
    %logistic3A_21 = vector.broadcast %logistic3A_20 : f32 to vector<800x128xf32>
    %logistic3A_22 = arith.addf %logistic3A_21, %logistic3A_19 : vector<800x128xf32>
    %logistic3A_23 = arith.divf %logistic3A_21, %logistic3A_22 : vector<800x128xf32>
    %slice3A_24 = vector.extract_strided_slice %add3A_18 {offsets = [0, 128], sizes = [800, 128], strides = [1, 1]} : vector<800x640xf32> to vector<800x128xf32>
    %logistic3A_25 = arith.negf %slice3A_24 : vector<800x128xf32>
    %logistic3A_26 = math.exp %logistic3A_25 : vector<800x128xf32>
    %logistic3A_27 = arith.constant 1.000000e+00 : f32
    %logistic3A_28 = vector.broadcast %logistic3A_27 : f32 to vector<800x128xf32>
    %logistic3A_29 = arith.addf %logistic3A_28, %logistic3A_26 : vector<800x128xf32>
    %logistic3A_30 = arith.divf %logistic3A_28, %logistic3A_29 : vector<800x128xf32>
    %slice3A_31 = vector.extract_strided_slice %add3A_18 {offsets = [0, 256], sizes = [800, 128], strides = [1, 1]} : vector<800x640xf32> to vector<800x128xf32>
    %tanh3A = math.tanh %slice3A_31 : vector<800x128xf32>
    %slice3A_32 = vector.extract_strided_slice %add3A_18 {offsets = [0, 384], sizes = [800, 128], strides = [1, 1]} : vector<800x640xf32> to vector<800x128xf32>
    %logistic3A_33 = arith.negf %slice3A_32 : vector<800x128xf32>
    %logistic3A_34 = math.exp %logistic3A_33 : vector<800x128xf32>
    %logistic3A_35 = arith.constant 1.000000e+00 : f32
    %logistic3A_36 = vector.broadcast %logistic3A_35 : f32 to vector<800x128xf32>
    %logistic3A_37 = arith.addf %logistic3A_36, %logistic3A_34 : vector<800x128xf32>
    %logistic3A_38 = arith.divf %logistic3A_36, %logistic3A_37 : vector<800x128xf32>
    %slice3A_39 = vector.extract_strided_slice %add3A_18 {offsets = [0, 512], sizes = [800, 128], strides = [1, 1]} : vector<800x640xf32> to vector<800x128xf32>
    %logistic3A_40 = arith.negf %slice3A_39 : vector<800x128xf32>
    %logistic3A_41 = math.exp %logistic3A_40 : vector<800x128xf32>
    %logistic3A_42 = arith.constant 1.000000e+00 : f32
    %logistic3A_43 = vector.broadcast %logistic3A_42 : f32 to vector<800x128xf32>
    %logistic3A_44 = arith.addf %logistic3A_43, %logistic3A_41 : vector<800x128xf32>
    %logistic3A_45 = arith.divf %logistic3A_43, %logistic3A_44 : vector<800x128xf32>
    %mul3A = arith.mulf %logistic3A_23, %tanh3A : vector<800x128xf32>
    %get3A_46 = arith.constant 0 : index
    %get3A_47 = arith.constant 0 : index
    %get3A_48 = vector.load %arg5[%get3A_46, %get3A_47] : memref<800x128xf32, #tpu.memory_space<vmem>>, vector<800x128xf32>
    %mul3A_49 = arith.mulf %logistic3A_38, %get3A_48 : vector<800x128xf32>
    %add3A_50 = arith.addf %mul3A, %mul3A_49 : vector<800x128xf32>
    %get3A_51 = arith.constant 0 : index
    %get3A_52 = arith.constant 0 : index
    %get3A_53 = vector.load %arg6[%get3A_51, %get3A_52] : memref<800x128xf32, #tpu.memory_space<vmem>>, vector<800x128xf32>
    %mul3A_54 = arith.mulf %logistic3A_45, %get3A_53 : vector<800x128xf32>
    %add3A_55 = arith.addf %add3A_50, %mul3A_54 : vector<800x128xf32>
    %tanh3A_56 = math.tanh %add3A_55 : vector<800x128xf32>
    %mul3A_57 = arith.mulf %logistic3A_30, %tanh3A_56 : vector<800x128xf32>
    %swap3A = arith.constant 0 : index
    %swap3A_58 = arith.constant 0 : index
    %swap3A_59 = vector.load %arg10[%swap3A, %swap3A_58] : memref<800x128xf32, #tpu.memory_space<vmem>>, vector<800x128xf32>
    tpu.vector_store %arg10[%swap3A, %swap3A_58], %mul3A_57 {strides = array<i32>} : memref<800x128xf32, #tpu.memory_space<vmem>>, vector<800x128xf32>,
    %swap3A_60 = arith.constant 0 : index
    %swap3A_61 = arith.constant 0 : index
    %swap3A_62 = vector.load %arg11[%swap3A_60, %swap3A_61] : memref<800x128xf32, #tpu.memory_space<vmem>>, vector<800x128xf32>
    tpu.vector_store %arg11[%swap3A_60, %swap3A_61], %add3A_55 {strides = array<i32>} : memref<800x128xf32, #tpu.memory_space<vmem>>, vector<800x128xf32>,
    return
  }
  func.func @transform_2(%arg0: i32) -> (i32, i32) {
    %c0_i32 = arith.constant 0 : i32
    %c0_i32_0 = arith.constant 0 : i32
    return %arg0, %c0_i32 : i32, i32
  }
  func.func @transform_3(%arg0: i32) -> (i32, i32) {
    %c0_i32 = arith.constant 0 : i32
    %c0_i32_0 = arith.constant 0 : i32
    return %arg0, %c0_i32 : i32, i32
  }
  func.func @transform_4(%arg0: i32) -> (i32, i32) {
    %c0_i32 = arith.constant 0 : i32
    %c0_i32_0 = arith.constant 0 : i32
    return %arg0, %c0_i32 : i32, i32
  }
  func.func @transform_5(%arg0: i32) -> (i32, i32) {
    %c0_i32 = arith.constant 0 : i32
    %c0_i32_0 = arith.constant 0 : i32
    return %arg0, %c0_i32 : i32, i32
  }
  func.func @transform_6(%arg0: i32) -> (i32, i32) {
    %c0_i32 = arith.constant 0 : i32
    %c0_i32_0 = arith.constant 0 : i32
    %c0_i32_1 = arith.constant 0 : i32
    return %c0_i32, %c0_i32_0 : i32, i32
  }
  func.func @transform_7(%arg0: i32) -> (i32, i32) {
    %c0_i32 = arith.constant 0 : i32
    %c0_i32_0 = arith.constant 0 : i32
    %c0_i32_1 = arith.constant 0 : i32
    return %c0_i32, %c0_i32_0 : i32, i32
  }
  func.func @transform_8(%arg0: i32) -> (i32, i32) {
    %c0_i32 = arith.constant 0 : i32
    %c0_i32_0 = arith.constant 0 : i32
    %c0_i32_1 = arith.constant 0 : i32
    return %c0_i32, %c0_i32_0 : i32, i32
  }
  func.func @transform_9(%arg0: i32) -> (i32, i32) {
    %add3A = arith.constant 43 : i32
    %add3A_0 = arith.addi %add3A, %arg0 : i32
    %c0_i32 = arith.constant 0 : i32
    %c0_i32_1 = arith.constant 0 : i32
    return %add3A_0, %c0_i32 : i32, i32
  }
  func.func @transform_10(%arg0: i32) -> (i32, i32) {
    %add3A = arith.constant 43 : i32
    %add3A_0 = arith.addi %add3A, %arg0 : i32
    %c0_i32 = arith.constant 0 : i32
    %c0_i32_1 = arith.constant 0 : i32
    return %add3A_0, %c0_i32 : i32, i32
  }
}

module attributes {stable_mosaic.version = 14 : i64} {
  func.func @_tc_body_alias(%arg0: i32, %arg1: memref<100000x128xf32, #tpu.memory_space<any>>, %arg2: memref<100000x128xf32, #tpu.memory_space<any>>, %arg3: memref<800x128xf32, #tpu.memory_space<vmem>>, %arg4: memref<800x128xf32, #tpu.memory_space<vmem>>, %arg5: memref<800x128xf32, #tpu.memory_space<vmem>>, %arg6: memref<800x128xf32, #tpu.memory_space<vmem>>, %arg7: memref<128x640xf32, #tpu.memory_space<vmem>>, %arg8: memref<128x640xf32, #tpu.memory_space<vmem>>, %arg9: memref<8x640xf32, #tpu.memory_space<vmem>>, %arg10: memref<800x128xf32, #tpu.memory_space<vmem>>, %arg11: memref<800x128xf32, #tpu.memory_space<vmem>>) attributes {dimension_semantics = [#tpu.dimension_semantics<arbitrary>], iteration_bounds = array<i64: 16>, scalar_prefetch = 0 : i64, scratch_operands = 0 : i64, tpu.core_type = #tpu.core_type<tc>, window_params = [{}, {}, {transform_indices = @transform_2, window_bounds = array<i64: 800, 128>}, {transform_indices = @transform_3, window_bounds = array<i64: 800, 128>}, {transform_indices = @transform_4, window_bounds = array<i64: 800, 128>}, {transform_indices = @transform_5, window_bounds = array<i64: 800, 128>}, {pipeline_mode = #tpu.pipeline_mode<synchronous>, transform_indices = @transform_6, window_bounds = array<i64: 128, 640>}, {pipeline_mode = #tpu.pipeline_mode<synchronous>, transform_indices = @transform_7, window_bounds = array<i64: 128, 640>}, {pipeline_mode = #tpu.pipeline_mode<synchronous>, transform_indices = @transform_8, window_bounds = array<i64: 8, 640>}, {transform_indices = @transform_9, window_bounds = array<i64: 800, 128>}, {transform_indices = @transform_10, window_bounds = array<i64: 800, 128>}]} {
    %get3A = arith.constant 0 : index
    %get3A_0 = arith.constant 0 : index
    %get3A_1 = vector.load %arg3[%get3A, %get3A_0] : memref<800x128xf32, #tpu.memory_space<vmem>>, vector<800x128xf32>
    %get3A_2 = arith.constant 0 : index
    %get3A_3 = arith.constant 0 : index
    %get3A_4 = vector.load %arg7[%get3A_2, %get3A_3] : memref<128x640xf32, #tpu.memory_space<vmem>>, vector<128x640xf32>
    %dot_general3A = arith.constant dense<0.000000e+00> : vector<800x640xf32>
    %dot_general3A_5 = tpu.matmul %get3A_1, %get3A_4, %dot_general3A {dimension_numbers = #tpu.dot_dimension_numbers<[1], [0], [0], [1], [0, 0, 1, 1], [], []>, transpose_lhs_hint = false} : vector<800x128xf32>, vector<128x640xf32>, vector<800x640xf32> -> vector<800x640xf32>
    %get3A_6 = arith.constant 0 : index
    %get3A_7 = arith.constant 0 : index
    %get3A_8 = vector.load %arg4[%get3A_6, %get3A_7] : memref<800x128xf32, #tpu.memory_space<vmem>>, vector<800x128xf32>
    %get3A_9 = arith.constant 0 : index
    %get3A_10 = arith.constant 0 : index
    %get3A_11 = vector.load %arg8[%get3A_9, %get3A_10] : memref<128x640xf32, #tpu.memory_space<vmem>>, vector<128x640xf32>
    %dot_general3A_12 = arith.constant dense<0.000000e+00> : vector<800x640xf32>
    %dot_general3A_13 = tpu.matmul %get3A_8, %get3A_11, %dot_general3A_12 {dimension_numbers = #tpu.dot_dimension_numbers<[1], [0], [0], [1], [0, 0, 1, 1], [], []>, transpose_lhs_hint = false} : vector<800x128xf32>, vector<128x640xf32>, vector<800x640xf32> -> vector<800x640xf32>
    %add3A = arith.addf %dot_general3A_5, %dot_general3A_13 : vector<800x640xf32>
    %get3A_14 = arith.constant 0 : index
    %get3A_15 = arith.constant 0 : index
    %get3A_16 = vector.load %arg9[%get3A_14, %get3A_15] : memref<8x640xf32, #tpu.memory_space<vmem>>, vector<1x640xf32>
    %add3A_17 = vector.broadcast %get3A_16 : vector<1x640xf32> to vector<800x640xf32>
    %add3A_18 = arith.addf %add3A, %add3A_17 : vector<800x640xf32>
    %slice3A = vector.extract_strided_slice %add3A_18 {offsets = [0, 0], sizes = [800, 128], strides = [1, 1]} : vector<800x640xf32> to vector<800x128xf32>
    %logistic3A = arith.negf %slice3A : vector<800x128xf32>
    %logistic3A_19 = math.exp %logistic3A : vector<800x128xf32>
    %logistic3A_20 = arith.constant 1.000000e+00 : f32
    %logistic3A_21 = vector.broadcast %logistic3A_20 : f32 to vector<800x128xf32>
    %logistic3A_22 = arith.addf %logistic3A_21, %logistic3A_19 : vector<800x128xf32>
    %logistic3A_23 = arith.divf %logistic3A_21, %logistic3A_22 : vector<800x128xf32>
    %slice3A_24 = vector.extract_strided_slice %add3A_18 {offsets = [0, 128], sizes = [800, 128], strides = [1, 1]} : vector<800x640xf32> to vector<800x128xf32>
    %logistic3A_25 = arith.negf %slice3A_24 : vector<800x128xf32>
    %logistic3A_26 = math.exp %logistic3A_25 : vector<800x128xf32>
    %logistic3A_27 = arith.constant 1.000000e+00 : f32
    %logistic3A_28 = vector.broadcast %logistic3A_27 : f32 to vector<800x128xf32>
    %logistic3A_29 = arith.addf %logistic3A_28, %logistic3A_26 : vector<800x128xf32>
    %logistic3A_30 = arith.divf %logistic3A_28, %logistic3A_29 : vector<800x128xf32>
    %slice3A_31 = vector.extract_strided_slice %add3A_18 {offsets = [0, 256], sizes = [800, 128], strides = [1, 1]} : vector<800x640xf32> to vector<800x128xf32>
    %tanh3A = math.tanh %slice3A_31 : vector<800x128xf32>
    %slice3A_32 = vector.extract_strided_slice %add3A_18 {offsets = [0, 384], sizes = [800, 128], strides = [1, 1]} : vector<800x640xf32> to vector<800x128xf32>
    %logistic3A_33 = arith.negf %slice3A_32 : vector<800x128xf32>
    %logistic3A_34 = math.exp %logistic3A_33 : vector<800x128xf32>
    %logistic3A_35 = arith.constant 1.000000e+00 : f32
    %logistic3A_36 = vector.broadcast %logistic3A_35 : f32 to vector<800x128xf32>
    %logistic3A_37 = arith.addf %logistic3A_36, %logistic3A_34 : vector<800x128xf32>
    %logistic3A_38 = arith.divf %logistic3A_36, %logistic3A_37 : vector<800x128xf32>
    %slice3A_39 = vector.extract_strided_slice %add3A_18 {offsets = [0, 512], sizes = [800, 128], strides = [1, 1]} : vector<800x640xf32> to vector<800x128xf32>
    %logistic3A_40 = arith.negf %slice3A_39 : vector<800x128xf32>
    %logistic3A_41 = math.exp %logistic3A_40 : vector<800x128xf32>
    %logistic3A_42 = arith.constant 1.000000e+00 : f32
    %logistic3A_43 = vector.broadcast %logistic3A_42 : f32 to vector<800x128xf32>
    %logistic3A_44 = arith.addf %logistic3A_43, %logistic3A_41 : vector<800x128xf32>
    %logistic3A_45 = arith.divf %logistic3A_43, %logistic3A_44 : vector<800x128xf32>
    %mul3A = arith.mulf %logistic3A_23, %tanh3A : vector<800x128xf32>
    %get3A_46 = arith.constant 0 : index
    %get3A_47 = arith.constant 0 : index
    %get3A_48 = vector.load %arg5[%get3A_46, %get3A_47] : memref<800x128xf32, #tpu.memory_space<vmem>>, vector<800x128xf32>
    %mul3A_49 = arith.mulf %logistic3A_38, %get3A_48 : vector<800x128xf32>
    %add3A_50 = arith.addf %mul3A, %mul3A_49 : vector<800x128xf32>
    %get3A_51 = arith.constant 0 : index
    %get3A_52 = arith.constant 0 : index
    %get3A_53 = vector.load %arg6[%get3A_51, %get3A_52] : memref<800x128xf32, #tpu.memory_space<vmem>>, vector<800x128xf32>
    %mul3A_54 = arith.mulf %logistic3A_45, %get3A_53 : vector<800x128xf32>
    %add3A_55 = arith.addf %add3A_50, %mul3A_54 : vector<800x128xf32>
    %tanh3A_56 = math.tanh %add3A_55 : vector<800x128xf32>
    %mul3A_57 = arith.mulf %logistic3A_30, %tanh3A_56 : vector<800x128xf32>
    %swap3A = arith.constant 0 : index
    %swap3A_58 = arith.constant 0 : index
    %swap3A_59 = vector.load %arg10[%swap3A, %swap3A_58] : memref<800x128xf32, #tpu.memory_space<vmem>>, vector<800x128xf32>
    tpu.vector_store %arg10[%swap3A, %swap3A_58], %mul3A_57 {strides = array<i32>} : memref<800x128xf32, #tpu.memory_space<vmem>>, vector<800x128xf32>,
    %swap3A_60 = arith.constant 0 : index
    %swap3A_61 = arith.constant 0 : index
    %swap3A_62 = vector.load %arg11[%swap3A_60, %swap3A_61] : memref<800x128xf32, #tpu.memory_space<vmem>>, vector<800x128xf32>
    tpu.vector_store %arg11[%swap3A_60, %swap3A_61], %add3A_55 {strides = array<i32>} : memref<800x128xf32, #tpu.memory_space<vmem>>, vector<800x128xf32>,
    return
  }
  func.func @transform_2(%arg0: i32) -> (i32, i32) {
    %c0_i32 = arith.constant 0 : i32
    %c0_i32_0 = arith.constant 0 : i32
    return %arg0, %c0_i32 : i32, i32
  }
  func.func @transform_3(%arg0: i32) -> (i32, i32) {
    %c0_i32 = arith.constant 0 : i32
    %c0_i32_0 = arith.constant 0 : i32
    return %arg0, %c0_i32 : i32, i32
  }
  func.func @transform_4(%arg0: i32) -> (i32, i32) {
    %c0_i32 = arith.constant 0 : i32
    %c0_i32_0 = arith.constant 0 : i32
    return %arg0, %c0_i32 : i32, i32
  }
  func.func @transform_5(%arg0: i32) -> (i32, i32) {
    %c0_i32 = arith.constant 0 : i32
    %c0_i32_0 = arith.constant 0 : i32
    return %arg0, %c0_i32 : i32, i32
  }
  func.func @transform_6(%arg0: i32) -> (i32, i32) {
    %c0_i32 = arith.constant 0 : i32
    %c0_i32_0 = arith.constant 0 : i32
    %c0_i32_1 = arith.constant 0 : i32
    return %c0_i32, %c0_i32_0 : i32, i32
  }
  func.func @transform_7(%arg0: i32) -> (i32, i32) {
    %c0_i32 = arith.constant 0 : i32
    %c0_i32_0 = arith.constant 0 : i32
    %c0_i32_1 = arith.constant 0 : i32
    return %c0_i32, %c0_i32_0 : i32, i32
  }
  func.func @transform_8(%arg0: i32) -> (i32, i32) {
    %c0_i32 = arith.constant 0 : i32
    %c0_i32_0 = arith.constant 0 : i32
    %c0_i32_1 = arith.constant 0 : i32
    return %c0_i32, %c0_i32_0 : i32, i32
  }
  func.func @transform_9(%arg0: i32) -> (i32, i32) {
    %add3A = arith.constant 59 : i32
    %add3A_0 = arith.addi %add3A, %arg0 : i32
    %c0_i32 = arith.constant 0 : i32
    %c0_i32_1 = arith.constant 0 : i32
    return %add3A_0, %c0_i32 : i32, i32
  }
  func.func @transform_10(%arg0: i32) -> (i32, i32) {
    %add3A = arith.constant 59 : i32
    %add3A_0 = arith.addi %add3A, %arg0 : i32
    %c0_i32 = arith.constant 0 : i32
    %c0_i32_1 = arith.constant 0 : i32
    return %add3A_0, %c0_i32 : i32, i32
  }
}

module attributes {stable_mosaic.version = 14 : i64} {
  func.func @_tc_body_alias(%arg0: i32, %arg1: memref<100000x128xf32, #tpu.memory_space<any>>, %arg2: memref<100000x128xf32, #tpu.memory_space<any>>, %arg3: memref<800x128xf32, #tpu.memory_space<vmem>>, %arg4: memref<800x128xf32, #tpu.memory_space<vmem>>, %arg5: memref<800x128xf32, #tpu.memory_space<vmem>>, %arg6: memref<800x128xf32, #tpu.memory_space<vmem>>, %arg7: memref<128x640xf32, #tpu.memory_space<vmem>>, %arg8: memref<128x640xf32, #tpu.memory_space<vmem>>, %arg9: memref<8x640xf32, #tpu.memory_space<vmem>>, %arg10: memref<800x128xf32, #tpu.memory_space<vmem>>, %arg11: memref<800x128xf32, #tpu.memory_space<vmem>>) attributes {dimension_semantics = [#tpu.dimension_semantics<arbitrary>], iteration_bounds = array<i64: 14>, scalar_prefetch = 0 : i64, scratch_operands = 0 : i64, tpu.core_type = #tpu.core_type<tc>, window_params = [{}, {}, {transform_indices = @transform_2, window_bounds = array<i64: 800, 128>}, {transform_indices = @transform_3, window_bounds = array<i64: 800, 128>}, {transform_indices = @transform_4, window_bounds = array<i64: 800, 128>}, {transform_indices = @transform_5, window_bounds = array<i64: 800, 128>}, {pipeline_mode = #tpu.pipeline_mode<synchronous>, transform_indices = @transform_6, window_bounds = array<i64: 128, 640>}, {pipeline_mode = #tpu.pipeline_mode<synchronous>, transform_indices = @transform_7, window_bounds = array<i64: 128, 640>}, {pipeline_mode = #tpu.pipeline_mode<synchronous>, transform_indices = @transform_8, window_bounds = array<i64: 8, 640>}, {transform_indices = @transform_9, window_bounds = array<i64: 800, 128>}, {transform_indices = @transform_10, window_bounds = array<i64: 800, 128>}]} {
    %get3A = arith.constant 0 : index
    %get3A_0 = arith.constant 0 : index
    %get3A_1 = vector.load %arg3[%get3A, %get3A_0] : memref<800x128xf32, #tpu.memory_space<vmem>>, vector<800x128xf32>
    %get3A_2 = arith.constant 0 : index
    %get3A_3 = arith.constant 0 : index
    %get3A_4 = vector.load %arg7[%get3A_2, %get3A_3] : memref<128x640xf32, #tpu.memory_space<vmem>>, vector<128x640xf32>
    %dot_general3A = arith.constant dense<0.000000e+00> : vector<800x640xf32>
    %dot_general3A_5 = tpu.matmul %get3A_1, %get3A_4, %dot_general3A {dimension_numbers = #tpu.dot_dimension_numbers<[1], [0], [0], [1], [0, 0, 1, 1], [], []>, transpose_lhs_hint = false} : vector<800x128xf32>, vector<128x640xf32>, vector<800x640xf32> -> vector<800x640xf32>
    %get3A_6 = arith.constant 0 : index
    %get3A_7 = arith.constant 0 : index
    %get3A_8 = vector.load %arg4[%get3A_6, %get3A_7] : memref<800x128xf32, #tpu.memory_space<vmem>>, vector<800x128xf32>
    %get3A_9 = arith.constant 0 : index
    %get3A_10 = arith.constant 0 : index
    %get3A_11 = vector.load %arg8[%get3A_9, %get3A_10] : memref<128x640xf32, #tpu.memory_space<vmem>>, vector<128x640xf32>
    %dot_general3A_12 = arith.constant dense<0.000000e+00> : vector<800x640xf32>
    %dot_general3A_13 = tpu.matmul %get3A_8, %get3A_11, %dot_general3A_12 {dimension_numbers = #tpu.dot_dimension_numbers<[1], [0], [0], [1], [0, 0, 1, 1], [], []>, transpose_lhs_hint = false} : vector<800x128xf32>, vector<128x640xf32>, vector<800x640xf32> -> vector<800x640xf32>
    %add3A = arith.addf %dot_general3A_5, %dot_general3A_13 : vector<800x640xf32>
    %get3A_14 = arith.constant 0 : index
    %get3A_15 = arith.constant 0 : index
    %get3A_16 = vector.load %arg9[%get3A_14, %get3A_15] : memref<8x640xf32, #tpu.memory_space<vmem>>, vector<1x640xf32>
    %add3A_17 = vector.broadcast %get3A_16 : vector<1x640xf32> to vector<800x640xf32>
    %add3A_18 = arith.addf %add3A, %add3A_17 : vector<800x640xf32>
    %slice3A = vector.extract_strided_slice %add3A_18 {offsets = [0, 0], sizes = [800, 128], strides = [1, 1]} : vector<800x640xf32> to vector<800x128xf32>
    %logistic3A = arith.negf %slice3A : vector<800x128xf32>
    %logistic3A_19 = math.exp %logistic3A : vector<800x128xf32>
    %logistic3A_20 = arith.constant 1.000000e+00 : f32
    %logistic3A_21 = vector.broadcast %logistic3A_20 : f32 to vector<800x128xf32>
    %logistic3A_22 = arith.addf %logistic3A_21, %logistic3A_19 : vector<800x128xf32>
    %logistic3A_23 = arith.divf %logistic3A_21, %logistic3A_22 : vector<800x128xf32>
    %slice3A_24 = vector.extract_strided_slice %add3A_18 {offsets = [0, 128], sizes = [800, 128], strides = [1, 1]} : vector<800x640xf32> to vector<800x128xf32>
    %logistic3A_25 = arith.negf %slice3A_24 : vector<800x128xf32>
    %logistic3A_26 = math.exp %logistic3A_25 : vector<800x128xf32>
    %logistic3A_27 = arith.constant 1.000000e+00 : f32
    %logistic3A_28 = vector.broadcast %logistic3A_27 : f32 to vector<800x128xf32>
    %logistic3A_29 = arith.addf %logistic3A_28, %logistic3A_26 : vector<800x128xf32>
    %logistic3A_30 = arith.divf %logistic3A_28, %logistic3A_29 : vector<800x128xf32>
    %slice3A_31 = vector.extract_strided_slice %add3A_18 {offsets = [0, 256], sizes = [800, 128], strides = [1, 1]} : vector<800x640xf32> to vector<800x128xf32>
    %tanh3A = math.tanh %slice3A_31 : vector<800x128xf32>
    %slice3A_32 = vector.extract_strided_slice %add3A_18 {offsets = [0, 384], sizes = [800, 128], strides = [1, 1]} : vector<800x640xf32> to vector<800x128xf32>
    %logistic3A_33 = arith.negf %slice3A_32 : vector<800x128xf32>
    %logistic3A_34 = math.exp %logistic3A_33 : vector<800x128xf32>
    %logistic3A_35 = arith.constant 1.000000e+00 : f32
    %logistic3A_36 = vector.broadcast %logistic3A_35 : f32 to vector<800x128xf32>
    %logistic3A_37 = arith.addf %logistic3A_36, %logistic3A_34 : vector<800x128xf32>
    %logistic3A_38 = arith.divf %logistic3A_36, %logistic3A_37 : vector<800x128xf32>
    %slice3A_39 = vector.extract_strided_slice %add3A_18 {offsets = [0, 512], sizes = [800, 128], strides = [1, 1]} : vector<800x640xf32> to vector<800x128xf32>
    %logistic3A_40 = arith.negf %slice3A_39 : vector<800x128xf32>
    %logistic3A_41 = math.exp %logistic3A_40 : vector<800x128xf32>
    %logistic3A_42 = arith.constant 1.000000e+00 : f32
    %logistic3A_43 = vector.broadcast %logistic3A_42 : f32 to vector<800x128xf32>
    %logistic3A_44 = arith.addf %logistic3A_43, %logistic3A_41 : vector<800x128xf32>
    %logistic3A_45 = arith.divf %logistic3A_43, %logistic3A_44 : vector<800x128xf32>
    %mul3A = arith.mulf %logistic3A_23, %tanh3A : vector<800x128xf32>
    %get3A_46 = arith.constant 0 : index
    %get3A_47 = arith.constant 0 : index
    %get3A_48 = vector.load %arg5[%get3A_46, %get3A_47] : memref<800x128xf32, #tpu.memory_space<vmem>>, vector<800x128xf32>
    %mul3A_49 = arith.mulf %logistic3A_38, %get3A_48 : vector<800x128xf32>
    %add3A_50 = arith.addf %mul3A, %mul3A_49 : vector<800x128xf32>
    %get3A_51 = arith.constant 0 : index
    %get3A_52 = arith.constant 0 : index
    %get3A_53 = vector.load %arg6[%get3A_51, %get3A_52] : memref<800x128xf32, #tpu.memory_space<vmem>>, vector<800x128xf32>
    %mul3A_54 = arith.mulf %logistic3A_45, %get3A_53 : vector<800x128xf32>
    %add3A_55 = arith.addf %add3A_50, %mul3A_54 : vector<800x128xf32>
    %tanh3A_56 = math.tanh %add3A_55 : vector<800x128xf32>
    %mul3A_57 = arith.mulf %logistic3A_30, %tanh3A_56 : vector<800x128xf32>
    %swap3A = arith.constant 0 : index
    %swap3A_58 = arith.constant 0 : index
    %swap3A_59 = vector.load %arg10[%swap3A, %swap3A_58] : memref<800x128xf32, #tpu.memory_space<vmem>>, vector<800x128xf32>
    tpu.vector_store %arg10[%swap3A, %swap3A_58], %mul3A_57 {strides = array<i32>} : memref<800x128xf32, #tpu.memory_space<vmem>>, vector<800x128xf32>,
    %swap3A_60 = arith.constant 0 : index
    %swap3A_61 = arith.constant 0 : index
    %swap3A_62 = vector.load %arg11[%swap3A_60, %swap3A_61] : memref<800x128xf32, #tpu.memory_space<vmem>>, vector<800x128xf32>
    tpu.vector_store %arg11[%swap3A_60, %swap3A_61], %add3A_55 {strides = array<i32>} : memref<800x128xf32, #tpu.memory_space<vmem>>, vector<800x128xf32>,
    return
  }
  func.func @transform_2(%arg0: i32) -> (i32, i32) {
    %c0_i32 = arith.constant 0 : i32
    %c0_i32_0 = arith.constant 0 : i32
    return %arg0, %c0_i32 : i32, i32
  }
  func.func @transform_3(%arg0: i32) -> (i32, i32) {
    %c0_i32 = arith.constant 0 : i32
    %c0_i32_0 = arith.constant 0 : i32
    return %arg0, %c0_i32 : i32, i32
  }
  func.func @transform_4(%arg0: i32) -> (i32, i32) {
    %c0_i32 = arith.constant 0 : i32
    %c0_i32_0 = arith.constant 0 : i32
    return %arg0, %c0_i32 : i32, i32
  }
  func.func @transform_5(%arg0: i32) -> (i32, i32) {
    %c0_i32 = arith.constant 0 : i32
    %c0_i32_0 = arith.constant 0 : i32
    return %arg0, %c0_i32 : i32, i32
  }
  func.func @transform_6(%arg0: i32) -> (i32, i32) {
    %c0_i32 = arith.constant 0 : i32
    %c0_i32_0 = arith.constant 0 : i32
    %c0_i32_1 = arith.constant 0 : i32
    return %c0_i32, %c0_i32_0 : i32, i32
  }
  func.func @transform_7(%arg0: i32) -> (i32, i32) {
    %c0_i32 = arith.constant 0 : i32
    %c0_i32_0 = arith.constant 0 : i32
    %c0_i32_1 = arith.constant 0 : i32
    return %c0_i32, %c0_i32_0 : i32, i32
  }
  func.func @transform_8(%arg0: i32) -> (i32, i32) {
    %c0_i32 = arith.constant 0 : i32
    %c0_i32_0 = arith.constant 0 : i32
    %c0_i32_1 = arith.constant 0 : i32
    return %c0_i32, %c0_i32_0 : i32, i32
  }
  func.func @transform_9(%arg0: i32) -> (i32, i32) {
    %add3A = arith.constant 75 : i32
    %add3A_0 = arith.addi %add3A, %arg0 : i32
    %c0_i32 = arith.constant 0 : i32
    %c0_i32_1 = arith.constant 0 : i32
    return %add3A_0, %c0_i32 : i32, i32
  }
  func.func @transform_10(%arg0: i32) -> (i32, i32) {
    %add3A = arith.constant 75 : i32
    %add3A_0 = arith.addi %add3A, %arg0 : i32
    %c0_i32 = arith.constant 0 : i32
    %c0_i32_1 = arith.constant 0 : i32
    return %add3A_0, %c0_i32 : i32, i32
  }
}

module attributes {stable_mosaic.version = 14 : i64} {
  func.func @_tc_body_alias(%arg0: i32, %arg1: memref<100000x128xf32, #tpu.memory_space<any>>, %arg2: memref<100000x128xf32, #tpu.memory_space<any>>, %arg3: memref<800x128xf32, #tpu.memory_space<vmem>>, %arg4: memref<800x128xf32, #tpu.memory_space<vmem>>, %arg5: memref<800x128xf32, #tpu.memory_space<vmem>>, %arg6: memref<800x128xf32, #tpu.memory_space<vmem>>, %arg7: memref<128x640xf32, #tpu.memory_space<vmem>>, %arg8: memref<128x640xf32, #tpu.memory_space<vmem>>, %arg9: memref<8x640xf32, #tpu.memory_space<vmem>>, %arg10: memref<800x128xf32, #tpu.memory_space<vmem>>, %arg11: memref<800x128xf32, #tpu.memory_space<vmem>>) attributes {dimension_semantics = [#tpu.dimension_semantics<arbitrary>], iteration_bounds = array<i64: 14>, scalar_prefetch = 0 : i64, scratch_operands = 0 : i64, tpu.core_type = #tpu.core_type<tc>, window_params = [{}, {}, {transform_indices = @transform_2, window_bounds = array<i64: 800, 128>}, {transform_indices = @transform_3, window_bounds = array<i64: 800, 128>}, {transform_indices = @transform_4, window_bounds = array<i64: 800, 128>}, {transform_indices = @transform_5, window_bounds = array<i64: 800, 128>}, {pipeline_mode = #tpu.pipeline_mode<synchronous>, transform_indices = @transform_6, window_bounds = array<i64: 128, 640>}, {pipeline_mode = #tpu.pipeline_mode<synchronous>, transform_indices = @transform_7, window_bounds = array<i64: 128, 640>}, {pipeline_mode = #tpu.pipeline_mode<synchronous>, transform_indices = @transform_8, window_bounds = array<i64: 8, 640>}, {transform_indices = @transform_9, window_bounds = array<i64: 800, 128>}, {transform_indices = @transform_10, window_bounds = array<i64: 800, 128>}]} {
    %get3A = arith.constant 0 : index
    %get3A_0 = arith.constant 0 : index
    %get3A_1 = vector.load %arg3[%get3A, %get3A_0] : memref<800x128xf32, #tpu.memory_space<vmem>>, vector<800x128xf32>
    %get3A_2 = arith.constant 0 : index
    %get3A_3 = arith.constant 0 : index
    %get3A_4 = vector.load %arg7[%get3A_2, %get3A_3] : memref<128x640xf32, #tpu.memory_space<vmem>>, vector<128x640xf32>
    %dot_general3A = arith.constant dense<0.000000e+00> : vector<800x640xf32>
    %dot_general3A_5 = tpu.matmul %get3A_1, %get3A_4, %dot_general3A {dimension_numbers = #tpu.dot_dimension_numbers<[1], [0], [0], [1], [0, 0, 1, 1], [], []>, transpose_lhs_hint = false} : vector<800x128xf32>, vector<128x640xf32>, vector<800x640xf32> -> vector<800x640xf32>
    %get3A_6 = arith.constant 0 : index
    %get3A_7 = arith.constant 0 : index
    %get3A_8 = vector.load %arg4[%get3A_6, %get3A_7] : memref<800x128xf32, #tpu.memory_space<vmem>>, vector<800x128xf32>
    %get3A_9 = arith.constant 0 : index
    %get3A_10 = arith.constant 0 : index
    %get3A_11 = vector.load %arg8[%get3A_9, %get3A_10] : memref<128x640xf32, #tpu.memory_space<vmem>>, vector<128x640xf32>
    %dot_general3A_12 = arith.constant dense<0.000000e+00> : vector<800x640xf32>
    %dot_general3A_13 = tpu.matmul %get3A_8, %get3A_11, %dot_general3A_12 {dimension_numbers = #tpu.dot_dimension_numbers<[1], [0], [0], [1], [0, 0, 1, 1], [], []>, transpose_lhs_hint = false} : vector<800x128xf32>, vector<128x640xf32>, vector<800x640xf32> -> vector<800x640xf32>
    %add3A = arith.addf %dot_general3A_5, %dot_general3A_13 : vector<800x640xf32>
    %get3A_14 = arith.constant 0 : index
    %get3A_15 = arith.constant 0 : index
    %get3A_16 = vector.load %arg9[%get3A_14, %get3A_15] : memref<8x640xf32, #tpu.memory_space<vmem>>, vector<1x640xf32>
    %add3A_17 = vector.broadcast %get3A_16 : vector<1x640xf32> to vector<800x640xf32>
    %add3A_18 = arith.addf %add3A, %add3A_17 : vector<800x640xf32>
    %slice3A = vector.extract_strided_slice %add3A_18 {offsets = [0, 0], sizes = [800, 128], strides = [1, 1]} : vector<800x640xf32> to vector<800x128xf32>
    %logistic3A = arith.negf %slice3A : vector<800x128xf32>
    %logistic3A_19 = math.exp %logistic3A : vector<800x128xf32>
    %logistic3A_20 = arith.constant 1.000000e+00 : f32
    %logistic3A_21 = vector.broadcast %logistic3A_20 : f32 to vector<800x128xf32>
    %logistic3A_22 = arith.addf %logistic3A_21, %logistic3A_19 : vector<800x128xf32>
    %logistic3A_23 = arith.divf %logistic3A_21, %logistic3A_22 : vector<800x128xf32>
    %slice3A_24 = vector.extract_strided_slice %add3A_18 {offsets = [0, 128], sizes = [800, 128], strides = [1, 1]} : vector<800x640xf32> to vector<800x128xf32>
    %logistic3A_25 = arith.negf %slice3A_24 : vector<800x128xf32>
    %logistic3A_26 = math.exp %logistic3A_25 : vector<800x128xf32>
    %logistic3A_27 = arith.constant 1.000000e+00 : f32
    %logistic3A_28 = vector.broadcast %logistic3A_27 : f32 to vector<800x128xf32>
    %logistic3A_29 = arith.addf %logistic3A_28, %logistic3A_26 : vector<800x128xf32>
    %logistic3A_30 = arith.divf %logistic3A_28, %logistic3A_29 : vector<800x128xf32>
    %slice3A_31 = vector.extract_strided_slice %add3A_18 {offsets = [0, 256], sizes = [800, 128], strides = [1, 1]} : vector<800x640xf32> to vector<800x128xf32>
    %tanh3A = math.tanh %slice3A_31 : vector<800x128xf32>
    %slice3A_32 = vector.extract_strided_slice %add3A_18 {offsets = [0, 384], sizes = [800, 128], strides = [1, 1]} : vector<800x640xf32> to vector<800x128xf32>
    %logistic3A_33 = arith.negf %slice3A_32 : vector<800x128xf32>
    %logistic3A_34 = math.exp %logistic3A_33 : vector<800x128xf32>
    %logistic3A_35 = arith.constant 1.000000e+00 : f32
    %logistic3A_36 = vector.broadcast %logistic3A_35 : f32 to vector<800x128xf32>
    %logistic3A_37 = arith.addf %logistic3A_36, %logistic3A_34 : vector<800x128xf32>
    %logistic3A_38 = arith.divf %logistic3A_36, %logistic3A_37 : vector<800x128xf32>
    %slice3A_39 = vector.extract_strided_slice %add3A_18 {offsets = [0, 512], sizes = [800, 128], strides = [1, 1]} : vector<800x640xf32> to vector<800x128xf32>
    %logistic3A_40 = arith.negf %slice3A_39 : vector<800x128xf32>
    %logistic3A_41 = math.exp %logistic3A_40 : vector<800x128xf32>
    %logistic3A_42 = arith.constant 1.000000e+00 : f32
    %logistic3A_43 = vector.broadcast %logistic3A_42 : f32 to vector<800x128xf32>
    %logistic3A_44 = arith.addf %logistic3A_43, %logistic3A_41 : vector<800x128xf32>
    %logistic3A_45 = arith.divf %logistic3A_43, %logistic3A_44 : vector<800x128xf32>
    %mul3A = arith.mulf %logistic3A_23, %tanh3A : vector<800x128xf32>
    %get3A_46 = arith.constant 0 : index
    %get3A_47 = arith.constant 0 : index
    %get3A_48 = vector.load %arg5[%get3A_46, %get3A_47] : memref<800x128xf32, #tpu.memory_space<vmem>>, vector<800x128xf32>
    %mul3A_49 = arith.mulf %logistic3A_38, %get3A_48 : vector<800x128xf32>
    %add3A_50 = arith.addf %mul3A, %mul3A_49 : vector<800x128xf32>
    %get3A_51 = arith.constant 0 : index
    %get3A_52 = arith.constant 0 : index
    %get3A_53 = vector.load %arg6[%get3A_51, %get3A_52] : memref<800x128xf32, #tpu.memory_space<vmem>>, vector<800x128xf32>
    %mul3A_54 = arith.mulf %logistic3A_45, %get3A_53 : vector<800x128xf32>
    %add3A_55 = arith.addf %add3A_50, %mul3A_54 : vector<800x128xf32>
    %tanh3A_56 = math.tanh %add3A_55 : vector<800x128xf32>
    %mul3A_57 = arith.mulf %logistic3A_30, %tanh3A_56 : vector<800x128xf32>
    %swap3A = arith.constant 0 : index
    %swap3A_58 = arith.constant 0 : index
    %swap3A_59 = vector.load %arg10[%swap3A, %swap3A_58] : memref<800x128xf32, #tpu.memory_space<vmem>>, vector<800x128xf32>
    tpu.vector_store %arg10[%swap3A, %swap3A_58], %mul3A_57 {strides = array<i32>} : memref<800x128xf32, #tpu.memory_space<vmem>>, vector<800x128xf32>,
    %swap3A_60 = arith.constant 0 : index
    %swap3A_61 = arith.constant 0 : index
    %swap3A_62 = vector.load %arg11[%swap3A_60, %swap3A_61] : memref<800x128xf32, #tpu.memory_space<vmem>>, vector<800x128xf32>
    tpu.vector_store %arg11[%swap3A_60, %swap3A_61], %add3A_55 {strides = array<i32>} : memref<800x128xf32, #tpu.memory_space<vmem>>, vector<800x128xf32>,
    return
  }
  func.func @transform_2(%arg0: i32) -> (i32, i32) {
    %c0_i32 = arith.constant 0 : i32
    %c0_i32_0 = arith.constant 0 : i32
    return %arg0, %c0_i32 : i32, i32
  }
  func.func @transform_3(%arg0: i32) -> (i32, i32) {
    %c0_i32 = arith.constant 0 : i32
    %c0_i32_0 = arith.constant 0 : i32
    return %arg0, %c0_i32 : i32, i32
  }
  func.func @transform_4(%arg0: i32) -> (i32, i32) {
    %c0_i32 = arith.constant 0 : i32
    %c0_i32_0 = arith.constant 0 : i32
    return %arg0, %c0_i32 : i32, i32
  }
  func.func @transform_5(%arg0: i32) -> (i32, i32) {
    %c0_i32 = arith.constant 0 : i32
    %c0_i32_0 = arith.constant 0 : i32
    return %arg0, %c0_i32 : i32, i32
  }
  func.func @transform_6(%arg0: i32) -> (i32, i32) {
    %c0_i32 = arith.constant 0 : i32
    %c0_i32_0 = arith.constant 0 : i32
    %c0_i32_1 = arith.constant 0 : i32
    return %c0_i32, %c0_i32_0 : i32, i32
  }
  func.func @transform_7(%arg0: i32) -> (i32, i32) {
    %c0_i32 = arith.constant 0 : i32
    %c0_i32_0 = arith.constant 0 : i32
    %c0_i32_1 = arith.constant 0 : i32
    return %c0_i32, %c0_i32_0 : i32, i32
  }
  func.func @transform_8(%arg0: i32) -> (i32, i32) {
    %c0_i32 = arith.constant 0 : i32
    %c0_i32_0 = arith.constant 0 : i32
    %c0_i32_1 = arith.constant 0 : i32
    return %c0_i32, %c0_i32_0 : i32, i32
  }
  func.func @transform_9(%arg0: i32) -> (i32, i32) {
    %add3A = arith.constant 89 : i32
    %add3A_0 = arith.addi %add3A, %arg0 : i32
    %c0_i32 = arith.constant 0 : i32
    %c0_i32_1 = arith.constant 0 : i32
    return %add3A_0, %c0_i32 : i32, i32
  }
  func.func @transform_10(%arg0: i32) -> (i32, i32) {
    %add3A = arith.constant 89 : i32
    %add3A_0 = arith.addi %add3A, %arg0 : i32
    %c0_i32 = arith.constant 0 : i32
    %c0_i32_1 = arith.constant 0 : i32
    return %add3A_0, %c0_i32 : i32, i32
  }
}

module attributes {stable_mosaic.version = 14 : i64} {
  func.func @_tc_body_alias(%arg0: i32, %arg1: memref<100000x128xf32, #tpu.memory_space<any>>, %arg2: memref<100000x128xf32, #tpu.memory_space<any>>, %arg3: memref<800x128xf32, #tpu.memory_space<vmem>>, %arg4: memref<800x128xf32, #tpu.memory_space<vmem>>, %arg5: memref<800x128xf32, #tpu.memory_space<vmem>>, %arg6: memref<800x128xf32, #tpu.memory_space<vmem>>, %arg7: memref<128x640xf32, #tpu.memory_space<vmem>>, %arg8: memref<128x640xf32, #tpu.memory_space<vmem>>, %arg9: memref<8x640xf32, #tpu.memory_space<vmem>>, %arg10: memref<800x128xf32, #tpu.memory_space<vmem>>, %arg11: memref<800x128xf32, #tpu.memory_space<vmem>>) attributes {dimension_semantics = [#tpu.dimension_semantics<arbitrary>], iteration_bounds = array<i64: 14>, scalar_prefetch = 0 : i64, scratch_operands = 0 : i64, tpu.core_type = #tpu.core_type<tc>, window_params = [{}, {}, {transform_indices = @transform_2, window_bounds = array<i64: 800, 128>}, {transform_indices = @transform_3, window_bounds = array<i64: 800, 128>}, {transform_indices = @transform_4, window_bounds = array<i64: 800, 128>}, {transform_indices = @transform_5, window_bounds = array<i64: 800, 128>}, {pipeline_mode = #tpu.pipeline_mode<synchronous>, transform_indices = @transform_6, window_bounds = array<i64: 128, 640>}, {pipeline_mode = #tpu.pipeline_mode<synchronous>, transform_indices = @transform_7, window_bounds = array<i64: 128, 640>}, {pipeline_mode = #tpu.pipeline_mode<synchronous>, transform_indices = @transform_8, window_bounds = array<i64: 8, 640>}, {transform_indices = @transform_9, window_bounds = array<i64: 800, 128>}, {transform_indices = @transform_10, window_bounds = array<i64: 800, 128>}]} {
    %get3A = arith.constant 0 : index
    %get3A_0 = arith.constant 0 : index
    %get3A_1 = vector.load %arg3[%get3A, %get3A_0] : memref<800x128xf32, #tpu.memory_space<vmem>>, vector<800x128xf32>
    %get3A_2 = arith.constant 0 : index
    %get3A_3 = arith.constant 0 : index
    %get3A_4 = vector.load %arg7[%get3A_2, %get3A_3] : memref<128x640xf32, #tpu.memory_space<vmem>>, vector<128x640xf32>
    %dot_general3A = arith.constant dense<0.000000e+00> : vector<800x640xf32>
    %dot_general3A_5 = tpu.matmul %get3A_1, %get3A_4, %dot_general3A {dimension_numbers = #tpu.dot_dimension_numbers<[1], [0], [0], [1], [0, 0, 1, 1], [], []>, transpose_lhs_hint = false} : vector<800x128xf32>, vector<128x640xf32>, vector<800x640xf32> -> vector<800x640xf32>
    %get3A_6 = arith.constant 0 : index
    %get3A_7 = arith.constant 0 : index
    %get3A_8 = vector.load %arg4[%get3A_6, %get3A_7] : memref<800x128xf32, #tpu.memory_space<vmem>>, vector<800x128xf32>
    %get3A_9 = arith.constant 0 : index
    %get3A_10 = arith.constant 0 : index
    %get3A_11 = vector.load %arg8[%get3A_9, %get3A_10] : memref<128x640xf32, #tpu.memory_space<vmem>>, vector<128x640xf32>
    %dot_general3A_12 = arith.constant dense<0.000000e+00> : vector<800x640xf32>
    %dot_general3A_13 = tpu.matmul %get3A_8, %get3A_11, %dot_general3A_12 {dimension_numbers = #tpu.dot_dimension_numbers<[1], [0], [0], [1], [0, 0, 1, 1], [], []>, transpose_lhs_hint = false} : vector<800x128xf32>, vector<128x640xf32>, vector<800x640xf32> -> vector<800x640xf32>
    %add3A = arith.addf %dot_general3A_5, %dot_general3A_13 : vector<800x640xf32>
    %get3A_14 = arith.constant 0 : index
    %get3A_15 = arith.constant 0 : index
    %get3A_16 = vector.load %arg9[%get3A_14, %get3A_15] : memref<8x640xf32, #tpu.memory_space<vmem>>, vector<1x640xf32>
    %add3A_17 = vector.broadcast %get3A_16 : vector<1x640xf32> to vector<800x640xf32>
    %add3A_18 = arith.addf %add3A, %add3A_17 : vector<800x640xf32>
    %slice3A = vector.extract_strided_slice %add3A_18 {offsets = [0, 0], sizes = [800, 128], strides = [1, 1]} : vector<800x640xf32> to vector<800x128xf32>
    %logistic3A = arith.negf %slice3A : vector<800x128xf32>
    %logistic3A_19 = math.exp %logistic3A : vector<800x128xf32>
    %logistic3A_20 = arith.constant 1.000000e+00 : f32
    %logistic3A_21 = vector.broadcast %logistic3A_20 : f32 to vector<800x128xf32>
    %logistic3A_22 = arith.addf %logistic3A_21, %logistic3A_19 : vector<800x128xf32>
    %logistic3A_23 = arith.divf %logistic3A_21, %logistic3A_22 : vector<800x128xf32>
    %slice3A_24 = vector.extract_strided_slice %add3A_18 {offsets = [0, 128], sizes = [800, 128], strides = [1, 1]} : vector<800x640xf32> to vector<800x128xf32>
    %logistic3A_25 = arith.negf %slice3A_24 : vector<800x128xf32>
    %logistic3A_26 = math.exp %logistic3A_25 : vector<800x128xf32>
    %logistic3A_27 = arith.constant 1.000000e+00 : f32
    %logistic3A_28 = vector.broadcast %logistic3A_27 : f32 to vector<800x128xf32>
    %logistic3A_29 = arith.addf %logistic3A_28, %logistic3A_26 : vector<800x128xf32>
    %logistic3A_30 = arith.divf %logistic3A_28, %logistic3A_29 : vector<800x128xf32>
    %slice3A_31 = vector.extract_strided_slice %add3A_18 {offsets = [0, 256], sizes = [800, 128], strides = [1, 1]} : vector<800x640xf32> to vector<800x128xf32>
    %tanh3A = math.tanh %slice3A_31 : vector<800x128xf32>
    %slice3A_32 = vector.extract_strided_slice %add3A_18 {offsets = [0, 384], sizes = [800, 128], strides = [1, 1]} : vector<800x640xf32> to vector<800x128xf32>
    %logistic3A_33 = arith.negf %slice3A_32 : vector<800x128xf32>
    %logistic3A_34 = math.exp %logistic3A_33 : vector<800x128xf32>
    %logistic3A_35 = arith.constant 1.000000e+00 : f32
    %logistic3A_36 = vector.broadcast %logistic3A_35 : f32 to vector<800x128xf32>
    %logistic3A_37 = arith.addf %logistic3A_36, %logistic3A_34 : vector<800x128xf32>
    %logistic3A_38 = arith.divf %logistic3A_36, %logistic3A_37 : vector<800x128xf32>
    %slice3A_39 = vector.extract_strided_slice %add3A_18 {offsets = [0, 512], sizes = [800, 128], strides = [1, 1]} : vector<800x640xf32> to vector<800x128xf32>
    %logistic3A_40 = arith.negf %slice3A_39 : vector<800x128xf32>
    %logistic3A_41 = math.exp %logistic3A_40 : vector<800x128xf32>
    %logistic3A_42 = arith.constant 1.000000e+00 : f32
    %logistic3A_43 = vector.broadcast %logistic3A_42 : f32 to vector<800x128xf32>
    %logistic3A_44 = arith.addf %logistic3A_43, %logistic3A_41 : vector<800x128xf32>
    %logistic3A_45 = arith.divf %logistic3A_43, %logistic3A_44 : vector<800x128xf32>
    %mul3A = arith.mulf %logistic3A_23, %tanh3A : vector<800x128xf32>
    %get3A_46 = arith.constant 0 : index
    %get3A_47 = arith.constant 0 : index
    %get3A_48 = vector.load %arg5[%get3A_46, %get3A_47] : memref<800x128xf32, #tpu.memory_space<vmem>>, vector<800x128xf32>
    %mul3A_49 = arith.mulf %logistic3A_38, %get3A_48 : vector<800x128xf32>
    %add3A_50 = arith.addf %mul3A, %mul3A_49 : vector<800x128xf32>
    %get3A_51 = arith.constant 0 : index
    %get3A_52 = arith.constant 0 : index
    %get3A_53 = vector.load %arg6[%get3A_51, %get3A_52] : memref<800x128xf32, #tpu.memory_space<vmem>>, vector<800x128xf32>
    %mul3A_54 = arith.mulf %logistic3A_45, %get3A_53 : vector<800x128xf32>
    %add3A_55 = arith.addf %add3A_50, %mul3A_54 : vector<800x128xf32>
    %tanh3A_56 = math.tanh %add3A_55 : vector<800x128xf32>
    %mul3A_57 = arith.mulf %logistic3A_30, %tanh3A_56 : vector<800x128xf32>
    %swap3A = arith.constant 0 : index
    %swap3A_58 = arith.constant 0 : index
    %swap3A_59 = vector.load %arg10[%swap3A, %swap3A_58] : memref<800x128xf32, #tpu.memory_space<vmem>>, vector<800x128xf32>
    tpu.vector_store %arg10[%swap3A, %swap3A_58], %mul3A_57 {strides = array<i32>} : memref<800x128xf32, #tpu.memory_space<vmem>>, vector<800x128xf32>,
    %swap3A_60 = arith.constant 0 : index
    %swap3A_61 = arith.constant 0 : index
    %swap3A_62 = vector.load %arg11[%swap3A_60, %swap3A_61] : memref<800x128xf32, #tpu.memory_space<vmem>>, vector<800x128xf32>
    tpu.vector_store %arg11[%swap3A_60, %swap3A_61], %add3A_55 {strides = array<i32>} : memref<800x128xf32, #tpu.memory_space<vmem>>, vector<800x128xf32>,
    return
  }
  func.func @transform_2(%arg0: i32) -> (i32, i32) {
    %c0_i32 = arith.constant 0 : i32
    %c0_i32_0 = arith.constant 0 : i32
    return %arg0, %c0_i32 : i32, i32
  }
  func.func @transform_3(%arg0: i32) -> (i32, i32) {
    %c0_i32 = arith.constant 0 : i32
    %c0_i32_0 = arith.constant 0 : i32
    return %arg0, %c0_i32 : i32, i32
  }
  func.func @transform_4(%arg0: i32) -> (i32, i32) {
    %c0_i32 = arith.constant 0 : i32
    %c0_i32_0 = arith.constant 0 : i32
    return %arg0, %c0_i32 : i32, i32
  }
  func.func @transform_5(%arg0: i32) -> (i32, i32) {
    %c0_i32 = arith.constant 0 : i32
    %c0_i32_0 = arith.constant 0 : i32
    return %arg0, %c0_i32 : i32, i32
  }
  func.func @transform_6(%arg0: i32) -> (i32, i32) {
    %c0_i32 = arith.constant 0 : i32
    %c0_i32_0 = arith.constant 0 : i32
    %c0_i32_1 = arith.constant 0 : i32
    return %c0_i32, %c0_i32_0 : i32, i32
  }
  func.func @transform_7(%arg0: i32) -> (i32, i32) {
    %c0_i32 = arith.constant 0 : i32
    %c0_i32_0 = arith.constant 0 : i32
    %c0_i32_1 = arith.constant 0 : i32
    return %c0_i32, %c0_i32_0 : i32, i32
  }
  func.func @transform_8(%arg0: i32) -> (i32, i32) {
    %c0_i32 = arith.constant 0 : i32
    %c0_i32_0 = arith.constant 0 : i32
    %c0_i32_1 = arith.constant 0 : i32
    return %c0_i32, %c0_i32_0 : i32, i32
  }
  func.func @transform_9(%arg0: i32) -> (i32, i32) {
    %add3A = arith.constant 103 : i32
    %add3A_0 = arith.addi %add3A, %arg0 : i32
    %c0_i32 = arith.constant 0 : i32
    %c0_i32_1 = arith.constant 0 : i32
    return %add3A_0, %c0_i32 : i32, i32
  }
  func.func @transform_10(%arg0: i32) -> (i32, i32) {
    %add3A = arith.constant 103 : i32
    %add3A_0 = arith.addi %add3A, %arg0 : i32
    %c0_i32 = arith.constant 0 : i32
    %c0_i32_1 = arith.constant 0 : i32
    return %add3A_0, %c0_i32 : i32, i32
  }
}

module attributes {stable_mosaic.version = 14 : i64} {
  func.func @_tc_body_alias(%arg0: i32, %arg1: memref<100000x128xf32, #tpu.memory_space<any>>, %arg2: memref<100000x128xf32, #tpu.memory_space<any>>, %arg3: memref<800x128xf32, #tpu.memory_space<vmem>>, %arg4: memref<800x128xf32, #tpu.memory_space<vmem>>, %arg5: memref<800x128xf32, #tpu.memory_space<vmem>>, %arg6: memref<800x128xf32, #tpu.memory_space<vmem>>, %arg7: memref<128x640xf32, #tpu.memory_space<vmem>>, %arg8: memref<128x640xf32, #tpu.memory_space<vmem>>, %arg9: memref<8x640xf32, #tpu.memory_space<vmem>>, %arg10: memref<800x128xf32, #tpu.memory_space<vmem>>, %arg11: memref<800x128xf32, #tpu.memory_space<vmem>>) attributes {dimension_semantics = [#tpu.dimension_semantics<arbitrary>], iteration_bounds = array<i64: 8>, scalar_prefetch = 0 : i64, scratch_operands = 0 : i64, tpu.core_type = #tpu.core_type<tc>, window_params = [{}, {}, {transform_indices = @transform_2, window_bounds = array<i64: 800, 128>}, {transform_indices = @transform_3, window_bounds = array<i64: 800, 128>}, {transform_indices = @transform_4, window_bounds = array<i64: 800, 128>}, {transform_indices = @transform_5, window_bounds = array<i64: 800, 128>}, {pipeline_mode = #tpu.pipeline_mode<synchronous>, transform_indices = @transform_6, window_bounds = array<i64: 128, 640>}, {pipeline_mode = #tpu.pipeline_mode<synchronous>, transform_indices = @transform_7, window_bounds = array<i64: 128, 640>}, {pipeline_mode = #tpu.pipeline_mode<synchronous>, transform_indices = @transform_8, window_bounds = array<i64: 8, 640>}, {transform_indices = @transform_9, window_bounds = array<i64: 800, 128>}, {transform_indices = @transform_10, window_bounds = array<i64: 800, 128>}]} {
    %get3A = arith.constant 0 : index
    %get3A_0 = arith.constant 0 : index
    %get3A_1 = vector.load %arg3[%get3A, %get3A_0] : memref<800x128xf32, #tpu.memory_space<vmem>>, vector<800x128xf32>
    %get3A_2 = arith.constant 0 : index
    %get3A_3 = arith.constant 0 : index
    %get3A_4 = vector.load %arg7[%get3A_2, %get3A_3] : memref<128x640xf32, #tpu.memory_space<vmem>>, vector<128x640xf32>
    %dot_general3A = arith.constant dense<0.000000e+00> : vector<800x640xf32>
    %dot_general3A_5 = tpu.matmul %get3A_1, %get3A_4, %dot_general3A {dimension_numbers = #tpu.dot_dimension_numbers<[1], [0], [0], [1], [0, 0, 1, 1], [], []>, transpose_lhs_hint = false} : vector<800x128xf32>, vector<128x640xf32>, vector<800x640xf32> -> vector<800x640xf32>
    %get3A_6 = arith.constant 0 : index
    %get3A_7 = arith.constant 0 : index
    %get3A_8 = vector.load %arg4[%get3A_6, %get3A_7] : memref<800x128xf32, #tpu.memory_space<vmem>>, vector<800x128xf32>
    %get3A_9 = arith.constant 0 : index
    %get3A_10 = arith.constant 0 : index
    %get3A_11 = vector.load %arg8[%get3A_9, %get3A_10] : memref<128x640xf32, #tpu.memory_space<vmem>>, vector<128x640xf32>
    %dot_general3A_12 = arith.constant dense<0.000000e+00> : vector<800x640xf32>
    %dot_general3A_13 = tpu.matmul %get3A_8, %get3A_11, %dot_general3A_12 {dimension_numbers = #tpu.dot_dimension_numbers<[1], [0], [0], [1], [0, 0, 1, 1], [], []>, transpose_lhs_hint = false} : vector<800x128xf32>, vector<128x640xf32>, vector<800x640xf32> -> vector<800x640xf32>
    %add3A = arith.addf %dot_general3A_5, %dot_general3A_13 : vector<800x640xf32>
    %get3A_14 = arith.constant 0 : index
    %get3A_15 = arith.constant 0 : index
    %get3A_16 = vector.load %arg9[%get3A_14, %get3A_15] : memref<8x640xf32, #tpu.memory_space<vmem>>, vector<1x640xf32>
    %add3A_17 = vector.broadcast %get3A_16 : vector<1x640xf32> to vector<800x640xf32>
    %add3A_18 = arith.addf %add3A, %add3A_17 : vector<800x640xf32>
    %slice3A = vector.extract_strided_slice %add3A_18 {offsets = [0, 0], sizes = [800, 128], strides = [1, 1]} : vector<800x640xf32> to vector<800x128xf32>
    %logistic3A = arith.negf %slice3A : vector<800x128xf32>
    %logistic3A_19 = math.exp %logistic3A : vector<800x128xf32>
    %logistic3A_20 = arith.constant 1.000000e+00 : f32
    %logistic3A_21 = vector.broadcast %logistic3A_20 : f32 to vector<800x128xf32>
    %logistic3A_22 = arith.addf %logistic3A_21, %logistic3A_19 : vector<800x128xf32>
    %logistic3A_23 = arith.divf %logistic3A_21, %logistic3A_22 : vector<800x128xf32>
    %slice3A_24 = vector.extract_strided_slice %add3A_18 {offsets = [0, 128], sizes = [800, 128], strides = [1, 1]} : vector<800x640xf32> to vector<800x128xf32>
    %logistic3A_25 = arith.negf %slice3A_24 : vector<800x128xf32>
    %logistic3A_26 = math.exp %logistic3A_25 : vector<800x128xf32>
    %logistic3A_27 = arith.constant 1.000000e+00 : f32
    %logistic3A_28 = vector.broadcast %logistic3A_27 : f32 to vector<800x128xf32>
    %logistic3A_29 = arith.addf %logistic3A_28, %logistic3A_26 : vector<800x128xf32>
    %logistic3A_30 = arith.divf %logistic3A_28, %logistic3A_29 : vector<800x128xf32>
    %slice3A_31 = vector.extract_strided_slice %add3A_18 {offsets = [0, 256], sizes = [800, 128], strides = [1, 1]} : vector<800x640xf32> to vector<800x128xf32>
    %tanh3A = math.tanh %slice3A_31 : vector<800x128xf32>
    %slice3A_32 = vector.extract_strided_slice %add3A_18 {offsets = [0, 384], sizes = [800, 128], strides = [1, 1]} : vector<800x640xf32> to vector<800x128xf32>
    %logistic3A_33 = arith.negf %slice3A_32 : vector<800x128xf32>
    %logistic3A_34 = math.exp %logistic3A_33 : vector<800x128xf32>
    %logistic3A_35 = arith.constant 1.000000e+00 : f32
    %logistic3A_36 = vector.broadcast %logistic3A_35 : f32 to vector<800x128xf32>
    %logistic3A_37 = arith.addf %logistic3A_36, %logistic3A_34 : vector<800x128xf32>
    %logistic3A_38 = arith.divf %logistic3A_36, %logistic3A_37 : vector<800x128xf32>
    %slice3A_39 = vector.extract_strided_slice %add3A_18 {offsets = [0, 512], sizes = [800, 128], strides = [1, 1]} : vector<800x640xf32> to vector<800x128xf32>
    %logistic3A_40 = arith.negf %slice3A_39 : vector<800x128xf32>
    %logistic3A_41 = math.exp %logistic3A_40 : vector<800x128xf32>
    %logistic3A_42 = arith.constant 1.000000e+00 : f32
    %logistic3A_43 = vector.broadcast %logistic3A_42 : f32 to vector<800x128xf32>
    %logistic3A_44 = arith.addf %logistic3A_43, %logistic3A_41 : vector<800x128xf32>
    %logistic3A_45 = arith.divf %logistic3A_43, %logistic3A_44 : vector<800x128xf32>
    %mul3A = arith.mulf %logistic3A_23, %tanh3A : vector<800x128xf32>
    %get3A_46 = arith.constant 0 : index
    %get3A_47 = arith.constant 0 : index
    %get3A_48 = vector.load %arg5[%get3A_46, %get3A_47] : memref<800x128xf32, #tpu.memory_space<vmem>>, vector<800x128xf32>
    %mul3A_49 = arith.mulf %logistic3A_38, %get3A_48 : vector<800x128xf32>
    %add3A_50 = arith.addf %mul3A, %mul3A_49 : vector<800x128xf32>
    %get3A_51 = arith.constant 0 : index
    %get3A_52 = arith.constant 0 : index
    %get3A_53 = vector.load %arg6[%get3A_51, %get3A_52] : memref<800x128xf32, #tpu.memory_space<vmem>>, vector<800x128xf32>
    %mul3A_54 = arith.mulf %logistic3A_45, %get3A_53 : vector<800x128xf32>
    %add3A_55 = arith.addf %add3A_50, %mul3A_54 : vector<800x128xf32>
    %tanh3A_56 = math.tanh %add3A_55 : vector<800x128xf32>
    %mul3A_57 = arith.mulf %logistic3A_30, %tanh3A_56 : vector<800x128xf32>
    %swap3A = arith.constant 0 : index
    %swap3A_58 = arith.constant 0 : index
    %swap3A_59 = vector.load %arg10[%swap3A, %swap3A_58] : memref<800x128xf32, #tpu.memory_space<vmem>>, vector<800x128xf32>
    tpu.vector_store %arg10[%swap3A, %swap3A_58], %mul3A_57 {strides = array<i32>} : memref<800x128xf32, #tpu.memory_space<vmem>>, vector<800x128xf32>,
    %swap3A_60 = arith.constant 0 : index
    %swap3A_61 = arith.constant 0 : index
    %swap3A_62 = vector.load %arg11[%swap3A_60, %swap3A_61] : memref<800x128xf32, #tpu.memory_space<vmem>>, vector<800x128xf32>
    tpu.vector_store %arg11[%swap3A_60, %swap3A_61], %add3A_55 {strides = array<i32>} : memref<800x128xf32, #tpu.memory_space<vmem>>, vector<800x128xf32>,
    return
  }
  func.func @transform_2(%arg0: i32) -> (i32, i32) {
    %c0_i32 = arith.constant 0 : i32
    %c0_i32_0 = arith.constant 0 : i32
    return %arg0, %c0_i32 : i32, i32
  }
  func.func @transform_3(%arg0: i32) -> (i32, i32) {
    %c0_i32 = arith.constant 0 : i32
    %c0_i32_0 = arith.constant 0 : i32
    return %arg0, %c0_i32 : i32, i32
  }
  func.func @transform_4(%arg0: i32) -> (i32, i32) {
    %c0_i32 = arith.constant 0 : i32
    %c0_i32_0 = arith.constant 0 : i32
    return %arg0, %c0_i32 : i32, i32
  }
  func.func @transform_5(%arg0: i32) -> (i32, i32) {
    %c0_i32 = arith.constant 0 : i32
    %c0_i32_0 = arith.constant 0 : i32
    return %arg0, %c0_i32 : i32, i32
  }
  func.func @transform_6(%arg0: i32) -> (i32, i32) {
    %c0_i32 = arith.constant 0 : i32
    %c0_i32_0 = arith.constant 0 : i32
    %c0_i32_1 = arith.constant 0 : i32
    return %c0_i32, %c0_i32_0 : i32, i32
  }
  func.func @transform_7(%arg0: i32) -> (i32, i32) {
    %c0_i32 = arith.constant 0 : i32
    %c0_i32_0 = arith.constant 0 : i32
    %c0_i32_1 = arith.constant 0 : i32
    return %c0_i32, %c0_i32_0 : i32, i32
  }
  func.func @transform_8(%arg0: i32) -> (i32, i32) {
    %c0_i32 = arith.constant 0 : i32
    %c0_i32_0 = arith.constant 0 : i32
    %c0_i32_1 = arith.constant 0 : i32
    return %c0_i32, %c0_i32_0 : i32, i32
  }
  func.func @transform_9(%arg0: i32) -> (i32, i32) {
    %add3A = arith.constant 117 : i32
    %add3A_0 = arith.addi %add3A, %arg0 : i32
    %c0_i32 = arith.constant 0 : i32
    %c0_i32_1 = arith.constant 0 : i32
    return %add3A_0, %c0_i32 : i32, i32
  }
  func.func @transform_10(%arg0: i32) -> (i32, i32) {
    %add3A = arith.constant 117 : i32
    %add3A_0 = arith.addi %add3A, %arg0 : i32
    %c0_i32 = arith.constant 0 : i32
    %c0_i32_1 = arith.constant 0 : i32
    return %add3A_0, %c0_i32 : i32, i32
  }
}

</mosaic_0001>

<sc_bundles>
// kernel: kernel.20.cloned.1.call-start
scs
__scs_entry_jumppad:
0x0: {  	(pc) =	sbr.rel $0x88, $3  }
0x1: {  	(tag) =	ssettag $0x0;
	lr =	simm.s32 $0x1  }
0x2: {  	[smem:$0x3F98] =	sst lr;
	_ =	strace $0xD0000000  }
0x3: {  	_ = 	snop  }
0x4: {  	_ = 	snop  }
0x5: {  	_ = 	snop  }
0x6: {  	_ = 	snop  }
0x7: {  	_ = 	snop  }
__scs_overlays_trampoline_lowered:
0x8: {  	[smem:$0x3FA7] =	sst s0  }
0x9: {  	[smem:$0x3FA8] =	sst s1  }
0xa: {  	[smem:$0x3FA9] =	sst s2  }
0xb: {  	[smem:$0x3FAA] =	sst s3  }
0xc: {  	[smem:$0x3FAB] =	sst s4  }
0xd: {  	[smem:$0x3FAC] =	sst s5  }
0xe: {  	[smem:$0x3FAD] =	sst s6  }
0xf: {  	[smem:$0x3FAE] =	sst s7  }
0x10: {  	[smem:$0x3FAF] =	sst s8  }
0x11: {  	[smem:$0x3FB0] =	sst s9;
	s0 =	simm.s32 @!p0 $0x0  }
0x12: {  	s1 =	sld [smem:$0x3F96];
	s0 =	simm.s32 @p0 $0x1  }
0x13: {  	[smem:$0x3FB1] =	sst s0;
	s0 =	simm.s32 @!p1 $0x0  }
0x14: {  	s2 =	sld [smem:$0x3F95];
	s0 =	simm.s32 @p1 $0x1  }
0x15: {  	[smem:$0x3FB2] =	sst s0;
	s0 =	simm.s32 @!p2 $0x0  }
0x16: {  	s3 =	sld [smem:$0x3FDB];
	s0 =	simm.s32 @p2 $0x1  }
0x17: {  	s4 =	simm.s32 $0x1BF5;
	[smem:$0x3FB4] =	sst s0  }
0x18: {  	s0 =	sld [smem:$0x3F97];
	_ =	swait.ge [sflag:s4], $0x0  }
0x19: {  	s7 =	sld [smem:$0x3F98]  }
0x1a: {  	s8 =	sadd.s32 $0xFFFFE003, lr  }
0x1b: {  	s9 =	sadd.s32 $0xFFFFFEF7, lr;
	s5 =	simm.s32 $0xFFFFFFFF;
	p2 =	slt.u32 s8, $0xFFFFF086  }
0x1c: {  	p1 =	slt.u32 s9, $0xF7A;
	s5 =	simm.s32 @!p2 $0x0  }
0x1d: {  	s5 =	simm.s32 @p1 $0x1;
	p0 =	seq.s32 s7, s2  }
0x1e: {  	s7 =	smul.u32 @!p0 $0xF7A, s2;
	p2 =	seq.s32 @!p0 s5, $0x0  }
0x1f: {  	s9 =	smul.u32 $0xF7A, s1;
	s8 =	simm.s32 @!p0 $0x1BF5;
	p2 =	por !p2, p0  }
0x20: {  	[sflag:s8] =	ssyncset.s32 @!p0 $0xFFFFF086;
	s6 =	sadd.s32 @!p0 s3, s7;
	s7 =	simm.s32 @!p0 $0x108  }
0x21: {  	s3 =	sadd.s32 s3, s9;
	s6 =	sadd.s32 @!p0 $0x88, s6;
	s7 =	simm.s32 @p2 $0x1082  }
0x22: {  	[simem:s7], [sflag:s8] =	dma.local @!p0 [hbm:s6], $0xF7A  }
0x23: {  	s9 =	sor.u32 $0xD0000000, s2;
	s6 =	simm.s32 $0x108;
	_ =	swait.ge @!p0 [sflag:s8], $0x0  }
0x24: {  	s3 =	sadd.s32 $0x88, s3;
	s6 =	simm.s32 @!p1 $0x1082;
	[sflag:s4] =	ssyncset.s32 $0xFFFFF086  }
0x25: {  	[simem:s6], [sflag:s4] =	dma.local [hbm:s3], $0xF7A  }
0x26: {  	[smem:$0x3F98] =	sst s1;
	(tag) =	ssettag s2;
	_ =	strace s9  }
0x27: {  	s1 =	sld [smem:$0x3FA8]  }
0x28: {  	s2 =	sld [smem:$0x3FA9]  }
0x29: {  	s4 =	sld [smem:$0x3FAB]  }
0x2a: {  	p0 =	seq.s32 s5, $0x0;
	s5 =	sld [smem:$0x3FAC]  }
0x2b: {  	s6 =	sld [smem:$0x3FAD]  }
0x2c: {  	s7 =	sld [smem:$0x3FAE]  }
0x2d: {  	s3 =	simm.s32 $0x108;
	s8 =	sld [smem:$0x3FAF]  }
0x2e: {  	s3 =	simm.s32 @!p0 $0x1082;
	s9 =	sld [smem:$0x3FB0]  }
0x2f: {  	lr =	sadd.s32 s0, s3;
	s0 =	sld [smem:$0x3FA7]  }
0x30: {  	s3 =	sld [smem:$0x3FAA]  }
0x31: {  	[smem:$0x3FB3] =	sst s10  }
0x32: {  	s10 =	sld [smem:$0x3FB1];
	_ =	sdelay $0x3  }
0x33: {  	p0 =	seq.s32 s10, $0x1;
	s10 =	sld [smem:$0x3FB3];
	_ =	sdelay $0x3  }
0x34: {  	[smem:$0x3FB3] =	sst s10  }
0x35: {  	s10 =	sld [smem:$0x3FB2];
	_ =	sdelay $0x3  }
0x36: {  	p1 =	seq.s32 s10, $0x1;
	s10 =	sld [smem:$0x3FB3];
	_ =	sdelay $0x3  }
0x37: {  	[smem:$0x3FB3] =	sst s10  }
0x38: {  	s10 =	sld [smem:$0x3FB4]  }
0x39: {  	_ = 	snop;
	(pc) =	sbr.ind lr, $3  }
0x3a: {  	_ = 	snop  }
0x3b: {  	_ = 	snop  }
0x3c: {  	p2 =	seq.s32 s10, $0x1;
	s10 =	sld [smem:$0x3FB3]  }
0x3d: {  	_ =	shalt  }
0x3e: {  	_ =	shalt  }
0x3f: {  	_ =	shalt  }
0x40: {  	_ =	shalt  }
0x41: {  	_ =	shalt  }
0x42: {  	_ =	shalt  }
0x43: {  	_ =	shalt  }
0x44: {  	_ =	shalt  }
0x45: {  	_ =	shalt  }
0x46: {  	_ =	shalt  }
0x47: {  	_ =	shalt  }
0x48: {  	_ =	shalt  }
0x49: {  	_ =	shalt  }
0x4a: {  	_ =	shalt  }
0x4b: {  	_ =	shalt  }
0x4c: {  	_ =	shalt  }
0x4d: {  	_ =	shalt  }
0x4e: {  	_ =	shalt  }
0x4f: {  	_ =	shalt  }
0x50: {  	_ =	shalt  }
0x51: {  	_ =	shalt  }
0x52: {  	_ =	shalt  }
0x53: {  	_ =	shalt  }
0x54: {  	_ =	shalt  }
0x55: {  	_ =	shalt  }
0x56: {  	_ =	shalt  }
0x57: {  	_ =	shalt  }
0x58: {  	_ =	shalt  }
0x59: {  	_ =	shalt  }
0x5a: {  	_ =	shalt  }
0x5b: {  	_ =	shalt  }
0x5c: {  	_ =	shalt  }
0x5d: {  	_ =	shalt  }
0x5e: {  	_ =	shalt  }
0x5f: {  	_ =	shalt  }
0x60: {  	_ =	shalt  }
0x61: {  	_ =	shalt  }
0x62: {  	_ =	shalt  }
0x63: {  	_ =	shalt  }
0x64: {  	_ =	shalt  }
0x65: {  	_ =	shalt  }
0x66: {  	_ =	shalt  }
0x67: {  	_ =	shalt  }
0x68: {  	_ =	shalt  }
0x69: {  	_ =	shalt  }
0x6a: {  	_ =	shalt  }
0x6b: {  	_ =	shalt  }
0x6c: {  	_ =	shalt  }
0x6d: {  	_ =	shalt  }
0x6e: {  	_ =	shalt  }
0x6f: {  	_ =	shalt  }
0x70: {  	_ =	shalt  }
0x71: {  	_ =	shalt  }
0x72: {  	_ =	shalt  }
0x73: {  	_ =	shalt  }
0x74: {  	_ =	shalt  }
0x75: {  	_ =	shalt  }
0x76: {  	_ =	shalt  }
0x77: {  	_ =	shalt  }
0x78: {  	_ =	shalt  }
0x79: {  	_ =	shalt  }
0x7a: {  	_ =	shalt  }
0x7b: {  	_ =	shalt  }
0x7c: {  	_ =	shalt  }
0x7d: {  	_ =	shalt  }
0x7e: {  	_ =	shalt  }
0x7f: {  	_ =	shalt  }
0x80: {  	_ =	shalt  }
0x81: {  	_ =	shalt  }
0x82: {  	_ =	shalt  }
0x83: {  	_ =	shalt  }
0x84: {  	_ =	shalt  }
0x85: {  	_ =	shalt  }
0x86: {  	_ =	shalt  }
0x87: {  	_ =	shalt  }
.Lfunc_end0:
.L_simem_size_0:
called_computation_lowered:
.L_overlay_start_0:
0x88: {  	s2 =	sld [smem:$0x3FD9]  }
0x89: {  	s3 =	sld [smem:$0x3FFE];
	_ =	sdelay $0x1  }
0x8a: {  	s1 =	srdreg.scid  }
0x8b: {  	s0 =	sand.u32 $0x1, s1  }
0x8c: {  	s15 =	sshll.u32 s0, $0xA;
	s2 =	sadd.s32 s3, s2  }
0x8d: {  	s2 =	sadd.s32 s2, s15  }
0x8e: {  	[smem:$0x3FBF] =	sst s2  }
0x8f: {  	_ = 	snop  }
0x90: {  	s2 =	sld [smem:$0x3FD0];
	_ =	sdelay $0x1  }
0x91: {  	s16 =	sld [smem:$0x3FC9]  }
0x92: {  	s5 =	simm.s32 $0x12;
	s6 =	simm.s32 $0x10;
	s4 =	sld [smem:$0x3FC8]  }
0x93: {  	[smem:s6], [sflag:s5] =	dma.local [hbm:s2], $0x1  }
0x94: {  	_ =	swait.eq [sflag:s5], $0x1  }
0x95: {  	[sflag:s5] =	ssyncset.done $0x0  }
0x96: {  	[sflag:s5] =	ssyncadd.s32 $0xFFFFFFFF  }
0x97: {  	s17 =	sld [smem:$0x10]  }
0x98: {  	s5 =	sld [smem:$0x11];
	(tm) =	ssettm $0x1  }
0x99: {  	s18 =	sld [smem:$0x3FFB];
	_ =	sdelay $0x3  }
0x9a: {  	_ =	strace s18  }
0x9b: {  	s6 =	sld [smem:$0x3FFC];
	_ =	sdelay $0x3  }
0x9c: {  	_ =	strace s6  }
0x9d: {  	s6 =	sld [smem:$0x3FFD];
	_ =	sdelay $0x3  }
0x9e: {  	_ =	strace s6  }
0x9f: {  	_ =	strace $0x8FFFFFFF  }
0xa0: {  	s19 =	sld [smem:$0x3FDB];
	_ =	sdelay $0x1  }
0xa1: {  	s7 =	simm.s32 $_scs_section_size  }
0xa2: {  	s8 =	simm.s32 $_size__tile_overlayer_lowered;
	s9 =	simm.s32 $_tile_overlayer_lowered  }
0xa3: {  	s22 =	simm.s32 $0x1BFF;
	s21 =	sshll.u32 s9, $0x1;
	s6 =	sadd.s32 s7, s19  }
0xa4: {  	s10 =	simm.s32 $0x0;
	s20 =	sshll.u32 s8, $0x1;
	s8 =	sadd.s32 s21, s6  }
0xa5: {  	[timem:s10], [sflag:s22] =	dma.local [hbm:s8], s20  }
0xa6: {  	_ =	swait.ge [sflag:s22], s20  }
0xa7: {  	s7 =	ssub.s32 $0x0, s20;
	[sflag:s22] =	ssyncset.done $0x0  }
0xa8: {  	[sflag:s22] =	ssyncadd.s32 s7;
	_ =	sdelay $0x1  }
0xa9: {  	s23 =	simm.s32 $0x1B8B  }
0xaa: {  	_ =	swait.ge [sflag:s23], $0x1  }
0xab: {  	[sflag:s23] =	ssyncset.done $0x0  }
0xac: {  	s25 =	simm.s32 $0x1B8E;
	s24 =	sld [smem:$0x3FFE];
	[sflag:s23] =	ssyncadd.s32 $0xFFFFFFFF  }
0xad: {  	s26 =	simm.s32 $execute0_lowered;
	[smem:$0x3FD2] =	sst s25  }
0xae: {  	s8 =	sshll.u32 s26, $0x1;
	_ =	strace $0x80000046;
	[dreg:$0x1] =	wrdreg $0xFFFFFFFF  }
0xaf: {  	s28 =	simm.s32 $_size_execute0_lowered;
	s6 =	sadd.s32 s6, s8;
	[dreg:$0x0] =	wrdreg $0x0  }
0xb0: {  	s8 =	sshll.u32 s28, $0x1;
	[dreg:$0x2] =	wrdreg s6  }
0xb1: {  	[dreg:$0x3] =	wrdreg s8  }
0xb2: {  	[dreg:$0x4] =	wrdreg $0xC0  }
0xb3: {  	_ =	task [dreg:s10], $0x5FFFF  }
0xb4: {  	[dreg:$0x1] =	wrdreg $0xFFFFFFFF  }
0xb5: {  	[dreg:$0x0] =	wrdreg $0x60  }
0xb6: {  	[dreg:$0x2] =	wrdreg s16  }
0xb7: {  	[dreg:$0x3] =	wrdreg s4  }
0xb8: {  	[dreg:$0x4] =	wrdreg s24  }
0xb9: {  	[dreg:$0x5] =	wrdreg s5  }
0xba: {  	[dreg:$0x6] =	wrdreg s17  }
0xbb: {  	[dreg:$0x7] =	wrdreg $0x9  }
0xbc: {  	_ =	task.clear_ibuf [dreg:s10], $0x8FFFF;
	_ =	strace $0x90000046  }
0xbd: {  	s29 =	simm.s32 $0x9;
	_ =	strace $0x80000048  }
0xbe: {  	_ =	swait.ge [sflag:s29], $0x1  }
0xbf: {  	[sflag:s29] =	ssyncadd.s32 $0xFFFFFFFF  }
0xc0: {  	_ =	strace $0x90000048  }
0xc1: {  	_ =	sfence  }
0xc2: {  	s30 =	sld [smem:$0x0];
	_ =	sdelay $0x2  }
0xc3: {  	s31 =	sshll.u32 s1, $0xD;
	s1 =	sshrl.u32 s1, $0x2  }
0xc4: {  	s3 =	sand.u32 $0x4000, s31;
	s1 =	sadd.s32 s1, s30  }
0xc5: {  	s0 =	sor.u32 s3, s0;
	s1 =	sshll.u32 s1, $0x11  }
0xc6: {  	s0 =	sor.u32 s1, s0  }
0xc7: {  	s0 =	sadd.s32 $0x8F2B, s0  }
0xc8: {  	[sflag:s0] =	ssyncadd.remote.s32 $0x1  }
0xc9: {  	_ =	sfence.sel $0xFFFF  }
0xca: {  	[dreg:$0x0] =	wrdreg $0xFFFFFFFF;
	(pc) =	sbr.abs _section_cstart, $3  }
0xcb: {  	[dreg:$0x1] =	wrdreg $0xFFFFFFFF  }
0xcc: {  	_ =	task.clear_ibuf [dreg:s10], $0x2FFFF;
	_ =	strace $0x9FFFFFFF  }
0xcd: {  	(tm) =	ssettm $0x7FFFFFFF  }
tec
execute0_lowered:
.L_overlay_start_1:
0x0: {  	(tag) =	ssettag $0x1  }
0x1: {  	s2 =	rddreg [dreg:$0x0];
	s1 =	stileid.u32  }
0x2: {  	s3 =	rddreg [dreg:$0x1];
	p0 =	sgt.u32 s1, $0xA  }
.Ltmp0:
0x3: {  	s15 =	rddreg [dreg:$0x2];
	(pc) =	sbr.rel @p0 .LBB2_4-.Ltmp0, $4  }
0x4: {  	s12 =	rddreg [dreg:$0x3]  }
0x5: {  	s13 =	rddreg [dreg:$0x4];
	s4 =	simm.s32 $0x0  }
0x6: {  	[smem:$0x7FF] =	sst s4  }
0x7: {  	s0 =	rddreg [dreg:$0x5];
	_ =	strace $0x80000047  }
0x8: {  	s5 =	srdreg.scid  }
0x9: {  	s25 =	sshll.u32 s1, $0x1;
	s16 =	sand.u32 $0x1, s5  }
0xa: {  	s14 =	sor.u32 s16, s25  }
0xb: {  	s17 =	smul.u32 $0x32, s14  }
0xc: {  	s26 =	sadd.s32 $0xA600, s15  }
0xd: {  	s5 =	simm.s32 $0x3;
	s6 =	sadd.s32 s26, s17  }
0xe: {  	[tilespmem:s4], [sflag:$0x3] =	stream.linear.gather [hbm4b:s6+s4], $0x190, $0x38;
	[tilespmem:$0x19200] =	vst v63  }
0xf: {  	_ =	swait.ge [sflag:s5], $0x190  }
0x10: {  	[sflag:s5] =	ssyncset.done $0x0  }
0x11: {  	s7 =	simm.s32 $0x190;
	s8 =	simm.s32 $0x200;
	[sflag:s5] =	ssyncadd.s32 $0xFFFFFE70  }
0x12: {  	[tilespmem:s8], [sflag:$0x1] =	stream.indirect.gather [hbm4b:s2+s7], $0x80, s4, s7, $0xb8;
	[tilespmem:$0x19200] =	vst v63  }
0x13: {  	s9 =	simm.s32 $0xCA00;
	s10 =	simm.s32 $0x1  }
0x14: {  	[tilespmem:s9], [sflag:$0x2] =	stream.indirect.gather [hbm4b:s3+s7], $0x80, s4, s7, $0xb8;
	[tilespmem:$0x19200] =	vst v63  }
0x15: {  	_ =	swait.ge [sflag:s10], $0xC800  }
0x16: {  	[sflag:s10] =	ssyncset.done $0x0  }
0x17: {  	s11 =	simm.s32 $0x2;
	[sflag:s10] =	ssyncadd.s32 $0xFFFF3800  }
0x18: {  	s18 =	smul.u32 $0x1900, s14;
	_ =	swait.ge [sflag:s11], $0xC800  }
0x19: {  	[sflag:s11] =	ssyncset.done $0x0  }
0x1a: {  	s12 =	sadd.s32 s12, s18;
	[sflag:s11] =	ssyncadd.s32 $0xFFFF3800  }
0x1b: {  	[hbm4b:s12+s4] =	stream.linear.scatter [tilespmem:s8], [sflag:$0x3], $0xC800, $0x38;
	[tilespmem:$0x19200] =	vst v63  }
0x1c: {  	_ =	swait.ge [sflag:s5], $0xC800  }
0x1d: {  	[sflag:s5] =	ssyncset.done $0x0  }
0x1e: {  	s13 =	sadd.s32 s13, s18;
	[sflag:s5] =	ssyncadd.s32 $0xFFFF3800  }
0x1f: {  	[hbm4b:s13+s4] =	stream.linear.scatter [tilespmem:s9], [sflag:$0x3], $0xC800, $0x38;
	[tilespmem:$0x19200] =	vst v63  }
0x20: {  	_ =	swait.ge [sflag:s5], $0xC800  }
0x21: {  	s28 =	sadd.s32 s17, s15;
	[sflag:s5] =	ssyncset.done $0x0  }
0x22: {  	s14 =	sadd.s32 $0x8800, s28;
	[sflag:s5] =	ssyncadd.s32 $0xFFFF3800  }
0x23: {  	[tilespmem:s4], [sflag:$0x3] =	stream.linear.gather [hbm4b:s14+s4], $0x190, $0x38;
	[tilespmem:$0x19200] =	vst v63  }
0x24: {  	_ =	swait.ge [sflag:s5], $0x190  }
0x25: {  	[sflag:s5] =	ssyncset.done $0x0  }
0x26: {  	[sflag:s5] =	ssyncadd.s32 $0xFFFFFE70  }
0x27: {  	[tilespmem:s8], [sflag:$0x1] =	stream.indirect.gather [hbm4b:s2+s7], $0x80, s4, s7, $0xb8;
	[tilespmem:$0x19200] =	vst v63  }
0x28: {  	_ = 	snop  }
0x29: {  	[tilespmem:s9], [sflag:$0x2] =	stream.indirect.gather [hbm4b:s3+s7], $0x80, s4, s7, $0xb8;
	[tilespmem:$0x19200] =	vst v63  }
0x2a: {  	_ =	swait.ge [sflag:s10], $0xC800  }
0x2b: {  	[sflag:s10] =	ssyncset.done $0x0  }
0x2c: {  	s16 =	ssub.s32 $0x2, s16;
	[sflag:s10] =	ssyncadd.s32 $0xFFFF3800  }
0x2d: {  	s30 =	sshrl.u32 s16, $0x1;
	_ =	swait.ge [sflag:s11], $0xC800  }
0x2e: {  	s29 =	sadd.s32 s18, s15;
	s18 =	ssub.s32 s16, s30;
	[sflag:s11] =	ssyncset.done $0x0  }
0x2f: {  	s15 =	sadd.s32 $0xC400, s29;
	s31 =	smax.u32 s18, $0x1;
	[sflag:s11] =	ssyncadd.s32 $0xFFFF3800  }
0x30: {  	[hbm4b:s15+s4] =	stream.linear.scatter [tilespmem:s8], [sflag:$0x3], $0xC800, $0x38;
	[tilespmem:$0x19200] =	vst v63  }
0x31: {  	p0 =	sne.s32 s31, $0x1;
	_ =	swait.ge [sflag:s5], $0xC800  }
.Ltmp1:
0x32: {  	[sflag:s5] =	ssyncset.done $0x0;
	(pc) =	sbr.rel @!p0 .LBB2_3-.Ltmp1, $4  }
0x33: {  	s16 =	sadd.s32 $0x2EA00, s29;
	[sflag:s5] =	ssyncadd.s32 $0xFFFF3800  }
0x34: {  	[hbm4b:s16+s4] =	stream.linear.scatter [tilespmem:s9], [sflag:$0x3], $0xC800, $0x38;
	[tilespmem:$0x19200] =	vst v63  }
0x35: {  	_ =	swait.ge [sflag:s5], $0xC800  }
0x36: {  	s17 =	sadd.s32 $0xFFFFFFFF, s31;
	[sflag:s5] =	ssyncset.done $0x0  }
.LBB2_2:
0x37: {  	p0 =	sne.s32 s17, $0x1;
	s17 =	sadd.s32 $0xFFFFFFFF, s17;
	[sflag:s5] =	ssyncadd.s32 $0xFFFF3800  }
0x38: {  	[tilespmem:s4], [sflag:$0x3] =	stream.linear.gather [hbm4b:s6+s4], $0x190, $0x38;
	[tilespmem:$0x19200] =	vst v63  }
0x39: {  	_ =	swait.ge [sflag:s5], $0x190  }
0x3a: {  	[sflag:s5] =	ssyncset.done $0x0  }
0x3b: {  	[sflag:s5] =	ssyncadd.s32 $0xFFFFFE70  }
0x3c: {  	[tilespmem:s8], [sflag:$0x1] =	stream.indirect.gather [hbm4b:s2+s7], $0x80, s4, s7, $0xb8;
	[tilespmem:$0x19200] =	vst v63  }
0x3d: {  	_ = 	snop  }
0x3e: {  	[tilespmem:s9], [sflag:$0x2] =	stream.indirect.gather [hbm4b:s3+s7], $0x80, s4, s7, $0xb8;
	[tilespmem:$0x19200] =	vst v63  }
0x3f: {  	_ =	swait.ge [sflag:s10], $0xC800  }
0x40: {  	[sflag:s10] =	ssyncset.done $0x0  }
0x41: {  	[sflag:s10] =	ssyncadd.s32 $0xFFFF3800  }
0x42: {  	_ =	swait.ge [sflag:s11], $0xC800  }
0x43: {  	[sflag:s11] =	ssyncset.done $0x0  }
0x44: {  	[sflag:s11] =	ssyncadd.s32 $0xFFFF3800  }
0x45: {  	[hbm4b:s12+s4] =	stream.linear.scatter [tilespmem:s8], [sflag:$0x3], $0xC800, $0x38;
	[tilespmem:$0x19200] =	vst v63  }
0x46: {  	_ =	swait.ge [sflag:s5], $0xC800  }
0x47: {  	[sflag:s5] =	ssyncset.done $0x0  }
0x48: {  	[sflag:s5] =	ssyncadd.s32 $0xFFFF3800  }
0x49: {  	[hbm4b:s13+s4] =	stream.linear.scatter [tilespmem:s9], [sflag:$0x3], $0xC800, $0x38;
	[tilespmem:$0x19200] =	vst v63  }
0x4a: {  	_ =	swait.ge [sflag:s5], $0xC800  }
0x4b: {  	[sflag:s5] =	ssyncset.done $0x0  }
0x4c: {  	[sflag:s5] =	ssyncadd.s32 $0xFFFF3800  }
0x4d: {  	[tilespmem:s4], [sflag:$0x3] =	stream.linear.gather [hbm4b:s14+s4], $0x190, $0x38;
	[tilespmem:$0x19200] =	vst v63  }
0x4e: {  	_ =	swait.ge [sflag:s5], $0x190  }
0x4f: {  	[sflag:s5] =	ssyncset.done $0x0  }
0x50: {  	[sflag:s5] =	ssyncadd.s32 $0xFFFFFE70  }
0x51: {  	[tilespmem:s8], [sflag:$0x1] =	stream.indirect.gather [hbm4b:s2+s7], $0x80, s4, s7, $0xb8;
	[tilespmem:$0x19200] =	vst v63  }
0x52: {  	_ = 	snop  }
0x53: {  	[tilespmem:s9], [sflag:$0x2] =	stream.indirect.gather [hbm4b:s3+s7], $0x80, s4, s7, $0xb8;
	[tilespmem:$0x19200] =	vst v63  }
0x54: {  	_ =	swait.ge [sflag:s10], $0xC800  }
0x55: {  	[sflag:s10] =	ssyncset.done $0x0  }
0x56: {  	[sflag:s10] =	ssyncadd.s32 $0xFFFF3800  }
0x57: {  	_ =	swait.ge [sflag:s11], $0xC800  }
0x58: {  	[sflag:s11] =	ssyncset.done $0x0  }
0x59: {  	[sflag:s11] =	ssyncadd.s32 $0xFFFF3800  }
0x5a: {  	[hbm4b:s15+s4] =	stream.linear.scatter [tilespmem:s8], [sflag:$0x3], $0xC800, $0x38;
	[tilespmem:$0x19200] =	vst v63  }
0x5b: {  	_ =	swait.ge [sflag:s5], $0xC800  }
.Ltmp2:
0x5c: {  	[sflag:s5] =	ssyncset.done $0x0;
	(pc) =	sbr.rel @p0 .LBB2_2-.Ltmp2, $4  }
0x5d: {  	[sflag:s5] =	ssyncadd.s32 $0xFFFF3800  }
0x5e: {  	[hbm4b:s16+s4] =	stream.linear.scatter [tilespmem:s9], [sflag:$0x3], $0xC800, $0x38;
	[tilespmem:$0x19200] =	vst v63  }
0x5f: {  	_ =	swait.ge [sflag:s5], $0xC800  }
0x60: {  	[sflag:s5] =	ssyncset.done $0x0  }
.LBB2_3:
0x61: {  	[sflag:s5] =	ssyncadd.s32 $0xFFFF3800  }
.LBB2_4:
0x62: {  	_ =	sfence.sel $0x180000  }
0x63: {  	[bflag:$0x0] =	sbarrier.arrive $0xFFFF  }
0x64: {  	p0 =	sne.s32 s1, $0x0;
	_ =	strace $0x90000047  }
0x65: {  	s0 =	sadd.s32 @!p0 $0x100000, s0;
	[bflag:$0x2] =	sbarrier.arrive $0xFFFF  }
0x66: {  	[sflag:s0] =	ssyncadd.tile.s32 @!p0 $0x1;
	_ =	shalt  }
.Lfunc_end2:
_tile_overlayer_lowered:
.L_overlay_start_2:
0x67: {  	(tag) =	ssettag $0x2  }
0x68: {  	s0 =	rddreg [dreg:$0x0];
	s2 =	stileid.u32  }
0x69: {  	s1 =	rddreg [dreg:$0x1];
	p0 =	sne.s32 s2, $0x0  }
0x6a: {  	s3 =	rddreg [dreg:$0x2];
	[bflag:$0x3] =	sbarrier.arrive $0xFFFF;
	s2 =	simm.s32 @!p0 $0x1C03  }
0x6b: {  	[timem:s3], [sflag:s2] =	dma.local @!p0 [hbm:s0], s1  }
0x6c: {  	s0 =	simm.s32 @!p0 $0x3  }
0x6d: {  	_ =	swait.ge @!p0 [sflag:s0], s1  }
0x6e: {  	s1 =	ssub.s32 @!p0 $0x0, s1;
	[sflag:s0] =	ssyncset.done @!p0 $0x0  }
0x6f: {  	[sflag:s0] =	ssyncadd.s32 @!p0 s1  }
0x70: {  	[bflag:$0x3] =	sbarrier.arrive $0xFFFF  }
0x71: {  	_ =	shalt  }

// kernel: kernel.23.cloned.1.call-start
scs
__scs_entry_jumppad:
0x0: {  	(pc) =	sbr.rel $0x88, $3  }
0x1: {  	(tag) =	ssettag $0x0;
	lr =	simm.s32 $0x1  }
0x2: {  	[smem:$0x3F98] =	sst lr;
	_ =	strace $0xD0000000  }
0x3: {  	_ = 	snop  }
0x4: {  	_ = 	snop  }
0x5: {  	_ = 	snop  }
0x6: {  	_ = 	snop  }
0x7: {  	_ = 	snop  }
__scs_overlays_trampoline_lowered:
0x8: {  	[smem:$0x3FA7] =	sst s0  }
0x9: {  	[smem:$0x3FA8] =	sst s1  }
0xa: {  	[smem:$0x3FA9] =	sst s2  }
0xb: {  	[smem:$0x3FAA] =	sst s3  }
0xc: {  	[smem:$0x3FAB] =	sst s4  }
0xd: {  	[smem:$0x3FAC] =	sst s5  }
0xe: {  	[smem:$0x3FAD] =	sst s6  }
0xf: {  	[smem:$0x3FAE] =	sst s7  }
0x10: {  	[smem:$0x3FAF] =	sst s8  }
0x11: {  	[smem:$0x3FB0] =	sst s9;
	s0 =	simm.s32 @!p0 $0x0  }
0x12: {  	s1 =	sld [smem:$0x3F96];
	s0 =	simm.s32 @p0 $0x1  }
0x13: {  	[smem:$0x3FB1] =	sst s0;
	s0 =	simm.s32 @!p1 $0x0  }
0x14: {  	s2 =	sld [smem:$0x3F95];
	s0 =	simm.s32 @p1 $0x1  }
0x15: {  	[smem:$0x3FB2] =	sst s0;
	s0 =	simm.s32 @!p2 $0x0  }
0x16: {  	s3 =	sld [smem:$0x3FDB];
	s0 =	simm.s32 @p2 $0x1  }
0x17: {  	s4 =	simm.s32 $0x1BF5;
	[smem:$0x3FB4] =	sst s0  }
0x18: {  	s0 =	sld [smem:$0x3F97];
	_ =	swait.ge [sflag:s4], $0x0  }
0x19: {  	s7 =	sld [smem:$0x3F98]  }
0x1a: {  	s8 =	sadd.s32 $0xFFFFE003, lr  }
0x1b: {  	s9 =	sadd.s32 $0xFFFFFEF7, lr;
	s5 =	simm.s32 $0xFFFFFFFF;
	p2 =	slt.u32 s8, $0xFFFFF086  }
0x1c: {  	p1 =	slt.u32 s9, $0xF7A;
	s5 =	simm.s32 @!p2 $0x0  }
0x1d: {  	s5 =	simm.s32 @p1 $0x1;
	p0 =	seq.s32 s7, s2  }
0x1e: {  	s7 =	smul.u32 @!p0 $0xF7A, s2;
	p2 =	seq.s32 @!p0 s5, $0x0  }
0x1f: {  	s9 =	smul.u32 $0xF7A, s1;
	s8 =	simm.s32 @!p0 $0x1BF5;
	p2 =	por !p2, p0  }
0x20: {  	[sflag:s8] =	ssyncset.s32 @!p0 $0xFFFFF086;
	s6 =	sadd.s32 @!p0 s3, s7;
	s7 =	simm.s32 @!p0 $0x108  }
0x21: {  	s3 =	sadd.s32 s3, s9;
	s6 =	sadd.s32 @!p0 $0x88, s6;
	s7 =	simm.s32 @p2 $0x1082  }
0x22: {  	[simem:s7], [sflag:s8] =	dma.local @!p0 [hbm:s6], $0xF7A  }
0x23: {  	s9 =	sor.u32 $0xD0000000, s2;
	s6 =	simm.s32 $0x108;
	_ =	swait.ge @!p0 [sflag:s8], $0x0  }
0x24: {  	s3 =	sadd.s32 $0x88, s3;
	s6 =	simm.s32 @!p1 $0x1082;
	[sflag:s4] =	ssyncset.s32 $0xFFFFF086  }
0x25: {  	[simem:s6], [sflag:s4] =	dma.local [hbm:s3], $0xF7A  }
0x26: {  	[smem:$0x3F98] =	sst s1;
	(tag) =	ssettag s2;
	_ =	strace s9  }
0x27: {  	s1 =	sld [smem:$0x3FA8]  }
0x28: {  	s2 =	sld [smem:$0x3FA9]  }
0x29: {  	s4 =	sld [smem:$0x3FAB]  }
0x2a: {  	p0 =	seq.s32 s5, $0x0;
	s5 =	sld [smem:$0x3FAC]  }
0x2b: {  	s6 =	sld [smem:$0x3FAD]  }
0x2c: {  	s7 =	sld [smem:$0x3FAE]  }
0x2d: {  	s3 =	simm.s32 $0x108;
	s8 =	sld [smem:$0x3FAF]  }
0x2e: {  	s3 =	simm.s32 @!p0 $0x1082;
	s9 =	sld [smem:$0x3FB0]  }
0x2f: {  	lr =	sadd.s32 s0, s3;
	s0 =	sld [smem:$0x3FA7]  }
0x30: {  	s3 =	sld [smem:$0x3FAA]  }
0x31: {  	[smem:$0x3FB3] =	sst s10  }
0x32: {  	s10 =	sld [smem:$0x3FB1];
	_ =	sdelay $0x3  }
0x33: {  	p0 =	seq.s32 s10, $0x1;
	s10 =	sld [smem:$0x3FB3];
	_ =	sdelay $0x3  }
0x34: {  	[smem:$0x3FB3] =	sst s10  }
0x35: {  	s10 =	sld [smem:$0x3FB2];
	_ =	sdelay $0x3  }
0x36: {  	p1 =	seq.s32 s10, $0x1;
	s10 =	sld [smem:$0x3FB3];
	_ =	sdelay $0x3  }
0x37: {  	[smem:$0x3FB3] =	sst s10  }
0x38: {  	s10 =	sld [smem:$0x3FB4]  }
0x39: {  	_ = 	snop;
	(pc) =	sbr.ind lr, $3  }
0x3a: {  	_ = 	snop  }
0x3b: {  	_ = 	snop  }
0x3c: {  	p2 =	seq.s32 s10, $0x1;
	s10 =	sld [smem:$0x3FB3]  }
0x3d: {  	_ =	shalt  }
0x3e: {  	_ =	shalt  }
0x3f: {  	_ =	shalt  }
0x40: {  	_ =	shalt  }
0x41: {  	_ =	shalt  }
0x42: {  	_ =	shalt  }
0x43: {  	_ =	shalt  }
0x44: {  	_ =	shalt  }
0x45: {  	_ =	shalt  }
0x46: {  	_ =	shalt  }
0x47: {  	_ =	shalt  }
0x48: {  	_ =	shalt  }
0x49: {  	_ =	shalt  }
0x4a: {  	_ =	shalt  }
0x4b: {  	_ =	shalt  }
0x4c: {  	_ =	shalt  }
0x4d: {  	_ =	shalt  }
0x4e: {  	_ =	shalt  }
0x4f: {  	_ =	shalt  }
0x50: {  	_ =	shalt  }
0x51: {  	_ =	shalt  }
0x52: {  	_ =	shalt  }
0x53: {  	_ =	shalt  }
0x54: {  	_ =	shalt  }
0x55: {  	_ =	shalt  }
0x56: {  	_ =	shalt  }
0x57: {  	_ =	shalt  }
0x58: {  	_ =	shalt  }
0x59: {  	_ =	shalt  }
0x5a: {  	_ =	shalt  }
0x5b: {  	_ =	shalt  }
0x5c: {  	_ =	shalt  }
0x5d: {  	_ =	shalt  }
0x5e: {  	_ =	shalt  }
0x5f: {  	_ =	shalt  }
0x60: {  	_ =	shalt  }
0x61: {  	_ =	shalt  }
0x62: {  	_ =	shalt  }
0x63: {  	_ =	shalt  }
0x64: {  	_ =	shalt  }
0x65: {  	_ =	shalt  }
0x66: {  	_ =	shalt  }
0x67: {  	_ =	shalt  }
0x68: {  	_ =	shalt  }
0x69: {  	_ =	shalt  }
0x6a: {  	_ =	shalt  }
0x6b: {  	_ =	shalt  }
0x6c: {  	_ =	shalt  }
0x6d: {  	_ =	shalt  }
0x6e: {  	_ =	shalt  }
0x6f: {  	_ =	shalt  }
0x70: {  	_ =	shalt  }
0x71: {  	_ =	shalt  }
0x72: {  	_ =	shalt  }
0x73: {  	_ =	shalt  }
0x74: {  	_ =	shalt  }
0x75: {  	_ =	shalt  }
0x76: {  	_ =	shalt  }
0x77: {  	_ =	shalt  }
0x78: {  	_ =	shalt  }
0x79: {  	_ =	shalt  }
0x7a: {  	_ =	shalt  }
0x7b: {  	_ =	shalt  }
0x7c: {  	_ =	shalt  }
0x7d: {  	_ =	shalt  }
0x7e: {  	_ =	shalt  }
0x7f: {  	_ =	shalt  }
0x80: {  	_ =	shalt  }
0x81: {  	_ =	shalt  }
0x82: {  	_ =	shalt  }
0x83: {  	_ =	shalt  }
0x84: {  	_ =	shalt  }
0x85: {  	_ =	shalt  }
0x86: {  	_ =	shalt  }
0x87: {  	_ =	shalt  }
.Lfunc_end0:
.L_simem_size_0:
called_computation.1_lowered:
.L_overlay_start_0:
0x88: {  	s2 =	sld [smem:$0x3FD9]  }
0x89: {  	s3 =	sld [smem:$0x3FFE];
	_ =	sdelay $0x1  }
0x8a: {  	s1 =	srdreg.scid  }
0x8b: {  	s0 =	sand.u32 $0x1, s1  }
0x8c: {  	s17 =	sshll.u32 s0, $0xA;
	s2 =	sadd.s32 s3, s2  }
0x8d: {  	s2 =	sadd.s32 s2, s17  }
0x8e: {  	[smem:$0x3FBF] =	sst s2  }
0x8f: {  	_ = 	snop  }
0x90: {  	s18 =	sld [smem:$0x3FC9]  }
0x91: {  	s4 =	sld [smem:$0x3FC8];
	(tm) =	ssettm $0x1  }
0x92: {  	s19 =	sld [smem:$0x3FFB];
	_ =	sdelay $0x3  }
0x93: {  	_ =	strace s19  }
0x94: {  	s2 =	sld [smem:$0x3FFC];
	_ =	sdelay $0x3  }
0x95: {  	_ =	strace s2  }
0x96: {  	s2 =	sld [smem:$0x3FFD];
	_ =	sdelay $0x3  }
0x97: {  	_ =	strace s2  }
0x98: {  	_ =	strace $0x8FFFFFFF  }
0x99: {  	s20 =	sld [smem:$0x3FDB];
	_ =	sdelay $0x1  }
0x9a: {  	s5 =	simm.s32 $_scs_section_size  }
0x9b: {  	s6 =	simm.s32 $_size__tile_overlayer_lowered;
	s7 =	simm.s32 $_tile_overlayer_lowered  }
0x9c: {  	s8 =	simm.s32 $0x1BFF;
	s21 =	sshll.u32 s7, $0x1;
	s5 =	sadd.s32 s5, s20  }
0x9d: {  	s22 =	simm.s32 $0x0;
	s6 =	sshll.u32 s6, $0x1;
	s7 =	sadd.s32 s21, s5  }
0x9e: {  	[timem:s22], [sflag:s8] =	dma.local [hbm:s7], s6  }
0x9f: {  	_ =	swait.ge [sflag:s8], s6  }
0xa0: {  	s6 =	ssub.s32 $0x0, s6;
	[sflag:s8] =	ssyncset.done $0x0  }
0xa1: {  	[sflag:s8] =	ssyncadd.s32 s6;
	_ =	sdelay $0x1  }
0xa2: {  	s23 =	simm.s32 $0x1B8B  }
0xa3: {  	_ =	swait.ge [sflag:s23], $0x1  }
0xa4: {  	[sflag:s23] =	ssyncset.done $0x0  }
0xa5: {  	[sflag:s23] =	ssyncadd.s32 $0xFFFFFFFF  }
0xa6: {  	s6 =	sld [smem:$0x0]  }
0xa7: {  	s7 =	sand.u32 $0xFFFFFFFE, s1  }
0xa8: {  	p0 =	sne.s32 s1, s7  }
0xa9: {  	s7 =	sshll.u32 @p0 s7, $0xE  }
0xaa: {  	s7 =	sadd.s32 @p0 $0x11B8D, s7;
	s8 =	sshll.u32 @p0 s6, $0x11  }
0xab: {  	s7 =	sor.u32 @p0 s8, s7  }
0xac: {  	[sflag:s7] =	ssyncadd.remote.s32 @p0 $0x1;
	_ =	sdelay $0x1  }
0xad: {  	s7 =	simm.s32 @p0 $0x1B8D  }
0xae: {  	_ =	swait.eq @p0 [sflag:s7], $0x1  }
0xaf: {  	[sflag:s7] =	ssyncadd.s32 @p0 $0xFFFFFFFF  }
0xb0: {  	s8 =	sshll.u32 @!p0 s1, $0xE  }
0xb1: {  	s8 =	sor.u32 @!p0 $0x4000, s8;
	s7 =	simm.s32 @!p0 $0x1B8D  }
0xb2: {  	s6 =	sshll.u32 @!p0 s6, $0x11;
	s8 =	sadd.s32 @!p0 $0x11B8D, s8;
	_ =	swait.eq @!p0 [sflag:s7], $0x1  }
0xb3: {  	s6 =	sor.u32 @!p0 s6, s8;
	[sflag:s7] =	ssyncadd.s32 @!p0 $0xFFFFFFFF  }
0xb4: {  	s25 =	simm.s32 $0x1B8E;
	s24 =	sld [smem:$0x3FFE];
	[sflag:s6] =	ssyncadd.remote.s32 @!p0 $0x1  }
0xb5: {  	s26 =	simm.s32 $execute0_lowered;
	[smem:$0x3FD2] =	sst s25  }
0xb6: {  	s7 =	sshll.u32 s26, $0x1;
	_ =	strace $0x80000049;
	[dreg:$0x1] =	wrdreg $0xFFFFFFFF  }
0xb7: {  	s28 =	simm.s32 $_size_execute0_lowered;
	s5 =	sadd.s32 s5, s7;
	[dreg:$0x0] =	wrdreg $0x0  }
0xb8: {  	s7 =	sshll.u32 s28, $0x1;
	[dreg:$0x2] =	wrdreg s5  }
0xb9: {  	[dreg:$0x3] =	wrdreg s7  }
0xba: {  	[dreg:$0x4] =	wrdreg $0xC0  }
0xbb: {  	_ =	task [dreg:s22], $0x5FFFF  }
0xbc: {  	[dreg:$0x1] =	wrdreg $0xFFFFFFFF  }
0xbd: {  	[dreg:$0x0] =	wrdreg $0x60  }
0xbe: {  	[dreg:$0x2] =	wrdreg s18  }
0xbf: {  	[dreg:$0x3] =	wrdreg s4  }
0xc0: {  	[dreg:$0x4] =	wrdreg s24  }
0xc1: {  	[dreg:$0x5] =	wrdreg $0xA  }
0xc2: {  	_ =	task.clear_ibuf [dreg:s22], $0x6FFFF;
	_ =	strace $0x90000049  }
0xc3: {  	s29 =	simm.s32 $0xA;
	_ =	strace $0x8000004B  }
0xc4: {  	_ =	swait.ge [sflag:s29], $0x1  }
0xc5: {  	[sflag:s29] =	ssyncadd.s32 $0xFFFFFFFF  }
0xc6: {  	_ =	strace $0x9000004B  }
0xc7: {  	_ =	sfence  }
0xc8: {  	s30 =	sld [smem:$0x0];
	_ =	sdelay $0x2  }
0xc9: {  	s31 =	sshll.u32 s1, $0xD;
	s1 =	sshrl.u32 s1, $0x2  }
0xca: {  	s4 =	sand.u32 $0x4000, s31;
	s1 =	sadd.s32 s1, s30  }
0xcb: {  	s0 =	sor.u32 s4, s0;
	s1 =	sshll.u32 s1, $0x11  }
0xcc: {  	s0 =	sor.u32 s1, s0  }
0xcd: {  	s0 =	sadd.s32 $0x8F2B, s0  }
0xce: {  	[sflag:s0] =	ssyncadd.remote.s32 $0x1  }
0xcf: {  	_ =	sfence.sel $0xFFFF  }
0xd0: {  	[dreg:$0x0] =	wrdreg $0xFFFFFFFF;
	(pc) =	sbr.abs _section_cstart, $3  }
0xd1: {  	[dreg:$0x1] =	wrdreg $0xFFFFFFFF  }
0xd2: {  	_ =	task.clear_ibuf [dreg:s22], $0x2FFFF;
	_ =	strace $0x9FFFFFFF  }
0xd3: {  	(tm) =	ssettm $0x7FFFFFFF  }
tec
execute0_lowered:
.L_overlay_start_1:
0x0: {  	(tag) =	ssettag $0x1  }
0x1: {  	s1 =	srdreg.scid;
	s0 =	stileid.u32  }
0x2: {  	s15 =	sand.u32 $0x1, s1;
	s31 =	sshll.u32 s0, $0x1  }
0x3: {  	s2 =	rddreg [dreg:$0x0];
	s11 =	sor.u32 s15, s31  }
0x4: {  	s3 =	rddreg [dreg:$0x1];
	s5 =	smul.u32 $0x190, s11  }
0x5: {  	s12 =	rddreg [dreg:$0x2]  }
0x6: {  	s4 =	simm.s32 $0x0;
	s1 =	rddreg [dreg:$0x3];
	s5 =	sshrl.u32 s5, $0x3  }
0x7: {  	[smem:$0x7FF] =	sst s4;
	s14 =	sadd.s32 s12, s5  }
0x8: {  	_ =	strace $0x8000004A;
	s5 =	simm.s32 $0x3;
	s6 =	sadd.s32 $0xAA4C, s14  }
0x9: {  	[tilespmem:s4], [sflag:$0x3] =	stream.linear.gather [hbm4b:s6+s4], $0x190, $0x38;
	[tilespmem:$0x19200] =	vst v63  }
0xa: {  	_ =	swait.ge [sflag:s5], $0x190  }
0xb: {  	[sflag:s5] =	ssyncset.done $0x0  }
0xc: {  	s7 =	simm.s32 $0x190;
	s8 =	simm.s32 $0x200;
	[sflag:s5] =	ssyncadd.s32 $0xFFFFFE70  }
0xd: {  	[tilespmem:s8], [sflag:$0x1] =	stream.indirect.gather [hbm4b:s2+s7], $0x80, s4, s7, $0xb8;
	[tilespmem:$0x19200] =	vst v63  }
0xe: {  	s9 =	simm.s32 $0xCA00;
	s10 =	simm.s32 $0x1  }
0xf: {  	[tilespmem:s9], [sflag:$0x2] =	stream.indirect.gather [hbm4b:s3+s7], $0x80, s4, s7, $0xb8;
	[tilespmem:$0x19200] =	vst v63  }
0x10: {  	_ =	swait.ge [sflag:s10], $0xC800  }
0x11: {  	[sflag:s10] =	ssyncset.done $0x0  }
0x12: {  	s13 =	smul.u32 $0x1900, s11;
	s11 =	simm.s32 $0x2;
	[sflag:s10] =	ssyncadd.s32 $0xFFFF3800  }
0x13: {  	_ =	swait.ge [sflag:s11], $0xC800  }
0x14: {  	s16 =	sadd.s32 s13, s12;
	[sflag:s11] =	ssyncset.done $0x0  }
0x15: {  	s12 =	sadd.s32 $0x51000, s16;
	[sflag:s11] =	ssyncadd.s32 $0xFFFF3800  }
0x16: {  	[hbm4b:s12+s4] =	stream.linear.scatter [tilespmem:s8], [sflag:$0x3], $0xC800, $0x38;
	[tilespmem:$0x19200] =	vst v63  }
0x17: {  	_ =	swait.ge [sflag:s5], $0xC800  }
0x18: {  	[sflag:s5] =	ssyncset.done $0x0  }
0x19: {  	s13 =	sadd.s32 $0x83000, s16;
	[sflag:s5] =	ssyncadd.s32 $0xFFFF3800  }
0x1a: {  	[hbm4b:s13+s4] =	stream.linear.scatter [tilespmem:s9], [sflag:$0x3], $0xC800, $0x38;
	[tilespmem:$0x19200] =	vst v63  }
0x1b: {  	_ =	swait.ge [sflag:s5], $0xC800  }
0x1c: {  	[sflag:s5] =	ssyncset.done $0x0  }
0x1d: {  	s14 =	sadd.s32 $0x8C4C, s14;
	[sflag:s5] =	ssyncadd.s32 $0xFFFF3800  }
0x1e: {  	[tilespmem:s4], [sflag:$0x3] =	stream.linear.gather [hbm4b:s14+s4], $0x190, $0x38;
	[tilespmem:$0x19200] =	vst v63  }
0x1f: {  	_ =	swait.ge [sflag:s5], $0x190  }
0x20: {  	[sflag:s5] =	ssyncset.done $0x0  }
0x21: {  	[sflag:s5] =	ssyncadd.s32 $0xFFFFFE70  }
0x22: {  	[tilespmem:s8], [sflag:$0x1] =	stream.indirect.gather [hbm4b:s2+s7], $0x80, s4, s7, $0xb8;
	[tilespmem:$0x19200] =	vst v63  }
0x23: {  	_ = 	snop  }
0x24: {  	[tilespmem:s9], [sflag:$0x2] =	stream.indirect.gather [hbm4b:s3+s7], $0x80, s4, s7, $0xb8;
	[tilespmem:$0x19200] =	vst v63  }
0x25: {  	_ =	swait.ge [sflag:s10], $0xC800  }
0x26: {  	[sflag:s10] =	ssyncset.done $0x0  }
0x27: {  	s17 =	ssub.s32 $0x2, s15;
	[sflag:s10] =	ssyncadd.s32 $0xFFFF3800  }
0x28: {  	s18 =	sshrl.u32 s17, $0x1;
	_ =	swait.ge [sflag:s11], $0xC800  }
0x29: {  	s17 =	ssub.s32 s17, s18;
	[sflag:s11] =	ssyncset.done $0x0  }
0x2a: {  	s17 =	smax.u32 s17, $0x1;
	s15 =	sadd.s32 $0xB5000, s16;
	[sflag:s11] =	ssyncadd.s32 $0xFFFF3800  }
0x2b: {  	[hbm4b:s15+s4] =	stream.linear.scatter [tilespmem:s8], [sflag:$0x3], $0xC800, $0x38;
	[tilespmem:$0x19200] =	vst v63  }
0x2c: {  	p0 =	sne.s32 s17, $0x1;
	_ =	swait.ge [sflag:s5], $0xC800  }
.Ltmp0:
0x2d: {  	[sflag:s5] =	ssyncset.done $0x0;
	(pc) =	sbr.rel @!p0 .LBB2_2-.Ltmp0, $4  }
0x2e: {  	s16 =	sadd.s32 $0xE7000, s16;
	[sflag:s5] =	ssyncadd.s32 $0xFFFF3800  }
0x2f: {  	[hbm4b:s16+s4] =	stream.linear.scatter [tilespmem:s9], [sflag:$0x3], $0xC800, $0x38;
	[tilespmem:$0x19200] =	vst v63  }
0x30: {  	_ =	swait.ge [sflag:s5], $0xC800  }
0x31: {  	s17 =	sadd.s32 $0xFFFFFFFF, s17;
	[sflag:s5] =	ssyncset.done $0x0  }
.LBB2_1:
0x32: {  	p0 =	sne.s32 s17, $0x1;
	s17 =	sadd.s32 $0xFFFFFFFF, s17;
	[sflag:s5] =	ssyncadd.s32 $0xFFFF3800  }
0x33: {  	[tilespmem:s4], [sflag:$0x3] =	stream.linear.gather [hbm4b:s6+s4], $0x190, $0x38;
	[tilespmem:$0x19200] =	vst v63  }
0x34: {  	_ =	swait.ge [sflag:s5], $0x190  }
0x35: {  	[sflag:s5] =	ssyncset.done $0x0  }
0x36: {  	[sflag:s5] =	ssyncadd.s32 $0xFFFFFE70  }
0x37: {  	[tilespmem:s8], [sflag:$0x1] =	stream.indirect.gather [hbm4b:s2+s7], $0x80, s4, s7, $0xb8;
	[tilespmem:$0x19200] =	vst v63  }
0x38: {  	_ = 	snop  }
0x39: {  	[tilespmem:s9], [sflag:$0x2] =	stream.indirect.gather [hbm4b:s3+s7], $0x80, s4, s7, $0xb8;
	[tilespmem:$0x19200] =	vst v63  }
0x3a: {  	_ =	swait.ge [sflag:s10], $0xC800  }
0x3b: {  	[sflag:s10] =	ssyncset.done $0x0  }
0x3c: {  	[sflag:s10] =	ssyncadd.s32 $0xFFFF3800  }
0x3d: {  	_ =	swait.ge [sflag:s11], $0xC800  }
0x3e: {  	[sflag:s11] =	ssyncset.done $0x0  }
0x3f: {  	[sflag:s11] =	ssyncadd.s32 $0xFFFF3800  }
0x40: {  	[hbm4b:s12+s4] =	stream.linear.scatter [tilespmem:s8], [sflag:$0x3], $0xC800, $0x38;
	[tilespmem:$0x19200] =	vst v63  }
0x41: {  	_ =	swait.ge [sflag:s5], $0xC800  }
0x42: {  	[sflag:s5] =	ssyncset.done $0x0  }
0x43: {  	[sflag:s5] =	ssyncadd.s32 $0xFFFF3800  }
0x44: {  	[hbm4b:s13+s4] =	stream.linear.scatter [tilespmem:s9], [sflag:$0x3], $0xC800, $0x38;
	[tilespmem:$0x19200] =	vst v63  }
0x45: {  	_ =	swait.ge [sflag:s5], $0xC800  }
0x46: {  	[sflag:s5] =	ssyncset.done $0x0  }
0x47: {  	[sflag:s5] =	ssyncadd.s32 $0xFFFF3800  }
0x48: {  	[tilespmem:s4], [sflag:$0x3] =	stream.linear.gather [hbm4b:s14+s4], $0x190, $0x38;
	[tilespmem:$0x19200] =	vst v63  }
0x49: {  	_ =	swait.ge [sflag:s5], $0x190  }
0x4a: {  	[sflag:s5] =	ssyncset.done $0x0  }
0x4b: {  	[sflag:s5] =	ssyncadd.s32 $0xFFFFFE70  }
0x4c: {  	[tilespmem:s8], [sflag:$0x1] =	stream.indirect.gather [hbm4b:s2+s7], $0x80, s4, s7, $0xb8;
	[tilespmem:$0x19200] =	vst v63  }
0x4d: {  	_ = 	snop  }
0x4e: {  	[tilespmem:s9], [sflag:$0x2] =	stream.indirect.gather [hbm4b:s3+s7], $0x80, s4, s7, $0xb8;
	[tilespmem:$0x19200] =	vst v63  }
0x4f: {  	_ =	swait.ge [sflag:s10], $0xC800  }
0x50: {  	[sflag:s10] =	ssyncset.done $0x0  }
0x51: {  	[sflag:s10] =	ssyncadd.s32 $0xFFFF3800  }
0x52: {  	_ =	swait.ge [sflag:s11], $0xC800  }
0x53: {  	[sflag:s11] =	ssyncset.done $0x0  }
0x54: {  	[sflag:s11] =	ssyncadd.s32 $0xFFFF3800  }
0x55: {  	[hbm4b:s15+s4] =	stream.linear.scatter [tilespmem:s8], [sflag:$0x3], $0xC800, $0x38;
	[tilespmem:$0x19200] =	vst v63  }
0x56: {  	_ =	swait.ge [sflag:s5], $0xC800  }
.Ltmp1:
0x57: {  	[sflag:s5] =	ssyncset.done $0x0;
	(pc) =	sbr.rel @p0 .LBB2_1-.Ltmp1, $4  }
0x58: {  	[sflag:s5] =	ssyncadd.s32 $0xFFFF3800  }
0x59: {  	[hbm4b:s16+s4] =	stream.linear.scatter [tilespmem:s9], [sflag:$0x3], $0xC800, $0x38;
	[tilespmem:$0x19200] =	vst v63  }
0x5a: {  	_ =	swait.ge [sflag:s5], $0xC800  }
0x5b: {  	[sflag:s5] =	ssyncset.done $0x0  }
.LBB2_2:
0x5c: {  	[sflag:s5] =	ssyncadd.s32 $0xFFFF3800  }
0x5d: {  	_ =	sfence.sel $0x180000  }
0x5e: {  	[bflag:$0x0] =	sbarrier.arrive $0xFFFF  }
0x5f: {  	p0 =	sne.s32 s0, $0x0;
	_ =	strace $0x9000004A  }
0x60: {  	s0 =	sadd.s32 @!p0 $0x100000, s1;
	[bflag:$0x2] =	sbarrier.arrive $0xFFFF  }
0x61: {  	[sflag:s0] =	ssyncadd.tile.s32 @!p0 $0x1;
	_ =	shalt  }
.Lfunc_end2:
_tile_overlayer_lowered:
.L_overlay_start_2:
0x62: {  	(tag) =	ssettag $0x2  }
0x63: {  	s0 =	rddreg [dreg:$0x0];
	s2 =	stileid.u32  }
0x64: {  	s1 =	rddreg [dreg:$0x1];
	p0 =	sne.s32 s2, $0x0  }
0x65: {  	s3 =	rddreg [dreg:$0x2];
	[bflag:$0x3] =	sbarrier.arrive $0xFFFF;
	s2 =	simm.s32 @!p0 $0x1C03  }
0x66: {  	[timem:s3], [sflag:s2] =	dma.local @!p0 [hbm:s0], s1  }
0x67: {  	s0 =	simm.s32 @!p0 $0x3  }
0x68: {  	_ =	swait.ge @!p0 [sflag:s0], s1  }
0x69: {  	s1 =	ssub.s32 @!p0 $0x0, s1;
	[sflag:s0] =	ssyncset.done @!p0 $0x0  }
0x6a: {  	[sflag:s0] =	ssyncadd.s32 @!p0 s1  }
0x6b: {  	[bflag:$0x3] =	sbarrier.arrive $0xFFFF  }
0x6c: {  	_ =	shalt  }

// kernel: kernel.26.cloned.1.call-start
scs
__scs_entry_jumppad:
0x0: {  	(pc) =	sbr.rel $0x88, $3  }
0x1: {  	(tag) =	ssettag $0x0;
	lr =	simm.s32 $0x1  }
0x2: {  	[smem:$0x3F98] =	sst lr;
	_ =	strace $0xD0000000  }
0x3: {  	_ = 	snop  }
0x4: {  	_ = 	snop  }
0x5: {  	_ = 	snop  }
0x6: {  	_ = 	snop  }
0x7: {  	_ = 	snop  }
__scs_overlays_trampoline_lowered:
0x8: {  	[smem:$0x3FA7] =	sst s0  }
0x9: {  	[smem:$0x3FA8] =	sst s1  }
0xa: {  	[smem:$0x3FA9] =	sst s2  }
0xb: {  	[smem:$0x3FAA] =	sst s3  }
0xc: {  	[smem:$0x3FAB] =	sst s4  }
0xd: {  	[smem:$0x3FAC] =	sst s5  }
0xe: {  	[smem:$0x3FAD] =	sst s6  }
0xf: {  	[smem:$0x3FAE] =	sst s7  }
0x10: {  	[smem:$0x3FAF] =	sst s8  }
0x11: {  	[smem:$0x3FB0] =	sst s9;
	s0 =	simm.s32 @!p0 $0x0  }
0x12: {  	s1 =	sld [smem:$0x3F96];
	s0 =	simm.s32 @p0 $0x1  }
0x13: {  	[smem:$0x3FB1] =	sst s0;
	s0 =	simm.s32 @!p1 $0x0  }
0x14: {  	s2 =	sld [smem:$0x3F95];
	s0 =	simm.s32 @p1 $0x1  }
0x15: {  	[smem:$0x3FB2] =	sst s0;
	s0 =	simm.s32 @!p2 $0x0  }
0x16: {  	s3 =	sld [smem:$0x3FDB];
	s0 =	simm.s32 @p2 $0x1  }
0x17: {  	s4 =	simm.s32 $0x1BF5;
	[smem:$0x3FB4] =	sst s0  }
0x18: {  	s0 =	sld [smem:$0x3F97];
	_ =	swait.ge [sflag:s4], $0x0  }
0x19: {  	s7 =	sld [smem:$0x3F98]  }
0x1a: {  	s8 =	sadd.s32 $0xFFFFE003, lr  }
0x1b: {  	s9 =	sadd.s32 $0xFFFFFEF7, lr;
	s5 =	simm.s32 $0xFFFFFFFF;
	p2 =	slt.u32 s8, $0xFFFFF086  }
0x1c: {  	p1 =	slt.u32 s9, $0xF7A;
	s5 =	simm.s32 @!p2 $0x0  }
0x1d: {  	s5 =	simm.s32 @p1 $0x1;
	p0 =	seq.s32 s7, s2  }
0x1e: {  	s7 =	smul.u32 @!p0 $0xF7A, s2;
	p2 =	seq.s32 @!p0 s5, $0x0  }
0x1f: {  	s9 =	smul.u32 $0xF7A, s1;
	s8 =	simm.s32 @!p0 $0x1BF5;
	p2 =	por !p2, p0  }
0x20: {  	[sflag:s8] =	ssyncset.s32 @!p0 $0xFFFFF086;
	s6 =	sadd.s32 @!p0 s3, s7;
	s7 =	simm.s32 @!p0 $0x108  }
0x21: {  	s3 =	sadd.s32 s3, s9;
	s6 =	sadd.s32 @!p0 $0x88, s6;
	s7 =	simm.s32 @p2 $0x1082  }
0x22: {  	[simem:s7], [sflag:s8] =	dma.local @!p0 [hbm:s6], $0xF7A  }
0x23: {  	s9 =	sor.u32 $0xD0000000, s2;
	s6 =	simm.s32 $0x108;
	_ =	swait.ge @!p0 [sflag:s8], $0x0  }
0x24: {  	s3 =	sadd.s32 $0x88, s3;
	s6 =	simm.s32 @!p1 $0x1082;
	[sflag:s4] =	ssyncset.s32 $0xFFFFF086  }
0x25: {  	[simem:s6], [sflag:s4] =	dma.local [hbm:s3], $0xF7A  }
0x26: {  	[smem:$0x3F98] =	sst s1;
	(tag) =	ssettag s2;
	_ =	strace s9  }
0x27: {  	s1 =	sld [smem:$0x3FA8]  }
0x28: {  	s2 =	sld [smem:$0x3FA9]  }
0x29: {  	s4 =	sld [smem:$0x3FAB]  }
0x2a: {  	p0 =	seq.s32 s5, $0x0;
	s5 =	sld [smem:$0x3FAC]  }
0x2b: {  	s6 =	sld [smem:$0x3FAD]  }
0x2c: {  	s7 =	sld [smem:$0x3FAE]  }
0x2d: {  	s3 =	simm.s32 $0x108;
	s8 =	sld [smem:$0x3FAF]  }
0x2e: {  	s3 =	simm.s32 @!p0 $0x1082;
	s9 =	sld [smem:$0x3FB0]  }
0x2f: {  	lr =	sadd.s32 s0, s3;
	s0 =	sld [smem:$0x3FA7]  }
0x30: {  	s3 =	sld [smem:$0x3FAA]  }
0x31: {  	[smem:$0x3FB3] =	sst s10  }
0x32: {  	s10 =	sld [smem:$0x3FB1];
	_ =	sdelay $0x3  }
0x33: {  	p0 =	seq.s32 s10, $0x1;
	s10 =	sld [smem:$0x3FB3];
	_ =	sdelay $0x3  }
0x34: {  	[smem:$0x3FB3] =	sst s10  }
0x35: {  	s10 =	sld [smem:$0x3FB2];
	_ =	sdelay $0x3  }
0x36: {  	p1 =	seq.s32 s10, $0x1;
	s10 =	sld [smem:$0x3FB3];
	_ =	sdelay $0x3  }
0x37: {  	[smem:$0x3FB3] =	sst s10  }
0x38: {  	s10 =	sld [smem:$0x3FB4]  }
0x39: {  	_ = 	snop;
	(pc) =	sbr.ind lr, $3  }
0x3a: {  	_ = 	snop  }
0x3b: {  	_ = 	snop  }
0x3c: {  	p2 =	seq.s32 s10, $0x1;
	s10 =	sld [smem:$0x3FB3]  }
0x3d: {  	_ =	shalt  }
0x3e: {  	_ =	shalt  }
0x3f: {  	_ =	shalt  }
0x40: {  	_ =	shalt  }
0x41: {  	_ =	shalt  }
0x42: {  	_ =	shalt  }
0x43: {  	_ =	shalt  }
0x44: {  	_ =	shalt  }
0x45: {  	_ =	shalt  }
0x46: {  	_ =	shalt  }
0x47: {  	_ =	shalt  }
0x48: {  	_ =	shalt  }
0x49: {  	_ =	shalt  }
0x4a: {  	_ =	shalt  }
0x4b: {  	_ =	shalt  }
0x4c: {  	_ =	shalt  }
0x4d: {  	_ =	shalt  }
0x4e: {  	_ =	shalt  }
0x4f: {  	_ =	shalt  }
0x50: {  	_ =	shalt  }
0x51: {  	_ =	shalt  }
0x52: {  	_ =	shalt  }
0x53: {  	_ =	shalt  }
0x54: {  	_ =	shalt  }
0x55: {  	_ =	shalt  }
0x56: {  	_ =	shalt  }
0x57: {  	_ =	shalt  }
0x58: {  	_ =	shalt  }
0x59: {  	_ =	shalt  }
0x5a: {  	_ =	shalt  }
0x5b: {  	_ =	shalt  }
0x5c: {  	_ =	shalt  }
0x5d: {  	_ =	shalt  }
0x5e: {  	_ =	shalt  }
0x5f: {  	_ =	shalt  }
0x60: {  	_ =	shalt  }
0x61: {  	_ =	shalt  }
0x62: {  	_ =	shalt  }
0x63: {  	_ =	shalt  }
0x64: {  	_ =	shalt  }
0x65: {  	_ =	shalt  }
0x66: {  	_ =	shalt  }
0x67: {  	_ =	shalt  }
0x68: {  	_ =	shalt  }
0x69: {  	_ =	shalt  }
0x6a: {  	_ =	shalt  }
0x6b: {  	_ =	shalt  }
0x6c: {  	_ =	shalt  }
0x6d: {  	_ =	shalt  }
0x6e: {  	_ =	shalt  }
0x6f: {  	_ =	shalt  }
0x70: {  	_ =	shalt  }
0x71: {  	_ =	shalt  }
0x72: {  	_ =	shalt  }
0x73: {  	_ =	shalt  }
0x74: {  	_ =	shalt  }
0x75: {  	_ =	shalt  }
0x76: {  	_ =	shalt  }
0x77: {  	_ =	shalt  }
0x78: {  	_ =	shalt  }
0x79: {  	_ =	shalt  }
0x7a: {  	_ =	shalt  }
0x7b: {  	_ =	shalt  }
0x7c: {  	_ =	shalt  }
0x7d: {  	_ =	shalt  }
0x7e: {  	_ =	shalt  }
0x7f: {  	_ =	shalt  }
0x80: {  	_ =	shalt  }
0x81: {  	_ =	shalt  }
0x82: {  	_ =	shalt  }
0x83: {  	_ =	shalt  }
0x84: {  	_ =	shalt  }
0x85: {  	_ =	shalt  }
0x86: {  	_ =	shalt  }
0x87: {  	_ =	shalt  }
.Lfunc_end0:
.L_simem_size_0:
called_computation.2_lowered:
.L_overlay_start_0:
0x88: {  	s2 =	sld [smem:$0x3FD9]  }
0x89: {  	s3 =	sld [smem:$0x3FFE];
	_ =	sdelay $0x1  }
0x8a: {  	s1 =	srdreg.scid  }
0x8b: {  	s0 =	sand.u32 $0x1, s1  }
0x8c: {  	s17 =	sshll.u32 s0, $0xA;
	s2 =	sadd.s32 s3, s2  }
0x8d: {  	s2 =	sadd.s32 s2, s17  }
0x8e: {  	[smem:$0x3FBF] =	sst s2  }
0x8f: {  	_ = 	snop  }
0x90: {  	s18 =	sld [smem:$0x3FC9]  }
0x91: {  	s4 =	sld [smem:$0x3FC8];
	(tm) =	ssettm $0x1  }
0x92: {  	s19 =	sld [smem:$0x3FFB];
	_ =	sdelay $0x3  }
0x93: {  	_ =	strace s19  }
0x94: {  	s2 =	sld [smem:$0x3FFC];
	_ =	sdelay $0x3  }
0x95: {  	_ =	strace s2  }
0x96: {  	s2 =	sld [smem:$0x3FFD];
	_ =	sdelay $0x3  }
0x97: {  	_ =	strace s2  }
0x98: {  	_ =	strace $0x8FFFFFFF  }
0x99: {  	s20 =	sld [smem:$0x3FDB];
	_ =	sdelay $0x1  }
0x9a: {  	s5 =	simm.s32 $_scs_section_size  }
0x9b: {  	s6 =	simm.s32 $_size__tile_overlayer_lowered;
	s7 =	simm.s32 $_tile_overlayer_lowered  }
0x9c: {  	s8 =	simm.s32 $0x1BFF;
	s21 =	sshll.u32 s7, $0x1;
	s5 =	sadd.s32 s5, s20  }
0x9d: {  	s22 =	simm.s32 $0x0;
	s6 =	sshll.u32 s6, $0x1;
	s7 =	sadd.s32 s21, s5  }
0x9e: {  	[timem:s22], [sflag:s8] =	dma.local [hbm:s7], s6  }
0x9f: {  	_ =	swait.ge [sflag:s8], s6  }
0xa0: {  	s6 =	ssub.s32 $0x0, s6;
	[sflag:s8] =	ssyncset.done $0x0  }
0xa1: {  	[sflag:s8] =	ssyncadd.s32 s6;
	_ =	sdelay $0x1  }
0xa2: {  	s23 =	simm.s32 $0x1B8B  }
0xa3: {  	_ =	swait.ge [sflag:s23], $0x1  }
0xa4: {  	[sflag:s23] =	ssyncset.done $0x0  }
0xa5: {  	[sflag:s23] =	ssyncadd.s32 $0xFFFFFFFF  }
0xa6: {  	s6 =	sld [smem:$0x0]  }
0xa7: {  	s7 =	sand.u32 $0xFFFFFFFE, s1  }
0xa8: {  	p0 =	sne.s32 s1, s7  }
0xa9: {  	s7 =	sshll.u32 @p0 s7, $0xE  }
0xaa: {  	s7 =	sadd.s32 @p0 $0x11B8D, s7;
	s8 =	sshll.u32 @p0 s6, $0x11  }
0xab: {  	s7 =	sor.u32 @p0 s8, s7  }
0xac: {  	[sflag:s7] =	ssyncadd.remote.s32 @p0 $0x1;
	_ =	sdelay $0x1  }
0xad: {  	s7 =	simm.s32 @p0 $0x1B8D  }
0xae: {  	_ =	swait.eq @p0 [sflag:s7], $0x1  }
0xaf: {  	[sflag:s7] =	ssyncadd.s32 @p0 $0xFFFFFFFF  }
0xb0: {  	s8 =	sshll.u32 @!p0 s1, $0xE  }
0xb1: {  	s8 =	sor.u32 @!p0 $0x4000, s8;
	s7 =	simm.s32 @!p0 $0x1B8D  }
0xb2: {  	s6 =	sshll.u32 @!p0 s6, $0x11;
	s8 =	sadd.s32 @!p0 $0x11B8D, s8;
	_ =	swait.eq @!p0 [sflag:s7], $0x1  }
0xb3: {  	s6 =	sor.u32 @!p0 s6, s8;
	[sflag:s7] =	ssyncadd.s32 @!p0 $0xFFFFFFFF  }
0xb4: {  	s25 =	simm.s32 $0x1B8E;
	s24 =	sld [smem:$0x3FFE];
	[sflag:s6] =	ssyncadd.remote.s32 @!p0 $0x1  }
0xb5: {  	s26 =	simm.s32 $execute0_lowered;
	[smem:$0x3FD2] =	sst s25  }
0xb6: {  	s7 =	sshll.u32 s26, $0x1;
	_ =	strace $0x8000004C;
	[dreg:$0x1] =	wrdreg $0xFFFFFFFF  }
0xb7: {  	s28 =	simm.s32 $_size_execute0_lowered;
	s5 =	sadd.s32 s5, s7;
	[dreg:$0x0] =	wrdreg $0x0  }
0xb8: {  	s7 =	sshll.u32 s28, $0x1;
	[dreg:$0x2] =	wrdreg s5  }
0xb9: {  	[dreg:$0x3] =	wrdreg s7  }
0xba: {  	[dreg:$0x4] =	wrdreg $0xC0  }
0xbb: {  	_ =	task [dreg:s22], $0x5FFFF  }
0xbc: {  	[dreg:$0x1] =	wrdreg $0xFFFFFFFF  }
0xbd: {  	[dreg:$0x0] =	wrdreg $0x60  }
0xbe: {  	[dreg:$0x2] =	wrdreg s18  }
0xbf: {  	[dreg:$0x3] =	wrdreg s4  }
0xc0: {  	[dreg:$0x4] =	wrdreg s24  }
0xc1: {  	[dreg:$0x5] =	wrdreg $0xB  }
0xc2: {  	_ =	task.clear_ibuf [dreg:s22], $0x6FFFF;
	_ =	strace $0x9000004C  }
0xc3: {  	s29 =	simm.s32 $0xB;
	_ =	strace $0x8000004E  }
0xc4: {  	_ =	swait.ge [sflag:s29], $0x1  }
0xc5: {  	[sflag:s29] =	ssyncadd.s32 $0xFFFFFFFF  }
0xc6: {  	_ =	strace $0x9000004E  }
0xc7: {  	_ =	sfence  }
0xc8: {  	s30 =	sld [smem:$0x0];
	_ =	sdelay $0x2  }
0xc9: {  	s31 =	sshll.u32 s1, $0xD;
	s1 =	sshrl.u32 s1, $0x2  }
0xca: {  	s4 =	sand.u32 $0x4000, s31;
	s1 =	sadd.s32 s1, s30  }
0xcb: {  	s0 =	sor.u32 s4, s0;
	s1 =	sshll.u32 s1, $0x11  }
0xcc: {  	s0 =	sor.u32 s1, s0  }
0xcd: {  	s0 =	sadd.s32 $0x8F2B, s0  }
0xce: {  	[sflag:s0] =	ssyncadd.remote.s32 $0x1  }
0xcf: {  	_ =	sfence.sel $0xFFFF  }
0xd0: {  	[dreg:$0x0] =	wrdreg $0xFFFFFFFF;
	(pc) =	sbr.abs _section_cstart, $3  }
0xd1: {  	[dreg:$0x1] =	wrdreg $0xFFFFFFFF  }
0xd2: {  	_ =	task.clear_ibuf [dreg:s22], $0x2FFFF;
	_ =	strace $0x9FFFFFFF  }
0xd3: {  	(tm) =	ssettm $0x7FFFFFFF  }
tec
execute0_lowered:
.L_overlay_start_1:
0x0: {  	(tag) =	ssettag $0x1  }
0x1: {  	s1 =	srdreg.scid;
	s0 =	stileid.u32  }
0x2: {  	s15 =	sand.u32 $0x1, s1;
	s31 =	sshll.u32 s0, $0x1  }
0x3: {  	s2 =	rddreg [dreg:$0x0];
	s11 =	sor.u32 s15, s31  }
0x4: {  	s3 =	rddreg [dreg:$0x1];
	s5 =	smul.u32 $0x190, s11  }
0x5: {  	s12 =	rddreg [dreg:$0x2]  }
0x6: {  	s4 =	simm.s32 $0x0;
	s1 =	rddreg [dreg:$0x3];
	s5 =	sshrl.u32 s5, $0x3  }
0x7: {  	[smem:$0x7FF] =	sst s4;
	s14 =	sadd.s32 s12, s5  }
0x8: {  	_ =	strace $0x8000004D;
	s5 =	simm.s32 $0x3;
	s6 =	sadd.s32 $0xB08C, s14  }
0x9: {  	[tilespmem:s4], [sflag:$0x3] =	stream.linear.gather [hbm4b:s6+s4], $0x190, $0x38;
	[tilespmem:$0x19200] =	vst v63  }
0xa: {  	_ =	swait.ge [sflag:s5], $0x190  }
0xb: {  	[sflag:s5] =	ssyncset.done $0x0  }
0xc: {  	s7 =	simm.s32 $0x190;
	s8 =	simm.s32 $0x200;
	[sflag:s5] =	ssyncadd.s32 $0xFFFFFE70  }
0xd: {  	[tilespmem:s8], [sflag:$0x1] =	stream.indirect.gather [hbm4b:s2+s7], $0x80, s4, s7, $0xb8;
	[tilespmem:$0x19200] =	vst v63  }
0xe: {  	s9 =	simm.s32 $0xCA00;
	s10 =	simm.s32 $0x1  }
0xf: {  	[tilespmem:s9], [sflag:$0x2] =	stream.indirect.gather [hbm4b:s3+s7], $0x80, s4, s7, $0xb8;
	[tilespmem:$0x19200] =	vst v63  }
0x10: {  	_ =	swait.ge [sflag:s10], $0xC800  }
0x11: {  	[sflag:s10] =	ssyncset.done $0x0  }
0x12: {  	s13 =	smul.u32 $0x1900, s11;
	s11 =	simm.s32 $0x2;
	[sflag:s10] =	ssyncadd.s32 $0xFFFF3800  }
0x13: {  	_ =	swait.ge [sflag:s11], $0xC800  }
0x14: {  	s16 =	sadd.s32 s13, s12;
	[sflag:s11] =	ssyncset.done $0x0  }
0x15: {  	s12 =	sadd.s32 $0x119000, s16;
	[sflag:s11] =	ssyncadd.s32 $0xFFFF3800  }
0x16: {  	[hbm4b:s12+s4] =	stream.linear.scatter [tilespmem:s8], [sflag:$0x3], $0xC800, $0x38;
	[tilespmem:$0x19200] =	vst v63  }
0x17: {  	_ =	swait.ge [sflag:s5], $0xC800  }
0x18: {  	[sflag:s5] =	ssyncset.done $0x0  }
0x19: {  	s13 =	sadd.s32 $0x14B000, s16;
	[sflag:s5] =	ssyncadd.s32 $0xFFFF3800  }
0x1a: {  	[hbm4b:s13+s4] =	stream.linear.scatter [tilespmem:s9], [sflag:$0x3], $0xC800, $0x38;
	[tilespmem:$0x19200] =	vst v63  }
0x1b: {  	_ =	swait.ge [sflag:s5], $0xC800  }
0x1c: {  	[sflag:s5] =	ssyncset.done $0x0  }
0x1d: {  	s14 =	sadd.s32 $0x928C, s14;
	[sflag:s5] =	ssyncadd.s32 $0xFFFF3800  }
0x1e: {  	[tilespmem:s4], [sflag:$0x3] =	stream.linear.gather [hbm4b:s14+s4], $0x190, $0x38;
	[tilespmem:$0x19200] =	vst v63  }
0x1f: {  	_ =	swait.ge [sflag:s5], $0x190  }
0x20: {  	[sflag:s5] =	ssyncset.done $0x0  }
0x21: {  	[sflag:s5] =	ssyncadd.s32 $0xFFFFFE70  }
0x22: {  	[tilespmem:s8], [sflag:$0x1] =	stream.indirect.gather [hbm4b:s2+s7], $0x80, s4, s7, $0xb8;
	[tilespmem:$0x19200] =	vst v63  }
0x23: {  	_ = 	snop  }
0x24: {  	[tilespmem:s9], [sflag:$0x2] =	stream.indirect.gather [hbm4b:s3+s7], $0x80, s4, s7, $0xb8;
	[tilespmem:$0x19200] =	vst v63  }
0x25: {  	_ =	swait.ge [sflag:s10], $0xC800  }
0x26: {  	[sflag:s10] =	ssyncset.done $0x0  }
0x27: {  	s17 =	ssub.s32 $0x2, s15;
	[sflag:s10] =	ssyncadd.s32 $0xFFFF3800  }
0x28: {  	s18 =	sshrl.u32 s17, $0x1;
	_ =	swait.ge [sflag:s11], $0xC800  }
0x29: {  	s17 =	ssub.s32 s17, s18;
	[sflag:s11] =	ssyncset.done $0x0  }
0x2a: {  	s17 =	smax.u32 s17, $0x1;
	s15 =	sadd.s32 $0x17D000, s16;
	[sflag:s11] =	ssyncadd.s32 $0xFFFF3800  }
0x2b: {  	[hbm4b:s15+s4] =	stream.linear.scatter [tilespmem:s8], [sflag:$0x3], $0xC800, $0x38;
	[tilespmem:$0x19200] =	vst v63  }
0x2c: {  	p0 =	sne.s32 s17, $0x1;
	_ =	swait.ge [sflag:s5], $0xC800  }
.Ltmp0:
0x2d: {  	[sflag:s5] =	ssyncset.done $0x0;
	(pc) =	sbr.rel @!p0 .LBB2_2-.Ltmp0, $4  }
0x2e: {  	s16 =	sadd.s32 $0x1AF000, s16;
	[sflag:s5] =	ssyncadd.s32 $0xFFFF3800  }
0x2f: {  	[hbm4b:s16+s4] =	stream.linear.scatter [tilespmem:s9], [sflag:$0x3], $0xC800, $0x38;
	[tilespmem:$0x19200] =	vst v63  }
0x30: {  	_ =	swait.ge [sflag:s5], $0xC800  }
0x31: {  	s17 =	sadd.s32 $0xFFFFFFFF, s17;
	[sflag:s5] =	ssyncset.done $0x0  }
.LBB2_1:
0x32: {  	p0 =	sne.s32 s17, $0x1;
	s17 =	sadd.s32 $0xFFFFFFFF, s17;
	[sflag:s5] =	ssyncadd.s32 $0xFFFF3800  }
0x33: {  	[tilespmem:s4], [sflag:$0x3] =	stream.linear.gather [hbm4b:s6+s4], $0x190, $0x38;
	[tilespmem:$0x19200] =	vst v63  }
0x34: {  	_ =	swait.ge [sflag:s5], $0x190  }
0x35: {  	[sflag:s5] =	ssyncset.done $0x0  }
0x36: {  	[sflag:s5] =	ssyncadd.s32 $0xFFFFFE70  }
0x37: {  	[tilespmem:s8], [sflag:$0x1] =	stream.indirect.gather [hbm4b:s2+s7], $0x80, s4, s7, $0xb8;
	[tilespmem:$0x19200] =	vst v63  }
0x38: {  	_ = 	snop  }
0x39: {  	[tilespmem:s9], [sflag:$0x2] =	stream.indirect.gather [hbm4b:s3+s7], $0x80, s4, s7, $0xb8;
	[tilespmem:$0x19200] =	vst v63  }
0x3a: {  	_ =	swait.ge [sflag:s10], $0xC800  }
0x3b: {  	[sflag:s10] =	ssyncset.done $0x0  }
0x3c: {  	[sflag:s10] =	ssyncadd.s32 $0xFFFF3800  }
0x3d: {  	_ =	swait.ge [sflag:s11], $0xC800  }
0x3e: {  	[sflag:s11] =	ssyncset.done $0x0  }
0x3f: {  	[sflag:s11] =	ssyncadd.s32 $0xFFFF3800  }
0x40: {  	[hbm4b:s12+s4] =	stream.linear.scatter [tilespmem:s8], [sflag:$0x3], $0xC800, $0x38;
	[tilespmem:$0x19200] =	vst v63  }
0x41: {  	_ =	swait.ge [sflag:s5], $0xC800  }
0x42: {  	[sflag:s5] =	ssyncset.done $0x0  }
0x43: {  	[sflag:s5] =	ssyncadd.s32 $0xFFFF3800  }
0x44: {  	[hbm4b:s13+s4] =	stream.linear.scatter [tilespmem:s9], [sflag:$0x3], $0xC800, $0x38;
	[tilespmem:$0x19200] =	vst v63  }
0x45: {  	_ =	swait.ge [sflag:s5], $0xC800  }
0x46: {  	[sflag:s5] =	ssyncset.done $0x0  }
0x47: {  	[sflag:s5] =	ssyncadd.s32 $0xFFFF3800  }
0x48: {  	[tilespmem:s4], [sflag:$0x3] =	stream.linear.gather [hbm4b:s14+s4], $0x190, $0x38;
	[tilespmem:$0x19200] =	vst v63  }
0x49: {  	_ =	swait.ge [sflag:s5], $0x190  }
0x4a: {  	[sflag:s5] =	ssyncset.done $0x0  }
0x4b: {  	[sflag:s5] =	ssyncadd.s32 $0xFFFFFE70  }
0x4c: {  	[tilespmem:s8], [sflag:$0x1] =	stream.indirect.gather [hbm4b:s2+s7], $0x80, s4, s7, $0xb8;
	[tilespmem:$0x19200] =	vst v63  }
0x4d: {  	_ = 	snop  }
0x4e: {  	[tilespmem:s9], [sflag:$0x2] =	stream.indirect.gather [hbm4b:s3+s7], $0x80, s4, s7, $0xb8;
	[tilespmem:$0x19200] =	vst v63  }
0x4f: {  	_ =	swait.ge [sflag:s10], $0xC800  }
0x50: {  	[sflag:s10] =	ssyncset.done $0x0  }
0x51: {  	[sflag:s10] =	ssyncadd.s32 $0xFFFF3800  }
0x52: {  	_ =	swait.ge [sflag:s11], $0xC800  }
0x53: {  	[sflag:s11] =	ssyncset.done $0x0  }
0x54: {  	[sflag:s11] =	ssyncadd.s32 $0xFFFF3800  }
0x55: {  	[hbm4b:s15+s4] =	stream.linear.scatter [tilespmem:s8], [sflag:$0x3], $0xC800, $0x38;
	[tilespmem:$0x19200] =	vst v63  }
0x56: {  	_ =	swait.ge [sflag:s5], $0xC800  }
.Ltmp1:
0x57: {  	[sflag:s5] =	ssyncset.done $0x0;
	(pc) =	sbr.rel @p0 .LBB2_1-.Ltmp1, $4  }
0x58: {  	[sflag:s5] =	ssyncadd.s32 $0xFFFF3800  }
0x59: {  	[hbm4b:s16+s4] =	stream.linear.scatter [tilespmem:s9], [sflag:$0x3], $0xC800, $0x38;
	[tilespmem:$0x19200] =	vst v63  }
0x5a: {  	_ =	swait.ge [sflag:s5], $0xC800  }
0x5b: {  	[sflag:s5] =	ssyncset.done $0x0  }
.LBB2_2:
0x5c: {  	[sflag:s5] =	ssyncadd.s32 $0xFFFF3800  }
0x5d: {  	_ =	sfence.sel $0x180000  }
0x5e: {  	[bflag:$0x0] =	sbarrier.arrive $0xFFFF  }
0x5f: {  	p0 =	sne.s32 s0, $0x0;
	_ =	strace $0x9000004D  }
0x60: {  	s0 =	sadd.s32 @!p0 $0x100000, s1;
	[bflag:$0x2] =	sbarrier.arrive $0xFFFF  }
0x61: {  	[sflag:s0] =	ssyncadd.tile.s32 @!p0 $0x1;
	_ =	shalt  }
.Lfunc_end2:
_tile_overlayer_lowered:
.L_overlay_start_2:
0x62: {  	(tag) =	ssettag $0x2  }
0x63: {  	s0 =	rddreg [dreg:$0x0];
	s2 =	stileid.u32  }
0x64: {  	s1 =	rddreg [dreg:$0x1];
	p0 =	sne.s32 s2, $0x0  }
0x65: {  	s3 =	rddreg [dreg:$0x2];
	[bflag:$0x3] =	sbarrier.arrive $0xFFFF;
	s2 =	simm.s32 @!p0 $0x1C03  }
0x66: {  	[timem:s3], [sflag:s2] =	dma.local @!p0 [hbm:s0], s1  }
0x67: {  	s0 =	simm.s32 @!p0 $0x3  }
0x68: {  	_ =	swait.ge @!p0 [sflag:s0], s1  }
0x69: {  	s1 =	ssub.s32 @!p0 $0x0, s1;
	[sflag:s0] =	ssyncset.done @!p0 $0x0  }
0x6a: {  	[sflag:s0] =	ssyncadd.s32 @!p0 s1  }
0x6b: {  	[bflag:$0x3] =	sbarrier.arrive $0xFFFF  }
0x6c: {  	_ =	shalt  }

// kernel: kernel.29.cloned.1.call-start
scs
__scs_entry_jumppad:
0x0: {  	(pc) =	sbr.rel $0x88, $3  }
0x1: {  	(tag) =	ssettag $0x0;
	lr =	simm.s32 $0x1  }
0x2: {  	[smem:$0x3F98] =	sst lr;
	_ =	strace $0xD0000000  }
0x3: {  	_ = 	snop  }
0x4: {  	_ = 	snop  }
0x5: {  	_ = 	snop  }
0x6: {  	_ = 	snop  }
0x7: {  	_ = 	snop  }
__scs_overlays_trampoline_lowered:
0x8: {  	[smem:$0x3FA7] =	sst s0  }
0x9: {  	[smem:$0x3FA8] =	sst s1  }
0xa: {  	[smem:$0x3FA9] =	sst s2  }
0xb: {  	[smem:$0x3FAA] =	sst s3  }
0xc: {  	[smem:$0x3FAB] =	sst s4  }
0xd: {  	[smem:$0x3FAC] =	sst s5  }
0xe: {  	[smem:$0x3FAD] =	sst s6  }
0xf: {  	[smem:$0x3FAE] =	sst s7  }
0x10: {  	[smem:$0x3FAF] =	sst s8  }
0x11: {  	[smem:$0x3FB0] =	sst s9;
	s0 =	simm.s32 @!p0 $0x0  }
0x12: {  	s1 =	sld [smem:$0x3F96];
	s0 =	simm.s32 @p0 $0x1  }
0x13: {  	[smem:$0x3FB1] =	sst s0;
	s0 =	simm.s32 @!p1 $0x0  }
0x14: {  	s2 =	sld [smem:$0x3F95];
	s0 =	simm.s32 @p1 $0x1  }
0x15: {  	[smem:$0x3FB2] =	sst s0;
	s0 =	simm.s32 @!p2 $0x0  }
0x16: {  	s3 =	sld [smem:$0x3FDB];
	s0 =	simm.s32 @p2 $0x1  }
0x17: {  	s4 =	simm.s32 $0x1BF5;
	[smem:$0x3FB4] =	sst s0  }
0x18: {  	s0 =	sld [smem:$0x3F97];
	_ =	swait.ge [sflag:s4], $0x0  }
0x19: {  	s7 =	sld [smem:$0x3F98]  }
0x1a: {  	s8 =	sadd.s32 $0xFFFFE003, lr  }
0x1b: {  	s9 =	sadd.s32 $0xFFFFFEF7, lr;
	s5 =	simm.s32 $0xFFFFFFFF;
	p2 =	slt.u32 s8, $0xFFFFF086  }
0x1c: {  	p1 =	slt.u32 s9, $0xF7A;
	s5 =	simm.s32 @!p2 $0x0  }
0x1d: {  	s5 =	simm.s32 @p1 $0x1;
	p0 =	seq.s32 s7, s2  }
0x1e: {  	s7 =	smul.u32 @!p0 $0xF7A, s2;
	p2 =	seq.s32 @!p0 s5, $0x0  }
0x1f: {  	s9 =	smul.u32 $0xF7A, s1;
	s8 =	simm.s32 @!p0 $0x1BF5;
	p2 =	por !p2, p0  }
0x20: {  	[sflag:s8] =	ssyncset.s32 @!p0 $0xFFFFF086;
	s6 =	sadd.s32 @!p0 s3, s7;
	s7 =	simm.s32 @!p0 $0x108  }
0x21: {  	s3 =	sadd.s32 s3, s9;
	s6 =	sadd.s32 @!p0 $0x88, s6;
	s7 =	simm.s32 @p2 $0x1082  }
0x22: {  	[simem:s7], [sflag:s8] =	dma.local @!p0 [hbm:s6], $0xF7A  }
0x23: {  	s9 =	sor.u32 $0xD0000000, s2;
	s6 =	simm.s32 $0x108;
	_ =	swait.ge @!p0 [sflag:s8], $0x0  }
0x24: {  	s3 =	sadd.s32 $0x88, s3;
	s6 =	simm.s32 @!p1 $0x1082;
	[sflag:s4] =	ssyncset.s32 $0xFFFFF086  }
0x25: {  	[simem:s6], [sflag:s4] =	dma.local [hbm:s3], $0xF7A  }
0x26: {  	[smem:$0x3F98] =	sst s1;
	(tag) =	ssettag s2;
	_ =	strace s9  }
0x27: {  	s1 =	sld [smem:$0x3FA8]  }
0x28: {  	s2 =	sld [smem:$0x3FA9]  }
0x29: {  	s4 =	sld [smem:$0x3FAB]  }
0x2a: {  	p0 =	seq.s32 s5, $0x0;
	s5 =	sld [smem:$0x3FAC]  }
0x2b: {  	s6 =	sld [smem:$0x3FAD]  }
0x2c: {  	s7 =	sld [smem:$0x3FAE]  }
0x2d: {  	s3 =	simm.s32 $0x108;
	s8 =	sld [smem:$0x3FAF]  }
0x2e: {  	s3 =	simm.s32 @!p0 $0x1082;
	s9 =	sld [smem:$0x3FB0]  }
0x2f: {  	lr =	sadd.s32 s0, s3;
	s0 =	sld [smem:$0x3FA7]  }
0x30: {  	s3 =	sld [smem:$0x3FAA]  }
0x31: {  	[smem:$0x3FB3] =	sst s10  }
0x32: {  	s10 =	sld [smem:$0x3FB1];
	_ =	sdelay $0x3  }
0x33: {  	p0 =	seq.s32 s10, $0x1;
	s10 =	sld [smem:$0x3FB3];
	_ =	sdelay $0x3  }
0x34: {  	[smem:$0x3FB3] =	sst s10  }
0x35: {  	s10 =	sld [smem:$0x3FB2];
	_ =	sdelay $0x3  }
0x36: {  	p1 =	seq.s32 s10, $0x1;
	s10 =	sld [smem:$0x3FB3];
	_ =	sdelay $0x3  }
0x37: {  	[smem:$0x3FB3] =	sst s10  }
0x38: {  	s10 =	sld [smem:$0x3FB4]  }
0x39: {  	_ = 	snop;
	(pc) =	sbr.ind lr, $3  }
0x3a: {  	_ = 	snop  }
0x3b: {  	_ = 	snop  }
0x3c: {  	p2 =	seq.s32 s10, $0x1;
	s10 =	sld [smem:$0x3FB3]  }
0x3d: {  	_ =	shalt  }
0x3e: {  	_ =	shalt  }
0x3f: {  	_ =	shalt  }
0x40: {  	_ =	shalt  }
0x41: {  	_ =	shalt  }
0x42: {  	_ =	shalt  }
0x43: {  	_ =	shalt  }
0x44: {  	_ =	shalt  }
0x45: {  	_ =	shalt  }
0x46: {  	_ =	shalt  }
0x47: {  	_ =	shalt  }
0x48: {  	_ =	shalt  }
0x49: {  	_ =	shalt  }
0x4a: {  	_ =	shalt  }
0x4b: {  	_ =	shalt  }
0x4c: {  	_ =	shalt  }
0x4d: {  	_ =	shalt  }
0x4e: {  	_ =	shalt  }
0x4f: {  	_ =	shalt  }
0x50: {  	_ =	shalt  }
0x51: {  	_ =	shalt  }
0x52: {  	_ =	shalt  }
0x53: {  	_ =	shalt  }
0x54: {  	_ =	shalt  }
0x55: {  	_ =	shalt  }
0x56: {  	_ =	shalt  }
0x57: {  	_ =	shalt  }
0x58: {  	_ =	shalt  }
0x59: {  	_ =	shalt  }
0x5a: {  	_ =	shalt  }
0x5b: {  	_ =	shalt  }
0x5c: {  	_ =	shalt  }
0x5d: {  	_ =	shalt  }
0x5e: {  	_ =	shalt  }
0x5f: {  	_ =	shalt  }
0x60: {  	_ =	shalt  }
0x61: {  	_ =	shalt  }
0x62: {  	_ =	shalt  }
0x63: {  	_ =	shalt  }
0x64: {  	_ =	shalt  }
0x65: {  	_ =	shalt  }
0x66: {  	_ =	shalt  }
0x67: {  	_ =	shalt  }
0x68: {  	_ =	shalt  }
0x69: {  	_ =	shalt  }
0x6a: {  	_ =	shalt  }
0x6b: {  	_ =	shalt  }
0x6c: {  	_ =	shalt  }
0x6d: {  	_ =	shalt  }
0x6e: {  	_ =	shalt  }
0x6f: {  	_ =	shalt  }
0x70: {  	_ =	shalt  }
0x71: {  	_ =	shalt  }
0x72: {  	_ =	shalt  }
0x73: {  	_ =	shalt  }
0x74: {  	_ =	shalt  }
0x75: {  	_ =	shalt  }
0x76: {  	_ =	shalt  }
0x77: {  	_ =	shalt  }
0x78: {  	_ =	shalt  }
0x79: {  	_ =	shalt  }
0x7a: {  	_ =	shalt  }
0x7b: {  	_ =	shalt  }
0x7c: {  	_ =	shalt  }
0x7d: {  	_ =	shalt  }
0x7e: {  	_ =	shalt  }
0x7f: {  	_ =	shalt  }
0x80: {  	_ =	shalt  }
0x81: {  	_ =	shalt  }
0x82: {  	_ =	shalt  }
0x83: {  	_ =	shalt  }
0x84: {  	_ =	shalt  }
0x85: {  	_ =	shalt  }
0x86: {  	_ =	shalt  }
0x87: {  	_ =	shalt  }
.Lfunc_end0:
.L_simem_size_0:
called_computation.3_lowered:
.L_overlay_start_0:
0x88: {  	s2 =	sld [smem:$0x3FD9]  }
0x89: {  	s3 =	sld [smem:$0x3FFE];
	_ =	sdelay $0x1  }
0x8a: {  	s1 =	srdreg.scid  }
0x8b: {  	s0 =	sand.u32 $0x1, s1  }
0x8c: {  	s17 =	sshll.u32 s0, $0xA;
	s2 =	sadd.s32 s3, s2  }
0x8d: {  	s2 =	sadd.s32 s2, s17  }
0x8e: {  	[smem:$0x3FBF] =	sst s2  }
0x8f: {  	_ = 	snop  }
0x90: {  	s18 =	sld [smem:$0x3FC9]  }
0x91: {  	s4 =	sld [smem:$0x3FC8];
	(tm) =	ssettm $0x1  }
0x92: {  	s19 =	sld [smem:$0x3FFB];
	_ =	sdelay $0x3  }
0x93: {  	_ =	strace s19  }
0x94: {  	s2 =	sld [smem:$0x3FFC];
	_ =	sdelay $0x3  }
0x95: {  	_ =	strace s2  }
0x96: {  	s2 =	sld [smem:$0x3FFD];
	_ =	sdelay $0x3  }
0x97: {  	_ =	strace s2  }
0x98: {  	_ =	strace $0x8FFFFFFF  }
0x99: {  	s20 =	sld [smem:$0x3FDB];
	_ =	sdelay $0x1  }
0x9a: {  	s5 =	simm.s32 $_scs_section_size  }
0x9b: {  	s6 =	simm.s32 $_size__tile_overlayer_lowered;
	s7 =	simm.s32 $_tile_overlayer_lowered  }
0x9c: {  	s8 =	simm.s32 $0x1BFF;
	s21 =	sshll.u32 s7, $0x1;
	s5 =	sadd.s32 s5, s20  }
0x9d: {  	s22 =	simm.s32 $0x0;
	s6 =	sshll.u32 s6, $0x1;
	s7 =	sadd.s32 s21, s5  }
0x9e: {  	[timem:s22], [sflag:s8] =	dma.local [hbm:s7], s6  }
0x9f: {  	_ =	swait.ge [sflag:s8], s6  }
0xa0: {  	s6 =	ssub.s32 $0x0, s6;
	[sflag:s8] =	ssyncset.done $0x0  }
0xa1: {  	[sflag:s8] =	ssyncadd.s32 s6;
	_ =	sdelay $0x1  }
0xa2: {  	s23 =	simm.s32 $0x1B8B  }
0xa3: {  	_ =	swait.ge [sflag:s23], $0x1  }
0xa4: {  	[sflag:s23] =	ssyncset.done $0x0  }
0xa5: {  	[sflag:s23] =	ssyncadd.s32 $0xFFFFFFFF  }
0xa6: {  	s6 =	sld [smem:$0x0]  }
0xa7: {  	s7 =	sand.u32 $0xFFFFFFFE, s1  }
0xa8: {  	p0 =	sne.s32 s1, s7  }
0xa9: {  	s7 =	sshll.u32 @p0 s7, $0xE  }
0xaa: {  	s7 =	sadd.s32 @p0 $0x11B8D, s7;
	s8 =	sshll.u32 @p0 s6, $0x11  }
0xab: {  	s7 =	sor.u32 @p0 s8, s7  }
0xac: {  	[sflag:s7] =	ssyncadd.remote.s32 @p0 $0x1;
	_ =	sdelay $0x1  }
0xad: {  	s7 =	simm.s32 @p0 $0x1B8D  }
0xae: {  	_ =	swait.eq @p0 [sflag:s7], $0x1  }
0xaf: {  	[sflag:s7] =	ssyncadd.s32 @p0 $0xFFFFFFFF  }
0xb0: {  	s8 =	sshll.u32 @!p0 s1, $0xE  }
0xb1: {  	s8 =	sor.u32 @!p0 $0x4000, s8;
	s7 =	simm.s32 @!p0 $0x1B8D  }
0xb2: {  	s6 =	sshll.u32 @!p0 s6, $0x11;
	s8 =	sadd.s32 @!p0 $0x11B8D, s8;
	_ =	swait.eq @!p0 [sflag:s7], $0x1  }
0xb3: {  	s6 =	sor.u32 @!p0 s6, s8;
	[sflag:s7] =	ssyncadd.s32 @!p0 $0xFFFFFFFF  }
0xb4: {  	s25 =	simm.s32 $0x1B8E;
	s24 =	sld [smem:$0x3FFE];
	[sflag:s6] =	ssyncadd.remote.s32 @!p0 $0x1  }
0xb5: {  	s26 =	simm.s32 $execute0_lowered;
	[smem:$0x3FD2] =	sst s25  }
0xb6: {  	s7 =	sshll.u32 s26, $0x1;
	_ =	strace $0x8000004F;
	[dreg:$0x1] =	wrdreg $0xFFFFFFFF  }
0xb7: {  	s28 =	simm.s32 $_size_execute0_lowered;
	s5 =	sadd.s32 s5, s7;
	[dreg:$0x0] =	wrdreg $0x0  }
0xb8: {  	s7 =	sshll.u32 s28, $0x1;
	[dreg:$0x2] =	wrdreg s5  }
0xb9: {  	[dreg:$0x3] =	wrdreg s7  }
0xba: {  	[dreg:$0x4] =	wrdreg $0xC0  }
0xbb: {  	_ =	task [dreg:s22], $0x5FFFF  }
0xbc: {  	[dreg:$0x1] =	wrdreg $0xFFFFFFFF  }
0xbd: {  	[dreg:$0x0] =	wrdreg $0x60  }
0xbe: {  	[dreg:$0x2] =	wrdreg s18  }
0xbf: {  	[dreg:$0x3] =	wrdreg s4  }
0xc0: {  	[dreg:$0x4] =	wrdreg s24  }
0xc1: {  	[dreg:$0x5] =	wrdreg $0xC  }
0xc2: {  	_ =	task.clear_ibuf [dreg:s22], $0x6FFFF;
	_ =	strace $0x9000004F  }
0xc3: {  	s29 =	simm.s32 $0xC;
	_ =	strace $0x80000051  }
0xc4: {  	_ =	swait.ge [sflag:s29], $0x1  }
0xc5: {  	[sflag:s29] =	ssyncadd.s32 $0xFFFFFFFF  }
0xc6: {  	_ =	strace $0x90000051  }
0xc7: {  	_ =	sfence  }
0xc8: {  	s30 =	sld [smem:$0x0];
	_ =	sdelay $0x2  }
0xc9: {  	s31 =	sshll.u32 s1, $0xD;
	s1 =	sshrl.u32 s1, $0x2  }
0xca: {  	s4 =	sand.u32 $0x4000, s31;
	s1 =	sadd.s32 s1, s30  }
0xcb: {  	s0 =	sor.u32 s4, s0;
	s1 =	sshll.u32 s1, $0x11  }
0xcc: {  	s0 =	sor.u32 s1, s0  }
0xcd: {  	s0 =	sadd.s32 $0x8F2B, s0  }
0xce: {  	[sflag:s0] =	ssyncadd.remote.s32 $0x1  }
0xcf: {  	_ =	sfence.sel $0xFFFF  }
0xd0: {  	[dreg:$0x0] =	wrdreg $0xFFFFFFFF;
	(pc) =	sbr.abs _section_cstart, $3  }
0xd1: {  	[dreg:$0x1] =	wrdreg $0xFFFFFFFF  }
0xd2: {  	_ =	task.clear_ibuf [dreg:s22], $0x2FFFF;
	_ =	strace $0x9FFFFFFF  }
0xd3: {  	(tm) =	ssettm $0x7FFFFFFF  }
tec
execute0_lowered:
.L_overlay_start_1:
0x0: {  	(tag) =	ssettag $0x1  }
0x1: {  	s1 =	srdreg.scid;
	s0 =	stileid.u32  }
0x2: {  	s15 =	sand.u32 $0x1, s1;
	s31 =	sshll.u32 s0, $0x1  }
0x3: {  	s2 =	rddreg [dreg:$0x0];
	s11 =	sor.u32 s15, s31  }
0x4: {  	s3 =	rddreg [dreg:$0x1];
	s5 =	smul.u32 $0x190, s11  }
0x5: {  	s12 =	rddreg [dreg:$0x2]  }
0x6: {  	s4 =	simm.s32 $0x0;
	s1 =	rddreg [dreg:$0x3];
	s5 =	sshrl.u32 s5, $0x3  }
0x7: {  	[smem:$0x7FF] =	sst s4;
	s14 =	sadd.s32 s12, s5  }
0x8: {  	_ =	strace $0x80000050;
	s5 =	simm.s32 $0x3;
	s6 =	sadd.s32 $0xB6CC, s14  }
0x9: {  	[tilespmem:s4], [sflag:$0x3] =	stream.linear.gather [hbm4b:s6+s4], $0x190, $0x38;
	[tilespmem:$0x19200] =	vst v63  }
0xa: {  	_ =	swait.ge [sflag:s5], $0x190  }
0xb: {  	[sflag:s5] =	ssyncset.done $0x0  }
0xc: {  	s7 =	simm.s32 $0x190;
	s8 =	simm.s32 $0x200;
	[sflag:s5] =	ssyncadd.s32 $0xFFFFFE70  }
0xd: {  	[tilespmem:s8], [sflag:$0x1] =	stream.indirect.gather [hbm4b:s2+s7], $0x80, s4, s7, $0xb8;
	[tilespmem:$0x19200] =	vst v63  }
0xe: {  	s9 =	simm.s32 $0xCA00;
	s10 =	simm.s32 $0x1  }
0xf: {  	[tilespmem:s9], [sflag:$0x2] =	stream.indirect.gather [hbm4b:s3+s7], $0x80, s4, s7, $0xb8;
	[tilespmem:$0x19200] =	vst v63  }
0x10: {  	_ =	swait.ge [sflag:s10], $0xC800  }
0x11: {  	[sflag:s10] =	ssyncset.done $0x0  }
0x12: {  	s13 =	smul.u32 $0x1900, s11;
	s11 =	simm.s32 $0x2;
	[sflag:s10] =	ssyncadd.s32 $0xFFFF3800  }
0x13: {  	_ =	swait.ge [sflag:s11], $0xC800  }
0x14: {  	s16 =	sadd.s32 s13, s12;
	[sflag:s11] =	ssyncset.done $0x0  }
0x15: {  	s12 =	sadd.s32 $0x1E1000, s16;
	[sflag:s11] =	ssyncadd.s32 $0xFFFF3800  }
0x16: {  	[hbm4b:s12+s4] =	stream.linear.scatter [tilespmem:s8], [sflag:$0x3], $0xC800, $0x38;
	[tilespmem:$0x19200] =	vst v63  }
0x17: {  	_ =	swait.ge [sflag:s5], $0xC800  }
0x18: {  	[sflag:s5] =	ssyncset.done $0x0  }
0x19: {  	s13 =	sadd.s32 $0x213000, s16;
	[sflag:s5] =	ssyncadd.s32 $0xFFFF3800  }
0x1a: {  	[hbm4b:s13+s4] =	stream.linear.scatter [tilespmem:s9], [sflag:$0x3], $0xC800, $0x38;
	[tilespmem:$0x19200] =	vst v63  }
0x1b: {  	_ =	swait.ge [sflag:s5], $0xC800  }
0x1c: {  	[sflag:s5] =	ssyncset.done $0x0  }
0x1d: {  	s14 =	sadd.s32 $0x98CC, s14;
	[sflag:s5] =	ssyncadd.s32 $0xFFFF3800  }
0x1e: {  	[tilespmem:s4], [sflag:$0x3] =	stream.linear.gather [hbm4b:s14+s4], $0x190, $0x38;
	[tilespmem:$0x19200] =	vst v63  }
0x1f: {  	_ =	swait.ge [sflag:s5], $0x190  }
0x20: {  	[sflag:s5] =	ssyncset.done $0x0  }
0x21: {  	[sflag:s5] =	ssyncadd.s32 $0xFFFFFE70  }
0x22: {  	[tilespmem:s8], [sflag:$0x1] =	stream.indirect.gather [hbm4b:s2+s7], $0x80, s4, s7, $0xb8;
	[tilespmem:$0x19200] =	vst v63  }
0x23: {  	_ = 	snop  }
0x24: {  	[tilespmem:s9], [sflag:$0x2] =	stream.indirect.gather [hbm4b:s3+s7], $0x80, s4, s7, $0xb8;
	[tilespmem:$0x19200] =	vst v63  }
0x25: {  	_ =	swait.ge [sflag:s10], $0xC800  }
0x26: {  	[sflag:s10] =	ssyncset.done $0x0  }
0x27: {  	s17 =	ssub.s32 $0x2, s15;
	[sflag:s10] =	ssyncadd.s32 $0xFFFF3800  }
0x28: {  	s18 =	sshrl.u32 s17, $0x1;
	_ =	swait.ge [sflag:s11], $0xC800  }
0x29: {  	s17 =	ssub.s32 s17, s18;
	[sflag:s11] =	ssyncset.done $0x0  }
0x2a: {  	s17 =	smax.u32 s17, $0x1;
	s15 =	sadd.s32 $0x245000, s16;
	[sflag:s11] =	ssyncadd.s32 $0xFFFF3800  }
0x2b: {  	[hbm4b:s15+s4] =	stream.linear.scatter [tilespmem:s8], [sflag:$0x3], $0xC800, $0x38;
	[tilespmem:$0x19200] =	vst v63  }
0x2c: {  	p0 =	sne.s32 s17, $0x1;
	_ =	swait.ge [sflag:s5], $0xC800  }
.Ltmp0:
0x2d: {  	[sflag:s5] =	ssyncset.done $0x0;
	(pc) =	sbr.rel @!p0 .LBB2_2-.Ltmp0, $4  }
0x2e: {  	s16 =	sadd.s32 $0x277000, s16;
	[sflag:s5] =	ssyncadd.s32 $0xFFFF3800  }
0x2f: {  	[hbm4b:s16+s4] =	stream.linear.scatter [tilespmem:s9], [sflag:$0x3], $0xC800, $0x38;
	[tilespmem:$0x19200] =	vst v63  }
0x30: {  	_ =	swait.ge [sflag:s5], $0xC800  }
0x31: {  	s17 =	sadd.s32 $0xFFFFFFFF, s17;
	[sflag:s5] =	ssyncset.done $0x0  }
.LBB2_1:
0x32: {  	p0 =	sne.s32 s17, $0x1;
	s17 =	sadd.s32 $0xFFFFFFFF, s17;
	[sflag:s5] =	ssyncadd.s32 $0xFFFF3800  }
0x33: {  	[tilespmem:s4], [sflag:$0x3] =	stream.linear.gather [hbm4b:s6+s4], $0x190, $0x38;
	[tilespmem:$0x19200] =	vst v63  }
0x34: {  	_ =	swait.ge [sflag:s5], $0x190  }
0x35: {  	[sflag:s5] =	ssyncset.done $0x0  }
0x36: {  	[sflag:s5] =	ssyncadd.s32 $0xFFFFFE70  }
0x37: {  	[tilespmem:s8], [sflag:$0x1] =	stream.indirect.gather [hbm4b:s2+s7], $0x80, s4, s7, $0xb8;
	[tilespmem:$0x19200] =	vst v63  }
0x38: {  	_ = 	snop  }
0x39: {  	[tilespmem:s9], [sflag:$0x2] =	stream.indirect.gather [hbm4b:s3+s7], $0x80, s4, s7, $0xb8;
	[tilespmem:$0x19200] =	vst v63  }
0x3a: {  	_ =	swait.ge [sflag:s10], $0xC800  }
0x3b: {  	[sflag:s10] =	ssyncset.done $0x0  }
0x3c: {  	[sflag:s10] =	ssyncadd.s32 $0xFFFF3800  }
0x3d: {  	_ =	swait.ge [sflag:s11], $0xC800  }
0x3e: {  	[sflag:s11] =	ssyncset.done $0x0  }
0x3f: {  	[sflag:s11] =	ssyncadd.s32 $0xFFFF3800  }
0x40: {  	[hbm4b:s12+s4] =	stream.linear.scatter [tilespmem:s8], [sflag:$0x3], $0xC800, $0x38;
	[tilespmem:$0x19200] =	vst v63  }
0x41: {  	_ =	swait.ge [sflag:s5], $0xC800  }
0x42: {  	[sflag:s5] =	ssyncset.done $0x0  }
0x43: {  	[sflag:s5] =	ssyncadd.s32 $0xFFFF3800  }
0x44: {  	[hbm4b:s13+s4] =	stream.linear.scatter [tilespmem:s9], [sflag:$0x3], $0xC800, $0x38;
	[tilespmem:$0x19200] =	vst v63  }
0x45: {  	_ =	swait.ge [sflag:s5], $0xC800  }
0x46: {  	[sflag:s5] =	ssyncset.done $0x0  }
0x47: {  	[sflag:s5] =	ssyncadd.s32 $0xFFFF3800  }
0x48: {  	[tilespmem:s4], [sflag:$0x3] =	stream.linear.gather [hbm4b:s14+s4], $0x190, $0x38;
	[tilespmem:$0x19200] =	vst v63  }
0x49: {  	_ =	swait.ge [sflag:s5], $0x190  }
0x4a: {  	[sflag:s5] =	ssyncset.done $0x0  }
0x4b: {  	[sflag:s5] =	ssyncadd.s32 $0xFFFFFE70  }
0x4c: {  	[tilespmem:s8], [sflag:$0x1] =	stream.indirect.gather [hbm4b:s2+s7], $0x80, s4, s7, $0xb8;
	[tilespmem:$0x19200] =	vst v63  }
0x4d: {  	_ = 	snop  }
0x4e: {  	[tilespmem:s9], [sflag:$0x2] =	stream.indirect.gather [hbm4b:s3+s7], $0x80, s4, s7, $0xb8;
	[tilespmem:$0x19200] =	vst v63  }
0x4f: {  	_ =	swait.ge [sflag:s10], $0xC800  }
0x50: {  	[sflag:s10] =	ssyncset.done $0x0  }
0x51: {  	[sflag:s10] =	ssyncadd.s32 $0xFFFF3800  }
0x52: {  	_ =	swait.ge [sflag:s11], $0xC800  }
0x53: {  	[sflag:s11] =	ssyncset.done $0x0  }
0x54: {  	[sflag:s11] =	ssyncadd.s32 $0xFFFF3800  }
0x55: {  	[hbm4b:s15+s4] =	stream.linear.scatter [tilespmem:s8], [sflag:$0x3], $0xC800, $0x38;
	[tilespmem:$0x19200] =	vst v63  }
0x56: {  	_ =	swait.ge [sflag:s5], $0xC800  }
.Ltmp1:
0x57: {  	[sflag:s5] =	ssyncset.done $0x0;
	(pc) =	sbr.rel @p0 .LBB2_1-.Ltmp1, $4  }
0x58: {  	[sflag:s5] =	ssyncadd.s32 $0xFFFF3800  }
0x59: {  	[hbm4b:s16+s4] =	stream.linear.scatter [tilespmem:s9], [sflag:$0x3], $0xC800, $0x38;
	[tilespmem:$0x19200] =	vst v63  }
0x5a: {  	_ =	swait.ge [sflag:s5], $0xC800  }
0x5b: {  	[sflag:s5] =	ssyncset.done $0x0  }
.LBB2_2:
0x5c: {  	[sflag:s5] =	ssyncadd.s32 $0xFFFF3800  }
0x5d: {  	_ =	sfence.sel $0x180000  }
0x5e: {  	[bflag:$0x0] =	sbarrier.arrive $0xFFFF  }
0x5f: {  	p0 =	sne.s32 s0, $0x0;
	_ =	strace $0x90000050  }
0x60: {  	s0 =	sadd.s32 @!p0 $0x100000, s1;
	[bflag:$0x2] =	sbarrier.arrive $0xFFFF  }
0x61: {  	[sflag:s0] =	ssyncadd.tile.s32 @!p0 $0x1;
	_ =	shalt  }
.Lfunc_end2:
_tile_overlayer_lowered:
.L_overlay_start_2:
0x62: {  	(tag) =	ssettag $0x2  }
0x63: {  	s0 =	rddreg [dreg:$0x0];
	s2 =	stileid.u32  }
0x64: {  	s1 =	rddreg [dreg:$0x1];
	p0 =	sne.s32 s2, $0x0  }
0x65: {  	s3 =	rddreg [dreg:$0x2];
	[bflag:$0x3] =	sbarrier.arrive $0xFFFF;
	s2 =	simm.s32 @!p0 $0x1C03  }
0x66: {  	[timem:s3], [sflag:s2] =	dma.local @!p0 [hbm:s0], s1  }
0x67: {  	s0 =	simm.s32 @!p0 $0x3  }
0x68: {  	_ =	swait.ge @!p0 [sflag:s0], s1  }
0x69: {  	s1 =	ssub.s32 @!p0 $0x0, s1;
	[sflag:s0] =	ssyncset.done @!p0 $0x0  }
0x6a: {  	[sflag:s0] =	ssyncadd.s32 @!p0 s1  }
0x6b: {  	[bflag:$0x3] =	sbarrier.arrive $0xFFFF  }
0x6c: {  	_ =	shalt  }

// kernel: kernel.32.cloned.1.call-start
scs
__scs_entry_jumppad:
0x0: {  	(pc) =	sbr.rel $0x88, $3  }
0x1: {  	(tag) =	ssettag $0x0;
	lr =	simm.s32 $0x1  }
0x2: {  	[smem:$0x3F98] =	sst lr;
	_ =	strace $0xD0000000  }
0x3: {  	_ = 	snop  }
0x4: {  	_ = 	snop  }
0x5: {  	_ = 	snop  }
0x6: {  	_ = 	snop  }
0x7: {  	_ = 	snop  }
__scs_overlays_trampoline_lowered:
0x8: {  	[smem:$0x3FA7] =	sst s0  }
0x9: {  	[smem:$0x3FA8] =	sst s1  }
0xa: {  	[smem:$0x3FA9] =	sst s2  }
0xb: {  	[smem:$0x3FAA] =	sst s3  }
0xc: {  	[smem:$0x3FAB] =	sst s4  }
0xd: {  	[smem:$0x3FAC] =	sst s5  }
0xe: {  	[smem:$0x3FAD] =	sst s6  }
0xf: {  	[smem:$0x3FAE] =	sst s7  }
0x10: {  	[smem:$0x3FAF] =	sst s8  }
0x11: {  	[smem:$0x3FB0] =	sst s9;
	s0 =	simm.s32 @!p0 $0x0  }
0x12: {  	s1 =	sld [smem:$0x3F96];
	s0 =	simm.s32 @p0 $0x1  }
0x13: {  	[smem:$0x3FB1] =	sst s0;
	s0 =	simm.s32 @!p1 $0x0  }
0x14: {  	s2 =	sld [smem:$0x3F95];
	s0 =	simm.s32 @p1 $0x1  }
0x15: {  	[smem:$0x3FB2] =	sst s0;
	s0 =	simm.s32 @!p2 $0x0  }
0x16: {  	s3 =	sld [smem:$0x3FDB];
	s0 =	simm.s32 @p2 $0x1  }
0x17: {  	s4 =	simm.s32 $0x1BF5;
	[smem:$0x3FB4] =	sst s0  }
0x18: {  	s0 =	sld [smem:$0x3F97];
	_ =	swait.ge [sflag:s4], $0x0  }
0x19: {  	s7 =	sld [smem:$0x3F98]  }
0x1a: {  	s8 =	sadd.s32 $0xFFFFE003, lr  }
0x1b: {  	s9 =	sadd.s32 $0xFFFFFEF7, lr;
	s5 =	simm.s32 $0xFFFFFFFF;
	p2 =	slt.u32 s8, $0xFFFFF086  }
0x1c: {  	p1 =	slt.u32 s9, $0xF7A;
	s5 =	simm.s32 @!p2 $0x0  }
0x1d: {  	s5 =	simm.s32 @p1 $0x1;
	p0 =	seq.s32 s7, s2  }
0x1e: {  	s7 =	smul.u32 @!p0 $0xF7A, s2;
	p2 =	seq.s32 @!p0 s5, $0x0  }
0x1f: {  	s9 =	smul.u32 $0xF7A, s1;
	s8 =	simm.s32 @!p0 $0x1BF5;
	p2 =	por !p2, p0  }
0x20: {  	[sflag:s8] =	ssyncset.s32 @!p0 $0xFFFFF086;
	s6 =	sadd.s32 @!p0 s3, s7;
	s7 =	simm.s32 @!p0 $0x108  }
0x21: {  	s3 =	sadd.s32 s3, s9;
	s6 =	sadd.s32 @!p0 $0x88, s6;
	s7 =	simm.s32 @p2 $0x1082  }
0x22: {  	[simem:s7], [sflag:s8] =	dma.local @!p0 [hbm:s6], $0xF7A  }
0x23: {  	s9 =	sor.u32 $0xD0000000, s2;
	s6 =	simm.s32 $0x108;
	_ =	swait.ge @!p0 [sflag:s8], $0x0  }
0x24: {  	s3 =	sadd.s32 $0x88, s3;
	s6 =	simm.s32 @!p1 $0x1082;
	[sflag:s4] =	ssyncset.s32 $0xFFFFF086  }
0x25: {  	[simem:s6], [sflag:s4] =	dma.local [hbm:s3], $0xF7A  }
0x26: {  	[smem:$0x3F98] =	sst s1;
	(tag) =	ssettag s2;
	_ =	strace s9  }
0x27: {  	s1 =	sld [smem:$0x3FA8]  }
0x28: {  	s2 =	sld [smem:$0x3FA9]  }
0x29: {  	s4 =	sld [smem:$0x3FAB]  }
0x2a: {  	p0 =	seq.s32 s5, $0x0;
	s5 =	sld [smem:$0x3FAC]  }
0x2b: {  	s6 =	sld [smem:$0x3FAD]  }
0x2c: {  	s7 =	sld [smem:$0x3FAE]  }
0x2d: {  	s3 =	simm.s32 $0x108;
	s8 =	sld [smem:$0x3FAF]  }
0x2e: {  	s3 =	simm.s32 @!p0 $0x1082;
	s9 =	sld [smem:$0x3FB0]  }
0x2f: {  	lr =	sadd.s32 s0, s3;
	s0 =	sld [smem:$0x3FA7]  }
0x30: {  	s3 =	sld [smem:$0x3FAA]  }
0x31: {  	[smem:$0x3FB3] =	sst s10  }
0x32: {  	s10 =	sld [smem:$0x3FB1];
	_ =	sdelay $0x3  }
0x33: {  	p0 =	seq.s32 s10, $0x1;
	s10 =	sld [smem:$0x3FB3];
	_ =	sdelay $0x3  }
0x34: {  	[smem:$0x3FB3] =	sst s10  }
0x35: {  	s10 =	sld [smem:$0x3FB2];
	_ =	sdelay $0x3  }
0x36: {  	p1 =	seq.s32 s10, $0x1;
	s10 =	sld [smem:$0x3FB3];
	_ =	sdelay $0x3  }
0x37: {  	[smem:$0x3FB3] =	sst s10  }
0x38: {  	s10 =	sld [smem:$0x3FB4]  }
0x39: {  	_ = 	snop;
	(pc) =	sbr.ind lr, $3  }
0x3a: {  	_ = 	snop  }
0x3b: {  	_ = 	snop  }
0x3c: {  	p2 =	seq.s32 s10, $0x1;
	s10 =	sld [smem:$0x3FB3]  }
0x3d: {  	_ =	shalt  }
0x3e: {  	_ =	shalt  }
0x3f: {  	_ =	shalt  }
0x40: {  	_ =	shalt  }
0x41: {  	_ =	shalt  }
0x42: {  	_ =	shalt  }
0x43: {  	_ =	shalt  }
0x44: {  	_ =	shalt  }
0x45: {  	_ =	shalt  }
0x46: {  	_ =	shalt  }
0x47: {  	_ =	shalt  }
0x48: {  	_ =	shalt  }
0x49: {  	_ =	shalt  }
0x4a: {  	_ =	shalt  }
0x4b: {  	_ =	shalt  }
0x4c: {  	_ =	shalt  }
0x4d: {  	_ =	shalt  }
0x4e: {  	_ =	shalt  }
0x4f: {  	_ =	shalt  }
0x50: {  	_ =	shalt  }
0x51: {  	_ =	shalt  }
0x52: {  	_ =	shalt  }
0x53: {  	_ =	shalt  }
0x54: {  	_ =	shalt  }
0x55: {  	_ =	shalt  }
0x56: {  	_ =	shalt  }
0x57: {  	_ =	shalt  }
0x58: {  	_ =	shalt  }
0x59: {  	_ =	shalt  }
0x5a: {  	_ =	shalt  }
0x5b: {  	_ =	shalt  }
0x5c: {  	_ =	shalt  }
0x5d: {  	_ =	shalt  }
0x5e: {  	_ =	shalt  }
0x5f: {  	_ =	shalt  }
0x60: {  	_ =	shalt  }
0x61: {  	_ =	shalt  }
0x62: {  	_ =	shalt  }
0x63: {  	_ =	shalt  }
0x64: {  	_ =	shalt  }
0x65: {  	_ =	shalt  }
0x66: {  	_ =	shalt  }
0x67: {  	_ =	shalt  }
0x68: {  	_ =	shalt  }
0x69: {  	_ =	shalt  }
0x6a: {  	_ =	shalt  }
0x6b: {  	_ =	shalt  }
0x6c: {  	_ =	shalt  }
0x6d: {  	_ =	shalt  }
0x6e: {  	_ =	shalt  }
0x6f: {  	_ =	shalt  }
0x70: {  	_ =	shalt  }
0x71: {  	_ =	shalt  }
0x72: {  	_ =	shalt  }
0x73: {  	_ =	shalt  }
0x74: {  	_ =	shalt  }
0x75: {  	_ =	shalt  }
0x76: {  	_ =	shalt  }
0x77: {  	_ =	shalt  }
0x78: {  	_ =	shalt  }
0x79: {  	_ =	shalt  }
0x7a: {  	_ =	shalt  }
0x7b: {  	_ =	shalt  }
0x7c: {  	_ =	shalt  }
0x7d: {  	_ =	shalt  }
0x7e: {  	_ =	shalt  }
0x7f: {  	_ =	shalt  }
0x80: {  	_ =	shalt  }
0x81: {  	_ =	shalt  }
0x82: {  	_ =	shalt  }
0x83: {  	_ =	shalt  }
0x84: {  	_ =	shalt  }
0x85: {  	_ =	shalt  }
0x86: {  	_ =	shalt  }
0x87: {  	_ =	shalt  }
.Lfunc_end0:
.L_simem_size_0:
called_computation.4_lowered:
.L_overlay_start_0:
0x88: {  	s2 =	sld [smem:$0x3FD9]  }
0x89: {  	s3 =	sld [smem:$0x3FFE];
	_ =	sdelay $0x1  }
0x8a: {  	s1 =	srdreg.scid  }
0x8b: {  	s0 =	sand.u32 $0x1, s1  }
0x8c: {  	s17 =	sshll.u32 s0, $0xA;
	s2 =	sadd.s32 s3, s2  }
0x8d: {  	s2 =	sadd.s32 s2, s17  }
0x8e: {  	[smem:$0x3FBF] =	sst s2  }
0x8f: {  	_ = 	snop  }
0x90: {  	s18 =	sld [smem:$0x3FC9]  }
0x91: {  	s4 =	sld [smem:$0x3FC8];
	(tm) =	ssettm $0x1  }
0x92: {  	s19 =	sld [smem:$0x3FFB];
	_ =	sdelay $0x3  }
0x93: {  	_ =	strace s19  }
0x94: {  	s2 =	sld [smem:$0x3FFC];
	_ =	sdelay $0x3  }
0x95: {  	_ =	strace s2  }
0x96: {  	s2 =	sld [smem:$0x3FFD];
	_ =	sdelay $0x3  }
0x97: {  	_ =	strace s2  }
0x98: {  	_ =	strace $0x8FFFFFFF  }
0x99: {  	s20 =	sld [smem:$0x3FDB];
	_ =	sdelay $0x1  }
0x9a: {  	s5 =	simm.s32 $_scs_section_size  }
0x9b: {  	s6 =	simm.s32 $_size__tile_overlayer_lowered;
	s7 =	simm.s32 $_tile_overlayer_lowered  }
0x9c: {  	s8 =	simm.s32 $0x1BFF;
	s21 =	sshll.u32 s7, $0x1;
	s5 =	sadd.s32 s5, s20  }
0x9d: {  	s22 =	simm.s32 $0x0;
	s6 =	sshll.u32 s6, $0x1;
	s7 =	sadd.s32 s21, s5  }
0x9e: {  	[timem:s22], [sflag:s8] =	dma.local [hbm:s7], s6  }
0x9f: {  	_ =	swait.ge [sflag:s8], s6  }
0xa0: {  	s6 =	ssub.s32 $0x0, s6;
	[sflag:s8] =	ssyncset.done $0x0  }
0xa1: {  	[sflag:s8] =	ssyncadd.s32 s6;
	_ =	sdelay $0x1  }
0xa2: {  	s23 =	simm.s32 $0x1B8B  }
0xa3: {  	_ =	swait.ge [sflag:s23], $0x1  }
0xa4: {  	[sflag:s23] =	ssyncset.done $0x0  }
0xa5: {  	[sflag:s23] =	ssyncadd.s32 $0xFFFFFFFF  }
0xa6: {  	s6 =	sld [smem:$0x0]  }
0xa7: {  	s7 =	sand.u32 $0xFFFFFFFE, s1  }
0xa8: {  	p0 =	sne.s32 s1, s7  }
0xa9: {  	s7 =	sshll.u32 @p0 s7, $0xE  }
0xaa: {  	s7 =	sadd.s32 @p0 $0x11B8D, s7;
	s8 =	sshll.u32 @p0 s6, $0x11  }
0xab: {  	s7 =	sor.u32 @p0 s8, s7  }
0xac: {  	[sflag:s7] =	ssyncadd.remote.s32 @p0 $0x1;
	_ =	sdelay $0x1  }
0xad: {  	s7 =	simm.s32 @p0 $0x1B8D  }
0xae: {  	_ =	swait.eq @p0 [sflag:s7], $0x1  }
0xaf: {  	[sflag:s7] =	ssyncadd.s32 @p0 $0xFFFFFFFF  }
0xb0: {  	s8 =	sshll.u32 @!p0 s1, $0xE  }
0xb1: {  	s8 =	sor.u32 @!p0 $0x4000, s8;
	s7 =	simm.s32 @!p0 $0x1B8D  }
0xb2: {  	s6 =	sshll.u32 @!p0 s6, $0x11;
	s8 =	sadd.s32 @!p0 $0x11B8D, s8;
	_ =	swait.eq @!p0 [sflag:s7], $0x1  }
0xb3: {  	s6 =	sor.u32 @!p0 s6, s8;
	[sflag:s7] =	ssyncadd.s32 @!p0 $0xFFFFFFFF  }
0xb4: {  	s25 =	simm.s32 $0x1B8E;
	s24 =	sld [smem:$0x3FFE];
	[sflag:s6] =	ssyncadd.remote.s32 @!p0 $0x1  }
0xb5: {  	s26 =	simm.s32 $execute0_lowered;
	[smem:$0x3FD2] =	sst s25  }
0xb6: {  	s7 =	sshll.u32 s26, $0x1;
	_ =	strace $0x80000052;
	[dreg:$0x1] =	wrdreg $0xFFFFFFFF  }
0xb7: {  	s28 =	simm.s32 $_size_execute0_lowered;
	s5 =	sadd.s32 s5, s7;
	[dreg:$0x0] =	wrdreg $0x0  }
0xb8: {  	s7 =	sshll.u32 s28, $0x1;
	[dreg:$0x2] =	wrdreg s5  }
0xb9: {  	[dreg:$0x3] =	wrdreg s7  }
0xba: {  	[dreg:$0x4] =	wrdreg $0xC0  }
0xbb: {  	_ =	task [dreg:s22], $0x5FFFF  }
0xbc: {  	[dreg:$0x1] =	wrdreg $0xFFFFFFFF  }
0xbd: {  	[dreg:$0x0] =	wrdreg $0x60  }
0xbe: {  	[dreg:$0x2] =	wrdreg s18  }
0xbf: {  	[dreg:$0x3] =	wrdreg s4  }
0xc0: {  	[dreg:$0x4] =	wrdreg s24  }
0xc1: {  	[dreg:$0x5] =	wrdreg $0xD  }
0xc2: {  	_ =	task.clear_ibuf [dreg:s22], $0x6FFFF;
	_ =	strace $0x90000052  }
0xc3: {  	s29 =	simm.s32 $0xD;
	_ =	strace $0x80000054  }
0xc4: {  	_ =	swait.ge [sflag:s29], $0x1  }
0xc5: {  	[sflag:s29] =	ssyncadd.s32 $0xFFFFFFFF  }
0xc6: {  	_ =	strace $0x90000054  }
0xc7: {  	_ =	sfence  }
0xc8: {  	s30 =	sld [smem:$0x0];
	_ =	sdelay $0x2  }
0xc9: {  	s31 =	sshll.u32 s1, $0xD;
	s1 =	sshrl.u32 s1, $0x2  }
0xca: {  	s4 =	sand.u32 $0x4000, s31;
	s1 =	sadd.s32 s1, s30  }
0xcb: {  	s0 =	sor.u32 s4, s0;
	s1 =	sshll.u32 s1, $0x11  }
0xcc: {  	s0 =	sor.u32 s1, s0  }
0xcd: {  	s0 =	sadd.s32 $0x8F2B, s0  }
0xce: {  	[sflag:s0] =	ssyncadd.remote.s32 $0x1  }
0xcf: {  	_ =	sfence.sel $0xFFFF  }
0xd0: {  	[dreg:$0x0] =	wrdreg $0xFFFFFFFF;
	(pc) =	sbr.abs _section_cstart, $3  }
0xd1: {  	[dreg:$0x1] =	wrdreg $0xFFFFFFFF  }
0xd2: {  	_ =	task.clear_ibuf [dreg:s22], $0x2FFFF;
	_ =	strace $0x9FFFFFFF  }
0xd3: {  	(tm) =	ssettm $0x7FFFFFFF  }
tec
execute0_lowered:
.L_overlay_start_1:
0x0: {  	(tag) =	ssettag $0x1  }
0x1: {  	s1 =	srdreg.scid;
	s0 =	stileid.u32  }
0x2: {  	s15 =	sand.u32 $0x1, s1;
	s31 =	sshll.u32 s0, $0x1  }
0x3: {  	s2 =	rddreg [dreg:$0x0];
	s11 =	sor.u32 s15, s31  }
0x4: {  	s3 =	rddreg [dreg:$0x1];
	s5 =	smul.u32 $0x190, s11  }
0x5: {  	s12 =	rddreg [dreg:$0x2]  }
0x6: {  	s4 =	simm.s32 $0x0;
	s1 =	rddreg [dreg:$0x3];
	s5 =	sshrl.u32 s5, $0x3  }
0x7: {  	[smem:$0x7FF] =	sst s4;
	s14 =	sadd.s32 s12, s5  }
0x8: {  	_ =	strace $0x80000053;
	s5 =	simm.s32 $0x3;
	s6 =	sadd.s32 $0xBD0C, s14  }
0x9: {  	[tilespmem:s4], [sflag:$0x3] =	stream.linear.gather [hbm4b:s6+s4], $0x190, $0x38;
	[tilespmem:$0x19200] =	vst v63  }
0xa: {  	_ =	swait.ge [sflag:s5], $0x190  }
0xb: {  	[sflag:s5] =	ssyncset.done $0x0  }
0xc: {  	s7 =	simm.s32 $0x190;
	s8 =	simm.s32 $0x200;
	[sflag:s5] =	ssyncadd.s32 $0xFFFFFE70  }
0xd: {  	[tilespmem:s8], [sflag:$0x1] =	stream.indirect.gather [hbm4b:s2+s7], $0x80, s4, s7, $0xb8;
	[tilespmem:$0x19200] =	vst v63  }
0xe: {  	s9 =	simm.s32 $0xCA00;
	s10 =	simm.s32 $0x1  }
0xf: {  	[tilespmem:s9], [sflag:$0x2] =	stream.indirect.gather [hbm4b:s3+s7], $0x80, s4, s7, $0xb8;
	[tilespmem:$0x19200] =	vst v63  }
0x10: {  	_ =	swait.ge [sflag:s10], $0xC800  }
0x11: {  	[sflag:s10] =	ssyncset.done $0x0  }
0x12: {  	s13 =	smul.u32 $0x1900, s11;
	s11 =	simm.s32 $0x2;
	[sflag:s10] =	ssyncadd.s32 $0xFFFF3800  }
0x13: {  	_ =	swait.ge [sflag:s11], $0xC800  }
0x14: {  	s16 =	sadd.s32 s13, s12;
	[sflag:s11] =	ssyncset.done $0x0  }
0x15: {  	s12 =	sadd.s32 $0x2A9000, s16;
	[sflag:s11] =	ssyncadd.s32 $0xFFFF3800  }
0x16: {  	[hbm4b:s12+s4] =	stream.linear.scatter [tilespmem:s8], [sflag:$0x3], $0xC800, $0x38;
	[tilespmem:$0x19200] =	vst v63  }
0x17: {  	_ =	swait.ge [sflag:s5], $0xC800  }
0x18: {  	[sflag:s5] =	ssyncset.done $0x0  }
0x19: {  	s13 =	sadd.s32 $0x2DB000, s16;
	[sflag:s5] =	ssyncadd.s32 $0xFFFF3800  }
0x1a: {  	[hbm4b:s13+s4] =	stream.linear.scatter [tilespmem:s9], [sflag:$0x3], $0xC800, $0x38;
	[tilespmem:$0x19200] =	vst v63  }
0x1b: {  	_ =	swait.ge [sflag:s5], $0xC800  }
0x1c: {  	[sflag:s5] =	ssyncset.done $0x0  }
0x1d: {  	s14 =	sadd.s32 $0x9F0C, s14;
	[sflag:s5] =	ssyncadd.s32 $0xFFFF3800  }
0x1e: {  	[tilespmem:s4], [sflag:$0x3] =	stream.linear.gather [hbm4b:s14+s4], $0x190, $0x38;
	[tilespmem:$0x19200] =	vst v63  }
0x1f: {  	_ =	swait.ge [sflag:s5], $0x190  }
0x20: {  	[sflag:s5] =	ssyncset.done $0x0  }
0x21: {  	[sflag:s5] =	ssyncadd.s32 $0xFFFFFE70  }
0x22: {  	[tilespmem:s8], [sflag:$0x1] =	stream.indirect.gather [hbm4b:s2+s7], $0x80, s4, s7, $0xb8;
	[tilespmem:$0x19200] =	vst v63  }
0x23: {  	_ = 	snop  }
0x24: {  	[tilespmem:s9], [sflag:$0x2] =	stream.indirect.gather [hbm4b:s3+s7], $0x80, s4, s7, $0xb8;
	[tilespmem:$0x19200] =	vst v63  }
0x25: {  	_ =	swait.ge [sflag:s10], $0xC800  }
0x26: {  	[sflag:s10] =	ssyncset.done $0x0  }
0x27: {  	s17 =	ssub.s32 $0x2, s15;
	[sflag:s10] =	ssyncadd.s32 $0xFFFF3800  }
0x28: {  	s18 =	sshrl.u32 s17, $0x1;
	_ =	swait.ge [sflag:s11], $0xC800  }
0x29: {  	s17 =	ssub.s32 s17, s18;
	[sflag:s11] =	ssyncset.done $0x0  }
0x2a: {  	s17 =	smax.u32 s17, $0x1;
	s15 =	sadd.s32 $0x30D000, s16;
	[sflag:s11] =	ssyncadd.s32 $0xFFFF3800  }
0x2b: {  	[hbm4b:s15+s4] =	stream.linear.scatter [tilespmem:s8], [sflag:$0x3], $0xC800, $0x38;
	[tilespmem:$0x19200] =	vst v63  }
0x2c: {  	p0 =	sne.s32 s17, $0x1;
	_ =	swait.ge [sflag:s5], $0xC800  }
.Ltmp0:
0x2d: {  	[sflag:s5] =	ssyncset.done $0x0;
	(pc) =	sbr.rel @!p0 .LBB2_2-.Ltmp0, $4  }
0x2e: {  	s16 =	sadd.s32 $0x33F000, s16;
	[sflag:s5] =	ssyncadd.s32 $0xFFFF3800  }
0x2f: {  	[hbm4b:s16+s4] =	stream.linear.scatter [tilespmem:s9], [sflag:$0x3], $0xC800, $0x38;
	[tilespmem:$0x19200] =	vst v63  }
0x30: {  	_ =	swait.ge [sflag:s5], $0xC800  }
0x31: {  	s17 =	sadd.s32 $0xFFFFFFFF, s17;
	[sflag:s5] =	ssyncset.done $0x0  }
.LBB2_1:
0x32: {  	p0 =	sne.s32 s17, $0x1;
	s17 =	sadd.s32 $0xFFFFFFFF, s17;
	[sflag:s5] =	ssyncadd.s32 $0xFFFF3800  }
0x33: {  	[tilespmem:s4], [sflag:$0x3] =	stream.linear.gather [hbm4b:s6+s4], $0x190, $0x38;
	[tilespmem:$0x19200] =	vst v63  }
0x34: {  	_ =	swait.ge [sflag:s5], $0x190  }
0x35: {  	[sflag:s5] =	ssyncset.done $0x0  }
0x36: {  	[sflag:s5] =	ssyncadd.s32 $0xFFFFFE70  }
0x37: {  	[tilespmem:s8], [sflag:$0x1] =	stream.indirect.gather [hbm4b:s2+s7], $0x80, s4, s7, $0xb8;
	[tilespmem:$0x19200] =	vst v63  }
0x38: {  	_ = 	snop  }
0x39: {  	[tilespmem:s9], [sflag:$0x2] =	stream.indirect.gather [hbm4b:s3+s7], $0x80, s4, s7, $0xb8;
	[tilespmem:$0x19200] =	vst v63  }
0x3a: {  	_ =	swait.ge [sflag:s10], $0xC800  }
0x3b: {  	[sflag:s10] =	ssyncset.done $0x0  }
0x3c: {  	[sflag:s10] =	ssyncadd.s32 $0xFFFF3800  }
0x3d: {  	_ =	swait.ge [sflag:s11], $0xC800  }
0x3e: {  	[sflag:s11] =	ssyncset.done $0x0  }
0x3f: {  	[sflag:s11] =	ssyncadd.s32 $0xFFFF3800  }
0x40: {  	[hbm4b:s12+s4] =	stream.linear.scatter [tilespmem:s8], [sflag:$0x3], $0xC800, $0x38;
	[tilespmem:$0x19200] =	vst v63  }
0x41: {  	_ =	swait.ge [sflag:s5], $0xC800  }
0x42: {  	[sflag:s5] =	ssyncset.done $0x0  }
0x43: {  	[sflag:s5] =	ssyncadd.s32 $0xFFFF3800  }
0x44: {  	[hbm4b:s13+s4] =	stream.linear.scatter [tilespmem:s9], [sflag:$0x3], $0xC800, $0x38;
	[tilespmem:$0x19200] =	vst v63  }
0x45: {  	_ =	swait.ge [sflag:s5], $0xC800  }
0x46: {  	[sflag:s5] =	ssyncset.done $0x0  }
0x47: {  	[sflag:s5] =	ssyncadd.s32 $0xFFFF3800  }
0x48: {  	[tilespmem:s4], [sflag:$0x3] =	stream.linear.gather [hbm4b:s14+s4], $0x190, $0x38;
	[tilespmem:$0x19200] =	vst v63  }
0x49: {  	_ =	swait.ge [sflag:s5], $0x190  }
0x4a: {  	[sflag:s5] =	ssyncset.done $0x0  }
0x4b: {  	[sflag:s5] =	ssyncadd.s32 $0xFFFFFE70  }
0x4c: {  	[tilespmem:s8], [sflag:$0x1] =	stream.indirect.gather [hbm4b:s2+s7], $0x80, s4, s7, $0xb8;
	[tilespmem:$0x19200] =	vst v63  }
0x4d: {  	_ = 	snop  }
0x4e: {  	[tilespmem:s9], [sflag:$0x2] =	stream.indirect.gather [hbm4b:s3+s7], $0x80, s4, s7, $0xb8;
	[tilespmem:$0x19200] =	vst v63  }
0x4f: {  	_ =	swait.ge [sflag:s10], $0xC800  }
0x50: {  	[sflag:s10] =	ssyncset.done $0x0  }
0x51: {  	[sflag:s10] =	ssyncadd.s32 $0xFFFF3800  }
0x52: {  	_ =	swait.ge [sflag:s11], $0xC800  }
0x53: {  	[sflag:s11] =	ssyncset.done $0x0  }
0x54: {  	[sflag:s11] =	ssyncadd.s32 $0xFFFF3800  }
0x55: {  	[hbm4b:s15+s4] =	stream.linear.scatter [tilespmem:s8], [sflag:$0x3], $0xC800, $0x38;
	[tilespmem:$0x19200] =	vst v63  }
0x56: {  	_ =	swait.ge [sflag:s5], $0xC800  }
.Ltmp1:
0x57: {  	[sflag:s5] =	ssyncset.done $0x0;
	(pc) =	sbr.rel @p0 .LBB2_1-.Ltmp1, $4  }
0x58: {  	[sflag:s5] =	ssyncadd.s32 $0xFFFF3800  }
0x59: {  	[hbm4b:s16+s4] =	stream.linear.scatter [tilespmem:s9], [sflag:$0x3], $0xC800, $0x38;
	[tilespmem:$0x19200] =	vst v63  }
0x5a: {  	_ =	swait.ge [sflag:s5], $0xC800  }
0x5b: {  	[sflag:s5] =	ssyncset.done $0x0  }
.LBB2_2:
0x5c: {  	[sflag:s5] =	ssyncadd.s32 $0xFFFF3800  }
0x5d: {  	_ =	sfence.sel $0x180000  }
0x5e: {  	[bflag:$0x0] =	sbarrier.arrive $0xFFFF  }
0x5f: {  	p0 =	sne.s32 s0, $0x0;
	_ =	strace $0x90000053  }
0x60: {  	s0 =	sadd.s32 @!p0 $0x100000, s1;
	[bflag:$0x2] =	sbarrier.arrive $0xFFFF  }
0x61: {  	[sflag:s0] =	ssyncadd.tile.s32 @!p0 $0x1;
	_ =	shalt  }
.Lfunc_end2:
_tile_overlayer_lowered:
.L_overlay_start_2:
0x62: {  	(tag) =	ssettag $0x2  }
0x63: {  	s0 =	rddreg [dreg:$0x0];
	s2 =	stileid.u32  }
0x64: {  	s1 =	rddreg [dreg:$0x1];
	p0 =	sne.s32 s2, $0x0  }
0x65: {  	s3 =	rddreg [dreg:$0x2];
	[bflag:$0x3] =	sbarrier.arrive $0xFFFF;
	s2 =	simm.s32 @!p0 $0x1C03  }
0x66: {  	[timem:s3], [sflag:s2] =	dma.local @!p0 [hbm:s0], s1  }
0x67: {  	s0 =	simm.s32 @!p0 $0x3  }
0x68: {  	_ =	swait.ge @!p0 [sflag:s0], s1  }
0x69: {  	s1 =	ssub.s32 @!p0 $0x0, s1;
	[sflag:s0] =	ssyncset.done @!p0 $0x0  }
0x6a: {  	[sflag:s0] =	ssyncadd.s32 @!p0 s1  }
0x6b: {  	[bflag:$0x3] =	sbarrier.arrive $0xFFFF  }
0x6c: {  	_ =	shalt  }

// kernel: kernel.35.cloned.1.call-start
scs
__scs_entry_jumppad:
0x0: {  	(pc) =	sbr.rel $0x88, $3  }
0x1: {  	(tag) =	ssettag $0x0;
	lr =	simm.s32 $0x1  }
0x2: {  	[smem:$0x3F98] =	sst lr;
	_ =	strace $0xD0000000  }
0x3: {  	_ = 	snop  }
0x4: {  	_ = 	snop  }
0x5: {  	_ = 	snop  }
0x6: {  	_ = 	snop  }
0x7: {  	_ = 	snop  }
__scs_overlays_trampoline_lowered:
0x8: {  	[smem:$0x3FA7] =	sst s0  }
0x9: {  	[smem:$0x3FA8] =	sst s1  }
0xa: {  	[smem:$0x3FA9] =	sst s2  }
0xb: {  	[smem:$0x3FAA] =	sst s3  }
0xc: {  	[smem:$0x3FAB] =	sst s4  }
0xd: {  	[smem:$0x3FAC] =	sst s5  }
0xe: {  	[smem:$0x3FAD] =	sst s6  }
0xf: {  	[smem:$0x3FAE] =	sst s7  }
0x10: {  	[smem:$0x3FAF] =	sst s8  }
0x11: {  	[smem:$0x3FB0] =	sst s9;
	s0 =	simm.s32 @!p0 $0x0  }
0x12: {  	s1 =	sld [smem:$0x3F96];
	s0 =	simm.s32 @p0 $0x1  }
0x13: {  	[smem:$0x3FB1] =	sst s0;
	s0 =	simm.s32 @!p1 $0x0  }
0x14: {  	s2 =	sld [smem:$0x3F95];
	s0 =	simm.s32 @p1 $0x1  }
0x15: {  	[smem:$0x3FB2] =	sst s0;
	s0 =	simm.s32 @!p2 $0x0  }
0x16: {  	s3 =	sld [smem:$0x3FDB];
	s0 =	simm.s32 @p2 $0x1  }
0x17: {  	s4 =	simm.s32 $0x1BF5;
	[smem:$0x3FB4] =	sst s0  }
0x18: {  	s0 =	sld [smem:$0x3F97];
	_ =	swait.ge [sflag:s4], $0x0  }
0x19: {  	s7 =	sld [smem:$0x3F98]  }
0x1a: {  	s8 =	sadd.s32 $0xFFFFE003, lr  }
0x1b: {  	s9 =	sadd.s32 $0xFFFFFEF7, lr;
	s5 =	simm.s32 $0xFFFFFFFF;
	p2 =	slt.u32 s8, $0xFFFFF086  }
0x1c: {  	p1 =	slt.u32 s9, $0xF7A;
	s5 =	simm.s32 @!p2 $0x0  }
0x1d: {  	s5 =	simm.s32 @p1 $0x1;
	p0 =	seq.s32 s7, s2  }
0x1e: {  	s7 =	smul.u32 @!p0 $0xF7A, s2;
	p2 =	seq.s32 @!p0 s5, $0x0  }
0x1f: {  	s9 =	smul.u32 $0xF7A, s1;
	s8 =	simm.s32 @!p0 $0x1BF5;
	p2 =	por !p2, p0  }
0x20: {  	[sflag:s8] =	ssyncset.s32 @!p0 $0xFFFFF086;
	s6 =	sadd.s32 @!p0 s3, s7;
	s7 =	simm.s32 @!p0 $0x108  }
0x21: {  	s3 =	sadd.s32 s3, s9;
	s6 =	sadd.s32 @!p0 $0x88, s6;
	s7 =	simm.s32 @p2 $0x1082  }
0x22: {  	[simem:s7], [sflag:s8] =	dma.local @!p0 [hbm:s6], $0xF7A  }
0x23: {  	s9 =	sor.u32 $0xD0000000, s2;
	s6 =	simm.s32 $0x108;
	_ =	swait.ge @!p0 [sflag:s8], $0x0  }
0x24: {  	s3 =	sadd.s32 $0x88, s3;
	s6 =	simm.s32 @!p1 $0x1082;
	[sflag:s4] =	ssyncset.s32 $0xFFFFF086  }
0x25: {  	[simem:s6], [sflag:s4] =	dma.local [hbm:s3], $0xF7A  }
0x26: {  	[smem:$0x3F98] =	sst s1;
	(tag) =	ssettag s2;
	_ =	strace s9  }
0x27: {  	s1 =	sld [smem:$0x3FA8]  }
0x28: {  	s2 =	sld [smem:$0x3FA9]  }
0x29: {  	s4 =	sld [smem:$0x3FAB]  }
0x2a: {  	p0 =	seq.s32 s5, $0x0;
	s5 =	sld [smem:$0x3FAC]  }
0x2b: {  	s6 =	sld [smem:$0x3FAD]  }
0x2c: {  	s7 =	sld [smem:$0x3FAE]  }
0x2d: {  	s3 =	simm.s32 $0x108;
	s8 =	sld [smem:$0x3FAF]  }
0x2e: {  	s3 =	simm.s32 @!p0 $0x1082;
	s9 =	sld [smem:$0x3FB0]  }
0x2f: {  	lr =	sadd.s32 s0, s3;
	s0 =	sld [smem:$0x3FA7]  }
0x30: {  	s3 =	sld [smem:$0x3FAA]  }
0x31: {  	[smem:$0x3FB3] =	sst s10  }
0x32: {  	s10 =	sld [smem:$0x3FB1];
	_ =	sdelay $0x3  }
0x33: {  	p0 =	seq.s32 s10, $0x1;
	s10 =	sld [smem:$0x3FB3];
	_ =	sdelay $0x3  }
0x34: {  	[smem:$0x3FB3] =	sst s10  }
0x35: {  	s10 =	sld [smem:$0x3FB2];
	_ =	sdelay $0x3  }
0x36: {  	p1 =	seq.s32 s10, $0x1;
	s10 =	sld [smem:$0x3FB3];
	_ =	sdelay $0x3  }
0x37: {  	[smem:$0x3FB3] =	sst s10  }
0x38: {  	s10 =	sld [smem:$0x3FB4]  }
0x39: {  	_ = 	snop;
	(pc) =	sbr.ind lr, $3  }
0x3a: {  	_ = 	snop  }
0x3b: {  	_ = 	snop  }
0x3c: {  	p2 =	seq.s32 s10, $0x1;
	s10 =	sld [smem:$0x3FB3]  }
0x3d: {  	_ =	shalt  }
0x3e: {  	_ =	shalt  }
0x3f: {  	_ =	shalt  }
0x40: {  	_ =	shalt  }
0x41: {  	_ =	shalt  }
0x42: {  	_ =	shalt  }
0x43: {  	_ =	shalt  }
0x44: {  	_ =	shalt  }
0x45: {  	_ =	shalt  }
0x46: {  	_ =	shalt  }
0x47: {  	_ =	shalt  }
0x48: {  	_ =	shalt  }
0x49: {  	_ =	shalt  }
0x4a: {  	_ =	shalt  }
0x4b: {  	_ =	shalt  }
0x4c: {  	_ =	shalt  }
0x4d: {  	_ =	shalt  }
0x4e: {  	_ =	shalt  }
0x4f: {  	_ =	shalt  }
0x50: {  	_ =	shalt  }
0x51: {  	_ =	shalt  }
0x52: {  	_ =	shalt  }
0x53: {  	_ =	shalt  }
0x54: {  	_ =	shalt  }
0x55: {  	_ =	shalt  }
0x56: {  	_ =	shalt  }
0x57: {  	_ =	shalt  }
0x58: {  	_ =	shalt  }
0x59: {  	_ =	shalt  }
0x5a: {  	_ =	shalt  }
0x5b: {  	_ =	shalt  }
0x5c: {  	_ =	shalt  }
0x5d: {  	_ =	shalt  }
0x5e: {  	_ =	shalt  }
0x5f: {  	_ =	shalt  }
0x60: {  	_ =	shalt  }
0x61: {  	_ =	shalt  }
0x62: {  	_ =	shalt  }
0x63: {  	_ =	shalt  }
0x64: {  	_ =	shalt  }
0x65: {  	_ =	shalt  }
0x66: {  	_ =	shalt  }
0x67: {  	_ =	shalt  }
0x68: {  	_ =	shalt  }
0x69: {  	_ =	shalt  }
0x6a: {  	_ =	shalt  }
0x6b: {  	_ =	shalt  }
0x6c: {  	_ =	shalt  }
0x6d: {  	_ =	shalt  }
0x6e: {  	_ =	shalt  }
0x6f: {  	_ =	shalt  }
0x70: {  	_ =	shalt  }
0x71: {  	_ =	shalt  }
0x72: {  	_ =	shalt  }
0x73: {  	_ =	shalt  }
0x74: {  	_ =	shalt  }
0x75: {  	_ =	shalt  }
0x76: {  	_ =	shalt  }
0x77: {  	_ =	shalt  }
0x78: {  	_ =	shalt  }
0x79: {  	_ =	shalt  }
0x7a: {  	_ =	shalt  }
0x7b: {  	_ =	shalt  }
0x7c: {  	_ =	shalt  }
0x7d: {  	_ =	shalt  }
0x7e: {  	_ =	shalt  }
0x7f: {  	_ =	shalt  }
0x80: {  	_ =	shalt  }
0x81: {  	_ =	shalt  }
0x82: {  	_ =	shalt  }
0x83: {  	_ =	shalt  }
0x84: {  	_ =	shalt  }
0x85: {  	_ =	shalt  }
0x86: {  	_ =	shalt  }
0x87: {  	_ =	shalt  }
.Lfunc_end0:
.L_simem_size_0:
called_computation.5_lowered:
.L_overlay_start_0:
0x88: {  	s2 =	sld [smem:$0x3FD9]  }
0x89: {  	s3 =	sld [smem:$0x3FFE];
	_ =	sdelay $0x1  }
0x8a: {  	s1 =	srdreg.scid  }
0x8b: {  	s0 =	sand.u32 $0x1, s1  }
0x8c: {  	s17 =	sshll.u32 s0, $0xA;
	s2 =	sadd.s32 s3, s2  }
0x8d: {  	s2 =	sadd.s32 s2, s17  }
0x8e: {  	[smem:$0x3FBF] =	sst s2  }
0x8f: {  	_ = 	snop  }
0x90: {  	s18 =	sld [smem:$0x3FC7]  }
0x91: {  	s4 =	sld [smem:$0x3FC6];
	(tm) =	ssettm $0x1  }
0x92: {  	s19 =	sld [smem:$0x3FFB];
	_ =	sdelay $0x3  }
0x93: {  	_ =	strace s19  }
0x94: {  	s2 =	sld [smem:$0x3FFC];
	_ =	sdelay $0x3  }
0x95: {  	_ =	strace s2  }
0x96: {  	s2 =	sld [smem:$0x3FFD];
	_ =	sdelay $0x3  }
0x97: {  	_ =	strace s2  }
0x98: {  	_ =	strace $0x8FFFFFFF  }
0x99: {  	s20 =	sld [smem:$0x3FDB];
	_ =	sdelay $0x1  }
0x9a: {  	s5 =	simm.s32 $_scs_section_size  }
0x9b: {  	s6 =	simm.s32 $_size__tile_overlayer_lowered;
	s7 =	simm.s32 $_tile_overlayer_lowered  }
0x9c: {  	s8 =	simm.s32 $0x1BFF;
	s21 =	sshll.u32 s7, $0x1;
	s5 =	sadd.s32 s5, s20  }
0x9d: {  	s22 =	simm.s32 $0x0;
	s6 =	sshll.u32 s6, $0x1;
	s7 =	sadd.s32 s21, s5  }
0x9e: {  	[timem:s22], [sflag:s8] =	dma.local [hbm:s7], s6  }
0x9f: {  	_ =	swait.ge [sflag:s8], s6  }
0xa0: {  	s6 =	ssub.s32 $0x0, s6;
	[sflag:s8] =	ssyncset.done $0x0  }
0xa1: {  	[sflag:s8] =	ssyncadd.s32 s6;
	_ =	sdelay $0x1  }
0xa2: {  	s23 =	simm.s32 $0x1B8B  }
0xa3: {  	_ =	swait.ge [sflag:s23], $0x1  }
0xa4: {  	[sflag:s23] =	ssyncset.done $0x0  }
0xa5: {  	[sflag:s23] =	ssyncadd.s32 $0xFFFFFFFF  }
0xa6: {  	s6 =	sld [smem:$0x0]  }
0xa7: {  	s7 =	sand.u32 $0xFFFFFFFE, s1  }
0xa8: {  	p0 =	sne.s32 s1, s7  }
0xa9: {  	s7 =	sshll.u32 @p0 s7, $0xE  }
0xaa: {  	s7 =	sadd.s32 @p0 $0x11B8D, s7;
	s8 =	sshll.u32 @p0 s6, $0x11  }
0xab: {  	s7 =	sor.u32 @p0 s8, s7  }
0xac: {  	[sflag:s7] =	ssyncadd.remote.s32 @p0 $0x1;
	_ =	sdelay $0x1  }
0xad: {  	s7 =	simm.s32 @p0 $0x1B8D  }
0xae: {  	_ =	swait.eq @p0 [sflag:s7], $0x1  }
0xaf: {  	[sflag:s7] =	ssyncadd.s32 @p0 $0xFFFFFFFF  }
0xb0: {  	s8 =	sshll.u32 @!p0 s1, $0xE  }
0xb1: {  	s8 =	sor.u32 @!p0 $0x4000, s8;
	s7 =	simm.s32 @!p0 $0x1B8D  }
0xb2: {  	s6 =	sshll.u32 @!p0 s6, $0x11;
	s8 =	sadd.s32 @!p0 $0x11B8D, s8;
	_ =	swait.eq @!p0 [sflag:s7], $0x1  }
0xb3: {  	s6 =	sor.u32 @!p0 s6, s8;
	[sflag:s7] =	ssyncadd.s32 @!p0 $0xFFFFFFFF  }
0xb4: {  	s25 =	simm.s32 $0x1B8E;
	s24 =	sld [smem:$0x3FFE];
	[sflag:s6] =	ssyncadd.remote.s32 @!p0 $0x1  }
0xb5: {  	s26 =	simm.s32 $execute0_lowered;
	[smem:$0x3FD2] =	sst s25  }
0xb6: {  	s7 =	sshll.u32 s26, $0x1;
	_ =	strace $0x80000055;
	[dreg:$0x1] =	wrdreg $0xFFFFFFFF  }
0xb7: {  	s28 =	simm.s32 $_size_execute0_lowered;
	s5 =	sadd.s32 s5, s7;
	[dreg:$0x0] =	wrdreg $0x0  }
0xb8: {  	s7 =	sshll.u32 s28, $0x1;
	[dreg:$0x2] =	wrdreg s5  }
0xb9: {  	[dreg:$0x3] =	wrdreg s7  }
0xba: {  	[dreg:$0x4] =	wrdreg $0xC0  }
0xbb: {  	_ =	task [dreg:s22], $0x5FFFF  }
0xbc: {  	[dreg:$0x1] =	wrdreg $0xFFFFFFFF  }
0xbd: {  	[dreg:$0x0] =	wrdreg $0x60  }
0xbe: {  	[dreg:$0x2] =	wrdreg s18  }
0xbf: {  	[dreg:$0x3] =	wrdreg s4  }
0xc0: {  	[dreg:$0x4] =	wrdreg s24  }
0xc1: {  	[dreg:$0x5] =	wrdreg $0xE  }
0xc2: {  	_ =	task.clear_ibuf [dreg:s22], $0x6FFFF;
	_ =	strace $0x90000055  }
0xc3: {  	s29 =	simm.s32 $0xE;
	_ =	strace $0x80000057  }
0xc4: {  	_ =	swait.ge [sflag:s29], $0x1  }
0xc5: {  	[sflag:s29] =	ssyncadd.s32 $0xFFFFFFFF  }
0xc6: {  	_ =	strace $0x90000057  }
0xc7: {  	_ =	sfence  }
0xc8: {  	s30 =	sld [smem:$0x0];
	_ =	sdelay $0x2  }
0xc9: {  	s31 =	sshll.u32 s1, $0xD;
	s1 =	sshrl.u32 s1, $0x2  }
0xca: {  	s4 =	sand.u32 $0x4000, s31;
	s1 =	sadd.s32 s1, s30  }
0xcb: {  	s0 =	sor.u32 s4, s0;
	s1 =	sshll.u32 s1, $0x11  }
0xcc: {  	s0 =	sor.u32 s1, s0  }
0xcd: {  	s0 =	sadd.s32 $0x8F2B, s0  }
0xce: {  	[sflag:s0] =	ssyncadd.remote.s32 $0x1  }
0xcf: {  	_ =	sfence.sel $0xFFFF  }
0xd0: {  	[dreg:$0x0] =	wrdreg $0xFFFFFFFF;
	(pc) =	sbr.abs _section_cstart, $3  }
0xd1: {  	[dreg:$0x1] =	wrdreg $0xFFFFFFFF  }
0xd2: {  	_ =	task.clear_ibuf [dreg:s22], $0x2FFFF;
	_ =	strace $0x9FFFFFFF  }
0xd3: {  	(tm) =	ssettm $0x7FFFFFFF  }
tec
execute0_lowered:
.L_overlay_start_1:
0x0: {  	(tag) =	ssettag $0x1  }
0x1: {  	s1 =	stileid.u32  }
0x2: {  	p0 =	sgt.u32 s1, $0xD  }
.Ltmp0:
0x3: {  	s2 =	rddreg [dreg:$0x0];
	(pc) =	sbr.rel @p0 .LBB2_4-.Ltmp0, $4  }
0x4: {  	s3 =	rddreg [dreg:$0x1]  }
0x5: {  	s14 =	rddreg [dreg:$0x2];
	s4 =	simm.s32 $0x0  }
0x6: {  	[smem:$0x7FF] =	sst s4  }
0x7: {  	s0 =	rddreg [dreg:$0x3];
	_ =	strace $0x80000056  }
0x8: {  	s5 =	srdreg.scid  }
0x9: {  	s28 =	sshll.u32 s1, $0x1;
	s16 =	sand.u32 $0x1, s5  }
0xa: {  	s11 =	sor.u32 s16, s28  }
0xb: {  	s15 =	smul.u32 $0x32, s11  }
0xc: {  	s29 =	sadd.s32 $0x372400, s14  }
0xd: {  	s5 =	simm.s32 $0x3;
	s6 =	sadd.s32 s29, s15  }
0xe: {  	[tilespmem:s4], [sflag:$0x3] =	stream.linear.gather [hbm4b:s6+s4], $0x190, $0x38;
	[tilespmem:$0x19200] =	vst v63  }
0xf: {  	_ =	swait.ge [sflag:s5], $0x190  }
0x10: {  	[sflag:s5] =	ssyncset.done $0x0  }
0x11: {  	s7 =	simm.s32 $0x190;
	s8 =	simm.s32 $0x200;
	[sflag:s5] =	ssyncadd.s32 $0xFFFFFE70  }
0x12: {  	[tilespmem:s8], [sflag:$0x1] =	stream.indirect.gather [hbm4b:s2+s7], $0x80, s4, s7, $0xb8;
	[tilespmem:$0x19200] =	vst v63  }
0x13: {  	s9 =	simm.s32 $0xCA00;
	s10 =	simm.s32 $0x1  }
0x14: {  	[tilespmem:s9], [sflag:$0x2] =	stream.indirect.gather [hbm4b:s3+s7], $0x80, s4, s7, $0xb8;
	[tilespmem:$0x19200] =	vst v63  }
0x15: {  	_ =	swait.ge [sflag:s10], $0xC800  }
0x16: {  	[sflag:s10] =	ssyncset.done $0x0  }
0x17: {  	s12 =	smul.u32 $0x1900, s11;
	s11 =	simm.s32 $0x2;
	[sflag:s10] =	ssyncadd.s32 $0xFFFF3800  }
0x18: {  	_ =	swait.ge [sflag:s11], $0xC800  }
0x19: {  	s17 =	sadd.s32 s12, s14;
	[sflag:s11] =	ssyncset.done $0x0  }
0x1a: {  	s12 =	sadd.s32 $0x373800, s17;
	[sflag:s11] =	ssyncadd.s32 $0xFFFF3800  }
0x1b: {  	[hbm4b:s12+s4] =	stream.linear.scatter [tilespmem:s8], [sflag:$0x3], $0xC800, $0x38;
	[tilespmem:$0x19200] =	vst v63  }
0x1c: {  	_ =	swait.ge [sflag:s5], $0xC800  }
0x1d: {  	[sflag:s5] =	ssyncset.done $0x0  }
0x1e: {  	s13 =	sadd.s32 $0x39F400, s17;
	[sflag:s5] =	ssyncadd.s32 $0xFFFF3800  }
0x1f: {  	[hbm4b:s13+s4] =	stream.linear.scatter [tilespmem:s9], [sflag:$0x3], $0xC800, $0x38;
	[tilespmem:$0x19200] =	vst v63  }
0x20: {  	_ =	swait.ge [sflag:s5], $0xC800  }
0x21: {  	s30 =	sadd.s32 s15, s14;
	[sflag:s5] =	ssyncset.done $0x0  }
0x22: {  	s14 =	sadd.s32 $0x371000, s30;
	[sflag:s5] =	ssyncadd.s32 $0xFFFF3800  }
0x23: {  	[tilespmem:s4], [sflag:$0x3] =	stream.linear.gather [hbm4b:s14+s4], $0x190, $0x38;
	[tilespmem:$0x19200] =	vst v63  }
0x24: {  	_ =	swait.ge [sflag:s5], $0x190  }
0x25: {  	[sflag:s5] =	ssyncset.done $0x0  }
0x26: {  	[sflag:s5] =	ssyncadd.s32 $0xFFFFFE70  }
0x27: {  	[tilespmem:s8], [sflag:$0x1] =	stream.indirect.gather [hbm4b:s2+s7], $0x80, s4, s7, $0xb8;
	[tilespmem:$0x19200] =	vst v63  }
0x28: {  	_ = 	snop  }
0x29: {  	[tilespmem:s9], [sflag:$0x2] =	stream.indirect.gather [hbm4b:s3+s7], $0x80, s4, s7, $0xb8;
	[tilespmem:$0x19200] =	vst v63  }
0x2a: {  	_ =	swait.ge [sflag:s10], $0xC800  }
0x2b: {  	[sflag:s10] =	ssyncset.done $0x0  }
0x2c: {  	s16 =	ssub.s32 $0x2, s16;
	[sflag:s10] =	ssyncadd.s32 $0xFFFF3800  }
0x2d: {  	s18 =	sshrl.u32 s16, $0x1;
	_ =	swait.ge [sflag:s11], $0xC800  }
0x2e: {  	s18 =	ssub.s32 s16, s18;
	[sflag:s11] =	ssyncset.done $0x0  }
0x2f: {  	s31 =	smax.u32 s18, $0x1;
	s15 =	sadd.s32 $0x3CB000, s17;
	[sflag:s11] =	ssyncadd.s32 $0xFFFF3800  }
0x30: {  	[hbm4b:s15+s4] =	stream.linear.scatter [tilespmem:s8], [sflag:$0x3], $0xC800, $0x38;
	[tilespmem:$0x19200] =	vst v63  }
0x31: {  	p0 =	sne.s32 s31, $0x1;
	_ =	swait.ge [sflag:s5], $0xC800  }
.Ltmp1:
0x32: {  	[sflag:s5] =	ssyncset.done $0x0;
	(pc) =	sbr.rel @!p0 .LBB2_3-.Ltmp1, $4  }
0x33: {  	s16 =	sadd.s32 $0x3F6C00, s17;
	[sflag:s5] =	ssyncadd.s32 $0xFFFF3800  }
0x34: {  	[hbm4b:s16+s4] =	stream.linear.scatter [tilespmem:s9], [sflag:$0x3], $0xC800, $0x38;
	[tilespmem:$0x19200] =	vst v63  }
0x35: {  	_ =	swait.ge [sflag:s5], $0xC800  }
0x36: {  	s17 =	sadd.s32 $0xFFFFFFFF, s31;
	[sflag:s5] =	ssyncset.done $0x0  }
.LBB2_2:
0x37: {  	p0 =	sne.s32 s17, $0x1;
	s17 =	sadd.s32 $0xFFFFFFFF, s17;
	[sflag:s5] =	ssyncadd.s32 $0xFFFF3800  }
0x38: {  	[tilespmem:s4], [sflag:$0x3] =	stream.linear.gather [hbm4b:s6+s4], $0x190, $0x38;
	[tilespmem:$0x19200] =	vst v63  }
0x39: {  	_ =	swait.ge [sflag:s5], $0x190  }
0x3a: {  	[sflag:s5] =	ssyncset.done $0x0  }
0x3b: {  	[sflag:s5] =	ssyncadd.s32 $0xFFFFFE70  }
0x3c: {  	[tilespmem:s8], [sflag:$0x1] =	stream.indirect.gather [hbm4b:s2+s7], $0x80, s4, s7, $0xb8;
	[tilespmem:$0x19200] =	vst v63  }
0x3d: {  	_ = 	snop  }
0x3e: {  	[tilespmem:s9], [sflag:$0x2] =	stream.indirect.gather [hbm4b:s3+s7], $0x80, s4, s7, $0xb8;
	[tilespmem:$0x19200] =	vst v63  }
0x3f: {  	_ =	swait.ge [sflag:s10], $0xC800  }
0x40: {  	[sflag:s10] =	ssyncset.done $0x0  }
0x41: {  	[sflag:s10] =	ssyncadd.s32 $0xFFFF3800  }
0x42: {  	_ =	swait.ge [sflag:s11], $0xC800  }
0x43: {  	[sflag:s11] =	ssyncset.done $0x0  }
0x44: {  	[sflag:s11] =	ssyncadd.s32 $0xFFFF3800  }
0x45: {  	[hbm4b:s12+s4] =	stream.linear.scatter [tilespmem:s8], [sflag:$0x3], $0xC800, $0x38;
	[tilespmem:$0x19200] =	vst v63  }
0x46: {  	_ =	swait.ge [sflag:s5], $0xC800  }
0x47: {  	[sflag:s5] =	ssyncset.done $0x0  }
0x48: {  	[sflag:s5] =	ssyncadd.s32 $0xFFFF3800  }
0x49: {  	[hbm4b:s13+s4] =	stream.linear.scatter [tilespmem:s9], [sflag:$0x3], $0xC800, $0x38;
	[tilespmem:$0x19200] =	vst v63  }
0x4a: {  	_ =	swait.ge [sflag:s5], $0xC800  }
0x4b: {  	[sflag:s5] =	ssyncset.done $0x0  }
0x4c: {  	[sflag:s5] =	ssyncadd.s32 $0xFFFF3800  }
0x4d: {  	[tilespmem:s4], [sflag:$0x3] =	stream.linear.gather [hbm4b:s14+s4], $0x190, $0x38;
	[tilespmem:$0x19200] =	vst v63  }
0x4e: {  	_ =	swait.ge [sflag:s5], $0x190  }
0x4f: {  	[sflag:s5] =	ssyncset.done $0x0  }
0x50: {  	[sflag:s5] =	ssyncadd.s32 $0xFFFFFE70  }
0x51: {  	[tilespmem:s8], [sflag:$0x1] =	stream.indirect.gather [hbm4b:s2+s7], $0x80, s4, s7, $0xb8;
	[tilespmem:$0x19200] =	vst v63  }
0x52: {  	_ = 	snop  }
0x53: {  	[tilespmem:s9], [sflag:$0x2] =	stream.indirect.gather [hbm4b:s3+s7], $0x80, s4, s7, $0xb8;
	[tilespmem:$0x19200] =	vst v63  }
0x54: {  	_ =	swait.ge [sflag:s10], $0xC800  }
0x55: {  	[sflag:s10] =	ssyncset.done $0x0  }
0x56: {  	[sflag:s10] =	ssyncadd.s32 $0xFFFF3800  }
0x57: {  	_ =	swait.ge [sflag:s11], $0xC800  }
0x58: {  	[sflag:s11] =	ssyncset.done $0x0  }
0x59: {  	[sflag:s11] =	ssyncadd.s32 $0xFFFF3800  }
0x5a: {  	[hbm4b:s15+s4] =	stream.linear.scatter [tilespmem:s8], [sflag:$0x3], $0xC800, $0x38;
	[tilespmem:$0x19200] =	vst v63  }
0x5b: {  	_ =	swait.ge [sflag:s5], $0xC800  }
.Ltmp2:
0x5c: {  	[sflag:s5] =	ssyncset.done $0x0;
	(pc) =	sbr.rel @p0 .LBB2_2-.Ltmp2, $4  }
0x5d: {  	[sflag:s5] =	ssyncadd.s32 $0xFFFF3800  }
0x5e: {  	[hbm4b:s16+s4] =	stream.linear.scatter [tilespmem:s9], [sflag:$0x3], $0xC800, $0x38;
	[tilespmem:$0x19200] =	vst v63  }
0x5f: {  	_ =	swait.ge [sflag:s5], $0xC800  }
0x60: {  	[sflag:s5] =	ssyncset.done $0x0  }
.LBB2_3:
0x61: {  	[sflag:s5] =	ssyncadd.s32 $0xFFFF3800  }
.LBB2_4:
0x62: {  	_ =	sfence.sel $0x180000  }
0x63: {  	[bflag:$0x0] =	sbarrier.arrive $0xFFFF  }
0x64: {  	p0 =	sne.s32 s1, $0x0;
	_ =	strace $0x90000056  }
0x65: {  	s0 =	sadd.s32 @!p0 $0x100000, s0;
	[bflag:$0x2] =	sbarrier.arrive $0xFFFF  }
0x66: {  	[sflag:s0] =	ssyncadd.tile.s32 @!p0 $0x1;
	_ =	shalt  }
.Lfunc_end2:
_tile_overlayer_lowered:
.L_overlay_start_2:
0x67: {  	(tag) =	ssettag $0x2  }
0x68: {  	s0 =	rddreg [dreg:$0x0];
	s2 =	stileid.u32  }
0x69: {  	s1 =	rddreg [dreg:$0x1];
	p0 =	sne.s32 s2, $0x0  }
0x6a: {  	s3 =	rddreg [dreg:$0x2];
	[bflag:$0x3] =	sbarrier.arrive $0xFFFF;
	s2 =	simm.s32 @!p0 $0x1C03  }
0x6b: {  	[timem:s3], [sflag:s2] =	dma.local @!p0 [hbm:s0], s1  }
0x6c: {  	s0 =	simm.s32 @!p0 $0x3  }
0x6d: {  	_ =	swait.ge @!p0 [sflag:s0], s1  }
0x6e: {  	s1 =	ssub.s32 @!p0 $0x0, s1;
	[sflag:s0] =	ssyncset.done @!p0 $0x0  }
0x6f: {  	[sflag:s0] =	ssyncadd.s32 @!p0 s1  }
0x70: {  	[bflag:$0x3] =	sbarrier.arrive $0xFFFF  }
0x71: {  	_ =	shalt  }

// kernel: kernel.38.cloned.1.call-start
scs
__scs_entry_jumppad:
0x0: {  	(pc) =	sbr.rel $0x88, $3  }
0x1: {  	(tag) =	ssettag $0x0;
	lr =	simm.s32 $0x1  }
0x2: {  	[smem:$0x3F98] =	sst lr;
	_ =	strace $0xD0000000  }
0x3: {  	_ = 	snop  }
0x4: {  	_ = 	snop  }
0x5: {  	_ = 	snop  }
0x6: {  	_ = 	snop  }
0x7: {  	_ = 	snop  }
__scs_overlays_trampoline_lowered:
0x8: {  	[smem:$0x3FA7] =	sst s0  }
0x9: {  	[smem:$0x3FA8] =	sst s1  }
0xa: {  	[smem:$0x3FA9] =	sst s2  }
0xb: {  	[smem:$0x3FAA] =	sst s3  }
0xc: {  	[smem:$0x3FAB] =	sst s4  }
0xd: {  	[smem:$0x3FAC] =	sst s5  }
0xe: {  	[smem:$0x3FAD] =	sst s6  }
0xf: {  	[smem:$0x3FAE] =	sst s7  }
0x10: {  	[smem:$0x3FAF] =	sst s8  }
0x11: {  	[smem:$0x3FB0] =	sst s9;
	s0 =	simm.s32 @!p0 $0x0  }
0x12: {  	s1 =	sld [smem:$0x3F96];
	s0 =	simm.s32 @p0 $0x1  }
0x13: {  	[smem:$0x3FB1] =	sst s0;
	s0 =	simm.s32 @!p1 $0x0  }
0x14: {  	s2 =	sld [smem:$0x3F95];
	s0 =	simm.s32 @p1 $0x1  }
0x15: {  	[smem:$0x3FB2] =	sst s0;
	s0 =	simm.s32 @!p2 $0x0  }
0x16: {  	s3 =	sld [smem:$0x3FDB];
	s0 =	simm.s32 @p2 $0x1  }
0x17: {  	s4 =	simm.s32 $0x1BF5;
	[smem:$0x3FB4] =	sst s0  }
0x18: {  	s0 =	sld [smem:$0x3F97];
	_ =	swait.ge [sflag:s4], $0x0  }
0x19: {  	s7 =	sld [smem:$0x3F98]  }
0x1a: {  	s8 =	sadd.s32 $0xFFFFE003, lr  }
0x1b: {  	s9 =	sadd.s32 $0xFFFFFEF7, lr;
	s5 =	simm.s32 $0xFFFFFFFF;
	p2 =	slt.u32 s8, $0xFFFFF086  }
0x1c: {  	p1 =	slt.u32 s9, $0xF7A;
	s5 =	simm.s32 @!p2 $0x0  }
0x1d: {  	s5 =	simm.s32 @p1 $0x1;
	p0 =	seq.s32 s7, s2  }
0x1e: {  	s7 =	smul.u32 @!p0 $0xF7A, s2;
	p2 =	seq.s32 @!p0 s5, $0x0  }
0x1f: {  	s9 =	smul.u32 $0xF7A, s1;
	s8 =	simm.s32 @!p0 $0x1BF5;
	p2 =	por !p2, p0  }
0x20: {  	[sflag:s8] =	ssyncset.s32 @!p0 $0xFFFFF086;
	s6 =	sadd.s32 @!p0 s3, s7;
	s7 =	simm.s32 @!p0 $0x108  }
0x21: {  	s3 =	sadd.s32 s3, s9;
	s6 =	sadd.s32 @!p0 $0x88, s6;
	s7 =	simm.s32 @p2 $0x1082  }
0x22: {  	[simem:s7], [sflag:s8] =	dma.local @!p0 [hbm:s6], $0xF7A  }
0x23: {  	s9 =	sor.u32 $0xD0000000, s2;
	s6 =	simm.s32 $0x108;
	_ =	swait.ge @!p0 [sflag:s8], $0x0  }
0x24: {  	s3 =	sadd.s32 $0x88, s3;
	s6 =	simm.s32 @!p1 $0x1082;
	[sflag:s4] =	ssyncset.s32 $0xFFFFF086  }
0x25: {  	[simem:s6], [sflag:s4] =	dma.local [hbm:s3], $0xF7A  }
0x26: {  	[smem:$0x3F98] =	sst s1;
	(tag) =	ssettag s2;
	_ =	strace s9  }
0x27: {  	s1 =	sld [smem:$0x3FA8]  }
0x28: {  	s2 =	sld [smem:$0x3FA9]  }
0x29: {  	s4 =	sld [smem:$0x3FAB]  }
0x2a: {  	p0 =	seq.s32 s5, $0x0;
	s5 =	sld [smem:$0x3FAC]  }
0x2b: {  	s6 =	sld [smem:$0x3FAD]  }
0x2c: {  	s7 =	sld [smem:$0x3FAE]  }
0x2d: {  	s3 =	simm.s32 $0x108;
	s8 =	sld [smem:$0x3FAF]  }
0x2e: {  	s3 =	simm.s32 @!p0 $0x1082;
	s9 =	sld [smem:$0x3FB0]  }
0x2f: {  	lr =	sadd.s32 s0, s3;
	s0 =	sld [smem:$0x3FA7]  }
0x30: {  	s3 =	sld [smem:$0x3FAA]  }
0x31: {  	[smem:$0x3FB3] =	sst s10  }
0x32: {  	s10 =	sld [smem:$0x3FB1];
	_ =	sdelay $0x3  }
0x33: {  	p0 =	seq.s32 s10, $0x1;
	s10 =	sld [smem:$0x3FB3];
	_ =	sdelay $0x3  }
0x34: {  	[smem:$0x3FB3] =	sst s10  }
0x35: {  	s10 =	sld [smem:$0x3FB2];
	_ =	sdelay $0x3  }
0x36: {  	p1 =	seq.s32 s10, $0x1;
	s10 =	sld [smem:$0x3FB3];
	_ =	sdelay $0x3  }
0x37: {  	[smem:$0x3FB3] =	sst s10  }
0x38: {  	s10 =	sld [smem:$0x3FB4]  }
0x39: {  	_ = 	snop;
	(pc) =	sbr.ind lr, $3  }
0x3a: {  	_ = 	snop  }
0x3b: {  	_ = 	snop  }
0x3c: {  	p2 =	seq.s32 s10, $0x1;
	s10 =	sld [smem:$0x3FB3]  }
0x3d: {  	_ =	shalt  }
0x3e: {  	_ =	shalt  }
0x3f: {  	_ =	shalt  }
0x40: {  	_ =	shalt  }
0x41: {  	_ =	shalt  }
0x42: {  	_ =	shalt  }
0x43: {  	_ =	shalt  }
0x44: {  	_ =	shalt  }
0x45: {  	_ =	shalt  }
0x46: {  	_ =	shalt  }
0x47: {  	_ =	shalt  }
0x48: {  	_ =	shalt  }
0x49: {  	_ =	shalt  }
0x4a: {  	_ =	shalt  }
0x4b: {  	_ =	shalt  }
0x4c: {  	_ =	shalt  }
0x4d: {  	_ =	shalt  }
0x4e: {  	_ =	shalt  }
0x4f: {  	_ =	shalt  }
0x50: {  	_ =	shalt  }
0x51: {  	_ =	shalt  }
0x52: {  	_ =	shalt  }
0x53: {  	_ =	shalt  }
0x54: {  	_ =	shalt  }
0x55: {  	_ =	shalt  }
0x56: {  	_ =	shalt  }
0x57: {  	_ =	shalt  }
0x58: {  	_ =	shalt  }
0x59: {  	_ =	shalt  }
0x5a: {  	_ =	shalt  }
0x5b: {  	_ =	shalt  }
0x5c: {  	_ =	shalt  }
0x5d: {  	_ =	shalt  }
0x5e: {  	_ =	shalt  }
0x5f: {  	_ =	shalt  }
0x60: {  	_ =	shalt  }
0x61: {  	_ =	shalt  }
0x62: {  	_ =	shalt  }
0x63: {  	_ =	shalt  }
0x64: {  	_ =	shalt  }
0x65: {  	_ =	shalt  }
0x66: {  	_ =	shalt  }
0x67: {  	_ =	shalt  }
0x68: {  	_ =	shalt  }
0x69: {  	_ =	shalt  }
0x6a: {  	_ =	shalt  }
0x6b: {  	_ =	shalt  }
0x6c: {  	_ =	shalt  }
0x6d: {  	_ =	shalt  }
0x6e: {  	_ =	shalt  }
0x6f: {  	_ =	shalt  }
0x70: {  	_ =	shalt  }
0x71: {  	_ =	shalt  }
0x72: {  	_ =	shalt  }
0x73: {  	_ =	shalt  }
0x74: {  	_ =	shalt  }
0x75: {  	_ =	shalt  }
0x76: {  	_ =	shalt  }
0x77: {  	_ =	shalt  }
0x78: {  	_ =	shalt  }
0x79: {  	_ =	shalt  }
0x7a: {  	_ =	shalt  }
0x7b: {  	_ =	shalt  }
0x7c: {  	_ =	shalt  }
0x7d: {  	_ =	shalt  }
0x7e: {  	_ =	shalt  }
0x7f: {  	_ =	shalt  }
0x80: {  	_ =	shalt  }
0x81: {  	_ =	shalt  }
0x82: {  	_ =	shalt  }
0x83: {  	_ =	shalt  }
0x84: {  	_ =	shalt  }
0x85: {  	_ =	shalt  }
0x86: {  	_ =	shalt  }
0x87: {  	_ =	shalt  }
.Lfunc_end0:
.L_simem_size_0:
called_computation.6_lowered:
.L_overlay_start_0:
0x88: {  	s2 =	sld [smem:$0x3FD9]  }
0x89: {  	s3 =	sld [smem:$0x3FFE];
	_ =	sdelay $0x1  }
0x8a: {  	s1 =	srdreg.scid  }
0x8b: {  	s0 =	sand.u32 $0x1, s1  }
0x8c: {  	s17 =	sshll.u32 s0, $0xA;
	s2 =	sadd.s32 s3, s2  }
0x8d: {  	s2 =	sadd.s32 s2, s17  }
0x8e: {  	[smem:$0x3FBF] =	sst s2  }
0x8f: {  	_ = 	snop  }
0x90: {  	s18 =	sld [smem:$0x3FC7]  }
0x91: {  	s4 =	sld [smem:$0x3FC6];
	(tm) =	ssettm $0x1  }
0x92: {  	s19 =	sld [smem:$0x3FFB];
	_ =	sdelay $0x3  }
0x93: {  	_ =	strace s19  }
0x94: {  	s2 =	sld [smem:$0x3FFC];
	_ =	sdelay $0x3  }
0x95: {  	_ =	strace s2  }
0x96: {  	s2 =	sld [smem:$0x3FFD];
	_ =	sdelay $0x3  }
0x97: {  	_ =	strace s2  }
0x98: {  	_ =	strace $0x8FFFFFFF  }
0x99: {  	s20 =	sld [smem:$0x3FDB];
	_ =	sdelay $0x1  }
0x9a: {  	s5 =	simm.s32 $_scs_section_size  }
0x9b: {  	s6 =	simm.s32 $_size__tile_overlayer_lowered;
	s7 =	simm.s32 $_tile_overlayer_lowered  }
0x9c: {  	s8 =	simm.s32 $0x1BFF;
	s21 =	sshll.u32 s7, $0x1;
	s5 =	sadd.s32 s5, s20  }
0x9d: {  	s22 =	simm.s32 $0x0;
	s6 =	sshll.u32 s6, $0x1;
	s7 =	sadd.s32 s21, s5  }
0x9e: {  	[timem:s22], [sflag:s8] =	dma.local [hbm:s7], s6  }
0x9f: {  	_ =	swait.ge [sflag:s8], s6  }
0xa0: {  	s6 =	ssub.s32 $0x0, s6;
	[sflag:s8] =	ssyncset.done $0x0  }
0xa1: {  	[sflag:s8] =	ssyncadd.s32 s6;
	_ =	sdelay $0x1  }
0xa2: {  	s23 =	simm.s32 $0x1B8B  }
0xa3: {  	_ =	swait.ge [sflag:s23], $0x1  }
0xa4: {  	[sflag:s23] =	ssyncset.done $0x0  }
0xa5: {  	[sflag:s23] =	ssyncadd.s32 $0xFFFFFFFF  }
0xa6: {  	s6 =	sld [smem:$0x0]  }
0xa7: {  	s7 =	sand.u32 $0xFFFFFFFE, s1  }
0xa8: {  	p0 =	sne.s32 s1, s7  }
0xa9: {  	s7 =	sshll.u32 @p0 s7, $0xE  }
0xaa: {  	s7 =	sadd.s32 @p0 $0x11B8D, s7;
	s8 =	sshll.u32 @p0 s6, $0x11  }
0xab: {  	s7 =	sor.u32 @p0 s8, s7  }
0xac: {  	[sflag:s7] =	ssyncadd.remote.s32 @p0 $0x1;
	_ =	sdelay $0x1  }
0xad: {  	s7 =	simm.s32 @p0 $0x1B8D  }
0xae: {  	_ =	swait.eq @p0 [sflag:s7], $0x1  }
0xaf: {  	[sflag:s7] =	ssyncadd.s32 @p0 $0xFFFFFFFF  }
0xb0: {  	s8 =	sshll.u32 @!p0 s1, $0xE  }
0xb1: {  	s8 =	sor.u32 @!p0 $0x4000, s8;
	s7 =	simm.s32 @!p0 $0x1B8D  }
0xb2: {  	s6 =	sshll.u32 @!p0 s6, $0x11;
	s8 =	sadd.s32 @!p0 $0x11B8D, s8;
	_ =	swait.eq @!p0 [sflag:s7], $0x1  }
0xb3: {  	s6 =	sor.u32 @!p0 s6, s8;
	[sflag:s7] =	ssyncadd.s32 @!p0 $0xFFFFFFFF  }
0xb4: {  	s25 =	simm.s32 $0x1B8E;
	s24 =	sld [smem:$0x3FFE];
	[sflag:s6] =	ssyncadd.remote.s32 @!p0 $0x1  }
0xb5: {  	s26 =	simm.s32 $execute0_lowered;
	[smem:$0x3FD2] =	sst s25  }
0xb6: {  	s7 =	sshll.u32 s26, $0x1;
	_ =	strace $0x80000058;
	[dreg:$0x1] =	wrdreg $0xFFFFFFFF  }
0xb7: {  	s28 =	simm.s32 $_size_execute0_lowered;
	s5 =	sadd.s32 s5, s7;
	[dreg:$0x0] =	wrdreg $0x0  }
0xb8: {  	s7 =	sshll.u32 s28, $0x1;
	[dreg:$0x2] =	wrdreg s5  }
0xb9: {  	[dreg:$0x3] =	wrdreg s7  }
0xba: {  	[dreg:$0x4] =	wrdreg $0xC0  }
0xbb: {  	_ =	task [dreg:s22], $0x5FFFF  }
0xbc: {  	[dreg:$0x1] =	wrdreg $0xFFFFFFFF  }
0xbd: {  	[dreg:$0x0] =	wrdreg $0x60  }
0xbe: {  	[dreg:$0x2] =	wrdreg s18  }
0xbf: {  	[dreg:$0x3] =	wrdreg s4  }
0xc0: {  	[dreg:$0x4] =	wrdreg s24  }
0xc1: {  	[dreg:$0x5] =	wrdreg $0xF  }
0xc2: {  	_ =	task.clear_ibuf [dreg:s22], $0x6FFFF;
	_ =	strace $0x90000058  }
0xc3: {  	s29 =	simm.s32 $0xF;
	_ =	strace $0x8000005A  }
0xc4: {  	_ =	swait.ge [sflag:s29], $0x1  }
0xc5: {  	[sflag:s29] =	ssyncadd.s32 $0xFFFFFFFF  }
0xc6: {  	_ =	strace $0x9000005A  }
0xc7: {  	_ =	sfence  }
0xc8: {  	s30 =	sld [smem:$0x0];
	_ =	sdelay $0x2  }
0xc9: {  	s31 =	sshll.u32 s1, $0xD;
	s1 =	sshrl.u32 s1, $0x2  }
0xca: {  	s4 =	sand.u32 $0x4000, s31;
	s1 =	sadd.s32 s1, s30  }
0xcb: {  	s0 =	sor.u32 s4, s0;
	s1 =	sshll.u32 s1, $0x11  }
0xcc: {  	s0 =	sor.u32 s1, s0  }
0xcd: {  	s0 =	sadd.s32 $0x8F2B, s0  }
0xce: {  	[sflag:s0] =	ssyncadd.remote.s32 $0x1  }
0xcf: {  	_ =	sfence.sel $0xFFFF  }
0xd0: {  	[dreg:$0x0] =	wrdreg $0xFFFFFFFF;
	(pc) =	sbr.abs _section_cstart, $3  }
0xd1: {  	[dreg:$0x1] =	wrdreg $0xFFFFFFFF  }
0xd2: {  	_ =	task.clear_ibuf [dreg:s22], $0x2FFFF;
	_ =	strace $0x9FFFFFFF  }
0xd3: {  	(tm) =	ssettm $0x7FFFFFFF  }
tec
execute0_lowered:
.L_overlay_start_1:
0x0: {  	(tag) =	ssettag $0x1  }
0x1: {  	s1 =	stileid.u32  }
0x2: {  	p0 =	sgt.u32 s1, $0xD  }
.Ltmp0:
0x3: {  	s2 =	rddreg [dreg:$0x0];
	(pc) =	sbr.rel @p0 .LBB2_4-.Ltmp0, $4  }
0x4: {  	s3 =	rddreg [dreg:$0x1]  }
0x5: {  	s14 =	rddreg [dreg:$0x2];
	s4 =	simm.s32 $0x0  }
0x6: {  	[smem:$0x7FF] =	sst s4  }
0x7: {  	s0 =	rddreg [dreg:$0x3];
	_ =	strace $0x80000059  }
0x8: {  	s5 =	srdreg.scid  }
0x9: {  	s29 =	sshll.u32 s1, $0x1;
	s16 =	sand.u32 $0x1, s5  }
0xa: {  	s11 =	sor.u32 s16, s29  }
0xb: {  	s5 =	smul.u32 $0x190, s11;
	_ =	sdelay $0x1  }
0xc: {  	s5 =	sshrl.u32 s5, $0x3  }
0xd: {  	s6 =	sadd.s32 $0x372400, s14;
	s15 =	sadd.s32 $0x578, s5  }
0xe: {  	s5 =	simm.s32 $0x3;
	s6 =	sadd.s32 s6, s15  }
0xf: {  	[tilespmem:s4], [sflag:$0x3] =	stream.linear.gather [hbm4b:s6+s4], $0x190, $0x38;
	[tilespmem:$0x19200] =	vst v63  }
0x10: {  	_ =	swait.ge [sflag:s5], $0x190  }
0x11: {  	[sflag:s5] =	ssyncset.done $0x0  }
0x12: {  	s7 =	simm.s32 $0x190;
	s8 =	simm.s32 $0x200;
	[sflag:s5] =	ssyncadd.s32 $0xFFFFFE70  }
0x13: {  	[tilespmem:s8], [sflag:$0x1] =	stream.indirect.gather [hbm4b:s2+s7], $0x80, s4, s7, $0xb8;
	[tilespmem:$0x19200] =	vst v63  }
0x14: {  	s9 =	simm.s32 $0xCA00;
	s10 =	simm.s32 $0x1  }
0x15: {  	[tilespmem:s9], [sflag:$0x2] =	stream.indirect.gather [hbm4b:s3+s7], $0x80, s4, s7, $0xb8;
	[tilespmem:$0x19200] =	vst v63  }
0x16: {  	_ =	swait.ge [sflag:s10], $0xC800  }
0x17: {  	[sflag:s10] =	ssyncset.done $0x0  }
0x18: {  	s12 =	smul.u32 $0x1900, s11;
	s11 =	simm.s32 $0x2;
	[sflag:s10] =	ssyncadd.s32 $0xFFFF3800  }
0x19: {  	_ =	swait.ge [sflag:s11], $0xC800  }
0x1a: {  	s17 =	sadd.s32 s12, s14;
	[sflag:s11] =	ssyncset.done $0x0  }
0x1b: {  	s12 =	sadd.s32 $0x422800, s17;
	[sflag:s11] =	ssyncadd.s32 $0xFFFF3800  }
0x1c: {  	[hbm4b:s12+s4] =	stream.linear.scatter [tilespmem:s8], [sflag:$0x3], $0xC800, $0x38;
	[tilespmem:$0x19200] =	vst v63  }
0x1d: {  	_ =	swait.ge [sflag:s5], $0xC800  }
0x1e: {  	[sflag:s5] =	ssyncset.done $0x0  }
0x1f: {  	s13 =	sadd.s32 $0x44E400, s17;
	[sflag:s5] =	ssyncadd.s32 $0xFFFF3800  }
0x20: {  	[hbm4b:s13+s4] =	stream.linear.scatter [tilespmem:s9], [sflag:$0x3], $0xC800, $0x38;
	[tilespmem:$0x19200] =	vst v63  }
0x21: {  	_ =	swait.ge [sflag:s5], $0xC800  }
0x22: {  	s30 =	sadd.s32 s15, s14;
	[sflag:s5] =	ssyncset.done $0x0  }
0x23: {  	s14 =	sadd.s32 $0x371000, s30;
	[sflag:s5] =	ssyncadd.s32 $0xFFFF3800  }
0x24: {  	[tilespmem:s4], [sflag:$0x3] =	stream.linear.gather [hbm4b:s14+s4], $0x190, $0x38;
	[tilespmem:$0x19200] =	vst v63  }
0x25: {  	_ =	swait.ge [sflag:s5], $0x190  }
0x26: {  	[sflag:s5] =	ssyncset.done $0x0  }
0x27: {  	[sflag:s5] =	ssyncadd.s32 $0xFFFFFE70  }
0x28: {  	[tilespmem:s8], [sflag:$0x1] =	stream.indirect.gather [hbm4b:s2+s7], $0x80, s4, s7, $0xb8;
	[tilespmem:$0x19200] =	vst v63  }
0x29: {  	_ = 	snop  }
0x2a: {  	[tilespmem:s9], [sflag:$0x2] =	stream.indirect.gather [hbm4b:s3+s7], $0x80, s4, s7, $0xb8;
	[tilespmem:$0x19200] =	vst v63  }
0x2b: {  	_ =	swait.ge [sflag:s10], $0xC800  }
0x2c: {  	[sflag:s10] =	ssyncset.done $0x0  }
0x2d: {  	s16 =	ssub.s32 $0x2, s16;
	[sflag:s10] =	ssyncadd.s32 $0xFFFF3800  }
0x2e: {  	s18 =	sshrl.u32 s16, $0x1;
	_ =	swait.ge [sflag:s11], $0xC800  }
0x2f: {  	s18 =	ssub.s32 s16, s18;
	[sflag:s11] =	ssyncset.done $0x0  }
0x30: {  	s31 =	smax.u32 s18, $0x1;
	s15 =	sadd.s32 $0x47A000, s17;
	[sflag:s11] =	ssyncadd.s32 $0xFFFF3800  }
0x31: {  	[hbm4b:s15+s4] =	stream.linear.scatter [tilespmem:s8], [sflag:$0x3], $0xC800, $0x38;
	[tilespmem:$0x19200] =	vst v63  }
0x32: {  	p0 =	sne.s32 s31, $0x1;
	_ =	swait.ge [sflag:s5], $0xC800  }
.Ltmp1:
0x33: {  	[sflag:s5] =	ssyncset.done $0x0;
	(pc) =	sbr.rel @!p0 .LBB2_3-.Ltmp1, $4  }
0x34: {  	s16 =	sadd.s32 $0x4A5C00, s17;
	[sflag:s5] =	ssyncadd.s32 $0xFFFF3800  }
0x35: {  	[hbm4b:s16+s4] =	stream.linear.scatter [tilespmem:s9], [sflag:$0x3], $0xC800, $0x38;
	[tilespmem:$0x19200] =	vst v63  }
0x36: {  	_ =	swait.ge [sflag:s5], $0xC800  }
0x37: {  	s17 =	sadd.s32 $0xFFFFFFFF, s31;
	[sflag:s5] =	ssyncset.done $0x0  }
.LBB2_2:
0x38: {  	p0 =	sne.s32 s17, $0x1;
	s17 =	sadd.s32 $0xFFFFFFFF, s17;
	[sflag:s5] =	ssyncadd.s32 $0xFFFF3800  }
0x39: {  	[tilespmem:s4], [sflag:$0x3] =	stream.linear.gather [hbm4b:s6+s4], $0x190, $0x38;
	[tilespmem:$0x19200] =	vst v63  }
0x3a: {  	_ =	swait.ge [sflag:s5], $0x190  }
0x3b: {  	[sflag:s5] =	ssyncset.done $0x0  }
0x3c: {  	[sflag:s5] =	ssyncadd.s32 $0xFFFFFE70  }
0x3d: {  	[tilespmem:s8], [sflag:$0x1] =	stream.indirect.gather [hbm4b:s2+s7], $0x80, s4, s7, $0xb8;
	[tilespmem:$0x19200] =	vst v63  }
0x3e: {  	_ = 	snop  }
0x3f: {  	[tilespmem:s9], [sflag:$0x2] =	stream.indirect.gather [hbm4b:s3+s7], $0x80, s4, s7, $0xb8;
	[tilespmem:$0x19200] =	vst v63  }
0x40: {  	_ =	swait.ge [sflag:s10], $0xC800  }
0x41: {  	[sflag:s10] =	ssyncset.done $0x0  }
0x42: {  	[sflag:s10] =	ssyncadd.s32 $0xFFFF3800  }
0x43: {  	_ =	swait.ge [sflag:s11], $0xC800  }
0x44: {  	[sflag:s11] =	ssyncset.done $0x0  }
0x45: {  	[sflag:s11] =	ssyncadd.s32 $0xFFFF3800  }
0x46: {  	[hbm4b:s12+s4] =	stream.linear.scatter [tilespmem:s8], [sflag:$0x3], $0xC800, $0x38;
	[tilespmem:$0x19200] =	vst v63  }
0x47: {  	_ =	swait.ge [sflag:s5], $0xC800  }
0x48: {  	[sflag:s5] =	ssyncset.done $0x0  }
0x49: {  	[sflag:s5] =	ssyncadd.s32 $0xFFFF3800  }
0x4a: {  	[hbm4b:s13+s4] =	stream.linear.scatter [tilespmem:s9], [sflag:$0x3], $0xC800, $0x38;
	[tilespmem:$0x19200] =	vst v63  }
0x4b: {  	_ =	swait.ge [sflag:s5], $0xC800  }
0x4c: {  	[sflag:s5] =	ssyncset.done $0x0  }
0x4d: {  	[sflag:s5] =	ssyncadd.s32 $0xFFFF3800  }
0x4e: {  	[tilespmem:s4], [sflag:$0x3] =	stream.linear.gather [hbm4b:s14+s4], $0x190, $0x38;
	[tilespmem:$0x19200] =	vst v63  }
0x4f: {  	_ =	swait.ge [sflag:s5], $0x190  }
0x50: {  	[sflag:s5] =	ssyncset.done $0x0  }
0x51: {  	[sflag:s5] =	ssyncadd.s32 $0xFFFFFE70  }
0x52: {  	[tilespmem:s8], [sflag:$0x1] =	stream.indirect.gather [hbm4b:s2+s7], $0x80, s4, s7, $0xb8;
	[tilespmem:$0x19200] =	vst v63  }
0x53: {  	_ = 	snop  }
0x54: {  	[tilespmem:s9], [sflag:$0x2] =	stream.indirect.gather [hbm4b:s3+s7], $0x80, s4, s7, $0xb8;
	[tilespmem:$0x19200] =	vst v63  }
0x55: {  	_ =	swait.ge [sflag:s10], $0xC800  }
0x56: {  	[sflag:s10] =	ssyncset.done $0x0  }
0x57: {  	[sflag:s10] =	ssyncadd.s32 $0xFFFF3800  }
0x58: {  	_ =	swait.ge [sflag:s11], $0xC800  }
0x59: {  	[sflag:s11] =	ssyncset.done $0x0  }
0x5a: {  	[sflag:s11] =	ssyncadd.s32 $0xFFFF3800  }
0x5b: {  	[hbm4b:s15+s4] =	stream.linear.scatter [tilespmem:s8], [sflag:$0x3], $0xC800, $0x38;
	[tilespmem:$0x19200] =	vst v63  }
0x5c: {  	_ =	swait.ge [sflag:s5], $0xC800  }
.Ltmp2:
0x5d: {  	[sflag:s5] =	ssyncset.done $0x0;
	(pc) =	sbr.rel @p0 .LBB2_2-.Ltmp2, $4  }
0x5e: {  	[sflag:s5] =	ssyncadd.s32 $0xFFFF3800  }
0x5f: {  	[hbm4b:s16+s4] =	stream.linear.scatter [tilespmem:s9], [sflag:$0x3], $0xC800, $0x38;
	[tilespmem:$0x19200] =	vst v63  }
0x60: {  	_ =	swait.ge [sflag:s5], $0xC800  }
0x61: {  	[sflag:s5] =	ssyncset.done $0x0  }
.LBB2_3:
0x62: {  	[sflag:s5] =	ssyncadd.s32 $0xFFFF3800  }
.LBB2_4:
0x63: {  	_ =	sfence.sel $0x180000  }
0x64: {  	[bflag:$0x0] =	sbarrier.arrive $0xFFFF  }
0x65: {  	p0 =	sne.s32 s1, $0x0;
	_ =	strace $0x90000059  }
0x66: {  	s0 =	sadd.s32 @!p0 $0x100000, s0;
	[bflag:$0x2] =	sbarrier.arrive $0xFFFF  }
0x67: {  	[sflag:s0] =	ssyncadd.tile.s32 @!p0 $0x1;
	_ =	shalt  }
.Lfunc_end2:
_tile_overlayer_lowered:
.L_overlay_start_2:
0x68: {  	(tag) =	ssettag $0x2  }
0x69: {  	s0 =	rddreg [dreg:$0x0];
	s2 =	stileid.u32  }
0x6a: {  	s1 =	rddreg [dreg:$0x1];
	p0 =	sne.s32 s2, $0x0  }
0x6b: {  	s3 =	rddreg [dreg:$0x2];
	[bflag:$0x3] =	sbarrier.arrive $0xFFFF;
	s2 =	simm.s32 @!p0 $0x1C03  }
0x6c: {  	[timem:s3], [sflag:s2] =	dma.local @!p0 [hbm:s0], s1  }
0x6d: {  	s0 =	simm.s32 @!p0 $0x3  }
0x6e: {  	_ =	swait.ge @!p0 [sflag:s0], s1  }
0x6f: {  	s1 =	ssub.s32 @!p0 $0x0, s1;
	[sflag:s0] =	ssyncset.done @!p0 $0x0  }
0x70: {  	[sflag:s0] =	ssyncadd.s32 @!p0 s1  }
0x71: {  	[bflag:$0x3] =	sbarrier.arrive $0xFFFF  }
0x72: {  	_ =	shalt  }

// kernel: kernel.41.cloned.1.call-start
scs
__scs_entry_jumppad:
0x0: {  	(pc) =	sbr.rel $0x88, $3  }
0x1: {  	(tag) =	ssettag $0x0;
	lr =	simm.s32 $0x1  }
0x2: {  	[smem:$0x3F98] =	sst lr;
	_ =	strace $0xD0000000  }
0x3: {  	_ = 	snop  }
0x4: {  	_ = 	snop  }
0x5: {  	_ = 	snop  }
0x6: {  	_ = 	snop  }
0x7: {  	_ = 	snop  }
__scs_overlays_trampoline_lowered:
0x8: {  	[smem:$0x3FA7] =	sst s0  }
0x9: {  	[smem:$0x3FA8] =	sst s1  }
0xa: {  	[smem:$0x3FA9] =	sst s2  }
0xb: {  	[smem:$0x3FAA] =	sst s3  }
0xc: {  	[smem:$0x3FAB] =	sst s4  }
0xd: {  	[smem:$0x3FAC] =	sst s5  }
0xe: {  	[smem:$0x3FAD] =	sst s6  }
0xf: {  	[smem:$0x3FAE] =	sst s7  }
0x10: {  	[smem:$0x3FAF] =	sst s8  }
0x11: {  	[smem:$0x3FB0] =	sst s9;
	s0 =	simm.s32 @!p0 $0x0  }
0x12: {  	s1 =	sld [smem:$0x3F96];
	s0 =	simm.s32 @p0 $0x1  }
0x13: {  	[smem:$0x3FB1] =	sst s0;
	s0 =	simm.s32 @!p1 $0x0  }
0x14: {  	s2 =	sld [smem:$0x3F95];
	s0 =	simm.s32 @p1 $0x1  }
0x15: {  	[smem:$0x3FB2] =	sst s0;
	s0 =	simm.s32 @!p2 $0x0  }
0x16: {  	s3 =	sld [smem:$0x3FDB];
	s0 =	simm.s32 @p2 $0x1  }
0x17: {  	s4 =	simm.s32 $0x1BF5;
	[smem:$0x3FB4] =	sst s0  }
0x18: {  	s0 =	sld [smem:$0x3F97];
	_ =	swait.ge [sflag:s4], $0x0  }
0x19: {  	s7 =	sld [smem:$0x3F98]  }
0x1a: {  	s8 =	sadd.s32 $0xFFFFE003, lr  }
0x1b: {  	s9 =	sadd.s32 $0xFFFFFEF7, lr;
	s5 =	simm.s32 $0xFFFFFFFF;
	p2 =	slt.u32 s8, $0xFFFFF086  }
0x1c: {  	p1 =	slt.u32 s9, $0xF7A;
	s5 =	simm.s32 @!p2 $0x0  }
0x1d: {  	s5 =	simm.s32 @p1 $0x1;
	p0 =	seq.s32 s7, s2  }
0x1e: {  	s7 =	smul.u32 @!p0 $0xF7A, s2;
	p2 =	seq.s32 @!p0 s5, $0x0  }
0x1f: {  	s9 =	smul.u32 $0xF7A, s1;
	s8 =	simm.s32 @!p0 $0x1BF5;
	p2 =	por !p2, p0  }
0x20: {  	[sflag:s8] =	ssyncset.s32 @!p0 $0xFFFFF086;
	s6 =	sadd.s32 @!p0 s3, s7;
	s7 =	simm.s32 @!p0 $0x108  }
0x21: {  	s3 =	sadd.s32 s3, s9;
	s6 =	sadd.s32 @!p0 $0x88, s6;
	s7 =	simm.s32 @p2 $0x1082  }
0x22: {  	[simem:s7], [sflag:s8] =	dma.local @!p0 [hbm:s6], $0xF7A  }
0x23: {  	s9 =	sor.u32 $0xD0000000, s2;
	s6 =	simm.s32 $0x108;
	_ =	swait.ge @!p0 [sflag:s8], $0x0  }
0x24: {  	s3 =	sadd.s32 $0x88, s3;
	s6 =	simm.s32 @!p1 $0x1082;
	[sflag:s4] =	ssyncset.s32 $0xFFFFF086  }
0x25: {  	[simem:s6], [sflag:s4] =	dma.local [hbm:s3], $0xF7A  }
0x26: {  	[smem:$0x3F98] =	sst s1;
	(tag) =	ssettag s2;
	_ =	strace s9  }
0x27: {  	s1 =	sld [smem:$0x3FA8]  }
0x28: {  	s2 =	sld [smem:$0x3FA9]  }
0x29: {  	s4 =	sld [smem:$0x3FAB]  }
0x2a: {  	p0 =	seq.s32 s5, $0x0;
	s5 =	sld [smem:$0x3FAC]  }
0x2b: {  	s6 =	sld [smem:$0x3FAD]  }
0x2c: {  	s7 =	sld [smem:$0x3FAE]  }
0x2d: {  	s3 =	simm.s32 $0x108;
	s8 =	sld [smem:$0x3FAF]  }
0x2e: {  	s3 =	simm.s32 @!p0 $0x1082;
	s9 =	sld [smem:$0x3FB0]  }
0x2f: {  	lr =	sadd.s32 s0, s3;
	s0 =	sld [smem:$0x3FA7]  }
0x30: {  	s3 =	sld [smem:$0x3FAA]  }
0x31: {  	[smem:$0x3FB3] =	sst s10  }
0x32: {  	s10 =	sld [smem:$0x3FB1];
	_ =	sdelay $0x3  }
0x33: {  	p0 =	seq.s32 s10, $0x1;
	s10 =	sld [smem:$0x3FB3];
	_ =	sdelay $0x3  }
0x34: {  	[smem:$0x3FB3] =	sst s10  }
0x35: {  	s10 =	sld [smem:$0x3FB2];
	_ =	sdelay $0x3  }
0x36: {  	p1 =	seq.s32 s10, $0x1;
	s10 =	sld [smem:$0x3FB3];
	_ =	sdelay $0x3  }
0x37: {  	[smem:$0x3FB3] =	sst s10  }
0x38: {  	s10 =	sld [smem:$0x3FB4]  }
0x39: {  	_ = 	snop;
	(pc) =	sbr.ind lr, $3  }
0x3a: {  	_ = 	snop  }
0x3b: {  	_ = 	snop  }
0x3c: {  	p2 =	seq.s32 s10, $0x1;
	s10 =	sld [smem:$0x3FB3]  }
0x3d: {  	_ =	shalt  }
0x3e: {  	_ =	shalt  }
0x3f: {  	_ =	shalt  }
0x40: {  	_ =	shalt  }
0x41: {  	_ =	shalt  }
0x42: {  	_ =	shalt  }
0x43: {  	_ =	shalt  }
0x44: {  	_ =	shalt  }
0x45: {  	_ =	shalt  }
0x46: {  	_ =	shalt  }
0x47: {  	_ =	shalt  }
0x48: {  	_ =	shalt  }
0x49: {  	_ =	shalt  }
0x4a: {  	_ =	shalt  }
0x4b: {  	_ =	shalt  }
0x4c: {  	_ =	shalt  }
0x4d: {  	_ =	shalt  }
0x4e: {  	_ =	shalt  }
0x4f: {  	_ =	shalt  }
0x50: {  	_ =	shalt  }
0x51: {  	_ =	shalt  }
0x52: {  	_ =	shalt  }
0x53: {  	_ =	shalt  }
0x54: {  	_ =	shalt  }
0x55: {  	_ =	shalt  }
0x56: {  	_ =	shalt  }
0x57: {  	_ =	shalt  }
0x58: {  	_ =	shalt  }
0x59: {  	_ =	shalt  }
0x5a: {  	_ =	shalt  }
0x5b: {  	_ =	shalt  }
0x5c: {  	_ =	shalt  }
0x5d: {  	_ =	shalt  }
0x5e: {  	_ =	shalt  }
0x5f: {  	_ =	shalt  }
0x60: {  	_ =	shalt  }
0x61: {  	_ =	shalt  }
0x62: {  	_ =	shalt  }
0x63: {  	_ =	shalt  }
0x64: {  	_ =	shalt  }
0x65: {  	_ =	shalt  }
0x66: {  	_ =	shalt  }
0x67: {  	_ =	shalt  }
0x68: {  	_ =	shalt  }
0x69: {  	_ =	shalt  }
0x6a: {  	_ =	shalt  }
0x6b: {  	_ =	shalt  }
0x6c: {  	_ =	shalt  }
0x6d: {  	_ =	shalt  }
0x6e: {  	_ =	shalt  }
0x6f: {  	_ =	shalt  }
0x70: {  	_ =	shalt  }
0x71: {  	_ =	shalt  }
0x72: {  	_ =	shalt  }
0x73: {  	_ =	shalt  }
0x74: {  	_ =	shalt  }
0x75: {  	_ =	shalt  }
0x76: {  	_ =	shalt  }
0x77: {  	_ =	shalt  }
0x78: {  	_ =	shalt  }
0x79: {  	_ =	shalt  }
0x7a: {  	_ =	shalt  }
0x7b: {  	_ =	shalt  }
0x7c: {  	_ =	shalt  }
0x7d: {  	_ =	shalt  }
0x7e: {  	_ =	shalt  }
0x7f: {  	_ =	shalt  }
0x80: {  	_ =	shalt  }
0x81: {  	_ =	shalt  }
0x82: {  	_ =	shalt  }
0x83: {  	_ =	shalt  }
0x84: {  	_ =	shalt  }
0x85: {  	_ =	shalt  }
0x86: {  	_ =	shalt  }
0x87: {  	_ =	shalt  }
.Lfunc_end0:
.L_simem_size_0:
called_computation.7_lowered:
.L_overlay_start_0:
0x88: {  	s2 =	sld [smem:$0x3FD9]  }
0x89: {  	s3 =	sld [smem:$0x3FFE];
	_ =	sdelay $0x1  }
0x8a: {  	s1 =	srdreg.scid  }
0x8b: {  	s0 =	sand.u32 $0x1, s1  }
0x8c: {  	s17 =	sshll.u32 s0, $0xA;
	s2 =	sadd.s32 s3, s2  }
0x8d: {  	s2 =	sadd.s32 s2, s17  }
0x8e: {  	[smem:$0x3FBF] =	sst s2  }
0x8f: {  	_ = 	snop  }
0x90: {  	s18 =	sld [smem:$0x3FC7]  }
0x91: {  	s4 =	sld [smem:$0x3FC6];
	(tm) =	ssettm $0x1  }
0x92: {  	s19 =	sld [smem:$0x3FFB];
	_ =	sdelay $0x3  }
0x93: {  	_ =	strace s19  }
0x94: {  	s2 =	sld [smem:$0x3FFC];
	_ =	sdelay $0x3  }
0x95: {  	_ =	strace s2  }
0x96: {  	s2 =	sld [smem:$0x3FFD];
	_ =	sdelay $0x3  }
0x97: {  	_ =	strace s2  }
0x98: {  	_ =	strace $0x8FFFFFFF  }
0x99: {  	s20 =	sld [smem:$0x3FDB];
	_ =	sdelay $0x1  }
0x9a: {  	s5 =	simm.s32 $_scs_section_size  }
0x9b: {  	s6 =	simm.s32 $_size__tile_overlayer_lowered;
	s7 =	simm.s32 $_tile_overlayer_lowered  }
0x9c: {  	s8 =	simm.s32 $0x1BFF;
	s21 =	sshll.u32 s7, $0x1;
	s5 =	sadd.s32 s5, s20  }
0x9d: {  	s22 =	simm.s32 $0x0;
	s6 =	sshll.u32 s6, $0x1;
	s7 =	sadd.s32 s21, s5  }
0x9e: {  	[timem:s22], [sflag:s8] =	dma.local [hbm:s7], s6  }
0x9f: {  	_ =	swait.ge [sflag:s8], s6  }
0xa0: {  	s6 =	ssub.s32 $0x0, s6;
	[sflag:s8] =	ssyncset.done $0x0  }
0xa1: {  	[sflag:s8] =	ssyncadd.s32 s6;
	_ =	sdelay $0x1  }
0xa2: {  	s23 =	simm.s32 $0x1B8B  }
0xa3: {  	_ =	swait.ge [sflag:s23], $0x1  }
0xa4: {  	[sflag:s23] =	ssyncset.done $0x0  }
0xa5: {  	[sflag:s23] =	ssyncadd.s32 $0xFFFFFFFF  }
0xa6: {  	s6 =	sld [smem:$0x0]  }
0xa7: {  	s7 =	sand.u32 $0xFFFFFFFE, s1  }
0xa8: {  	p0 =	sne.s32 s1, s7  }
0xa9: {  	s7 =	sshll.u32 @p0 s7, $0xE  }
0xaa: {  	s7 =	sadd.s32 @p0 $0x11B8D, s7;
	s8 =	sshll.u32 @p0 s6, $0x11  }
0xab: {  	s7 =	sor.u32 @p0 s8, s7  }
0xac: {  	[sflag:s7] =	ssyncadd.remote.s32 @p0 $0x1;
	_ =	sdelay $0x1  }
0xad: {  	s7 =	simm.s32 @p0 $0x1B8D  }
0xae: {  	_ =	swait.eq @p0 [sflag:s7], $0x1  }
0xaf: {  	[sflag:s7] =	ssyncadd.s32 @p0 $0xFFFFFFFF  }
0xb0: {  	s8 =	sshll.u32 @!p0 s1, $0xE  }
0xb1: {  	s8 =	sor.u32 @!p0 $0x4000, s8;
	s7 =	simm.s32 @!p0 $0x1B8D  }
0xb2: {  	s6 =	sshll.u32 @!p0 s6, $0x11;
	s8 =	sadd.s32 @!p0 $0x11B8D, s8;
	_ =	swait.eq @!p0 [sflag:s7], $0x1  }
0xb3: {  	s6 =	sor.u32 @!p0 s6, s8;
	[sflag:s7] =	ssyncadd.s32 @!p0 $0xFFFFFFFF  }
0xb4: {  	s25 =	simm.s32 $0x1B8E;
	s24 =	sld [smem:$0x3FFE];
	[sflag:s6] =	ssyncadd.remote.s32 @!p0 $0x1  }
0xb5: {  	s26 =	simm.s32 $execute0_lowered;
	[smem:$0x3FD2] =	sst s25  }
0xb6: {  	s7 =	sshll.u32 s26, $0x1;
	_ =	strace $0x8000005B;
	[dreg:$0x1] =	wrdreg $0xFFFFFFFF  }
0xb7: {  	s28 =	simm.s32 $_size_execute0_lowered;
	s5 =	sadd.s32 s5, s7;
	[dreg:$0x0] =	wrdreg $0x0  }
0xb8: {  	s7 =	sshll.u32 s28, $0x1;
	[dreg:$0x2] =	wrdreg s5  }
0xb9: {  	[dreg:$0x3] =	wrdreg s7  }
0xba: {  	[dreg:$0x4] =	wrdreg $0xC0  }
0xbb: {  	_ =	task [dreg:s22], $0x5FFFF  }
0xbc: {  	[dreg:$0x1] =	wrdreg $0xFFFFFFFF  }
0xbd: {  	[dreg:$0x0] =	wrdreg $0x60  }
0xbe: {  	[dreg:$0x2] =	wrdreg s18  }
0xbf: {  	[dreg:$0x3] =	wrdreg s4  }
0xc0: {  	[dreg:$0x4] =	wrdreg s24  }
0xc1: {  	[dreg:$0x5] =	wrdreg $0x10  }
0xc2: {  	_ =	task.clear_ibuf [dreg:s22], $0x6FFFF;
	_ =	strace $0x9000005B  }
0xc3: {  	s29 =	simm.s32 $0x10;
	_ =	strace $0x8000005D  }
0xc4: {  	_ =	swait.ge [sflag:s29], $0x1  }
0xc5: {  	[sflag:s29] =	ssyncadd.s32 $0xFFFFFFFF  }
0xc6: {  	_ =	strace $0x9000005D  }
0xc7: {  	_ =	sfence  }
0xc8: {  	s30 =	sld [smem:$0x0];
	_ =	sdelay $0x2  }
0xc9: {  	s31 =	sshll.u32 s1, $0xD;
	s1 =	sshrl.u32 s1, $0x2  }
0xca: {  	s4 =	sand.u32 $0x4000, s31;
	s1 =	sadd.s32 s1, s30  }
0xcb: {  	s0 =	sor.u32 s4, s0;
	s1 =	sshll.u32 s1, $0x11  }
0xcc: {  	s0 =	sor.u32 s1, s0  }
0xcd: {  	s0 =	sadd.s32 $0x8F2B, s0  }
0xce: {  	[sflag:s0] =	ssyncadd.remote.s32 $0x1  }
0xcf: {  	_ =	sfence.sel $0xFFFF  }
0xd0: {  	[dreg:$0x0] =	wrdreg $0xFFFFFFFF;
	(pc) =	sbr.abs _section_cstart, $3  }
0xd1: {  	[dreg:$0x1] =	wrdreg $0xFFFFFFFF  }
0xd2: {  	_ =	task.clear_ibuf [dreg:s22], $0x2FFFF;
	_ =	strace $0x9FFFFFFF  }
0xd3: {  	(tm) =	ssettm $0x7FFFFFFF  }
tec
execute0_lowered:
.L_overlay_start_1:
0x0: {  	(tag) =	ssettag $0x1  }
0x1: {  	s1 =	stileid.u32  }
0x2: {  	p0 =	sgt.u32 s1, $0xD  }
.Ltmp0:
0x3: {  	s2 =	rddreg [dreg:$0x0];
	(pc) =	sbr.rel @p0 .LBB2_4-.Ltmp0, $4  }
0x4: {  	s3 =	rddreg [dreg:$0x1]  }
0x5: {  	s14 =	rddreg [dreg:$0x2];
	s4 =	simm.s32 $0x0  }
0x6: {  	[smem:$0x7FF] =	sst s4  }
0x7: {  	s0 =	rddreg [dreg:$0x3];
	_ =	strace $0x8000005C  }
0x8: {  	s5 =	srdreg.scid  }
0x9: {  	s29 =	sshll.u32 s1, $0x1;
	s16 =	sand.u32 $0x1, s5  }
0xa: {  	s11 =	sor.u32 s16, s29  }
0xb: {  	s5 =	smul.u32 $0x190, s11;
	_ =	sdelay $0x1  }
0xc: {  	s5 =	sshrl.u32 s5, $0x3  }
0xd: {  	s6 =	sadd.s32 $0x372400, s14;
	s15 =	sadd.s32 $0xAF0, s5  }
0xe: {  	s5 =	simm.s32 $0x3;
	s6 =	sadd.s32 s6, s15  }
0xf: {  	[tilespmem:s4], [sflag:$0x3] =	stream.linear.gather [hbm4b:s6+s4], $0x190, $0x38;
	[tilespmem:$0x19200] =	vst v63  }
0x10: {  	_ =	swait.ge [sflag:s5], $0x190  }
0x11: {  	[sflag:s5] =	ssyncset.done $0x0  }
0x12: {  	s7 =	simm.s32 $0x190;
	s8 =	simm.s32 $0x200;
	[sflag:s5] =	ssyncadd.s32 $0xFFFFFE70  }
0x13: {  	[tilespmem:s8], [sflag:$0x1] =	stream.indirect.gather [hbm4b:s2+s7], $0x80, s4, s7, $0xb8;
	[tilespmem:$0x19200] =	vst v63  }
0x14: {  	s9 =	simm.s32 $0xCA00;
	s10 =	simm.s32 $0x1  }
0x15: {  	[tilespmem:s9], [sflag:$0x2] =	stream.indirect.gather [hbm4b:s3+s7], $0x80, s4, s7, $0xb8;
	[tilespmem:$0x19200] =	vst v63  }
0x16: {  	_ =	swait.ge [sflag:s10], $0xC800  }
0x17: {  	[sflag:s10] =	ssyncset.done $0x0  }
0x18: {  	s12 =	smul.u32 $0x1900, s11;
	s11 =	simm.s32 $0x2;
	[sflag:s10] =	ssyncadd.s32 $0xFFFF3800  }
0x19: {  	_ =	swait.ge [sflag:s11], $0xC800  }
0x1a: {  	s17 =	sadd.s32 s12, s14;
	[sflag:s11] =	ssyncset.done $0x0  }
0x1b: {  	s12 =	sadd.s32 $0x4D1800, s17;
	[sflag:s11] =	ssyncadd.s32 $0xFFFF3800  }
0x1c: {  	[hbm4b:s12+s4] =	stream.linear.scatter [tilespmem:s8], [sflag:$0x3], $0xC800, $0x38;
	[tilespmem:$0x19200] =	vst v63  }
0x1d: {  	_ =	swait.ge [sflag:s5], $0xC800  }
0x1e: {  	[sflag:s5] =	ssyncset.done $0x0  }
0x1f: {  	s13 =	sadd.s32 $0x4FD400, s17;
	[sflag:s5] =	ssyncadd.s32 $0xFFFF3800  }
0x20: {  	[hbm4b:s13+s4] =	stream.linear.scatter [tilespmem:s9], [sflag:$0x3], $0xC800, $0x38;
	[tilespmem:$0x19200] =	vst v63  }
0x21: {  	_ =	swait.ge [sflag:s5], $0xC800  }
0x22: {  	s30 =	sadd.s32 s15, s14;
	[sflag:s5] =	ssyncset.done $0x0  }
0x23: {  	s14 =	sadd.s32 $0x371000, s30;
	[sflag:s5] =	ssyncadd.s32 $0xFFFF3800  }
0x24: {  	[tilespmem:s4], [sflag:$0x3] =	stream.linear.gather [hbm4b:s14+s4], $0x190, $0x38;
	[tilespmem:$0x19200] =	vst v63  }
0x25: {  	_ =	swait.ge [sflag:s5], $0x190  }
0x26: {  	[sflag:s5] =	ssyncset.done $0x0  }
0x27: {  	[sflag:s5] =	ssyncadd.s32 $0xFFFFFE70  }
0x28: {  	[tilespmem:s8], [sflag:$0x1] =	stream.indirect.gather [hbm4b:s2+s7], $0x80, s4, s7, $0xb8;
	[tilespmem:$0x19200] =	vst v63  }
0x29: {  	_ = 	snop  }
0x2a: {  	[tilespmem:s9], [sflag:$0x2] =	stream.indirect.gather [hbm4b:s3+s7], $0x80, s4, s7, $0xb8;
	[tilespmem:$0x19200] =	vst v63  }
0x2b: {  	_ =	swait.ge [sflag:s10], $0xC800  }
0x2c: {  	[sflag:s10] =	ssyncset.done $0x0  }
0x2d: {  	s16 =	ssub.s32 $0x2, s16;
	[sflag:s10] =	ssyncadd.s32 $0xFFFF3800  }
0x2e: {  	s18 =	sshrl.u32 s16, $0x1;
	_ =	swait.ge [sflag:s11], $0xC800  }
0x2f: {  	s18 =	ssub.s32 s16, s18;
	[sflag:s11] =	ssyncset.done $0x0  }
0x30: {  	s31 =	smax.u32 s18, $0x1;
	s15 =	sadd.s32 $0x529000, s17;
	[sflag:s11] =	ssyncadd.s32 $0xFFFF3800  }
0x31: {  	[hbm4b:s15+s4] =	stream.linear.scatter [tilespmem:s8], [sflag:$0x3], $0xC800, $0x38;
	[tilespmem:$0x19200] =	vst v63  }
0x32: {  	p0 =	sne.s32 s31, $0x1;
	_ =	swait.ge [sflag:s5], $0xC800  }
.Ltmp1:
0x33: {  	[sflag:s5] =	ssyncset.done $0x0;
	(pc) =	sbr.rel @!p0 .LBB2_3-.Ltmp1, $4  }
0x34: {  	s16 =	sadd.s32 $0x554C00, s17;
	[sflag:s5] =	ssyncadd.s32 $0xFFFF3800  }
0x35: {  	[hbm4b:s16+s4] =	stream.linear.scatter [tilespmem:s9], [sflag:$0x3], $0xC800, $0x38;
	[tilespmem:$0x19200] =	vst v63  }
0x36: {  	_ =	swait.ge [sflag:s5], $0xC800  }
0x37: {  	s17 =	sadd.s32 $0xFFFFFFFF, s31;
	[sflag:s5] =	ssyncset.done $0x0  }
.LBB2_2:
0x38: {  	p0 =	sne.s32 s17, $0x1;
	s17 =	sadd.s32 $0xFFFFFFFF, s17;
	[sflag:s5] =	ssyncadd.s32 $0xFFFF3800  }
0x39: {  	[tilespmem:s4], [sflag:$0x3] =	stream.linear.gather [hbm4b:s6+s4], $0x190, $0x38;
	[tilespmem:$0x19200] =	vst v63  }
0x3a: {  	_ =	swait.ge [sflag:s5], $0x190  }
0x3b: {  	[sflag:s5] =	ssyncset.done $0x0  }
0x3c: {  	[sflag:s5] =	ssyncadd.s32 $0xFFFFFE70  }
0x3d: {  	[tilespmem:s8], [sflag:$0x1] =	stream.indirect.gather [hbm4b:s2+s7], $0x80, s4, s7, $0xb8;
	[tilespmem:$0x19200] =	vst v63  }
0x3e: {  	_ = 	snop  }
0x3f: {  	[tilespmem:s9], [sflag:$0x2] =	stream.indirect.gather [hbm4b:s3+s7], $0x80, s4, s7, $0xb8;
	[tilespmem:$0x19200] =	vst v63  }
0x40: {  	_ =	swait.ge [sflag:s10], $0xC800  }
0x41: {  	[sflag:s10] =	ssyncset.done $0x0  }
0x42: {  	[sflag:s10] =	ssyncadd.s32 $0xFFFF3800  }
0x43: {  	_ =	swait.ge [sflag:s11], $0xC800  }
0x44: {  	[sflag:s11] =	ssyncset.done $0x0  }
0x45: {  	[sflag:s11] =	ssyncadd.s32 $0xFFFF3800  }
0x46: {  	[hbm4b:s12+s4] =	stream.linear.scatter [tilespmem:s8], [sflag:$0x3], $0xC800, $0x38;
	[tilespmem:$0x19200] =	vst v63  }
0x47: {  	_ =	swait.ge [sflag:s5], $0xC800  }
0x48: {  	[sflag:s5] =	ssyncset.done $0x0  }
0x49: {  	[sflag:s5] =	ssyncadd.s32 $0xFFFF3800  }
0x4a: {  	[hbm4b:s13+s4] =	stream.linear.scatter [tilespmem:s9], [sflag:$0x3], $0xC800, $0x38;
	[tilespmem:$0x19200] =	vst v63  }
0x4b: {  	_ =	swait.ge [sflag:s5], $0xC800  }
0x4c: {  	[sflag:s5] =	ssyncset.done $0x0  }
0x4d: {  	[sflag:s5] =	ssyncadd.s32 $0xFFFF3800  }
0x4e: {  	[tilespmem:s4], [sflag:$0x3] =	stream.linear.gather [hbm4b:s14+s4], $0x190, $0x38;
	[tilespmem:$0x19200] =	vst v63  }
0x4f: {  	_ =	swait.ge [sflag:s5], $0x190  }
0x50: {  	[sflag:s5] =	ssyncset.done $0x0  }
0x51: {  	[sflag:s5] =	ssyncadd.s32 $0xFFFFFE70  }
0x52: {  	[tilespmem:s8], [sflag:$0x1] =	stream.indirect.gather [hbm4b:s2+s7], $0x80, s4, s7, $0xb8;
	[tilespmem:$0x19200] =	vst v63  }
0x53: {  	_ = 	snop  }
0x54: {  	[tilespmem:s9], [sflag:$0x2] =	stream.indirect.gather [hbm4b:s3+s7], $0x80, s4, s7, $0xb8;
	[tilespmem:$0x19200] =	vst v63  }
0x55: {  	_ =	swait.ge [sflag:s10], $0xC800  }
0x56: {  	[sflag:s10] =	ssyncset.done $0x0  }
0x57: {  	[sflag:s10] =	ssyncadd.s32 $0xFFFF3800  }
0x58: {  	_ =	swait.ge [sflag:s11], $0xC800  }
0x59: {  	[sflag:s11] =	ssyncset.done $0x0  }
0x5a: {  	[sflag:s11] =	ssyncadd.s32 $0xFFFF3800  }
0x5b: {  	[hbm4b:s15+s4] =	stream.linear.scatter [tilespmem:s8], [sflag:$0x3], $0xC800, $0x38;
	[tilespmem:$0x19200] =	vst v63  }
0x5c: {  	_ =	swait.ge [sflag:s5], $0xC800  }
.Ltmp2:
0x5d: {  	[sflag:s5] =	ssyncset.done $0x0;
	(pc) =	sbr.rel @p0 .LBB2_2-.Ltmp2, $4  }
0x5e: {  	[sflag:s5] =	ssyncadd.s32 $0xFFFF3800  }
0x5f: {  	[hbm4b:s16+s4] =	stream.linear.scatter [tilespmem:s9], [sflag:$0x3], $0xC800, $0x38;
	[tilespmem:$0x19200] =	vst v63  }
0x60: {  	_ =	swait.ge [sflag:s5], $0xC800  }
0x61: {  	[sflag:s5] =	ssyncset.done $0x0  }
.LBB2_3:
0x62: {  	[sflag:s5] =	ssyncadd.s32 $0xFFFF3800  }
.LBB2_4:
0x63: {  	_ =	sfence.sel $0x180000  }
0x64: {  	[bflag:$0x0] =	sbarrier.arrive $0xFFFF  }
0x65: {  	p0 =	sne.s32 s1, $0x0;
	_ =	strace $0x9000005C  }
0x66: {  	s0 =	sadd.s32 @!p0 $0x100000, s0;
	[bflag:$0x2] =	sbarrier.arrive $0xFFFF  }
0x67: {  	[sflag:s0] =	ssyncadd.tile.s32 @!p0 $0x1;
	_ =	shalt  }
.Lfunc_end2:
_tile_overlayer_lowered:
.L_overlay_start_2:
0x68: {  	(tag) =	ssettag $0x2  }
0x69: {  	s0 =	rddreg [dreg:$0x0];
	s2 =	stileid.u32  }
0x6a: {  	s1 =	rddreg [dreg:$0x1];
	p0 =	sne.s32 s2, $0x0  }
0x6b: {  	s3 =	rddreg [dreg:$0x2];
	[bflag:$0x3] =	sbarrier.arrive $0xFFFF;
	s2 =	simm.s32 @!p0 $0x1C03  }
0x6c: {  	[timem:s3], [sflag:s2] =	dma.local @!p0 [hbm:s0], s1  }
0x6d: {  	s0 =	simm.s32 @!p0 $0x3  }
0x6e: {  	_ =	swait.ge @!p0 [sflag:s0], s1  }
0x6f: {  	s1 =	ssub.s32 @!p0 $0x0, s1;
	[sflag:s0] =	ssyncset.done @!p0 $0x0  }
0x70: {  	[sflag:s0] =	ssyncadd.s32 @!p0 s1  }
0x71: {  	[bflag:$0x3] =	sbarrier.arrive $0xFFFF  }
0x72: {  	_ =	shalt  }

// kernel: kernel.44.cloned.1.call-start
scs
__scs_entry_jumppad:
0x0: {  	(pc) =	sbr.rel $0x88, $3  }
0x1: {  	(tag) =	ssettag $0x0;
	lr =	simm.s32 $0x1  }
0x2: {  	[smem:$0x3F98] =	sst lr;
	_ =	strace $0xD0000000  }
0x3: {  	_ = 	snop  }
0x4: {  	_ = 	snop  }
0x5: {  	_ = 	snop  }
0x6: {  	_ = 	snop  }
0x7: {  	_ = 	snop  }
__scs_overlays_trampoline_lowered:
0x8: {  	[smem:$0x3FA7] =	sst s0  }
0x9: {  	[smem:$0x3FA8] =	sst s1  }
0xa: {  	[smem:$0x3FA9] =	sst s2  }
0xb: {  	[smem:$0x3FAA] =	sst s3  }
0xc: {  	[smem:$0x3FAB] =	sst s4  }
0xd: {  	[smem:$0x3FAC] =	sst s5  }
0xe: {  	[smem:$0x3FAD] =	sst s6  }
0xf: {  	[smem:$0x3FAE] =	sst s7  }
0x10: {  	[smem:$0x3FAF] =	sst s8  }
0x11: {  	[smem:$0x3FB0] =	sst s9;
	s0 =	simm.s32 @!p0 $0x0  }
0x12: {  	s1 =	sld [smem:$0x3F96];
	s0 =	simm.s32 @p0 $0x1  }
0x13: {  	[smem:$0x3FB1] =	sst s0;
	s0 =	simm.s32 @!p1 $0x0  }
0x14: {  	s2 =	sld [smem:$0x3F95];
	s0 =	simm.s32 @p1 $0x1  }
0x15: {  	[smem:$0x3FB2] =	sst s0;
	s0 =	simm.s32 @!p2 $0x0  }
0x16: {  	s3 =	sld [smem:$0x3FDB];
	s0 =	simm.s32 @p2 $0x1  }
0x17: {  	s4 =	simm.s32 $0x1BF5;
	[smem:$0x3FB4] =	sst s0  }
0x18: {  	s0 =	sld [smem:$0x3F97];
	_ =	swait.ge [sflag:s4], $0x0  }
0x19: {  	s7 =	sld [smem:$0x3F98]  }
0x1a: {  	s8 =	sadd.s32 $0xFFFFE003, lr  }
0x1b: {  	s9 =	sadd.s32 $0xFFFFFEF7, lr;
	s5 =	simm.s32 $0xFFFFFFFF;
	p2 =	slt.u32 s8, $0xFFFFF086  }
0x1c: {  	p1 =	slt.u32 s9, $0xF7A;
	s5 =	simm.s32 @!p2 $0x0  }
0x1d: {  	s5 =	simm.s32 @p1 $0x1;
	p0 =	seq.s32 s7, s2  }
0x1e: {  	s7 =	smul.u32 @!p0 $0xF7A, s2;
	p2 =	seq.s32 @!p0 s5, $0x0  }
0x1f: {  	s9 =	smul.u32 $0xF7A, s1;
	s8 =	simm.s32 @!p0 $0x1BF5;
	p2 =	por !p2, p0  }
0x20: {  	[sflag:s8] =	ssyncset.s32 @!p0 $0xFFFFF086;
	s6 =	sadd.s32 @!p0 s3, s7;
	s7 =	simm.s32 @!p0 $0x108  }
0x21: {  	s3 =	sadd.s32 s3, s9;
	s6 =	sadd.s32 @!p0 $0x88, s6;
	s7 =	simm.s32 @p2 $0x1082  }
0x22: {  	[simem:s7], [sflag:s8] =	dma.local @!p0 [hbm:s6], $0xF7A  }
0x23: {  	s9 =	sor.u32 $0xD0000000, s2;
	s6 =	simm.s32 $0x108;
	_ =	swait.ge @!p0 [sflag:s8], $0x0  }
0x24: {  	s3 =	sadd.s32 $0x88, s3;
	s6 =	simm.s32 @!p1 $0x1082;
	[sflag:s4] =	ssyncset.s32 $0xFFFFF086  }
0x25: {  	[simem:s6], [sflag:s4] =	dma.local [hbm:s3], $0xF7A  }
0x26: {  	[smem:$0x3F98] =	sst s1;
	(tag) =	ssettag s2;
	_ =	strace s9  }
0x27: {  	s1 =	sld [smem:$0x3FA8]  }
0x28: {  	s2 =	sld [smem:$0x3FA9]  }
0x29: {  	s4 =	sld [smem:$0x3FAB]  }
0x2a: {  	p0 =	seq.s32 s5, $0x0;
	s5 =	sld [smem:$0x3FAC]  }
0x2b: {  	s6 =	sld [smem:$0x3FAD]  }
0x2c: {  	s7 =	sld [smem:$0x3FAE]  }
0x2d: {  	s3 =	simm.s32 $0x108;
	s8 =	sld [smem:$0x3FAF]  }
0x2e: {  	s3 =	simm.s32 @!p0 $0x1082;
	s9 =	sld [smem:$0x3FB0]  }
0x2f: {  	lr =	sadd.s32 s0, s3;
	s0 =	sld [smem:$0x3FA7]  }
0x30: {  	s3 =	sld [smem:$0x3FAA]  }
0x31: {  	[smem:$0x3FB3] =	sst s10  }
0x32: {  	s10 =	sld [smem:$0x3FB1];
	_ =	sdelay $0x3  }
0x33: {  	p0 =	seq.s32 s10, $0x1;
	s10 =	sld [smem:$0x3FB3];
	_ =	sdelay $0x3  }
0x34: {  	[smem:$0x3FB3] =	sst s10  }
0x35: {  	s10 =	sld [smem:$0x3FB2];
	_ =	sdelay $0x3  }
0x36: {  	p1 =	seq.s32 s10, $0x1;
	s10 =	sld [smem:$0x3FB3];
	_ =	sdelay $0x3  }
0x37: {  	[smem:$0x3FB3] =	sst s10  }
0x38: {  	s10 =	sld [smem:$0x3FB4]  }
0x39: {  	_ = 	snop;
	(pc) =	sbr.ind lr, $3  }
0x3a: {  	_ = 	snop  }
0x3b: {  	_ = 	snop  }
0x3c: {  	p2 =	seq.s32 s10, $0x1;
	s10 =	sld [smem:$0x3FB3]  }
0x3d: {  	_ =	shalt  }
0x3e: {  	_ =	shalt  }
0x3f: {  	_ =	shalt  }
0x40: {  	_ =	shalt  }
0x41: {  	_ =	shalt  }
0x42: {  	_ =	shalt  }
0x43: {  	_ =	shalt  }
0x44: {  	_ =	shalt  }
0x45: {  	_ =	shalt  }
0x46: {  	_ =	shalt  }
0x47: {  	_ =	shalt  }
0x48: {  	_ =	shalt  }
0x49: {  	_ =	shalt  }
0x4a: {  	_ =	shalt  }
0x4b: {  	_ =	shalt  }
0x4c: {  	_ =	shalt  }
0x4d: {  	_ =	shalt  }
0x4e: {  	_ =	shalt  }
0x4f: {  	_ =	shalt  }
0x50: {  	_ =	shalt  }
0x51: {  	_ =	shalt  }
0x52: {  	_ =	shalt  }
0x53: {  	_ =	shalt  }
0x54: {  	_ =	shalt  }
0x55: {  	_ =	shalt  }
0x56: {  	_ =	shalt  }
0x57: {  	_ =	shalt  }
0x58: {  	_ =	shalt  }
0x59: {  	_ =	shalt  }
0x5a: {  	_ =	shalt  }
0x5b: {  	_ =	shalt  }
0x5c: {  	_ =	shalt  }
0x5d: {  	_ =	shalt  }
0x5e: {  	_ =	shalt  }
0x5f: {  	_ =	shalt  }
0x60: {  	_ =	shalt  }
0x61: {  	_ =	shalt  }
0x62: {  	_ =	shalt  }
0x63: {  	_ =	shalt  }
0x64: {  	_ =	shalt  }
0x65: {  	_ =	shalt  }
0x66: {  	_ =	shalt  }
0x67: {  	_ =	shalt  }
0x68: {  	_ =	shalt  }
0x69: {  	_ =	shalt  }
0x6a: {  	_ =	shalt  }
0x6b: {  	_ =	shalt  }
0x6c: {  	_ =	shalt  }
0x6d: {  	_ =	shalt  }
0x6e: {  	_ =	shalt  }
0x6f: {  	_ =	shalt  }
0x70: {  	_ =	shalt  }
0x71: {  	_ =	shalt  }
0x72: {  	_ =	shalt  }
0x73: {  	_ =	shalt  }
0x74: {  	_ =	shalt  }
0x75: {  	_ =	shalt  }
0x76: {  	_ =	shalt  }
0x77: {  	_ =	shalt  }
0x78: {  	_ =	shalt  }
0x79: {  	_ =	shalt  }
0x7a: {  	_ =	shalt  }
0x7b: {  	_ =	shalt  }
0x7c: {  	_ =	shalt  }
0x7d: {  	_ =	shalt  }
0x7e: {  	_ =	shalt  }
0x7f: {  	_ =	shalt  }
0x80: {  	_ =	shalt  }
0x81: {  	_ =	shalt  }
0x82: {  	_ =	shalt  }
0x83: {  	_ =	shalt  }
0x84: {  	_ =	shalt  }
0x85: {  	_ =	shalt  }
0x86: {  	_ =	shalt  }
0x87: {  	_ =	shalt  }
.Lfunc_end0:
.L_simem_size_0:
called_computation.8_lowered:
.L_overlay_start_0:
0x88: {  	s2 =	sld [smem:$0x3FD9]  }
0x89: {  	s3 =	sld [smem:$0x3FFE];
	_ =	sdelay $0x1  }
0x8a: {  	s1 =	srdreg.scid  }
0x8b: {  	s0 =	sand.u32 $0x1, s1  }
0x8c: {  	s17 =	sshll.u32 s0, $0xA;
	s2 =	sadd.s32 s3, s2  }
0x8d: {  	s2 =	sadd.s32 s2, s17  }
0x8e: {  	[smem:$0x3FBF] =	sst s2  }
0x8f: {  	_ = 	snop  }
0x90: {  	s18 =	sld [smem:$0x3FC7]  }
0x91: {  	s4 =	sld [smem:$0x3FC6];
	(tm) =	ssettm $0x1  }
0x92: {  	s19 =	sld [smem:$0x3FFB];
	_ =	sdelay $0x3  }
0x93: {  	_ =	strace s19  }
0x94: {  	s2 =	sld [smem:$0x3FFC];
	_ =	sdelay $0x3  }
0x95: {  	_ =	strace s2  }
0x96: {  	s2 =	sld [smem:$0x3FFD];
	_ =	sdelay $0x3  }
0x97: {  	_ =	strace s2  }
0x98: {  	_ =	strace $0x8FFFFFFF  }
0x99: {  	s20 =	sld [smem:$0x3FDB];
	_ =	sdelay $0x1  }
0x9a: {  	s5 =	simm.s32 $_scs_section_size  }
0x9b: {  	s6 =	simm.s32 $_size__tile_overlayer_lowered;
	s7 =	simm.s32 $_tile_overlayer_lowered  }
0x9c: {  	s8 =	simm.s32 $0x1BFF;
	s21 =	sshll.u32 s7, $0x1;
	s5 =	sadd.s32 s5, s20  }
0x9d: {  	s22 =	simm.s32 $0x0;
	s6 =	sshll.u32 s6, $0x1;
	s7 =	sadd.s32 s21, s5  }
0x9e: {  	[timem:s22], [sflag:s8] =	dma.local [hbm:s7], s6  }
0x9f: {  	_ =	swait.ge [sflag:s8], s6  }
0xa0: {  	s6 =	ssub.s32 $0x0, s6;
	[sflag:s8] =	ssyncset.done $0x0  }
0xa1: {  	[sflag:s8] =	ssyncadd.s32 s6;
	_ =	sdelay $0x1  }
0xa2: {  	s23 =	simm.s32 $0x1B8B  }
0xa3: {  	_ =	swait.ge [sflag:s23], $0x1  }
0xa4: {  	[sflag:s23] =	ssyncset.done $0x0  }
0xa5: {  	[sflag:s23] =	ssyncadd.s32 $0xFFFFFFFF  }
0xa6: {  	s6 =	sld [smem:$0x0]  }
0xa7: {  	s7 =	sand.u32 $0xFFFFFFFE, s1  }
0xa8: {  	p0 =	sne.s32 s1, s7  }
0xa9: {  	s7 =	sshll.u32 @p0 s7, $0xE  }
0xaa: {  	s7 =	sadd.s32 @p0 $0x11B8D, s7;
	s8 =	sshll.u32 @p0 s6, $0x11  }
0xab: {  	s7 =	sor.u32 @p0 s8, s7  }
0xac: {  	[sflag:s7] =	ssyncadd.remote.s32 @p0 $0x1;
	_ =	sdelay $0x1  }
0xad: {  	s7 =	simm.s32 @p0 $0x1B8D  }
0xae: {  	_ =	swait.eq @p0 [sflag:s7], $0x1  }
0xaf: {  	[sflag:s7] =	ssyncadd.s32 @p0 $0xFFFFFFFF  }
0xb0: {  	s8 =	sshll.u32 @!p0 s1, $0xE  }
0xb1: {  	s8 =	sor.u32 @!p0 $0x4000, s8;
	s7 =	simm.s32 @!p0 $0x1B8D  }
0xb2: {  	s6 =	sshll.u32 @!p0 s6, $0x11;
	s8 =	sadd.s32 @!p0 $0x11B8D, s8;
	_ =	swait.eq @!p0 [sflag:s7], $0x1  }
0xb3: {  	s6 =	sor.u32 @!p0 s6, s8;
	[sflag:s7] =	ssyncadd.s32 @!p0 $0xFFFFFFFF  }
0xb4: {  	s25 =	simm.s32 $0x1B8E;
	s24 =	sld [smem:$0x3FFE];
	[sflag:s6] =	ssyncadd.remote.s32 @!p0 $0x1  }
0xb5: {  	s26 =	simm.s32 $execute0_lowered;
	[smem:$0x3FD2] =	sst s25  }
0xb6: {  	s7 =	sshll.u32 s26, $0x1;
	_ =	strace $0x8000005E;
	[dreg:$0x1] =	wrdreg $0xFFFFFFFF  }
0xb7: {  	s28 =	simm.s32 $_size_execute0_lowered;
	s5 =	sadd.s32 s5, s7;
	[dreg:$0x0] =	wrdreg $0x0  }
0xb8: {  	s7 =	sshll.u32 s28, $0x1;
	[dreg:$0x2] =	wrdreg s5  }
0xb9: {  	[dreg:$0x3] =	wrdreg s7  }
0xba: {  	[dreg:$0x4] =	wrdreg $0xC0  }
0xbb: {  	_ =	task [dreg:s22], $0x5FFFF  }
0xbc: {  	[dreg:$0x1] =	wrdreg $0xFFFFFFFF  }
0xbd: {  	[dreg:$0x0] =	wrdreg $0x60  }
0xbe: {  	[dreg:$0x2] =	wrdreg s18  }
0xbf: {  	[dreg:$0x3] =	wrdreg s4  }
0xc0: {  	[dreg:$0x4] =	wrdreg s24  }
0xc1: {  	[dreg:$0x5] =	wrdreg $0x11  }
0xc2: {  	_ =	task.clear_ibuf [dreg:s22], $0x6FFFF;
	_ =	strace $0x9000005E  }
0xc3: {  	s29 =	simm.s32 $0x11;
	_ =	strace $0x80000060  }
0xc4: {  	_ =	swait.ge [sflag:s29], $0x1  }
0xc5: {  	[sflag:s29] =	ssyncadd.s32 $0xFFFFFFFF  }
0xc6: {  	_ =	strace $0x90000060  }
0xc7: {  	_ =	sfence  }
0xc8: {  	s30 =	sld [smem:$0x0];
	_ =	sdelay $0x2  }
0xc9: {  	s31 =	sshll.u32 s1, $0xD;
	s1 =	sshrl.u32 s1, $0x2  }
0xca: {  	s4 =	sand.u32 $0x4000, s31;
	s1 =	sadd.s32 s1, s30  }
0xcb: {  	s0 =	sor.u32 s4, s0;
	s1 =	sshll.u32 s1, $0x11  }
0xcc: {  	s0 =	sor.u32 s1, s0  }
0xcd: {  	s0 =	sadd.s32 $0x8F2B, s0  }
0xce: {  	[sflag:s0] =	ssyncadd.remote.s32 $0x1  }
0xcf: {  	_ =	sfence.sel $0xFFFF  }
0xd0: {  	[dreg:$0x0] =	wrdreg $0xFFFFFFFF;
	(pc) =	sbr.abs _section_cstart, $3  }
0xd1: {  	[dreg:$0x1] =	wrdreg $0xFFFFFFFF  }
0xd2: {  	_ =	task.clear_ibuf [dreg:s22], $0x2FFFF;
	_ =	strace $0x9FFFFFFF  }
0xd3: {  	(tm) =	ssettm $0x7FFFFFFF  }
tec
execute0_lowered:
.L_overlay_start_1:
0x0: {  	(tag) =	ssettag $0x1  }
0x1: {  	s1 =	stileid.u32  }
0x2: {  	p0 =	sgt.u32 s1, $0x7  }
.Ltmp0:
0x3: {  	s2 =	rddreg [dreg:$0x0];
	(pc) =	sbr.rel @p0 .LBB2_4-.Ltmp0, $4  }
0x4: {  	s3 =	rddreg [dreg:$0x1]  }
0x5: {  	s14 =	rddreg [dreg:$0x2];
	s4 =	simm.s32 $0x0  }
0x6: {  	[smem:$0x7FF] =	sst s4  }
0x7: {  	s0 =	rddreg [dreg:$0x3];
	_ =	strace $0x8000005F  }
0x8: {  	s5 =	srdreg.scid  }
0x9: {  	s29 =	sshll.u32 s1, $0x1;
	s16 =	sand.u32 $0x1, s5  }
0xa: {  	s11 =	sor.u32 s16, s29  }
0xb: {  	s5 =	smul.u32 $0x190, s11;
	_ =	sdelay $0x1  }
0xc: {  	s5 =	sshrl.u32 s5, $0x3  }
0xd: {  	s6 =	sadd.s32 $0x372400, s14;
	s15 =	sadd.s32 $0x1068, s5  }
0xe: {  	s5 =	simm.s32 $0x3;
	s6 =	sadd.s32 s6, s15  }
0xf: {  	[tilespmem:s4], [sflag:$0x3] =	stream.linear.gather [hbm4b:s6+s4], $0x190, $0x38;
	[tilespmem:$0x19200] =	vst v63  }
0x10: {  	_ =	swait.ge [sflag:s5], $0x190  }
0x11: {  	[sflag:s5] =	ssyncset.done $0x0  }
0x12: {  	s7 =	simm.s32 $0x190;
	s8 =	simm.s32 $0x200;
	[sflag:s5] =	ssyncadd.s32 $0xFFFFFE70  }
0x13: {  	[tilespmem:s8], [sflag:$0x1] =	stream.indirect.gather [hbm4b:s2+s7], $0x80, s4, s7, $0xb8;
	[tilespmem:$0x19200] =	vst v63  }
0x14: {  	s9 =	simm.s32 $0xCA00;
	s10 =	simm.s32 $0x1  }
0x15: {  	[tilespmem:s9], [sflag:$0x2] =	stream.indirect.gather [hbm4b:s3+s7], $0x80, s4, s7, $0xb8;
	[tilespmem:$0x19200] =	vst v63  }
0x16: {  	_ =	swait.ge [sflag:s10], $0xC800  }
0x17: {  	[sflag:s10] =	ssyncset.done $0x0  }
0x18: {  	s12 =	smul.u32 $0x1900, s11;
	s11 =	simm.s32 $0x2;
	[sflag:s10] =	ssyncadd.s32 $0xFFFF3800  }
0x19: {  	_ =	swait.ge [sflag:s11], $0xC800  }
0x1a: {  	s17 =	sadd.s32 s12, s14;
	[sflag:s11] =	ssyncset.done $0x0  }
0x1b: {  	s12 =	sadd.s32 $0x580800, s17;
	[sflag:s11] =	ssyncadd.s32 $0xFFFF3800  }
0x1c: {  	[hbm4b:s12+s4] =	stream.linear.scatter [tilespmem:s8], [sflag:$0x3], $0xC800, $0x38;
	[tilespmem:$0x19200] =	vst v63  }
0x1d: {  	_ =	swait.ge [sflag:s5], $0xC800  }
0x1e: {  	[sflag:s5] =	ssyncset.done $0x0  }
0x1f: {  	s13 =	sadd.s32 $0x599800, s17;
	[sflag:s5] =	ssyncadd.s32 $0xFFFF3800  }
0x20: {  	[hbm4b:s13+s4] =	stream.linear.scatter [tilespmem:s9], [sflag:$0x3], $0xC800, $0x38;
	[tilespmem:$0x19200] =	vst v63  }
0x21: {  	_ =	swait.ge [sflag:s5], $0xC800  }
0x22: {  	s30 =	sadd.s32 s15, s14;
	[sflag:s5] =	ssyncset.done $0x0  }
0x23: {  	s14 =	sadd.s32 $0x371000, s30;
	[sflag:s5] =	ssyncadd.s32 $0xFFFF3800  }
0x24: {  	[tilespmem:s4], [sflag:$0x3] =	stream.linear.gather [hbm4b:s14+s4], $0x190, $0x38;
	[tilespmem:$0x19200] =	vst v63  }
0x25: {  	_ =	swait.ge [sflag:s5], $0x190  }
0x26: {  	[sflag:s5] =	ssyncset.done $0x0  }
0x27: {  	[sflag:s5] =	ssyncadd.s32 $0xFFFFFE70  }
0x28: {  	[tilespmem:s8], [sflag:$0x1] =	stream.indirect.gather [hbm4b:s2+s7], $0x80, s4, s7, $0xb8;
	[tilespmem:$0x19200] =	vst v63  }
0x29: {  	_ = 	snop  }
0x2a: {  	[tilespmem:s9], [sflag:$0x2] =	stream.indirect.gather [hbm4b:s3+s7], $0x80, s4, s7, $0xb8;
	[tilespmem:$0x19200] =	vst v63  }
0x2b: {  	_ =	swait.ge [sflag:s10], $0xC800  }
0x2c: {  	[sflag:s10] =	ssyncset.done $0x0  }
0x2d: {  	s16 =	ssub.s32 $0x2, s16;
	[sflag:s10] =	ssyncadd.s32 $0xFFFF3800  }
0x2e: {  	s18 =	sshrl.u32 s16, $0x1;
	_ =	swait.ge [sflag:s11], $0xC800  }
0x2f: {  	s18 =	ssub.s32 s16, s18;
	[sflag:s11] =	ssyncset.done $0x0  }
0x30: {  	s31 =	smax.u32 s18, $0x1;
	s15 =	sadd.s32 $0x5B2800, s17;
	[sflag:s11] =	ssyncadd.s32 $0xFFFF3800  }
0x31: {  	[hbm4b:s15+s4] =	stream.linear.scatter [tilespmem:s8], [sflag:$0x3], $0xC800, $0x38;
	[tilespmem:$0x19200] =	vst v63  }
0x32: {  	p0 =	sne.s32 s31, $0x1;
	_ =	swait.ge [sflag:s5], $0xC800  }
.Ltmp1:
0x33: {  	[sflag:s5] =	ssyncset.done $0x0;
	(pc) =	sbr.rel @!p0 .LBB2_3-.Ltmp1, $4  }
0x34: {  	s16 =	sadd.s32 $0x5CB800, s17;
	[sflag:s5] =	ssyncadd.s32 $0xFFFF3800  }
0x35: {  	[hbm4b:s16+s4] =	stream.linear.scatter [tilespmem:s9], [sflag:$0x3], $0xC800, $0x38;
	[tilespmem:$0x19200] =	vst v63  }
0x36: {  	_ =	swait.ge [sflag:s5], $0xC800  }
0x37: {  	s17 =	sadd.s32 $0xFFFFFFFF, s31;
	[sflag:s5] =	ssyncset.done $0x0  }
.LBB2_2:
0x38: {  	p0 =	sne.s32 s17, $0x1;
	s17 =	sadd.s32 $0xFFFFFFFF, s17;
	[sflag:s5] =	ssyncadd.s32 $0xFFFF3800  }
0x39: {  	[tilespmem:s4], [sflag:$0x3] =	stream.linear.gather [hbm4b:s6+s4], $0x190, $0x38;
	[tilespmem:$0x19200] =	vst v63  }
0x3a: {  	_ =	swait.ge [sflag:s5], $0x190  }
0x3b: {  	[sflag:s5] =	ssyncset.done $0x0  }
0x3c: {  	[sflag:s5] =	ssyncadd.s32 $0xFFFFFE70  }
0x3d: {  	[tilespmem:s8], [sflag:$0x1] =	stream.indirect.gather [hbm4b:s2+s7], $0x80, s4, s7, $0xb8;
	[tilespmem:$0x19200] =	vst v63  }
0x3e: {  	_ = 	snop  }
0x3f: {  	[tilespmem:s9], [sflag:$0x2] =	stream.indirect.gather [hbm4b:s3+s7], $0x80, s4, s7, $0xb8;
	[tilespmem:$0x19200] =	vst v63  }
0x40: {  	_ =	swait.ge [sflag:s10], $0xC800  }
0x41: {  	[sflag:s10] =	ssyncset.done $0x0  }
0x42: {  	[sflag:s10] =	ssyncadd.s32 $0xFFFF3800  }
0x43: {  	_ =	swait.ge [sflag:s11], $0xC800  }
0x44: {  	[sflag:s11] =	ssyncset.done $0x0  }
0x45: {  	[sflag:s11] =	ssyncadd.s32 $0xFFFF3800  }
0x46: {  	[hbm4b:s12+s4] =	stream.linear.scatter [tilespmem:s8], [sflag:$0x3], $0xC800, $0x38;
	[tilespmem:$0x19200] =	vst v63  }
0x47: {  	_ =	swait.ge [sflag:s5], $0xC800  }
0x48: {  	[sflag:s5] =	ssyncset.done $0x0  }
0x49: {  	[sflag:s5] =	ssyncadd.s32 $0xFFFF3800  }
0x4a: {  	[hbm4b:s13+s4] =	stream.linear.scatter [tilespmem:s9], [sflag:$0x3], $0xC800, $0x38;
	[tilespmem:$0x19200] =	vst v63  }
0x4b: {  	_ =	swait.ge [sflag:s5], $0xC800  }
0x4c: {  	[sflag:s5] =	ssyncset.done $0x0  }
0x4d: {  	[sflag:s5] =	ssyncadd.s32 $0xFFFF3800  }
0x4e: {  	[tilespmem:s4], [sflag:$0x3] =	stream.linear.gather [hbm4b:s14+s4], $0x190, $0x38;
	[tilespmem:$0x19200] =	vst v63  }
0x4f: {  	_ =	swait.ge [sflag:s5], $0x190  }
0x50: {  	[sflag:s5] =	ssyncset.done $0x0  }
0x51: {  	[sflag:s5] =	ssyncadd.s32 $0xFFFFFE70  }
0x52: {  	[tilespmem:s8], [sflag:$0x1] =	stream.indirect.gather [hbm4b:s2+s7], $0x80, s4, s7, $0xb8;
	[tilespmem:$0x19200] =	vst v63  }
0x53: {  	_ = 	snop  }
0x54: {  	[tilespmem:s9], [sflag:$0x2] =	stream.indirect.gather [hbm4b:s3+s7], $0x80, s4, s7, $0xb8;
	[tilespmem:$0x19200] =	vst v63  }
0x55: {  	_ =	swait.ge [sflag:s10], $0xC800  }
0x56: {  	[sflag:s10] =	ssyncset.done $0x0  }
0x57: {  	[sflag:s10] =	ssyncadd.s32 $0xFFFF3800  }
0x58: {  	_ =	swait.ge [sflag:s11], $0xC800  }
0x59: {  	[sflag:s11] =	ssyncset.done $0x0  }
0x5a: {  	[sflag:s11] =	ssyncadd.s32 $0xFFFF3800  }
0x5b: {  	[hbm4b:s15+s4] =	stream.linear.scatter [tilespmem:s8], [sflag:$0x3], $0xC800, $0x38;
	[tilespmem:$0x19200] =	vst v63  }
0x5c: {  	_ =	swait.ge [sflag:s5], $0xC800  }
.Ltmp2:
0x5d: {  	[sflag:s5] =	ssyncset.done $0x0;
	(pc) =	sbr.rel @p0 .LBB2_2-.Ltmp2, $4  }
0x5e: {  	[sflag:s5] =	ssyncadd.s32 $0xFFFF3800  }
0x5f: {  	[hbm4b:s16+s4] =	stream.linear.scatter [tilespmem:s9], [sflag:$0x3], $0xC800, $0x38;
	[tilespmem:$0x19200] =	vst v63  }
0x60: {  	_ =	swait.ge [sflag:s5], $0xC800  }
0x61: {  	[sflag:s5] =	ssyncset.done $0x0  }
.LBB2_3:
0x62: {  	[sflag:s5] =	ssyncadd.s32 $0xFFFF3800  }
.LBB2_4:
0x63: {  	_ =	sfence.sel $0x180000  }
0x64: {  	[bflag:$0x0] =	sbarrier.arrive $0xFFFF  }
0x65: {  	p0 =	sne.s32 s1, $0x0;
	_ =	strace $0x9000005F  }
0x66: {  	s0 =	sadd.s32 @!p0 $0x100000, s0;
	[bflag:$0x2] =	sbarrier.arrive $0xFFFF  }
0x67: {  	[sflag:s0] =	ssyncadd.tile.s32 @!p0 $0x1;
	_ =	shalt  }
.Lfunc_end2:
_tile_overlayer_lowered:
.L_overlay_start_2:
0x68: {  	(tag) =	ssettag $0x2  }
0x69: {  	s0 =	rddreg [dreg:$0x0];
	s2 =	stileid.u32  }
0x6a: {  	s1 =	rddreg [dreg:$0x1];
	p0 =	sne.s32 s2, $0x0  }
0x6b: {  	s3 =	rddreg [dreg:$0x2];
	[bflag:$0x3] =	sbarrier.arrive $0xFFFF;
	s2 =	simm.s32 @!p0 $0x1C03  }
0x6c: {  	[timem:s3], [sflag:s2] =	dma.local @!p0 [hbm:s0], s1  }
0x6d: {  	s0 =	simm.s32 @!p0 $0x3  }
0x6e: {  	_ =	swait.ge @!p0 [sflag:s0], s1  }
0x6f: {  	s1 =	ssub.s32 @!p0 $0x0, s1;
	[sflag:s0] =	ssyncset.done @!p0 $0x0  }
0x70: {  	[sflag:s0] =	ssyncadd.s32 @!p0 s1  }
0x71: {  	[bflag:$0x3] =	sbarrier.arrive $0xFFFF  }
0x72: {  	_ =	shalt  }

</sc_bundles>
